<compile_context>
chip_gen: v7x
topology: tpu7x:2x2x1
jax: 0.10.2.dev20260603
libtpu: 0.0.44.dev20260713+nightly
codegen_flags: <defaults>
</compile_context>

<pallas_src>
import functools

import jax
import jax.numpy as jnp
from jax import lax
from jax.experimental import pallas as pl
from jax.experimental.pallas import tpu as pltpu
from jax.experimental.pallas import tpu_sc as plsc

B, N, S, C = 4, 8192, 1024, 128
NS = 32
R2 = 0.2 * 0.2
CH = 3 + C
L = 16
NCORES, NSUB = 2, 16
QPW = (B * S) // (NCORES * NSUB)
GCHUNKS = (S * NS) // L
HCHUNKS = GCHUNKS // 2
HALF = S * NS // 2
BCHUNKS = 16
BPI = BCHUNKS * L
QROW = NS + BPI + L


def _body(xyzT, nxt, feat, out, idx_hbm,
          xb, yb, zb, qxb, qyb, qzb, qrow, idx_blk, gxyz,
          row_a, row_b, out_vm, idx_vm, sem_a, sem_b, sem_o0, sem_o1):
    c = lax.axis_index("c")
    t = lax.axis_index("s")

    b1 = c * 2 + t // 8
    qs0 = (t % 8) * QPW
    pltpu.sync_copy(xyzT.at[pl.ds((b1 * 3 + 0) * N, N)], xb)
    pltpu.sync_copy(xyzT.at[pl.ds((b1 * 3 + 1) * N, N)], yb)
    pltpu.sync_copy(xyzT.at[pl.ds((b1 * 3 + 2) * N, N)], zb)
    pltpu.sync_copy(nxt.at[pl.ds((b1 * 3 + 0) * S + qs0, QPW)],
                    qxb.at[pl.ds(0, QPW)])
    pltpu.sync_copy(nxt.at[pl.ds((b1 * 3 + 1) * S + qs0, QPW)],
                    qyb.at[pl.ds(0, QPW)])
    pltpu.sync_copy(nxt.at[pl.ds((b1 * 3 + 2) * S + qs0, QPW)],
                    qzb.at[pl.ds(0, QPW)])
    b2 = c * 2
    cp_row = pltpu.async_copy(feat.at[pl.ds(b2 * C + t, 1), :], row_a, sem_a)

    iota = lax.iota(jnp.int32, L)
    zidx = jnp.zeros((L,), jnp.int32)

    def per_query(q, carry):
        qx = jnp.full((L,), qxb[pl.ds(q, L)][0], jnp.float32)
        qy = jnp.full((L,), qyb[pl.ds(q, L)][0], jnp.float32)
        qz = jnp.full((L,), qzb[pl.ds(q, L)][0], jnp.float32)
        qrow[pl.ds(0, L)] = jnp.zeros((L,), jnp.int32)

        def cond(nc):
            n, ov = nc
            return (ov[0] < NS - 1) & (n < N)

        def step(nc):
            n, ov = nc

            def blk(k, o):
                nk = n + k * L
                dx = xb[pl.ds(nk, L)] - qx
                dy = yb[pl.ds(nk, L)] - qy
                dz = zb[pl.ds(nk, L)] - qz
                d2 = dx * dx + dy * dy + dz * dz
                m = d2 < R2
                slot = o + plsc.cumsum(m.astype(jnp.int32))
                plsc.store_scatter(qrow, [slot], iota + nk, mask=m)
                return o + plsc.all_reduce_population_count(m)

            ov2 = plsc.parallel_loop(0, BCHUNKS, unroll=4, carry=ov)(blk)
            return (n + BPI, ov2)

        _, ovf = lax.while_loop(
            cond, step, (jnp.int32(0), jnp.full((L,), -1, jnp.int32)))
        found = jnp.minimum(ovf[0] + 1, NS)
        v0 = qrow[pl.ds(0, L)]
        v1 = qrow[pl.ds(L, L)]
        fv = plsc.load_gather(qrow, [zidx])
        v0 = jnp.where(iota < found, v0, fv)
        v1 = jnp.where(iota + L < found, v1, fv)
        qsplat = jnp.full((L,), q, jnp.int32)
        plsc.store_scatter(idx_blk, [iota, qsplat], v0)
        plsc.store_scatter(idx_blk, [L + iota, qsplat], v1)
        for d, (buf, qv) in enumerate(((xb, qx), (yb, qy), (zb, qz))):
            plsc.store_scatter(gxyz, [d * NS + iota, qsplat],
                               plsc.load_gather(buf, [v0]) - qv)
            plsc.store_scatter(gxyz, [d * NS + L + iota, qsplat],
                               plsc.load_gather(buf, [v1]) - qv)
        return carry

    lax.fori_loop(0, QPW, per_query, 0)
    pltpu.sync_copy(idx_blk,
                    idx_hbm.at[pl.ds(b1 * NS, NS), pl.ds(qs0, QPW)])
    for d in range(3):
        pltpu.sync_copy(
            gxyz.at[pl.ds(d * NS, NS), :],
            out.at[pl.ds((b1 * CH + d) * NS, NS), pl.ds(qs0, QPW)])
    plsc.subcore_barrier()

    rows = (row_a, row_b)
    row_sems = (sem_a, sem_b)
    out_cp = [None, None]
    for i in range(2 * C // NSUB):
        bl, r = divmod(i, C // NSUB)
        b = c * 2 + bl
        ch = r * NSUB + t
        if r == 0:
            pltpu.sync_copy(idx_hbm.at[pl.ds(b * NS, NS), :], idx_vm)
        if i + 1 < 2 * C // NSUB:
            nbl, nr = divmod(i + 1, C // NSUB)
            nch = nr * NSUB + t
            nrow = (c * 2 + nbl) * C + nch
            cp_next = pltpu.async_copy(
                feat.at[pl.ds(nrow, 1), :], rows[(i + 1) % 2],
                row_sems[(i + 1) % 2])
        else:
            cp_next = None
        cp_row.wait()
        cur = rows[i % 2]
        row0 = (b * CH + 3 + ch) * NS
        for h, sem_o in enumerate((sem_o0, sem_o1)):
            if out_cp[h] is not None:
                out_cp[h].wait()

            @plsc.parallel_loop(0, HCHUNKS, unroll=8)
            def gat(g):
                k = h * (NS // 2) + g // (S // L)
                s0 = (g % (S // L)) * L
                iv = idx_vm[k, pl.ds(s0, L)]
                out_vm[k, pl.ds(s0, L)] = plsc.load_gather(cur, [zidx, iv])

            out_cp[h] = pltpu.async_copy(
                out_vm.at[pl.ds(h * (NS // 2), NS // 2), :],
                out.at[pl.ds(row0 + h * (NS // 2), NS // 2), :],
                sem_o)
        cp_row = cp_next
    out_cp[0].wait()
    out_cp[1].wait()


_grouper = functools.partial(
    pl.kernel,
    out_type=(
        jax.ShapeDtypeStruct((B * CH * NS, S), jnp.float32),
        jax.ShapeDtypeStruct((B * NS, S), jnp.int32),
    ),
    mesh=plsc.VectorSubcoreMesh(core_axis_name="c", subcore_axis_name="s"),
    compiler_params=pltpu.CompilerParams(needs_layout_passes=False),
    scratch_types=[
        pltpu.VMEM((N,), jnp.float32),
        pltpu.VMEM((N,), jnp.float32),
        pltpu.VMEM((N,), jnp.float32),
        pltpu.VMEM((QPW + L,), jnp.float32),
        pltpu.VMEM((QPW + L,), jnp.float32),
        pltpu.VMEM((QPW + L,), jnp.float32),
        pltpu.VMEM((QROW,), jnp.int32),
        pltpu.VMEM((NS, QPW), jnp.int32),
        pltpu.VMEM((3 * NS, QPW), jnp.float32),
        pltpu.VMEM((1, N), jnp.float32),
        pltpu.VMEM((1, N), jnp.float32),
        pltpu.VMEM((NS, S), jnp.float32),
        pltpu.VMEM((NS, S), jnp.int32),
        pltpu.SemaphoreType.DMA,
        pltpu.SemaphoreType.DMA,
        pltpu.SemaphoreType.DMA,
        pltpu.SemaphoreType.DMA,
    ],
)(_body)


def kernel(xyz, new_xyz, features):
    xyzT = jnp.transpose(xyz, (0, 2, 1)).reshape(-1)
    nxt = jnp.transpose(new_xyz, (0, 2, 1)).reshape(-1)
    out, _ = _grouper(xyzT, nxt, features.reshape(B * C, N))
    return out.reshape(B, CH, NS, S).swapaxes(2, 3)

# --- scband reference (transcript-rebuilt; emitter-appended) ---
"""Pipeline reference for scband-query-and-group-37684043055439 (READ-ONLY COPY).

The authoritative reference and input builder live on the scoring server;
editing this copy changes nothing except your own understanding.
"""

import jax, jax.numpy as jnp
import numpy as np

RADIUS = 0.2
NSAMPLE = 32
USE_XYZ = True


def setup_inputs(seed: int = 0) -> dict:
    key = jax.random.key(seed)
    k1, k2, k3 = jax.random.split(key, 3)
    xyz = jax.random.uniform(k1, (4, 8192, 3), dtype=jnp.float32)
    new_xyz = jax.random.uniform(k2, (4, 1024, 3), dtype=jnp.float32)
    features = jax.random.normal(k3, (4, 128, 8192), dtype=jnp.float32)
    return {"xyz": xyz, "new_xyz": new_xyz, "features": features}


def _ball_query(xyz, new_xyz, radius, nsample):
    # xyz: [B, N, 3], new_xyz: [B, S, 3] -> idx: [B, S, nsample] int32
    B, N, _ = xyz.shape
    d2 = jnp.sum((new_xyz[:, :, None, :] - xyz[:, None, :, :]) ** 2, axis=-1)  # [B, S, N]
    mask = d2 < (radius * radius)
    ar = jnp.arange(N, dtype=jnp.int32)
    cand = jnp.where(mask, ar[None, None, :], jnp.int32(N))  # invalid -> N (sorts to end)
    idx_sorted = jnp.sort(cand, axis=-1)[..., :nsample]  # first nsample in-radius indices
    first = idx_sorted[..., :1]
    idx = jnp.where(idx_sorted == N, first, idx_sorted)  # pad with first valid index
    idx = jnp.where(idx == N, jnp.int32(0), idx)  # degenerate: no neighbor at all
    return idx


def reference(xyz, new_xyz, features):
    # QueryAndGroup.forward(xyz [B,N,3], new_xyz [B,S,3], features [B,C,N])
    idx = _ball_query(xyz, new_xyz, RADIUS, NSAMPLE)  # [B, S, ns]
    # group xyz: gather neighbor coords, re-center on query point
    grouped_xyz = jax.vmap(lambda p, i: p[i])(xyz, idx)  # [B, S, ns, 3]
    grouped_xyz = grouped_xyz - new_xyz[:, :, None, :]
    grouped_xyz = jnp.transpose(grouped_xyz, (0, 3, 1, 2))  # [B, 3, S, ns]
    # group features
    grouped_features = jax.vmap(lambda f, i: f[:, i])(features, idx)  # [B, C, S, ns]
    if USE_XYZ:
        out = jnp.concatenate([grouped_xyz, grouped_features], axis=1)  # [B, 3+C, S, ns]
    else:
        out = grouped_features
    return out

if __name__ == "__main__":
    import jax
    _d = setup_inputs()
    print(jax.jit(kernel)(*tuple(_d.values())))

</pallas_src>

<mosaic_0001>
#map = affine_map<(d0, d1) -> (0)>
#map1 = affine_map<(d0, d1) -> (0, 0)>
module attributes {stable_mosaic.version = 14 : i64} {
  func.func @_body(%arg0: i32, %arg1: i32, %arg2: memref<98304xf32, #tpu.memory_space<hbm>>, %arg3: memref<12288xf32, #tpu.memory_space<hbm>>, %arg4: memref<512x8192xf32, #tpu.memory_space<hbm>>, %arg5: memref<16768x1024xf32, #tpu.memory_space<hbm>>, %arg6: memref<128x1024xi32, #tpu.memory_space<hbm>>, %arg7: memref<8192xf32, #tpu.memory_space<vmem>>, %arg8: memref<8192xf32, #tpu.memory_space<vmem>>, %arg9: memref<8192xf32, #tpu.memory_space<vmem>>, %arg10: memref<144xf32, #tpu.memory_space<vmem>>, %arg11: memref<144xf32, #tpu.memory_space<vmem>>, %arg12: memref<144xf32, #tpu.memory_space<vmem>>, %arg13: memref<304xi32, #tpu.memory_space<vmem>>, %arg14: memref<32x128xi32, #tpu.memory_space<vmem>>, %arg15: memref<96x128xf32, #tpu.memory_space<vmem>>, %arg16: memref<1x8192xf32, #tpu.memory_space<vmem>>, %arg17: memref<1x8192xf32, #tpu.memory_space<vmem>>, %arg18: memref<32x1024xf32, #tpu.memory_space<vmem>>, %arg19: memref<32x1024xi32, #tpu.memory_space<vmem>>, %arg20: memref<!tpu.dma_semaphore, #tpu.memory_space<semaphore_mem>>, %arg21: memref<!tpu.dma_semaphore, #tpu.memory_space<semaphore_mem>>, %arg22: memref<!tpu.dma_semaphore, #tpu.memory_space<semaphore_mem>>, %arg23: memref<!tpu.dma_semaphore, #tpu.memory_space<semaphore_mem>>) attributes {dimension_semantics = [#tpu.dimension_semantics<core_parallel>, #tpu.dimension_semantics<subcore_parallel>], iteration_bounds = array<i64: 2, 16>, scalar_prefetch = 0 : i64, scratch_operands = 17 : i64, tpu.core_type = #tpu.core_type<sc_vector_subcore>, window_params = [{transform_indices = #map}, {transform_indices = #map}, {transform_indices = #map1}, {transform_indices = #map1}, {transform_indices = #map1}]} {
    %mul3A = arith.constant 2 : i32
    %mul3A_0 = arith.muli %arg0, %mul3A : i32
    %jit3A = arith.constant 8 : i32
    %div3A = arith.divsi %arg1, %jit3A : i32
    %sign3A = arith.constant 0 : i32
    %sign3A_1 = arith.cmpi sgt, %arg1, %sign3A : i32
    %sign3A_2 = arith.extui %sign3A_1 : i1 to i32
    %sign3A_3 = arith.constant 0 : i32
    %sign3A_4 = arith.cmpi slt, %arg1, %sign3A_3 : i32
    %sign3A_5 = arith.extui %sign3A_4 : i1 to i32
    %sign3A_6 = arith.subi %sign3A_2, %sign3A_5 : i32
    %sign3A_7 = arith.constant 0 : i32
    %sign3A_8 = arith.cmpi sgt, %jit3A, %sign3A_7 : i32
    %sign3A_9 = arith.extui %sign3A_8 : i1 to i32
    %sign3A_10 = arith.constant 0 : i32
    %sign3A_11 = arith.cmpi slt, %jit3A, %sign3A_10 : i32
    %sign3A_12 = arith.extui %sign3A_11 : i1 to i32
    %sign3A_13 = arith.subi %sign3A_9, %sign3A_12 : i32
    %ne3A = arith.cmpi ne, %sign3A_6, %sign3A_13 : i32
    %rem3A = arith.remsi %arg1, %jit3A : i32
    %ne3A_14 = arith.constant 0 : i32
    %ne3A_15 = arith.cmpi ne, %rem3A, %ne3A_14 : i32
    %and3A = arith.andi %ne3A, %ne3A_15 : i1
    %sub3A = arith.constant 1 : i32
    %sub3A_16 = arith.subi %div3A, %sub3A : i32
    %select_n3A = arith.select %and3A, %sub3A_16, %div3A : i32
    %add3A = arith.addi %mul3A_0, %select_n3A : i32
    %jit3A_17 = arith.constant 8 : i32
    %eq3A = arith.constant 0 : i32
    %eq3A_18 = arith.cmpi eq, %jit3A_17, %eq3A : i32
    %jit3A_19 = arith.constant 1 : i32
    %select_n3A_20 = arith.select %eq3A_18, %jit3A_19, %jit3A_17 : i32
    %rem3A_21 = arith.remsi %arg1, %select_n3A_20 : i32
    %ne3A_22 = arith.constant 0 : i32
    %ne3A_23 = arith.cmpi ne, %rem3A_21, %ne3A_22 : i32
    %lt3A = arith.constant 0 : i32
    %lt3A_24 = arith.cmpi slt, %rem3A_21, %lt3A : i32
    %lt3A_25 = arith.constant 0 : i32
    %lt3A_26 = arith.cmpi slt, %select_n3A_20, %lt3A_25 : i32
    %ne3A_27 = arith.xori %lt3A_24, %lt3A_26 : i1
    %and3A_28 = arith.andi %ne3A_27, %ne3A_23 : i1
    %add3A_29 = arith.addi %rem3A_21, %select_n3A_20 : i32
    %select_n3A_30 = arith.select %and3A_28, %add3A_29, %rem3A_21 : i32
    %mul3A_31 = arith.constant 128 : i32
    %mul3A_32 = arith.muli %select_n3A_30, %mul3A_31 : i32
    %mul3A_33 = arith.constant 3 : i32
    %mul3A_34 = arith.muli %add3A, %mul3A_33 : i32
    %add3A_35 = arith.constant 0 : i32
    %add3A_36 = arith.addi %mul3A_34, %add3A_35 : i32
    %mul3A_37 = arith.constant 8192 : i32
    %mul3A_38 = arith.muli %add3A_36, %mul3A_37 : i32
    "tpu.region"() ({
      %run_scoped3A = tpu.sem_alloc : memref<!tpu.dma_semaphore, #tpu.memory_space<semaphore_mem>>
      %dma_start3A_1375 = tpu.memref_slice %arg2[%mul3A_38] : memref<98304xf32, #tpu.memory_space<hbm>> -> memref<8192xf32, #tpu.memory_space<hbm>>
      %dma_start3A_1376 = tpu.memref_slice %arg2[%mul3A_38] : memref<98304xf32, #tpu.memory_space<hbm>> -> memref<8192xf32, #tpu.memory_space<hbm>>
      tpu.enqueue_dma source(%dma_start3A_1376 : memref<8192xf32, #tpu.memory_space<hbm>>) target(%arg7 : memref<8192xf32, #tpu.memory_space<vmem>>) target_semaphore(%run_scoped3A : memref<!tpu.dma_semaphore, #tpu.memory_space<semaphore_mem>>)
      %dma_wait3A_1377 = tpu.memref_slice %arg2[%mul3A_38] : memref<98304xf32, #tpu.memory_space<hbm>> -> memref<8192xf32, #tpu.memory_space<hbm>>
      %dma_wait3A_1378 = tpu.memref_slice %arg2[%mul3A_38] : memref<98304xf32, #tpu.memory_space<hbm>> -> memref<8192xf32, #tpu.memory_space<hbm>>
      tpu.wait_dma2 semaphore(%run_scoped3A : memref<!tpu.dma_semaphore, #tpu.memory_space<semaphore_mem>>) src(%dma_wait3A_1378 : memref<8192xf32, #tpu.memory_space<hbm>>) dst(%arg7 : memref<8192xf32, #tpu.memory_space<vmem>>)
      tpu.yield
    }) : () -> ()
    %mul3A_39 = arith.constant 3 : i32
    %mul3A_40 = arith.muli %add3A, %mul3A_39 : i32
    %add3A_41 = arith.constant 1 : i32
    %add3A_42 = arith.addi %mul3A_40, %add3A_41 : i32
    %mul3A_43 = arith.constant 8192 : i32
    %mul3A_44 = arith.muli %add3A_42, %mul3A_43 : i32
    "tpu.region"() ({
      %run_scoped3A = tpu.sem_alloc : memref<!tpu.dma_semaphore, #tpu.memory_space<semaphore_mem>>
      %dma_start3A_1375 = tpu.memref_slice %arg2[%mul3A_44] : memref<98304xf32, #tpu.memory_space<hbm>> -> memref<8192xf32, #tpu.memory_space<hbm>>
      %dma_start3A_1376 = tpu.memref_slice %arg2[%mul3A_44] : memref<98304xf32, #tpu.memory_space<hbm>> -> memref<8192xf32, #tpu.memory_space<hbm>>
      tpu.enqueue_dma source(%dma_start3A_1376 : memref<8192xf32, #tpu.memory_space<hbm>>) target(%arg8 : memref<8192xf32, #tpu.memory_space<vmem>>) target_semaphore(%run_scoped3A : memref<!tpu.dma_semaphore, #tpu.memory_space<semaphore_mem>>)
      %dma_wait3A_1377 = tpu.memref_slice %arg2[%mul3A_44] : memref<98304xf32, #tpu.memory_space<hbm>> -> memref<8192xf32, #tpu.memory_space<hbm>>
      %dma_wait3A_1378 = tpu.memref_slice %arg2[%mul3A_44] : memref<98304xf32, #tpu.memory_space<hbm>> -> memref<8192xf32, #tpu.memory_space<hbm>>
      tpu.wait_dma2 semaphore(%run_scoped3A : memref<!tpu.dma_semaphore, #tpu.memory_space<semaphore_mem>>) src(%dma_wait3A_1378 : memref<8192xf32, #tpu.memory_space<hbm>>) dst(%arg8 : memref<8192xf32, #tpu.memory_space<vmem>>)
      tpu.yield
    }) : () -> ()
    %mul3A_45 = arith.constant 3 : i32
    %mul3A_46 = arith.muli %add3A, %mul3A_45 : i32
    %add3A_47 = arith.constant 2 : i32
    %add3A_48 = arith.addi %mul3A_46, %add3A_47 : i32
    %mul3A_49 = arith.constant 8192 : i32
    %mul3A_50 = arith.muli %add3A_48, %mul3A_49 : i32
    "tpu.region"() ({
      %run_scoped3A = tpu.sem_alloc : memref<!tpu.dma_semaphore, #tpu.memory_space<semaphore_mem>>
      %dma_start3A_1375 = tpu.memref_slice %arg2[%mul3A_50] : memref<98304xf32, #tpu.memory_space<hbm>> -> memref<8192xf32, #tpu.memory_space<hbm>>
      %dma_start3A_1376 = tpu.memref_slice %arg2[%mul3A_50] : memref<98304xf32, #tpu.memory_space<hbm>> -> memref<8192xf32, #tpu.memory_space<hbm>>
      tpu.enqueue_dma source(%dma_start3A_1376 : memref<8192xf32, #tpu.memory_space<hbm>>) target(%arg9 : memref<8192xf32, #tpu.memory_space<vmem>>) target_semaphore(%run_scoped3A : memref<!tpu.dma_semaphore, #tpu.memory_space<semaphore_mem>>)
      %dma_wait3A_1377 = tpu.memref_slice %arg2[%mul3A_50] : memref<98304xf32, #tpu.memory_space<hbm>> -> memref<8192xf32, #tpu.memory_space<hbm>>
      %dma_wait3A_1378 = tpu.memref_slice %arg2[%mul3A_50] : memref<98304xf32, #tpu.memory_space<hbm>> -> memref<8192xf32, #tpu.memory_space<hbm>>
      tpu.wait_dma2 semaphore(%run_scoped3A : memref<!tpu.dma_semaphore, #tpu.memory_space<semaphore_mem>>) src(%dma_wait3A_1378 : memref<8192xf32, #tpu.memory_space<hbm>>) dst(%arg9 : memref<8192xf32, #tpu.memory_space<vmem>>)
      tpu.yield
    }) : () -> ()
    %mul3A_51 = arith.constant 3 : i32
    %mul3A_52 = arith.muli %add3A, %mul3A_51 : i32
    %add3A_53 = arith.constant 0 : i32
    %add3A_54 = arith.addi %mul3A_52, %add3A_53 : i32
    %mul3A_55 = arith.constant 1024 : i32
    %mul3A_56 = arith.muli %add3A_54, %mul3A_55 : i32
    %add3A_57 = arith.addi %mul3A_56, %mul3A_32 : i32
    "tpu.region"() ({
      %run_scoped3A = tpu.sem_alloc : memref<!tpu.dma_semaphore, #tpu.memory_space<semaphore_mem>>
      %dma_start3A_1375 = arith.constant 0 : i32
      %dma_start3A_1376 = tpu.memref_slice %arg10[%dma_start3A_1375] : memref<144xf32, #tpu.memory_space<vmem>> -> memref<128xf32, #tpu.memory_space<vmem>>
      %dma_start3A_1377 = tpu.memref_slice %arg3[%add3A_57] : memref<12288xf32, #tpu.memory_space<hbm>> -> memref<128xf32, #tpu.memory_space<hbm>>
      %dma_start3A_1378 = arith.constant 0 : i32
      %dma_start3A_1379 = tpu.memref_slice %arg10[%dma_start3A_1378] : memref<144xf32, #tpu.memory_space<vmem>> -> memref<128xf32, #tpu.memory_space<vmem>>
      %dma_start3A_1380 = tpu.memref_slice %arg3[%add3A_57] : memref<12288xf32, #tpu.memory_space<hbm>> -> memref<128xf32, #tpu.memory_space<hbm>>
      tpu.enqueue_dma source(%dma_start3A_1380 : memref<128xf32, #tpu.memory_space<hbm>>) target(%dma_start3A_1379 : memref<128xf32, #tpu.memory_space<vmem>>) target_semaphore(%run_scoped3A : memref<!tpu.dma_semaphore, #tpu.memory_space<semaphore_mem>>)
      %dma_wait3A_1381 = arith.constant 0 : i32
      %dma_wait3A_1382 = tpu.memref_slice %arg10[%dma_wait3A_1381] : memref<144xf32, #tpu.memory_space<vmem>> -> memref<128xf32, #tpu.memory_space<vmem>>
      %dma_wait3A_1383 = tpu.memref_slice %arg3[%add3A_57] : memref<12288xf32, #tpu.memory_space<hbm>> -> memref<128xf32, #tpu.memory_space<hbm>>
      %dma_wait3A_1384 = arith.constant 0 : i32
      %dma_wait3A_1385 = tpu.memref_slice %arg10[%dma_wait3A_1384] : memref<144xf32, #tpu.memory_space<vmem>> -> memref<128xf32, #tpu.memory_space<vmem>>
      %dma_wait3A_1386 = tpu.memref_slice %arg3[%add3A_57] : memref<12288xf32, #tpu.memory_space<hbm>> -> memref<128xf32, #tpu.memory_space<hbm>>
      tpu.wait_dma2 semaphore(%run_scoped3A : memref<!tpu.dma_semaphore, #tpu.memory_space<semaphore_mem>>) src(%dma_wait3A_1386 : memref<128xf32, #tpu.memory_space<hbm>>) dst(%dma_wait3A_1385 : memref<128xf32, #tpu.memory_space<vmem>>)
      tpu.yield
    }) : () -> ()
    %mul3A_58 = arith.constant 3 : i32
    %mul3A_59 = arith.muli %add3A, %mul3A_58 : i32
    %add3A_60 = arith.constant 1 : i32
    %add3A_61 = arith.addi %mul3A_59, %add3A_60 : i32
    %mul3A_62 = arith.constant 1024 : i32
    %mul3A_63 = arith.muli %add3A_61, %mul3A_62 : i32
    %add3A_64 = arith.addi %mul3A_63, %mul3A_32 : i32
    "tpu.region"() ({
      %run_scoped3A = tpu.sem_alloc : memref<!tpu.dma_semaphore, #tpu.memory_space<semaphore_mem>>
      %dma_start3A_1375 = arith.constant 0 : i32
      %dma_start3A_1376 = tpu.memref_slice %arg11[%dma_start3A_1375] : memref<144xf32, #tpu.memory_space<vmem>> -> memref<128xf32, #tpu.memory_space<vmem>>
      %dma_start3A_1377 = tpu.memref_slice %arg3[%add3A_64] : memref<12288xf32, #tpu.memory_space<hbm>> -> memref<128xf32, #tpu.memory_space<hbm>>
      %dma_start3A_1378 = arith.constant 0 : i32
      %dma_start3A_1379 = tpu.memref_slice %arg11[%dma_start3A_1378] : memref<144xf32, #tpu.memory_space<vmem>> -> memref<128xf32, #tpu.memory_space<vmem>>
      %dma_start3A_1380 = tpu.memref_slice %arg3[%add3A_64] : memref<12288xf32, #tpu.memory_space<hbm>> -> memref<128xf32, #tpu.memory_space<hbm>>
      tpu.enqueue_dma source(%dma_start3A_1380 : memref<128xf32, #tpu.memory_space<hbm>>) target(%dma_start3A_1379 : memref<128xf32, #tpu.memory_space<vmem>>) target_semaphore(%run_scoped3A : memref<!tpu.dma_semaphore, #tpu.memory_space<semaphore_mem>>)
      %dma_wait3A_1381 = arith.constant 0 : i32
      %dma_wait3A_1382 = tpu.memref_slice %arg11[%dma_wait3A_1381] : memref<144xf32, #tpu.memory_space<vmem>> -> memref<128xf32, #tpu.memory_space<vmem>>
      %dma_wait3A_1383 = tpu.memref_slice %arg3[%add3A_64] : memref<12288xf32, #tpu.memory_space<hbm>> -> memref<128xf32, #tpu.memory_space<hbm>>
      %dma_wait3A_1384 = arith.constant 0 : i32
      %dma_wait3A_1385 = tpu.memref_slice %arg11[%dma_wait3A_1384] : memref<144xf32, #tpu.memory_space<vmem>> -> memref<128xf32, #tpu.memory_space<vmem>>
      %dma_wait3A_1386 = tpu.memref_slice %arg3[%add3A_64] : memref<12288xf32, #tpu.memory_space<hbm>> -> memref<128xf32, #tpu.memory_space<hbm>>
      tpu.wait_dma2 semaphore(%run_scoped3A : memref<!tpu.dma_semaphore, #tpu.memory_space<semaphore_mem>>) src(%dma_wait3A_1386 : memref<128xf32, #tpu.memory_space<hbm>>) dst(%dma_wait3A_1385 : memref<128xf32, #tpu.memory_space<vmem>>)
      tpu.yield
    }) : () -> ()
    %mul3A_65 = arith.constant 3 : i32
    %mul3A_66 = arith.muli %add3A, %mul3A_65 : i32
    %add3A_67 = arith.constant 2 : i32
    %add3A_68 = arith.addi %mul3A_66, %add3A_67 : i32
    %mul3A_69 = arith.constant 1024 : i32
    %mul3A_70 = arith.muli %add3A_68, %mul3A_69 : i32
    %add3A_71 = arith.addi %mul3A_70, %mul3A_32 : i32
    "tpu.region"() ({
      %run_scoped3A = tpu.sem_alloc : memref<!tpu.dma_semaphore, #tpu.memory_space<semaphore_mem>>
      %dma_start3A_1375 = arith.constant 0 : i32
      %dma_start3A_1376 = tpu.memref_slice %arg12[%dma_start3A_1375] : memref<144xf32, #tpu.memory_space<vmem>> -> memref<128xf32, #tpu.memory_space<vmem>>
      %dma_start3A_1377 = tpu.memref_slice %arg3[%add3A_71] : memref<12288xf32, #tpu.memory_space<hbm>> -> memref<128xf32, #tpu.memory_space<hbm>>
      %dma_start3A_1378 = arith.constant 0 : i32
      %dma_start3A_1379 = tpu.memref_slice %arg12[%dma_start3A_1378] : memref<144xf32, #tpu.memory_space<vmem>> -> memref<128xf32, #tpu.memory_space<vmem>>
      %dma_start3A_1380 = tpu.memref_slice %arg3[%add3A_71] : memref<12288xf32, #tpu.memory_space<hbm>> -> memref<128xf32, #tpu.memory_space<hbm>>
      tpu.enqueue_dma source(%dma_start3A_1380 : memref<128xf32, #tpu.memory_space<hbm>>) target(%dma_start3A_1379 : memref<128xf32, #tpu.memory_space<vmem>>) target_semaphore(%run_scoped3A : memref<!tpu.dma_semaphore, #tpu.memory_space<semaphore_mem>>)
      %dma_wait3A_1381 = arith.constant 0 : i32
      %dma_wait3A_1382 = tpu.memref_slice %arg12[%dma_wait3A_1381] : memref<144xf32, #tpu.memory_space<vmem>> -> memref<128xf32, #tpu.memory_space<vmem>>
      %dma_wait3A_1383 = tpu.memref_slice %arg3[%add3A_71] : memref<12288xf32, #tpu.memory_space<hbm>> -> memref<128xf32, #tpu.memory_space<hbm>>
      %dma_wait3A_1384 = arith.constant 0 : i32
      %dma_wait3A_1385 = tpu.memref_slice %arg12[%dma_wait3A_1384] : memref<144xf32, #tpu.memory_space<vmem>> -> memref<128xf32, #tpu.memory_space<vmem>>
      %dma_wait3A_1386 = tpu.memref_slice %arg3[%add3A_71] : memref<12288xf32, #tpu.memory_space<hbm>> -> memref<128xf32, #tpu.memory_space<hbm>>
      tpu.wait_dma2 semaphore(%run_scoped3A : memref<!tpu.dma_semaphore, #tpu.memory_space<semaphore_mem>>) src(%dma_wait3A_1386 : memref<128xf32, #tpu.memory_space<hbm>>) dst(%dma_wait3A_1385 : memref<128xf32, #tpu.memory_space<vmem>>)
      tpu.yield
    }) : () -> ()
    %mul3A_72 = arith.constant 2 : i32
    %mul3A_73 = arith.muli %arg0, %mul3A_72 : i32
    %mul3A_74 = arith.constant 128 : i32
    %mul3A_75 = arith.muli %mul3A_73, %mul3A_74 : i32
    %add3A_76 = arith.addi %mul3A_75, %arg1 : i32
    %dma_start3A = arith.constant 0 : i32
    %dma_start3A_77 = tpu.memref_slice %arg4[%add3A_76, %dma_start3A] : memref<512x8192xf32, #tpu.memory_space<hbm>> -> memref<1x8192xf32, #tpu.memory_space<hbm>>
    %dma_start3A_78 = arith.constant 0 : i32
    %dma_start3A_79 = tpu.memref_slice %arg4[%add3A_76, %dma_start3A_78] : memref<512x8192xf32, #tpu.memory_space<hbm>> -> memref<1x8192xf32, #tpu.memory_space<hbm>>
    tpu.enqueue_dma source(%dma_start3A_79 : memref<1x8192xf32, #tpu.memory_space<hbm>>) target(%arg16 : memref<1x8192xf32, #tpu.memory_space<vmem>>) target_semaphore(%arg20 : memref<!tpu.dma_semaphore, #tpu.memory_space<semaphore_mem>>)
    %iota3A = tpu.iota {dimensions = array<i32: 0>} : vector<16xi32>
    %broadcast_in_dim3A = arith.constant 0 : i32
    %broadcast_in_dim3A_80 = vector.broadcast %broadcast_in_dim3A : i32 to vector<16xi32>
    %scan3A = arith.constant 0 : i32
    %scan3A_81 = arith.constant 0 : i32
    %scan3A_82 = arith.constant 128 : i32
    %scan3A_83 = arith.addi %scan3A_81, %scan3A_82 : i32
    %scan3A_84 = arith.constant 1 : i32
    scf.for %scan3A_1375 = %scan3A_81 to %scan3A_83 step %scan3A_84  : i32 {
      %get3A = arith.index_cast %scan3A_1375 : i32 to index
      %get3A_1376 = tpu.vector_load %arg10[%get3A] {strides = array<i32>} : memref<144xf32, #tpu.memory_space<vmem>>, vector<16xf32>,
      %slice3A = vector.extract_strided_slice %get3A_1376 {offsets = [0], sizes = [1], strides = [1]} : vector<16xf32> to vector<1xf32>
      %squeeze3A = vector.extract %slice3A[0] : f32 from vector<1xf32>
      %broadcast_in_dim3A_1377 = vector.broadcast %squeeze3A : f32 to vector<16xf32>
      %get3A_1378 = arith.index_cast %scan3A_1375 : i32 to index
      %get3A_1379 = tpu.vector_load %arg11[%get3A_1378] {strides = array<i32>} : memref<144xf32, #tpu.memory_space<vmem>>, vector<16xf32>,
      %slice3A_1380 = vector.extract_strided_slice %get3A_1379 {offsets = [0], sizes = [1], strides = [1]} : vector<16xf32> to vector<1xf32>
      %squeeze3A_1381 = vector.extract %slice3A_1380[0] : f32 from vector<1xf32>
      %broadcast_in_dim3A_1382 = vector.broadcast %squeeze3A_1381 : f32 to vector<16xf32>
      %get3A_1383 = arith.index_cast %scan3A_1375 : i32 to index
      %get3A_1384 = tpu.vector_load %arg12[%get3A_1383] {strides = array<i32>} : memref<144xf32, #tpu.memory_space<vmem>>, vector<16xf32>,
      %slice3A_1385 = vector.extract_strided_slice %get3A_1384 {offsets = [0], sizes = [1], strides = [1]} : vector<16xf32> to vector<1xf32>
      %squeeze3A_1386 = vector.extract %slice3A_1385[0] : f32 from vector<1xf32>
      %broadcast_in_dim3A_1387 = vector.broadcast %squeeze3A_1386 : f32 to vector<16xf32>
      %broadcast_in_dim3A_1388 = arith.constant 0 : i32
      %broadcast_in_dim3A_1389 = vector.broadcast %broadcast_in_dim3A_1388 : i32 to vector<16xi32>
      %swap3A = arith.constant 0 : index
      %swap3A_1390 = tpu.vector_load %arg13[%swap3A] {strides = array<i32>} : memref<304xi32, #tpu.memory_space<vmem>>, vector<16xi32>,
      tpu.vector_store %arg13[%swap3A], %broadcast_in_dim3A_1389 {strides = array<i32>} : memref<304xi32, #tpu.memory_space<vmem>>, vector<16xi32>,
      %broadcast_in_dim3A_1391 = arith.constant -1 : i32
      %broadcast_in_dim3A_1392 = vector.broadcast %broadcast_in_dim3A_1391 : i32 to vector<16xi32>
      %while3A = arith.constant 0 : i32
      %while3A_1393:2 = scf.while (%while3A_1446 = %while3A, %while3A_1447 = %broadcast_in_dim3A_1392) : (i32, vector<16xi32>) -> (i32, vector<16xi32>) {
        %slice3A_1448 = vector.extract_strided_slice %while3A_1447 {offsets = [0], sizes = [1], strides = [1]} : vector<16xi32> to vector<1xi32>
        %squeeze3A_1449 = vector.extract %slice3A_1448[0] : i32 from vector<1xi32>
        %lt3A_1450 = arith.constant 31 : i32
        %lt3A_1451 = arith.cmpi slt, %squeeze3A_1449, %lt3A_1450 : i32
        %lt3A_1452 = arith.constant 8192 : i32
        %lt3A_1453 = arith.cmpi slt, %while3A_1446, %lt3A_1452 : i32
        %and3A_1454 = arith.andi %lt3A_1451, %lt3A_1453 : i1
        scf.condition(%and3A_1454) %while3A_1446, %while3A_1447 : i32, vector<16xi32>
      } do {
      ^bb0(%while3A_1446: i32, %while3A_1447: vector<16xi32>):
        %parallel_loop3A_1448 = arith.constant 0 : i32
        %parallel_loop3A_1449 = arith.constant 16 : i32
        %parallel_loop3A_1450 = arith.constant 1 : i32
        %parallel_loop3A_1451 = scf.for %parallel_loop3A_1454 = %parallel_loop3A_1448 to %parallel_loop3A_1449 step %parallel_loop3A_1450 iter_args(%parallel_loop3A_1455 = %while3A_1447) -> (vector<16xi32>)  : i32 {
          %parallel_loop3A_1456 = arith.constant 16 : i32
          %parallel_loop3A_1457 = arith.muli %parallel_loop3A_1454, %parallel_loop3A_1456 : i32
          %parallel_loop3A_1458 = arith.addi %while3A_1446, %parallel_loop3A_1457 : i32
          %parallel_loop3A_1459 = arith.index_cast %parallel_loop3A_1458 : i32 to index
          %parallel_loop3A_1460 = tpu.vector_load %arg7[%parallel_loop3A_1459] {strides = array<i32>} : memref<8192xf32, #tpu.memory_space<vmem>>, vector<16xf32>,
          %parallel_loop3A_1461 = arith.subf %parallel_loop3A_1460, %broadcast_in_dim3A_1377 : vector<16xf32>
          %parallel_loop3A_1462 = arith.index_cast %parallel_loop3A_1458 : i32 to index
          %parallel_loop3A_1463 = tpu.vector_load %arg8[%parallel_loop3A_1462] {strides = array<i32>} : memref<8192xf32, #tpu.memory_space<vmem>>, vector<16xf32>,
          %parallel_loop3A_1464 = arith.subf %parallel_loop3A_1463, %broadcast_in_dim3A_1382 : vector<16xf32>
          %parallel_loop3A_1465 = arith.index_cast %parallel_loop3A_1458 : i32 to index
          %parallel_loop3A_1466 = tpu.vector_load %arg9[%parallel_loop3A_1465] {strides = array<i32>} : memref<8192xf32, #tpu.memory_space<vmem>>, vector<16xf32>,
          %parallel_loop3A_1467 = arith.subf %parallel_loop3A_1466, %broadcast_in_dim3A_1387 : vector<16xf32>
          %parallel_loop3A_1468 = arith.mulf %parallel_loop3A_1461, %parallel_loop3A_1461 : vector<16xf32>
          %parallel_loop3A_1469 = arith.mulf %parallel_loop3A_1464, %parallel_loop3A_1464 : vector<16xf32>
          %parallel_loop3A_1470 = arith.addf %parallel_loop3A_1468, %parallel_loop3A_1469 : vector<16xf32>
          %parallel_loop3A_1471 = arith.mulf %parallel_loop3A_1467, %parallel_loop3A_1467 : vector<16xf32>
          %parallel_loop3A_1472 = arith.addf %parallel_loop3A_1470, %parallel_loop3A_1471 : vector<16xf32>
          %parallel_loop3A_1473 = arith.constant 4.000000e-02 : f32
          %parallel_loop3A_1474 = vector.broadcast %parallel_loop3A_1473 : f32 to vector<16xf32>
          %parallel_loop3A_1475 = arith.cmpf olt, %parallel_loop3A_1472, %parallel_loop3A_1474 : vector<16xf32>
          %parallel_loop3A_1476 = arith.extui %parallel_loop3A_1475 : vector<16xi1> to vector<16xi32>
          %parallel_loop3A_1477 = arith.constant true
          %parallel_loop3A_1478 = vector.broadcast %parallel_loop3A_1477 : i1 to vector<16xi1>
          %parallel_loop3A_1479 = tpu.scan <sum>, %parallel_loop3A_1476 masked %parallel_loop3A_1478 : vector<16xi32>, vector<16xi1> -> vector<16xi32>
          %parallel_loop3A_1480 = arith.addi %parallel_loop3A_1455, %parallel_loop3A_1479 : vector<16xi32>
          %parallel_loop3A_1481 = vector.broadcast %parallel_loop3A_1458 : i32 to vector<16xi32>
          %parallel_loop3A_1482 = arith.addi %iota3A, %parallel_loop3A_1481 : vector<16xi32>
          tpu.vector_store_idx %arg13[%parallel_loop3A_1480], %parallel_loop3A_1482 masked %parallel_loop3A_1475 : memref<304xi32, #tpu.memory_space<vmem>>[vector<16xi32>], vector<16xi32>, vector<16xi1>
          %parallel_loop3A_1483 = tpu.all_reduce %parallel_loop3A_1475 {dim = 0 : i64, kind = #tpu.reduction_kind<sum>} : vector<16xi1> -> vector<16xi32>
          %parallel_loop3A_1484 = arith.addi %parallel_loop3A_1455, %parallel_loop3A_1483 : vector<16xi32>
          scf.yield %parallel_loop3A_1484 : vector<16xi32>
        } {sc.loop_unroll_factor = 4 : i64, sc.parallel_access}
        %add3A_1452 = arith.constant 256 : i32
        %add3A_1453 = arith.addi %while3A_1446, %add3A_1452 : i32
        scf.yield %add3A_1453, %parallel_loop3A_1451 : i32, vector<16xi32>
      }
      %slice3A_1394 = vector.extract_strided_slice %while3A_1393#1 {offsets = [0], sizes = [1], strides = [1]} : vector<16xi32> to vector<1xi32>
      %squeeze3A_1395 = vector.extract %slice3A_1394[0] : i32 from vector<1xi32>
      %add3A_1396 = arith.constant 1 : i32
      %add3A_1397 = arith.addi %squeeze3A_1395, %add3A_1396 : i32
      %min3A = arith.constant 32 : i32
      %min3A_1398 = arith.minsi %add3A_1397, %min3A : i32
      %get3A_1399 = arith.constant 0 : index
      %get3A_1400 = tpu.vector_load %arg13[%get3A_1399] {strides = array<i32>} : memref<304xi32, #tpu.memory_space<vmem>>, vector<16xi32>,
      %get3A_1401 = arith.constant 16 : index
      %get3A_1402 = tpu.vector_load %arg13[%get3A_1401] {strides = array<i32>} : memref<304xi32, #tpu.memory_space<vmem>>, vector<16xi32>,
      %gather3A = tpu.vector_load_idx %arg13[%broadcast_in_dim3A_80] : memref<304xi32, #tpu.memory_space<vmem>>[vector<16xi32>], vector<16xi32>,
      %lt3A_1403 = vector.broadcast %min3A_1398 : i32 to vector<16xi32>
      %lt3A_1404 = arith.cmpi slt, %iota3A, %lt3A_1403 : vector<16xi32>
      %select_n3A_1405 = arith.select %lt3A_1404, %get3A_1400, %gather3A : vector<16xi1>, vector<16xi32>
      %add3A_1406 = arith.constant 16 : i32
      %add3A_1407 = vector.broadcast %add3A_1406 : i32 to vector<16xi32>
      %add3A_1408 = arith.addi %iota3A, %add3A_1407 : vector<16xi32>
      %lt3A_1409 = vector.broadcast %min3A_1398 : i32 to vector<16xi32>
      %lt3A_1410 = arith.cmpi slt, %add3A_1408, %lt3A_1409 : vector<16xi32>
      %select_n3A_1411 = arith.select %lt3A_1410, %get3A_1402, %gather3A : vector<16xi1>, vector<16xi32>
      %broadcast_in_dim3A_1412 = vector.broadcast %scan3A_1375 : i32 to vector<16xi32>
      tpu.vector_store_idx %arg14[%iota3A, %broadcast_in_dim3A_1412], %select_n3A_1405 : memref<32x128xi32, #tpu.memory_space<vmem>>[vector<16xi32>, vector<16xi32>], vector<16xi32>,
      %add3A_1413 = arith.constant 16 : i32
      %add3A_1414 = vector.broadcast %add3A_1413 : i32 to vector<16xi32>
      %add3A_1415 = arith.addi %add3A_1414, %iota3A : vector<16xi32>
      tpu.vector_store_idx %arg14[%add3A_1415, %broadcast_in_dim3A_1412], %select_n3A_1411 : memref<32x128xi32, #tpu.memory_space<vmem>>[vector<16xi32>, vector<16xi32>], vector<16xi32>,
      %add3A_1416 = arith.constant 0 : i32
      %add3A_1417 = vector.broadcast %add3A_1416 : i32 to vector<16xi32>
      %add3A_1418 = arith.addi %add3A_1417, %iota3A : vector<16xi32>
      %gather3A_1419 = tpu.vector_load_idx %arg7[%select_n3A_1405] : memref<8192xf32, #tpu.memory_space<vmem>>[vector<16xi32>], vector<16xf32>,
      %sub3A_1420 = arith.subf %gather3A_1419, %broadcast_in_dim3A_1377 : vector<16xf32>
      tpu.vector_store_idx %arg15[%add3A_1418, %broadcast_in_dim3A_1412], %sub3A_1420 : memref<96x128xf32, #tpu.memory_space<vmem>>[vector<16xi32>, vector<16xi32>], vector<16xf32>,
      %add3A_1421 = arith.constant 16 : i32
      %add3A_1422 = vector.broadcast %add3A_1421 : i32 to vector<16xi32>
      %add3A_1423 = arith.addi %add3A_1422, %iota3A : vector<16xi32>
      %gather3A_1424 = tpu.vector_load_idx %arg7[%select_n3A_1411] : memref<8192xf32, #tpu.memory_space<vmem>>[vector<16xi32>], vector<16xf32>,
      %sub3A_1425 = arith.subf %gather3A_1424, %broadcast_in_dim3A_1377 : vector<16xf32>
      tpu.vector_store_idx %arg15[%add3A_1423, %broadcast_in_dim3A_1412], %sub3A_1425 : memref<96x128xf32, #tpu.memory_space<vmem>>[vector<16xi32>, vector<16xi32>], vector<16xf32>,
      %add3A_1426 = arith.constant 32 : i32
      %add3A_1427 = vector.broadcast %add3A_1426 : i32 to vector<16xi32>
      %add3A_1428 = arith.addi %add3A_1427, %iota3A : vector<16xi32>
      %gather3A_1429 = tpu.vector_load_idx %arg8[%select_n3A_1405] : memref<8192xf32, #tpu.memory_space<vmem>>[vector<16xi32>], vector<16xf32>,
      %sub3A_1430 = arith.subf %gather3A_1429, %broadcast_in_dim3A_1382 : vector<16xf32>
      tpu.vector_store_idx %arg15[%add3A_1428, %broadcast_in_dim3A_1412], %sub3A_1430 : memref<96x128xf32, #tpu.memory_space<vmem>>[vector<16xi32>, vector<16xi32>], vector<16xf32>,
      %add3A_1431 = arith.constant 48 : i32
      %add3A_1432 = vector.broadcast %add3A_1431 : i32 to vector<16xi32>
      %add3A_1433 = arith.addi %add3A_1432, %iota3A : vector<16xi32>
      %gather3A_1434 = tpu.vector_load_idx %arg8[%select_n3A_1411] : memref<8192xf32, #tpu.memory_space<vmem>>[vector<16xi32>], vector<16xf32>,
      %sub3A_1435 = arith.subf %gather3A_1434, %broadcast_in_dim3A_1382 : vector<16xf32>
      tpu.vector_store_idx %arg15[%add3A_1433, %broadcast_in_dim3A_1412], %sub3A_1435 : memref<96x128xf32, #tpu.memory_space<vmem>>[vector<16xi32>, vector<16xi32>], vector<16xf32>,
      %add3A_1436 = arith.constant 64 : i32
      %add3A_1437 = vector.broadcast %add3A_1436 : i32 to vector<16xi32>
      %add3A_1438 = arith.addi %add3A_1437, %iota3A : vector<16xi32>
      %gather3A_1439 = tpu.vector_load_idx %arg9[%select_n3A_1405] : memref<8192xf32, #tpu.memory_space<vmem>>[vector<16xi32>], vector<16xf32>,
      %sub3A_1440 = arith.subf %gather3A_1439, %broadcast_in_dim3A_1387 : vector<16xf32>
      tpu.vector_store_idx %arg15[%add3A_1438, %broadcast_in_dim3A_1412], %sub3A_1440 : memref<96x128xf32, #tpu.memory_space<vmem>>[vector<16xi32>, vector<16xi32>], vector<16xf32>,
      %add3A_1441 = arith.constant 80 : i32
      %add3A_1442 = vector.broadcast %add3A_1441 : i32 to vector<16xi32>
      %add3A_1443 = arith.addi %add3A_1442, %iota3A : vector<16xi32>
      %gather3A_1444 = tpu.vector_load_idx %arg9[%select_n3A_1411] : memref<8192xf32, #tpu.memory_space<vmem>>[vector<16xi32>], vector<16xf32>,
      %sub3A_1445 = arith.subf %gather3A_1444, %broadcast_in_dim3A_1387 : vector<16xf32>
      tpu.vector_store_idx %arg15[%add3A_1443, %broadcast_in_dim3A_1412], %sub3A_1445 : memref<96x128xf32, #tpu.memory_space<vmem>>[vector<16xi32>, vector<16xi32>], vector<16xf32>,
    }
    %scan3A_85 = arith.constant 128 : i32
    %mul3A_86 = arith.constant 32 : i32
    %mul3A_87 = arith.muli %add3A, %mul3A_86 : i32
    "tpu.region"() ({
      %run_scoped3A = tpu.sem_alloc : memref<!tpu.dma_semaphore, #tpu.memory_space<semaphore_mem>>
      %dma_start3A_1375 = tpu.memref_slice %arg6[%mul3A_87, %mul3A_32] : memref<128x1024xi32, #tpu.memory_space<hbm>> -> memref<32x128xi32, #tpu.memory_space<hbm>>
      %dma_start3A_1376 = tpu.memref_slice %arg6[%mul3A_87, %mul3A_32] : memref<128x1024xi32, #tpu.memory_space<hbm>> -> memref<32x128xi32, #tpu.memory_space<hbm>>
      tpu.enqueue_dma source(%arg14 : memref<32x128xi32, #tpu.memory_space<vmem>>) target(%dma_start3A_1376 : memref<32x128xi32, #tpu.memory_space<hbm>>) target_semaphore(%run_scoped3A : memref<!tpu.dma_semaphore, #tpu.memory_space<semaphore_mem>>)
      %dma_wait3A_1377 = tpu.memref_slice %arg6[%mul3A_87, %mul3A_32] : memref<128x1024xi32, #tpu.memory_space<hbm>> -> memref<32x128xi32, #tpu.memory_space<hbm>>
      %dma_wait3A_1378 = tpu.memref_slice %arg6[%mul3A_87, %mul3A_32] : memref<128x1024xi32, #tpu.memory_space<hbm>> -> memref<32x128xi32, #tpu.memory_space<hbm>>
      tpu.wait_dma2 semaphore(%run_scoped3A : memref<!tpu.dma_semaphore, #tpu.memory_space<semaphore_mem>>) src(%arg14 : memref<32x128xi32, #tpu.memory_space<vmem>>) dst(%dma_wait3A_1378 : memref<32x128xi32, #tpu.memory_space<hbm>>)
      tpu.yield
    }) : () -> ()
    %mul3A_88 = arith.constant 131 : i32
    %mul3A_89 = arith.muli %add3A, %mul3A_88 : i32
    %add3A_90 = arith.constant 0 : i32
    %add3A_91 = arith.addi %mul3A_89, %add3A_90 : i32
    %mul3A_92 = arith.constant 32 : i32
    %mul3A_93 = arith.muli %add3A_91, %mul3A_92 : i32
    "tpu.region"() ({
      %run_scoped3A = tpu.sem_alloc : memref<!tpu.dma_semaphore, #tpu.memory_space<semaphore_mem>>
      %dma_start3A_1375 = arith.constant 0 : i32
      %dma_start3A_1376 = arith.constant 0 : i32
      %dma_start3A_1377 = tpu.memref_slice %arg15[%dma_start3A_1375, %dma_start3A_1376] : memref<96x128xf32, #tpu.memory_space<vmem>> -> memref<32x128xf32, #tpu.memory_space<vmem>>
      %dma_start3A_1378 = tpu.memref_slice %arg5[%mul3A_93, %mul3A_32] : memref<16768x1024xf32, #tpu.memory_space<hbm>> -> memref<32x128xf32, #tpu.memory_space<hbm>>
      %dma_start3A_1379 = tpu.memref_slice %arg5[%mul3A_93, %mul3A_32] : memref<16768x1024xf32, #tpu.memory_space<hbm>> -> memref<32x128xf32, #tpu.memory_space<hbm>>
      %dma_start3A_1380 = arith.constant 0 : i32
      %dma_start3A_1381 = arith.constant 0 : i32
      %dma_start3A_1382 = tpu.memref_slice %arg15[%dma_start3A_1380, %dma_start3A_1381] : memref<96x128xf32, #tpu.memory_space<vmem>> -> memref<32x128xf32, #tpu.memory_space<vmem>>
      tpu.enqueue_dma source(%dma_start3A_1382 : memref<32x128xf32, #tpu.memory_space<vmem>>) target(%dma_start3A_1379 : memref<32x128xf32, #tpu.memory_space<hbm>>) target_semaphore(%run_scoped3A : memref<!tpu.dma_semaphore, #tpu.memory_space<semaphore_mem>>)
      %dma_wait3A_1383 = arith.constant 0 : i32
      %dma_wait3A_1384 = arith.constant 0 : i32
      %dma_wait3A_1385 = tpu.memref_slice %arg15[%dma_wait3A_1383, %dma_wait3A_1384] : memref<96x128xf32, #tpu.memory_space<vmem>> -> memref<32x128xf32, #tpu.memory_space<vmem>>
      %dma_wait3A_1386 = tpu.memref_slice %arg5[%mul3A_93, %mul3A_32] : memref<16768x1024xf32, #tpu.memory_space<hbm>> -> memref<32x128xf32, #tpu.memory_space<hbm>>
      %dma_wait3A_1387 = tpu.memref_slice %arg5[%mul3A_93, %mul3A_32] : memref<16768x1024xf32, #tpu.memory_space<hbm>> -> memref<32x128xf32, #tpu.memory_space<hbm>>
      %dma_wait3A_1388 = arith.constant 0 : i32
      %dma_wait3A_1389 = arith.constant 0 : i32
      %dma_wait3A_1390 = tpu.memref_slice %arg15[%dma_wait3A_1388, %dma_wait3A_1389] : memref<96x128xf32, #tpu.memory_space<vmem>> -> memref<32x128xf32, #tpu.memory_space<vmem>>
      tpu.wait_dma2 semaphore(%run_scoped3A : memref<!tpu.dma_semaphore, #tpu.memory_space<semaphore_mem>>) src(%dma_wait3A_1390 : memref<32x128xf32, #tpu.memory_space<vmem>>) dst(%dma_wait3A_1387 : memref<32x128xf32, #tpu.memory_space<hbm>>)
      tpu.yield
    }) : () -> ()
    %mul3A_94 = arith.constant 131 : i32
    %mul3A_95 = arith.muli %add3A, %mul3A_94 : i32
    %add3A_96 = arith.constant 1 : i32
    %add3A_97 = arith.addi %mul3A_95, %add3A_96 : i32
    %mul3A_98 = arith.constant 32 : i32
    %mul3A_99 = arith.muli %add3A_97, %mul3A_98 : i32
    "tpu.region"() ({
      %run_scoped3A = tpu.sem_alloc : memref<!tpu.dma_semaphore, #tpu.memory_space<semaphore_mem>>
      %dma_start3A_1375 = arith.constant 32 : i32
      %dma_start3A_1376 = arith.constant 0 : i32
      %dma_start3A_1377 = tpu.memref_slice %arg15[%dma_start3A_1375, %dma_start3A_1376] : memref<96x128xf32, #tpu.memory_space<vmem>> -> memref<32x128xf32, #tpu.memory_space<vmem>>
      %dma_start3A_1378 = tpu.memref_slice %arg5[%mul3A_99, %mul3A_32] : memref<16768x1024xf32, #tpu.memory_space<hbm>> -> memref<32x128xf32, #tpu.memory_space<hbm>>
      %dma_start3A_1379 = tpu.memref_slice %arg5[%mul3A_99, %mul3A_32] : memref<16768x1024xf32, #tpu.memory_space<hbm>> -> memref<32x128xf32, #tpu.memory_space<hbm>>
      %dma_start3A_1380 = arith.constant 32 : i32
      %dma_start3A_1381 = arith.constant 0 : i32
      %dma_start3A_1382 = tpu.memref_slice %arg15[%dma_start3A_1380, %dma_start3A_1381] : memref<96x128xf32, #tpu.memory_space<vmem>> -> memref<32x128xf32, #tpu.memory_space<vmem>>
      tpu.enqueue_dma source(%dma_start3A_1382 : memref<32x128xf32, #tpu.memory_space<vmem>>) target(%dma_start3A_1379 : memref<32x128xf32, #tpu.memory_space<hbm>>) target_semaphore(%run_scoped3A : memref<!tpu.dma_semaphore, #tpu.memory_space<semaphore_mem>>)
      %dma_wait3A_1383 = arith.constant 32 : i32
      %dma_wait3A_1384 = arith.constant 0 : i32
      %dma_wait3A_1385 = tpu.memref_slice %arg15[%dma_wait3A_1383, %dma_wait3A_1384] : memref<96x128xf32, #tpu.memory_space<vmem>> -> memref<32x128xf32, #tpu.memory_space<vmem>>
      %dma_wait3A_1386 = tpu.memref_slice %arg5[%mul3A_99, %mul3A_32] : memref<16768x1024xf32, #tpu.memory_space<hbm>> -> memref<32x128xf32, #tpu.memory_space<hbm>>
      %dma_wait3A_1387 = tpu.memref_slice %arg5[%mul3A_99, %mul3A_32] : memref<16768x1024xf32, #tpu.memory_space<hbm>> -> memref<32x128xf32, #tpu.memory_space<hbm>>
      %dma_wait3A_1388 = arith.constant 32 : i32
      %dma_wait3A_1389 = arith.constant 0 : i32
      %dma_wait3A_1390 = tpu.memref_slice %arg15[%dma_wait3A_1388, %dma_wait3A_1389] : memref<96x128xf32, #tpu.memory_space<vmem>> -> memref<32x128xf32, #tpu.memory_space<vmem>>
      tpu.wait_dma2 semaphore(%run_scoped3A : memref<!tpu.dma_semaphore, #tpu.memory_space<semaphore_mem>>) src(%dma_wait3A_1390 : memref<32x128xf32, #tpu.memory_space<vmem>>) dst(%dma_wait3A_1387 : memref<32x128xf32, #tpu.memory_space<hbm>>)
      tpu.yield
    }) : () -> ()
    %mul3A_100 = arith.constant 131 : i32
    %mul3A_101 = arith.muli %add3A, %mul3A_100 : i32
    %add3A_102 = arith.constant 2 : i32
    %add3A_103 = arith.addi %mul3A_101, %add3A_102 : i32
    %mul3A_104 = arith.constant 32 : i32
    %mul3A_105 = arith.muli %add3A_103, %mul3A_104 : i32
    "tpu.region"() ({
      %run_scoped3A = tpu.sem_alloc : memref<!tpu.dma_semaphore, #tpu.memory_space<semaphore_mem>>
      %dma_start3A_1375 = arith.constant 64 : i32
      %dma_start3A_1376 = arith.constant 0 : i32
      %dma_start3A_1377 = tpu.memref_slice %arg15[%dma_start3A_1375, %dma_start3A_1376] : memref<96x128xf32, #tpu.memory_space<vmem>> -> memref<32x128xf32, #tpu.memory_space<vmem>>
      %dma_start3A_1378 = tpu.memref_slice %arg5[%mul3A_105, %mul3A_32] : memref<16768x1024xf32, #tpu.memory_space<hbm>> -> memref<32x128xf32, #tpu.memory_space<hbm>>
      %dma_start3A_1379 = tpu.memref_slice %arg5[%mul3A_105, %mul3A_32] : memref<16768x1024xf32, #tpu.memory_space<hbm>> -> memref<32x128xf32, #tpu.memory_space<hbm>>
      %dma_start3A_1380 = arith.constant 64 : i32
      %dma_start3A_1381 = arith.constant 0 : i32
      %dma_start3A_1382 = tpu.memref_slice %arg15[%dma_start3A_1380, %dma_start3A_1381] : memref<96x128xf32, #tpu.memory_space<vmem>> -> memref<32x128xf32, #tpu.memory_space<vmem>>
      tpu.enqueue_dma source(%dma_start3A_1382 : memref<32x128xf32, #tpu.memory_space<vmem>>) target(%dma_start3A_1379 : memref<32x128xf32, #tpu.memory_space<hbm>>) target_semaphore(%run_scoped3A : memref<!tpu.dma_semaphore, #tpu.memory_space<semaphore_mem>>)
      %dma_wait3A_1383 = arith.constant 64 : i32
      %dma_wait3A_1384 = arith.constant 0 : i32
      %dma_wait3A_1385 = tpu.memref_slice %arg15[%dma_wait3A_1383, %dma_wait3A_1384] : memref<96x128xf32, #tpu.memory_space<vmem>> -> memref<32x128xf32, #tpu.memory_space<vmem>>
      %dma_wait3A_1386 = tpu.memref_slice %arg5[%mul3A_105, %mul3A_32] : memref<16768x1024xf32, #tpu.memory_space<hbm>> -> memref<32x128xf32, #tpu.memory_space<hbm>>
      %dma_wait3A_1387 = tpu.memref_slice %arg5[%mul3A_105, %mul3A_32] : memref<16768x1024xf32, #tpu.memory_space<hbm>> -> memref<32x128xf32, #tpu.memory_space<hbm>>
      %dma_wait3A_1388 = arith.constant 64 : i32
      %dma_wait3A_1389 = arith.constant 0 : i32
      %dma_wait3A_1390 = tpu.memref_slice %arg15[%dma_wait3A_1388, %dma_wait3A_1389] : memref<96x128xf32, #tpu.memory_space<vmem>> -> memref<32x128xf32, #tpu.memory_space<vmem>>
      tpu.wait_dma2 semaphore(%run_scoped3A : memref<!tpu.dma_semaphore, #tpu.memory_space<semaphore_mem>>) src(%dma_wait3A_1390 : memref<32x128xf32, #tpu.memory_space<vmem>>) dst(%dma_wait3A_1387 : memref<32x128xf32, #tpu.memory_space<hbm>>)
      tpu.yield
    }) : () -> ()
    %barrier3A = arith.constant 0 : index
    tpu.barrier barrier_id(%barrier3A)
    %mul3A_106 = arith.constant 2 : i32
    %mul3A_107 = arith.muli %arg0, %mul3A_106 : i32
    %add3A_108 = arith.constant 0 : i32
    %add3A_109 = arith.addi %mul3A_107, %add3A_108 : i32
    %add3A_110 = arith.constant 0 : i32
    %add3A_111 = arith.addi %add3A_110, %arg1 : i32
    %mul3A_112 = arith.constant 32 : i32
    %mul3A_113 = arith.muli %add3A_109, %mul3A_112 : i32
    "tpu.region"() ({
      %run_scoped3A = tpu.sem_alloc : memref<!tpu.dma_semaphore, #tpu.memory_space<semaphore_mem>>
      %dma_start3A_1375 = arith.constant 0 : i32
      %dma_start3A_1376 = tpu.memref_slice %arg6[%mul3A_113, %dma_start3A_1375] : memref<128x1024xi32, #tpu.memory_space<hbm>> -> memref<32x1024xi32, #tpu.memory_space<hbm>>
      %dma_start3A_1377 = arith.constant 0 : i32
      %dma_start3A_1378 = tpu.memref_slice %arg6[%mul3A_113, %dma_start3A_1377] : memref<128x1024xi32, #tpu.memory_space<hbm>> -> memref<32x1024xi32, #tpu.memory_space<hbm>>
      tpu.enqueue_dma source(%dma_start3A_1378 : memref<32x1024xi32, #tpu.memory_space<hbm>>) target(%arg19 : memref<32x1024xi32, #tpu.memory_space<vmem>>) target_semaphore(%run_scoped3A : memref<!tpu.dma_semaphore, #tpu.memory_space<semaphore_mem>>)
      %dma_wait3A_1379 = arith.constant 0 : i32
      %dma_wait3A_1380 = tpu.memref_slice %arg6[%mul3A_113, %dma_wait3A_1379] : memref<128x1024xi32, #tpu.memory_space<hbm>> -> memref<32x1024xi32, #tpu.memory_space<hbm>>
      %dma_wait3A_1381 = arith.constant 0 : i32
      %dma_wait3A_1382 = tpu.memref_slice %arg6[%mul3A_113, %dma_wait3A_1381] : memref<128x1024xi32, #tpu.memory_space<hbm>> -> memref<32x1024xi32, #tpu.memory_space<hbm>>
      tpu.wait_dma2 semaphore(%run_scoped3A : memref<!tpu.dma_semaphore, #tpu.memory_space<semaphore_mem>>) src(%dma_wait3A_1382 : memref<32x1024xi32, #tpu.memory_space<hbm>>) dst(%arg19 : memref<32x1024xi32, #tpu.memory_space<vmem>>)
      tpu.yield
    }) : () -> ()
    %add3A_114 = arith.constant 16 : i32
    %add3A_115 = arith.addi %add3A_114, %arg1 : i32
    %mul3A_116 = arith.constant 2 : i32
    %mul3A_117 = arith.muli %arg0, %mul3A_116 : i32
    %add3A_118 = arith.constant 0 : i32
    %add3A_119 = arith.addi %mul3A_117, %add3A_118 : i32
    %mul3A_120 = arith.constant 128 : i32
    %mul3A_121 = arith.muli %add3A_119, %mul3A_120 : i32
    %add3A_122 = arith.addi %mul3A_121, %add3A_115 : i32
    %dma_start3A_123 = arith.constant 0 : i32
    %dma_start3A_124 = tpu.memref_slice %arg4[%add3A_122, %dma_start3A_123] : memref<512x8192xf32, #tpu.memory_space<hbm>> -> memref<1x8192xf32, #tpu.memory_space<hbm>>
    %dma_start3A_125 = arith.constant 0 : i32
    %dma_start3A_126 = tpu.memref_slice %arg4[%add3A_122, %dma_start3A_125] : memref<512x8192xf32, #tpu.memory_space<hbm>> -> memref<1x8192xf32, #tpu.memory_space<hbm>>
    tpu.enqueue_dma source(%dma_start3A_126 : memref<1x8192xf32, #tpu.memory_space<hbm>>) target(%arg17 : memref<1x8192xf32, #tpu.memory_space<vmem>>) target_semaphore(%arg21 : memref<!tpu.dma_semaphore, #tpu.memory_space<semaphore_mem>>)
    %dma_wait3A = arith.constant 0 : i32
    %dma_wait3A_127 = tpu.memref_slice %arg4[%add3A_76, %dma_wait3A] : memref<512x8192xf32, #tpu.memory_space<hbm>> -> memref<1x8192xf32, #tpu.memory_space<hbm>>
    %dma_wait3A_128 = arith.constant 0 : i32
    %dma_wait3A_129 = tpu.memref_slice %arg4[%add3A_76, %dma_wait3A_128] : memref<512x8192xf32, #tpu.memory_space<hbm>> -> memref<1x8192xf32, #tpu.memory_space<hbm>>
    tpu.wait_dma2 semaphore(%arg20 : memref<!tpu.dma_semaphore, #tpu.memory_space<semaphore_mem>>) src(%dma_wait3A_129 : memref<1x8192xf32, #tpu.memory_space<hbm>>) dst(%arg16 : memref<1x8192xf32, #tpu.memory_space<vmem>>)
    %mul3A_130 = arith.constant 131 : i32
    %mul3A_131 = arith.muli %add3A_109, %mul3A_130 : i32
    %add3A_132 = arith.constant 3 : i32
    %add3A_133 = arith.addi %mul3A_131, %add3A_132 : i32
    %add3A_134 = arith.addi %add3A_133, %add3A_111 : i32
    %mul3A_135 = arith.constant 32 : i32
    %mul3A_136 = arith.muli %add3A_134, %mul3A_135 : i32
    %parallel_loop3A = arith.constant 0 : i32
    %parallel_loop3A_137 = arith.constant 1024 : i32
    %parallel_loop3A_138 = arith.constant 1 : i32
    scf.for %parallel_loop3A_1375 = %parallel_loop3A to %parallel_loop3A_137 step %parallel_loop3A_138  : i32 {
      %parallel_loop3A_1376 = arith.constant 64 : i32
      %parallel_loop3A_1377 = arith.divsi %parallel_loop3A_1375, %parallel_loop3A_1376 : i32
      %parallel_loop3A_1378 = arith.constant 0 : i32
      %parallel_loop3A_1379 = arith.cmpi sgt, %parallel_loop3A_1375, %parallel_loop3A_1378 : i32
      %parallel_loop3A_1380 = arith.extui %parallel_loop3A_1379 : i1 to i32
      %parallel_loop3A_1381 = arith.constant 0 : i32
      %parallel_loop3A_1382 = arith.cmpi slt, %parallel_loop3A_1375, %parallel_loop3A_1381 : i32
      %parallel_loop3A_1383 = arith.extui %parallel_loop3A_1382 : i1 to i32
      %parallel_loop3A_1384 = arith.subi %parallel_loop3A_1380, %parallel_loop3A_1383 : i32
      %parallel_loop3A_1385 = arith.constant 0 : i32
      %parallel_loop3A_1386 = arith.cmpi sgt, %parallel_loop3A_1376, %parallel_loop3A_1385 : i32
      %parallel_loop3A_1387 = arith.extui %parallel_loop3A_1386 : i1 to i32
      %parallel_loop3A_1388 = arith.constant 0 : i32
      %parallel_loop3A_1389 = arith.cmpi slt, %parallel_loop3A_1376, %parallel_loop3A_1388 : i32
      %parallel_loop3A_1390 = arith.extui %parallel_loop3A_1389 : i1 to i32
      %parallel_loop3A_1391 = arith.subi %parallel_loop3A_1387, %parallel_loop3A_1390 : i32
      %parallel_loop3A_1392 = arith.cmpi ne, %parallel_loop3A_1384, %parallel_loop3A_1391 : i32
      %parallel_loop3A_1393 = arith.remsi %parallel_loop3A_1375, %parallel_loop3A_1376 : i32
      %parallel_loop3A_1394 = arith.constant 0 : i32
      %parallel_loop3A_1395 = arith.cmpi ne, %parallel_loop3A_1393, %parallel_loop3A_1394 : i32
      %parallel_loop3A_1396 = arith.andi %parallel_loop3A_1392, %parallel_loop3A_1395 : i1
      %parallel_loop3A_1397 = arith.constant 1 : i32
      %parallel_loop3A_1398 = arith.subi %parallel_loop3A_1377, %parallel_loop3A_1397 : i32
      %parallel_loop3A_1399 = arith.select %parallel_loop3A_1396, %parallel_loop3A_1398, %parallel_loop3A_1377 : i32
      %parallel_loop3A_1400 = arith.constant 0 : i32
      %parallel_loop3A_1401 = arith.addi %parallel_loop3A_1400, %parallel_loop3A_1399 : i32
      %parallel_loop3A_1402 = arith.constant 64 : i32
      %parallel_loop3A_1403 = arith.constant 0 : i32
      %parallel_loop3A_1404 = arith.cmpi eq, %parallel_loop3A_1402, %parallel_loop3A_1403 : i32
      %parallel_loop3A_1405 = arith.constant 1 : i32
      %parallel_loop3A_1406 = arith.select %parallel_loop3A_1404, %parallel_loop3A_1405, %parallel_loop3A_1402 : i32
      %parallel_loop3A_1407 = arith.remsi %parallel_loop3A_1375, %parallel_loop3A_1406 : i32
      %parallel_loop3A_1408 = arith.constant 0 : i32
      %parallel_loop3A_1409 = arith.cmpi ne, %parallel_loop3A_1407, %parallel_loop3A_1408 : i32
      %parallel_loop3A_1410 = arith.constant 0 : i32
      %parallel_loop3A_1411 = arith.cmpi slt, %parallel_loop3A_1407, %parallel_loop3A_1410 : i32
      %parallel_loop3A_1412 = arith.constant 0 : i32
      %parallel_loop3A_1413 = arith.cmpi slt, %parallel_loop3A_1406, %parallel_loop3A_1412 : i32
      %parallel_loop3A_1414 = arith.xori %parallel_loop3A_1411, %parallel_loop3A_1413 : i1
      %parallel_loop3A_1415 = arith.andi %parallel_loop3A_1414, %parallel_loop3A_1409 : i1
      %parallel_loop3A_1416 = arith.addi %parallel_loop3A_1407, %parallel_loop3A_1406 : i32
      %parallel_loop3A_1417 = arith.select %parallel_loop3A_1415, %parallel_loop3A_1416, %parallel_loop3A_1407 : i32
      %parallel_loop3A_1418 = arith.constant 16 : i32
      %parallel_loop3A_1419 = arith.muli %parallel_loop3A_1417, %parallel_loop3A_1418 : i32
      %parallel_loop3A_1420 = arith.index_cast %parallel_loop3A_1401 : i32 to index
      %parallel_loop3A_1421 = arith.index_cast %parallel_loop3A_1419 : i32 to index
      %parallel_loop3A_1422 = tpu.vector_load %arg19[%parallel_loop3A_1420, %parallel_loop3A_1421] {strides = array<i32>} : memref<32x1024xi32, #tpu.memory_space<vmem>>, vector<16xi32>,
      %parallel_loop3A_1423 = tpu.vector_load_idx %arg16[%broadcast_in_dim3A_80, %parallel_loop3A_1422] : memref<1x8192xf32, #tpu.memory_space<vmem>>[vector<16xi32>, vector<16xi32>], vector<16xf32>,
      %parallel_loop3A_1424 = arith.index_cast %parallel_loop3A_1401 : i32 to index
      %parallel_loop3A_1425 = arith.index_cast %parallel_loop3A_1419 : i32 to index
      %parallel_loop3A_1426 = tpu.vector_load %arg18[%parallel_loop3A_1424, %parallel_loop3A_1425] {strides = array<i32>} : memref<32x1024xf32, #tpu.memory_space<vmem>>, vector<16xf32>,
      tpu.vector_store %arg18[%parallel_loop3A_1424, %parallel_loop3A_1425], %parallel_loop3A_1423 {strides = array<i32>} : memref<32x1024xf32, #tpu.memory_space<vmem>>, vector<16xf32>,
    } {sc.loop_unroll_factor = 8 : i64, sc.parallel_access}
    %add3A_139 = arith.constant 0 : i32
    %add3A_140 = arith.addi %mul3A_136, %add3A_139 : i32
    %dma_start3A_141 = arith.constant 0 : i32
    %dma_start3A_142 = arith.constant 0 : i32
    %dma_start3A_143 = tpu.memref_slice %arg18[%dma_start3A_141, %dma_start3A_142] : memref<32x1024xf32, #tpu.memory_space<vmem>> -> memref<16x1024xf32, #tpu.memory_space<vmem>>
    %dma_start3A_144 = arith.constant 0 : i32
    %dma_start3A_145 = tpu.memref_slice %arg5[%add3A_140, %dma_start3A_144] : memref<16768x1024xf32, #tpu.memory_space<hbm>> -> memref<16x1024xf32, #tpu.memory_space<hbm>>
    %dma_start3A_146 = arith.constant 0 : i32
    %dma_start3A_147 = tpu.memref_slice %arg5[%add3A_140, %dma_start3A_146] : memref<16768x1024xf32, #tpu.memory_space<hbm>> -> memref<16x1024xf32, #tpu.memory_space<hbm>>
    %dma_start3A_148 = arith.constant 0 : i32
    %dma_start3A_149 = arith.constant 0 : i32
    %dma_start3A_150 = tpu.memref_slice %arg18[%dma_start3A_148, %dma_start3A_149] : memref<32x1024xf32, #tpu.memory_space<vmem>> -> memref<16x1024xf32, #tpu.memory_space<vmem>>
    tpu.enqueue_dma source(%dma_start3A_150 : memref<16x1024xf32, #tpu.memory_space<vmem>>) target(%dma_start3A_147 : memref<16x1024xf32, #tpu.memory_space<hbm>>) target_semaphore(%arg22 : memref<!tpu.dma_semaphore, #tpu.memory_space<semaphore_mem>>)
    %parallel_loop3A_151 = arith.constant 0 : i32
    %parallel_loop3A_152 = arith.constant 1024 : i32
    %parallel_loop3A_153 = arith.constant 1 : i32
    scf.for %parallel_loop3A_1375 = %parallel_loop3A_151 to %parallel_loop3A_152 step %parallel_loop3A_153  : i32 {
      %parallel_loop3A_1376 = arith.constant 64 : i32
      %parallel_loop3A_1377 = arith.divsi %parallel_loop3A_1375, %parallel_loop3A_1376 : i32
      %parallel_loop3A_1378 = arith.constant 0 : i32
      %parallel_loop3A_1379 = arith.cmpi sgt, %parallel_loop3A_1375, %parallel_loop3A_1378 : i32
      %parallel_loop3A_1380 = arith.extui %parallel_loop3A_1379 : i1 to i32
      %parallel_loop3A_1381 = arith.constant 0 : i32
      %parallel_loop3A_1382 = arith.cmpi slt, %parallel_loop3A_1375, %parallel_loop3A_1381 : i32
      %parallel_loop3A_1383 = arith.extui %parallel_loop3A_1382 : i1 to i32
      %parallel_loop3A_1384 = arith.subi %parallel_loop3A_1380, %parallel_loop3A_1383 : i32
      %parallel_loop3A_1385 = arith.constant 0 : i32
      %parallel_loop3A_1386 = arith.cmpi sgt, %parallel_loop3A_1376, %parallel_loop3A_1385 : i32
      %parallel_loop3A_1387 = arith.extui %parallel_loop3A_1386 : i1 to i32
      %parallel_loop3A_1388 = arith.constant 0 : i32
      %parallel_loop3A_1389 = arith.cmpi slt, %parallel_loop3A_1376, %parallel_loop3A_1388 : i32
      %parallel_loop3A_1390 = arith.extui %parallel_loop3A_1389 : i1 to i32
      %parallel_loop3A_1391 = arith.subi %parallel_loop3A_1387, %parallel_loop3A_1390 : i32
      %parallel_loop3A_1392 = arith.cmpi ne, %parallel_loop3A_1384, %parallel_loop3A_1391 : i32
      %parallel_loop3A_1393 = arith.remsi %parallel_loop3A_1375, %parallel_loop3A_1376 : i32
      %parallel_loop3A_1394 = arith.constant 0 : i32
      %parallel_loop3A_1395 = arith.cmpi ne, %parallel_loop3A_1393, %parallel_loop3A_1394 : i32
      %parallel_loop3A_1396 = arith.andi %parallel_loop3A_1392, %parallel_loop3A_1395 : i1
      %parallel_loop3A_1397 = arith.constant 1 : i32
      %parallel_loop3A_1398 = arith.subi %parallel_loop3A_1377, %parallel_loop3A_1397 : i32
      %parallel_loop3A_1399 = arith.select %parallel_loop3A_1396, %parallel_loop3A_1398, %parallel_loop3A_1377 : i32
      %parallel_loop3A_1400 = arith.constant 16 : i32
      %parallel_loop3A_1401 = arith.addi %parallel_loop3A_1400, %parallel_loop3A_1399 : i32
      %parallel_loop3A_1402 = arith.constant 64 : i32
      %parallel_loop3A_1403 = arith.constant 0 : i32
      %parallel_loop3A_1404 = arith.cmpi eq, %parallel_loop3A_1402, %parallel_loop3A_1403 : i32
      %parallel_loop3A_1405 = arith.constant 1 : i32
      %parallel_loop3A_1406 = arith.select %parallel_loop3A_1404, %parallel_loop3A_1405, %parallel_loop3A_1402 : i32
      %parallel_loop3A_1407 = arith.remsi %parallel_loop3A_1375, %parallel_loop3A_1406 : i32
      %parallel_loop3A_1408 = arith.constant 0 : i32
      %parallel_loop3A_1409 = arith.cmpi ne, %parallel_loop3A_1407, %parallel_loop3A_1408 : i32
      %parallel_loop3A_1410 = arith.constant 0 : i32
      %parallel_loop3A_1411 = arith.cmpi slt, %parallel_loop3A_1407, %parallel_loop3A_1410 : i32
      %parallel_loop3A_1412 = arith.constant 0 : i32
      %parallel_loop3A_1413 = arith.cmpi slt, %parallel_loop3A_1406, %parallel_loop3A_1412 : i32
      %parallel_loop3A_1414 = arith.xori %parallel_loop3A_1411, %parallel_loop3A_1413 : i1
      %parallel_loop3A_1415 = arith.andi %parallel_loop3A_1414, %parallel_loop3A_1409 : i1
      %parallel_loop3A_1416 = arith.addi %parallel_loop3A_1407, %parallel_loop3A_1406 : i32
      %parallel_loop3A_1417 = arith.select %parallel_loop3A_1415, %parallel_loop3A_1416, %parallel_loop3A_1407 : i32
      %parallel_loop3A_1418 = arith.constant 16 : i32
      %parallel_loop3A_1419 = arith.muli %parallel_loop3A_1417, %parallel_loop3A_1418 : i32
      %parallel_loop3A_1420 = arith.index_cast %parallel_loop3A_1401 : i32 to index
      %parallel_loop3A_1421 = arith.index_cast %parallel_loop3A_1419 : i32 to index
      %parallel_loop3A_1422 = tpu.vector_load %arg19[%parallel_loop3A_1420, %parallel_loop3A_1421] {strides = array<i32>} : memref<32x1024xi32, #tpu.memory_space<vmem>>, vector<16xi32>,
      %parallel_loop3A_1423 = tpu.vector_load_idx %arg16[%broadcast_in_dim3A_80, %parallel_loop3A_1422] : memref<1x8192xf32, #tpu.memory_space<vmem>>[vector<16xi32>, vector<16xi32>], vector<16xf32>,
      %parallel_loop3A_1424 = arith.index_cast %parallel_loop3A_1401 : i32 to index
      %parallel_loop3A_1425 = arith.index_cast %parallel_loop3A_1419 : i32 to index
      %parallel_loop3A_1426 = tpu.vector_load %arg18[%parallel_loop3A_1424, %parallel_loop3A_1425] {strides = array<i32>} : memref<32x1024xf32, #tpu.memory_space<vmem>>, vector<16xf32>,
      tpu.vector_store %arg18[%parallel_loop3A_1424, %parallel_loop3A_1425], %parallel_loop3A_1423 {strides = array<i32>} : memref<32x1024xf32, #tpu.memory_space<vmem>>, vector<16xf32>,
    } {sc.loop_unroll_factor = 8 : i64, sc.parallel_access}
    %add3A_154 = arith.constant 16 : i32
    %add3A_155 = arith.addi %mul3A_136, %add3A_154 : i32
    %dma_start3A_156 = arith.constant 16 : i32
    %dma_start3A_157 = arith.constant 0 : i32
    %dma_start3A_158 = tpu.memref_slice %arg18[%dma_start3A_156, %dma_start3A_157] : memref<32x1024xf32, #tpu.memory_space<vmem>> -> memref<16x1024xf32, #tpu.memory_space<vmem>>
    %dma_start3A_159 = arith.constant 0 : i32
    %dma_start3A_160 = tpu.memref_slice %arg5[%add3A_155, %dma_start3A_159] : memref<16768x1024xf32, #tpu.memory_space<hbm>> -> memref<16x1024xf32, #tpu.memory_space<hbm>>
    %dma_start3A_161 = arith.constant 0 : i32
    %dma_start3A_162 = tpu.memref_slice %arg5[%add3A_155, %dma_start3A_161] : memref<16768x1024xf32, #tpu.memory_space<hbm>> -> memref<16x1024xf32, #tpu.memory_space<hbm>>
    %dma_start3A_163 = arith.constant 16 : i32
    %dma_start3A_164 = arith.constant 0 : i32
    %dma_start3A_165 = tpu.memref_slice %arg18[%dma_start3A_163, %dma_start3A_164] : memref<32x1024xf32, #tpu.memory_space<vmem>> -> memref<16x1024xf32, #tpu.memory_space<vmem>>
    tpu.enqueue_dma source(%dma_start3A_165 : memref<16x1024xf32, #tpu.memory_space<vmem>>) target(%dma_start3A_162 : memref<16x1024xf32, #tpu.memory_space<hbm>>) target_semaphore(%arg23 : memref<!tpu.dma_semaphore, #tpu.memory_space<semaphore_mem>>)
    %mul3A_166 = arith.constant 2 : i32
    %mul3A_167 = arith.muli %arg0, %mul3A_166 : i32
    %add3A_168 = arith.constant 0 : i32
    %add3A_169 = arith.addi %mul3A_167, %add3A_168 : i32
    %add3A_170 = arith.constant 16 : i32
    %add3A_171 = arith.addi %add3A_170, %arg1 : i32
    %add3A_172 = arith.constant 32 : i32
    %add3A_173 = arith.addi %add3A_172, %arg1 : i32
    %mul3A_174 = arith.constant 2 : i32
    %mul3A_175 = arith.muli %arg0, %mul3A_174 : i32
    %add3A_176 = arith.constant 0 : i32
    %add3A_177 = arith.addi %mul3A_175, %add3A_176 : i32
    %mul3A_178 = arith.constant 128 : i32
    %mul3A_179 = arith.muli %add3A_177, %mul3A_178 : i32
    %add3A_180 = arith.addi %mul3A_179, %add3A_173 : i32
    %dma_start3A_181 = arith.constant 0 : i32
    %dma_start3A_182 = tpu.memref_slice %arg4[%add3A_180, %dma_start3A_181] : memref<512x8192xf32, #tpu.memory_space<hbm>> -> memref<1x8192xf32, #tpu.memory_space<hbm>>
    %dma_start3A_183 = arith.constant 0 : i32
    %dma_start3A_184 = tpu.memref_slice %arg4[%add3A_180, %dma_start3A_183] : memref<512x8192xf32, #tpu.memory_space<hbm>> -> memref<1x8192xf32, #tpu.memory_space<hbm>>
    tpu.enqueue_dma source(%dma_start3A_184 : memref<1x8192xf32, #tpu.memory_space<hbm>>) target(%arg16 : memref<1x8192xf32, #tpu.memory_space<vmem>>) target_semaphore(%arg20 : memref<!tpu.dma_semaphore, #tpu.memory_space<semaphore_mem>>)
    %dma_wait3A_185 = arith.constant 0 : i32
    %dma_wait3A_186 = tpu.memref_slice %arg4[%add3A_122, %dma_wait3A_185] : memref<512x8192xf32, #tpu.memory_space<hbm>> -> memref<1x8192xf32, #tpu.memory_space<hbm>>
    %dma_wait3A_187 = arith.constant 0 : i32
    %dma_wait3A_188 = tpu.memref_slice %arg4[%add3A_122, %dma_wait3A_187] : memref<512x8192xf32, #tpu.memory_space<hbm>> -> memref<1x8192xf32, #tpu.memory_space<hbm>>
    tpu.wait_dma2 semaphore(%arg21 : memref<!tpu.dma_semaphore, #tpu.memory_space<semaphore_mem>>) src(%dma_wait3A_188 : memref<1x8192xf32, #tpu.memory_space<hbm>>) dst(%arg17 : memref<1x8192xf32, #tpu.memory_space<vmem>>)
    %mul3A_189 = arith.constant 131 : i32
    %mul3A_190 = arith.muli %add3A_169, %mul3A_189 : i32
    %add3A_191 = arith.constant 3 : i32
    %add3A_192 = arith.addi %mul3A_190, %add3A_191 : i32
    %add3A_193 = arith.addi %add3A_192, %add3A_171 : i32
    %mul3A_194 = arith.constant 32 : i32
    %mul3A_195 = arith.muli %add3A_193, %mul3A_194 : i32
    %dma_wait3A_196 = arith.constant 0 : i32
    %dma_wait3A_197 = arith.constant 0 : i32
    %dma_wait3A_198 = tpu.memref_slice %arg18[%dma_wait3A_196, %dma_wait3A_197] : memref<32x1024xf32, #tpu.memory_space<vmem>> -> memref<16x1024xf32, #tpu.memory_space<vmem>>
    %dma_wait3A_199 = arith.constant 0 : i32
    %dma_wait3A_200 = tpu.memref_slice %arg5[%add3A_140, %dma_wait3A_199] : memref<16768x1024xf32, #tpu.memory_space<hbm>> -> memref<16x1024xf32, #tpu.memory_space<hbm>>
    %dma_wait3A_201 = arith.constant 0 : i32
    %dma_wait3A_202 = tpu.memref_slice %arg5[%add3A_140, %dma_wait3A_201] : memref<16768x1024xf32, #tpu.memory_space<hbm>> -> memref<16x1024xf32, #tpu.memory_space<hbm>>
    %dma_wait3A_203 = arith.constant 0 : i32
    %dma_wait3A_204 = arith.constant 0 : i32
    %dma_wait3A_205 = tpu.memref_slice %arg18[%dma_wait3A_203, %dma_wait3A_204] : memref<32x1024xf32, #tpu.memory_space<vmem>> -> memref<16x1024xf32, #tpu.memory_space<vmem>>
    tpu.wait_dma2 semaphore(%arg22 : memref<!tpu.dma_semaphore, #tpu.memory_space<semaphore_mem>>) src(%dma_wait3A_205 : memref<16x1024xf32, #tpu.memory_space<vmem>>) dst(%dma_wait3A_202 : memref<16x1024xf32, #tpu.memory_space<hbm>>)
    %parallel_loop3A_206 = arith.constant 0 : i32
    %parallel_loop3A_207 = arith.constant 1024 : i32
    %parallel_loop3A_208 = arith.constant 1 : i32
    scf.for %parallel_loop3A_1375 = %parallel_loop3A_206 to %parallel_loop3A_207 step %parallel_loop3A_208  : i32 {
      %parallel_loop3A_1376 = arith.constant 64 : i32
      %parallel_loop3A_1377 = arith.divsi %parallel_loop3A_1375, %parallel_loop3A_1376 : i32
      %parallel_loop3A_1378 = arith.constant 0 : i32
      %parallel_loop3A_1379 = arith.cmpi sgt, %parallel_loop3A_1375, %parallel_loop3A_1378 : i32
      %parallel_loop3A_1380 = arith.extui %parallel_loop3A_1379 : i1 to i32
      %parallel_loop3A_1381 = arith.constant 0 : i32
      %parallel_loop3A_1382 = arith.cmpi slt, %parallel_loop3A_1375, %parallel_loop3A_1381 : i32
      %parallel_loop3A_1383 = arith.extui %parallel_loop3A_1382 : i1 to i32
      %parallel_loop3A_1384 = arith.subi %parallel_loop3A_1380, %parallel_loop3A_1383 : i32
      %parallel_loop3A_1385 = arith.constant 0 : i32
      %parallel_loop3A_1386 = arith.cmpi sgt, %parallel_loop3A_1376, %parallel_loop3A_1385 : i32
      %parallel_loop3A_1387 = arith.extui %parallel_loop3A_1386 : i1 to i32
      %parallel_loop3A_1388 = arith.constant 0 : i32
      %parallel_loop3A_1389 = arith.cmpi slt, %parallel_loop3A_1376, %parallel_loop3A_1388 : i32
      %parallel_loop3A_1390 = arith.extui %parallel_loop3A_1389 : i1 to i32
      %parallel_loop3A_1391 = arith.subi %parallel_loop3A_1387, %parallel_loop3A_1390 : i32
      %parallel_loop3A_1392 = arith.cmpi ne, %parallel_loop3A_1384, %parallel_loop3A_1391 : i32
      %parallel_loop3A_1393 = arith.remsi %parallel_loop3A_1375, %parallel_loop3A_1376 : i32
      %parallel_loop3A_1394 = arith.constant 0 : i32
      %parallel_loop3A_1395 = arith.cmpi ne, %parallel_loop3A_1393, %parallel_loop3A_1394 : i32
      %parallel_loop3A_1396 = arith.andi %parallel_loop3A_1392, %parallel_loop3A_1395 : i1
      %parallel_loop3A_1397 = arith.constant 1 : i32
      %parallel_loop3A_1398 = arith.subi %parallel_loop3A_1377, %parallel_loop3A_1397 : i32
      %parallel_loop3A_1399 = arith.select %parallel_loop3A_1396, %parallel_loop3A_1398, %parallel_loop3A_1377 : i32
      %parallel_loop3A_1400 = arith.constant 0 : i32
      %parallel_loop3A_1401 = arith.addi %parallel_loop3A_1400, %parallel_loop3A_1399 : i32
      %parallel_loop3A_1402 = arith.constant 64 : i32
      %parallel_loop3A_1403 = arith.constant 0 : i32
      %parallel_loop3A_1404 = arith.cmpi eq, %parallel_loop3A_1402, %parallel_loop3A_1403 : i32
      %parallel_loop3A_1405 = arith.constant 1 : i32
      %parallel_loop3A_1406 = arith.select %parallel_loop3A_1404, %parallel_loop3A_1405, %parallel_loop3A_1402 : i32
      %parallel_loop3A_1407 = arith.remsi %parallel_loop3A_1375, %parallel_loop3A_1406 : i32
      %parallel_loop3A_1408 = arith.constant 0 : i32
      %parallel_loop3A_1409 = arith.cmpi ne, %parallel_loop3A_1407, %parallel_loop3A_1408 : i32
      %parallel_loop3A_1410 = arith.constant 0 : i32
      %parallel_loop3A_1411 = arith.cmpi slt, %parallel_loop3A_1407, %parallel_loop3A_1410 : i32
      %parallel_loop3A_1412 = arith.constant 0 : i32
      %parallel_loop3A_1413 = arith.cmpi slt, %parallel_loop3A_1406, %parallel_loop3A_1412 : i32
      %parallel_loop3A_1414 = arith.xori %parallel_loop3A_1411, %parallel_loop3A_1413 : i1
      %parallel_loop3A_1415 = arith.andi %parallel_loop3A_1414, %parallel_loop3A_1409 : i1
      %parallel_loop3A_1416 = arith.addi %parallel_loop3A_1407, %parallel_loop3A_1406 : i32
      %parallel_loop3A_1417 = arith.select %parallel_loop3A_1415, %parallel_loop3A_1416, %parallel_loop3A_1407 : i32
      %parallel_loop3A_1418 = arith.constant 16 : i32
      %parallel_loop3A_1419 = arith.muli %parallel_loop3A_1417, %parallel_loop3A_1418 : i32
      %parallel_loop3A_1420 = arith.index_cast %parallel_loop3A_1401 : i32 to index
      %parallel_loop3A_1421 = arith.index_cast %parallel_loop3A_1419 : i32 to index
      %parallel_loop3A_1422 = tpu.vector_load %arg19[%parallel_loop3A_1420, %parallel_loop3A_1421] {strides = array<i32>} : memref<32x1024xi32, #tpu.memory_space<vmem>>, vector<16xi32>,
      %parallel_loop3A_1423 = tpu.vector_load_idx %arg17[%broadcast_in_dim3A_80, %parallel_loop3A_1422] : memref<1x8192xf32, #tpu.memory_space<vmem>>[vector<16xi32>, vector<16xi32>], vector<16xf32>,
      %parallel_loop3A_1424 = arith.index_cast %parallel_loop3A_1401 : i32 to index
      %parallel_loop3A_1425 = arith.index_cast %parallel_loop3A_1419 : i32 to index
      %parallel_loop3A_1426 = tpu.vector_load %arg18[%parallel_loop3A_1424, %parallel_loop3A_1425] {strides = array<i32>} : memref<32x1024xf32, #tpu.memory_space<vmem>>, vector<16xf32>,
      tpu.vector_store %arg18[%parallel_loop3A_1424, %parallel_loop3A_1425], %parallel_loop3A_1423 {strides = array<i32>} : memref<32x1024xf32, #tpu.memory_space<vmem>>, vector<16xf32>,
    } {sc.loop_unroll_factor = 8 : i64, sc.parallel_access}
    %add3A_209 = arith.constant 0 : i32
    %add3A_210 = arith.addi %mul3A_195, %add3A_209 : i32
    %dma_start3A_211 = arith.constant 0 : i32
    %dma_start3A_212 = arith.constant 0 : i32
    %dma_start3A_213 = tpu.memref_slice %arg18[%dma_start3A_211, %dma_start3A_212] : memref<32x1024xf32, #tpu.memory_space<vmem>> -> memref<16x1024xf32, #tpu.memory_space<vmem>>
    %dma_start3A_214 = arith.constant 0 : i32
    %dma_start3A_215 = tpu.memref_slice %arg5[%add3A_210, %dma_start3A_214] : memref<16768x1024xf32, #tpu.memory_space<hbm>> -> memref<16x1024xf32, #tpu.memory_space<hbm>>
    %dma_start3A_216 = arith.constant 0 : i32
    %dma_start3A_217 = tpu.memref_slice %arg5[%add3A_210, %dma_start3A_216] : memref<16768x1024xf32, #tpu.memory_space<hbm>> -> memref<16x1024xf32, #tpu.memory_space<hbm>>
    %dma_start3A_218 = arith.constant 0 : i32
    %dma_start3A_219 = arith.constant 0 : i32
    %dma_start3A_220 = tpu.memref_slice %arg18[%dma_start3A_218, %dma_start3A_219] : memref<32x1024xf32, #tpu.memory_space<vmem>> -> memref<16x1024xf32, #tpu.memory_space<vmem>>
    tpu.enqueue_dma source(%dma_start3A_220 : memref<16x1024xf32, #tpu.memory_space<vmem>>) target(%dma_start3A_217 : memref<16x1024xf32, #tpu.memory_space<hbm>>) target_semaphore(%arg22 : memref<!tpu.dma_semaphore, #tpu.memory_space<semaphore_mem>>)
    %dma_wait3A_221 = arith.constant 16 : i32
    %dma_wait3A_222 = arith.constant 0 : i32
    %dma_wait3A_223 = tpu.memref_slice %arg18[%dma_wait3A_221, %dma_wait3A_222] : memref<32x1024xf32, #tpu.memory_space<vmem>> -> memref<16x1024xf32, #tpu.memory_space<vmem>>
    %dma_wait3A_224 = arith.constant 0 : i32
    %dma_wait3A_225 = tpu.memref_slice %arg5[%add3A_155, %dma_wait3A_224] : memref<16768x1024xf32, #tpu.memory_space<hbm>> -> memref<16x1024xf32, #tpu.memory_space<hbm>>
    %dma_wait3A_226 = arith.constant 0 : i32
    %dma_wait3A_227 = tpu.memref_slice %arg5[%add3A_155, %dma_wait3A_226] : memref<16768x1024xf32, #tpu.memory_space<hbm>> -> memref<16x1024xf32, #tpu.memory_space<hbm>>
    %dma_wait3A_228 = arith.constant 16 : i32
    %dma_wait3A_229 = arith.constant 0 : i32
    %dma_wait3A_230 = tpu.memref_slice %arg18[%dma_wait3A_228, %dma_wait3A_229] : memref<32x1024xf32, #tpu.memory_space<vmem>> -> memref<16x1024xf32, #tpu.memory_space<vmem>>
    tpu.wait_dma2 semaphore(%arg23 : memref<!tpu.dma_semaphore, #tpu.memory_space<semaphore_mem>>) src(%dma_wait3A_230 : memref<16x1024xf32, #tpu.memory_space<vmem>>) dst(%dma_wait3A_227 : memref<16x1024xf32, #tpu.memory_space<hbm>>)
    %parallel_loop3A_231 = arith.constant 0 : i32
    %parallel_loop3A_232 = arith.constant 1024 : i32
    %parallel_loop3A_233 = arith.constant 1 : i32
    scf.for %parallel_loop3A_1375 = %parallel_loop3A_231 to %parallel_loop3A_232 step %parallel_loop3A_233  : i32 {
      %parallel_loop3A_1376 = arith.constant 64 : i32
      %parallel_loop3A_1377 = arith.divsi %parallel_loop3A_1375, %parallel_loop3A_1376 : i32
      %parallel_loop3A_1378 = arith.constant 0 : i32
      %parallel_loop3A_1379 = arith.cmpi sgt, %parallel_loop3A_1375, %parallel_loop3A_1378 : i32
      %parallel_loop3A_1380 = arith.extui %parallel_loop3A_1379 : i1 to i32
      %parallel_loop3A_1381 = arith.constant 0 : i32
      %parallel_loop3A_1382 = arith.cmpi slt, %parallel_loop3A_1375, %parallel_loop3A_1381 : i32
      %parallel_loop3A_1383 = arith.extui %parallel_loop3A_1382 : i1 to i32
      %parallel_loop3A_1384 = arith.subi %parallel_loop3A_1380, %parallel_loop3A_1383 : i32
      %parallel_loop3A_1385 = arith.constant 0 : i32
      %parallel_loop3A_1386 = arith.cmpi sgt, %parallel_loop3A_1376, %parallel_loop3A_1385 : i32
      %parallel_loop3A_1387 = arith.extui %parallel_loop3A_1386 : i1 to i32
      %parallel_loop3A_1388 = arith.constant 0 : i32
      %parallel_loop3A_1389 = arith.cmpi slt, %parallel_loop3A_1376, %parallel_loop3A_1388 : i32
      %parallel_loop3A_1390 = arith.extui %parallel_loop3A_1389 : i1 to i32
      %parallel_loop3A_1391 = arith.subi %parallel_loop3A_1387, %parallel_loop3A_1390 : i32
      %parallel_loop3A_1392 = arith.cmpi ne, %parallel_loop3A_1384, %parallel_loop3A_1391 : i32
      %parallel_loop3A_1393 = arith.remsi %parallel_loop3A_1375, %parallel_loop3A_1376 : i32
      %parallel_loop3A_1394 = arith.constant 0 : i32
      %parallel_loop3A_1395 = arith.cmpi ne, %parallel_loop3A_1393, %parallel_loop3A_1394 : i32
      %parallel_loop3A_1396 = arith.andi %parallel_loop3A_1392, %parallel_loop3A_1395 : i1
      %parallel_loop3A_1397 = arith.constant 1 : i32
      %parallel_loop3A_1398 = arith.subi %parallel_loop3A_1377, %parallel_loop3A_1397 : i32
      %parallel_loop3A_1399 = arith.select %parallel_loop3A_1396, %parallel_loop3A_1398, %parallel_loop3A_1377 : i32
      %parallel_loop3A_1400 = arith.constant 16 : i32
      %parallel_loop3A_1401 = arith.addi %parallel_loop3A_1400, %parallel_loop3A_1399 : i32
      %parallel_loop3A_1402 = arith.constant 64 : i32
      %parallel_loop3A_1403 = arith.constant 0 : i32
      %parallel_loop3A_1404 = arith.cmpi eq, %parallel_loop3A_1402, %parallel_loop3A_1403 : i32
      %parallel_loop3A_1405 = arith.constant 1 : i32
      %parallel_loop3A_1406 = arith.select %parallel_loop3A_1404, %parallel_loop3A_1405, %parallel_loop3A_1402 : i32
      %parallel_loop3A_1407 = arith.remsi %parallel_loop3A_1375, %parallel_loop3A_1406 : i32
      %parallel_loop3A_1408 = arith.constant 0 : i32
      %parallel_loop3A_1409 = arith.cmpi ne, %parallel_loop3A_1407, %parallel_loop3A_1408 : i32
      %parallel_loop3A_1410 = arith.constant 0 : i32
      %parallel_loop3A_1411 = arith.cmpi slt, %parallel_loop3A_1407, %parallel_loop3A_1410 : i32
      %parallel_loop3A_1412 = arith.constant 0 : i32
      %parallel_loop3A_1413 = arith.cmpi slt, %parallel_loop3A_1406, %parallel_loop3A_1412 : i32
      %parallel_loop3A_1414 = arith.xori %parallel_loop3A_1411, %parallel_loop3A_1413 : i1
      %parallel_loop3A_1415 = arith.andi %parallel_loop3A_1414, %parallel_loop3A_1409 : i1
      %parallel_loop3A_1416 = arith.addi %parallel_loop3A_1407, %parallel_loop3A_1406 : i32
      %parallel_loop3A_1417 = arith.select %parallel_loop3A_1415, %parallel_loop3A_1416, %parallel_loop3A_1407 : i32
      %parallel_loop3A_1418 = arith.constant 16 : i32
      %parallel_loop3A_1419 = arith.muli %parallel_loop3A_1417, %parallel_loop3A_1418 : i32
      %parallel_loop3A_1420 = arith.index_cast %parallel_loop3A_1401 : i32 to index
      %parallel_loop3A_1421 = arith.index_cast %parallel_loop3A_1419 : i32 to index
      %parallel_loop3A_1422 = tpu.vector_load %arg19[%parallel_loop3A_1420, %parallel_loop3A_1421] {strides = array<i32>} : memref<32x1024xi32, #tpu.memory_space<vmem>>, vector<16xi32>,
      %parallel_loop3A_1423 = tpu.vector_load_idx %arg17[%broadcast_in_dim3A_80, %parallel_loop3A_1422] : memref<1x8192xf32, #tpu.memory_space<vmem>>[vector<16xi32>, vector<16xi32>], vector<16xf32>,
      %parallel_loop3A_1424 = arith.index_cast %parallel_loop3A_1401 : i32 to index
      %parallel_loop3A_1425 = arith.index_cast %parallel_loop3A_1419 : i32 to index
      %parallel_loop3A_1426 = tpu.vector_load %arg18[%parallel_loop3A_1424, %parallel_loop3A_1425] {strides = array<i32>} : memref<32x1024xf32, #tpu.memory_space<vmem>>, vector<16xf32>,
      tpu.vector_store %arg18[%parallel_loop3A_1424, %parallel_loop3A_1425], %parallel_loop3A_1423 {strides = array<i32>} : memref<32x1024xf32, #tpu.memory_space<vmem>>, vector<16xf32>,
    } {sc.loop_unroll_factor = 8 : i64, sc.parallel_access}
    %add3A_234 = arith.constant 16 : i32
    %add3A_235 = arith.addi %mul3A_195, %add3A_234 : i32
    %dma_start3A_236 = arith.constant 16 : i32
    %dma_start3A_237 = arith.constant 0 : i32
    %dma_start3A_238 = tpu.memref_slice %arg18[%dma_start3A_236, %dma_start3A_237] : memref<32x1024xf32, #tpu.memory_space<vmem>> -> memref<16x1024xf32, #tpu.memory_space<vmem>>
    %dma_start3A_239 = arith.constant 0 : i32
    %dma_start3A_240 = tpu.memref_slice %arg5[%add3A_235, %dma_start3A_239] : memref<16768x1024xf32, #tpu.memory_space<hbm>> -> memref<16x1024xf32, #tpu.memory_space<hbm>>
    %dma_start3A_241 = arith.constant 0 : i32
    %dma_start3A_242 = tpu.memref_slice %arg5[%add3A_235, %dma_start3A_241] : memref<16768x1024xf32, #tpu.memory_space<hbm>> -> memref<16x1024xf32, #tpu.memory_space<hbm>>
    %dma_start3A_243 = arith.constant 16 : i32
    %dma_start3A_244 = arith.constant 0 : i32
    %dma_start3A_245 = tpu.memref_slice %arg18[%dma_start3A_243, %dma_start3A_244] : memref<32x1024xf32, #tpu.memory_space<vmem>> -> memref<16x1024xf32, #tpu.memory_space<vmem>>
    tpu.enqueue_dma source(%dma_start3A_245 : memref<16x1024xf32, #tpu.memory_space<vmem>>) target(%dma_start3A_242 : memref<16x1024xf32, #tpu.memory_space<hbm>>) target_semaphore(%arg23 : memref<!tpu.dma_semaphore, #tpu.memory_space<semaphore_mem>>)
    %mul3A_246 = arith.constant 2 : i32
    %mul3A_247 = arith.muli %arg0, %mul3A_246 : i32
    %add3A_248 = arith.constant 0 : i32
    %add3A_249 = arith.addi %mul3A_247, %add3A_248 : i32
    %add3A_250 = arith.constant 32 : i32
    %add3A_251 = arith.addi %add3A_250, %arg1 : i32
    %add3A_252 = arith.constant 48 : i32
    %add3A_253 = arith.addi %add3A_252, %arg1 : i32
    %mul3A_254 = arith.constant 2 : i32
    %mul3A_255 = arith.muli %arg0, %mul3A_254 : i32
    %add3A_256 = arith.constant 0 : i32
    %add3A_257 = arith.addi %mul3A_255, %add3A_256 : i32
    %mul3A_258 = arith.constant 128 : i32
    %mul3A_259 = arith.muli %add3A_257, %mul3A_258 : i32
    %add3A_260 = arith.addi %mul3A_259, %add3A_253 : i32
    %dma_start3A_261 = arith.constant 0 : i32
    %dma_start3A_262 = tpu.memref_slice %arg4[%add3A_260, %dma_start3A_261] : memref<512x8192xf32, #tpu.memory_space<hbm>> -> memref<1x8192xf32, #tpu.memory_space<hbm>>
    %dma_start3A_263 = arith.constant 0 : i32
    %dma_start3A_264 = tpu.memref_slice %arg4[%add3A_260, %dma_start3A_263] : memref<512x8192xf32, #tpu.memory_space<hbm>> -> memref<1x8192xf32, #tpu.memory_space<hbm>>
    tpu.enqueue_dma source(%dma_start3A_264 : memref<1x8192xf32, #tpu.memory_space<hbm>>) target(%arg17 : memref<1x8192xf32, #tpu.memory_space<vmem>>) target_semaphore(%arg21 : memref<!tpu.dma_semaphore, #tpu.memory_space<semaphore_mem>>)
    %dma_wait3A_265 = arith.constant 0 : i32
    %dma_wait3A_266 = tpu.memref_slice %arg4[%add3A_180, %dma_wait3A_265] : memref<512x8192xf32, #tpu.memory_space<hbm>> -> memref<1x8192xf32, #tpu.memory_space<hbm>>
    %dma_wait3A_267 = arith.constant 0 : i32
    %dma_wait3A_268 = tpu.memref_slice %arg4[%add3A_180, %dma_wait3A_267] : memref<512x8192xf32, #tpu.memory_space<hbm>> -> memref<1x8192xf32, #tpu.memory_space<hbm>>
    tpu.wait_dma2 semaphore(%arg20 : memref<!tpu.dma_semaphore, #tpu.memory_space<semaphore_mem>>) src(%dma_wait3A_268 : memref<1x8192xf32, #tpu.memory_space<hbm>>) dst(%arg16 : memref<1x8192xf32, #tpu.memory_space<vmem>>)
    %mul3A_269 = arith.constant 131 : i32
    %mul3A_270 = arith.muli %add3A_249, %mul3A_269 : i32
    %add3A_271 = arith.constant 3 : i32
    %add3A_272 = arith.addi %mul3A_270, %add3A_271 : i32
    %add3A_273 = arith.addi %add3A_272, %add3A_251 : i32
    %mul3A_274 = arith.constant 32 : i32
    %mul3A_275 = arith.muli %add3A_273, %mul3A_274 : i32
    %dma_wait3A_276 = arith.constant 0 : i32
    %dma_wait3A_277 = arith.constant 0 : i32
    %dma_wait3A_278 = tpu.memref_slice %arg18[%dma_wait3A_276, %dma_wait3A_277] : memref<32x1024xf32, #tpu.memory_space<vmem>> -> memref<16x1024xf32, #tpu.memory_space<vmem>>
    %dma_wait3A_279 = arith.constant 0 : i32
    %dma_wait3A_280 = tpu.memref_slice %arg5[%add3A_210, %dma_wait3A_279] : memref<16768x1024xf32, #tpu.memory_space<hbm>> -> memref<16x1024xf32, #tpu.memory_space<hbm>>
    %dma_wait3A_281 = arith.constant 0 : i32
    %dma_wait3A_282 = tpu.memref_slice %arg5[%add3A_210, %dma_wait3A_281] : memref<16768x1024xf32, #tpu.memory_space<hbm>> -> memref<16x1024xf32, #tpu.memory_space<hbm>>
    %dma_wait3A_283 = arith.constant 0 : i32
    %dma_wait3A_284 = arith.constant 0 : i32
    %dma_wait3A_285 = tpu.memref_slice %arg18[%dma_wait3A_283, %dma_wait3A_284] : memref<32x1024xf32, #tpu.memory_space<vmem>> -> memref<16x1024xf32, #tpu.memory_space<vmem>>
    tpu.wait_dma2 semaphore(%arg22 : memref<!tpu.dma_semaphore, #tpu.memory_space<semaphore_mem>>) src(%dma_wait3A_285 : memref<16x1024xf32, #tpu.memory_space<vmem>>) dst(%dma_wait3A_282 : memref<16x1024xf32, #tpu.memory_space<hbm>>)
    %parallel_loop3A_286 = arith.constant 0 : i32
    %parallel_loop3A_287 = arith.constant 1024 : i32
    %parallel_loop3A_288 = arith.constant 1 : i32
    scf.for %parallel_loop3A_1375 = %parallel_loop3A_286 to %parallel_loop3A_287 step %parallel_loop3A_288  : i32 {
      %parallel_loop3A_1376 = arith.constant 64 : i32
      %parallel_loop3A_1377 = arith.divsi %parallel_loop3A_1375, %parallel_loop3A_1376 : i32
      %parallel_loop3A_1378 = arith.constant 0 : i32
      %parallel_loop3A_1379 = arith.cmpi sgt, %parallel_loop3A_1375, %parallel_loop3A_1378 : i32
      %parallel_loop3A_1380 = arith.extui %parallel_loop3A_1379 : i1 to i32
      %parallel_loop3A_1381 = arith.constant 0 : i32
      %parallel_loop3A_1382 = arith.cmpi slt, %parallel_loop3A_1375, %parallel_loop3A_1381 : i32
      %parallel_loop3A_1383 = arith.extui %parallel_loop3A_1382 : i1 to i32
      %parallel_loop3A_1384 = arith.subi %parallel_loop3A_1380, %parallel_loop3A_1383 : i32
      %parallel_loop3A_1385 = arith.constant 0 : i32
      %parallel_loop3A_1386 = arith.cmpi sgt, %parallel_loop3A_1376, %parallel_loop3A_1385 : i32
      %parallel_loop3A_1387 = arith.extui %parallel_loop3A_1386 : i1 to i32
      %parallel_loop3A_1388 = arith.constant 0 : i32
      %parallel_loop3A_1389 = arith.cmpi slt, %parallel_loop3A_1376, %parallel_loop3A_1388 : i32
      %parallel_loop3A_1390 = arith.extui %parallel_loop3A_1389 : i1 to i32
      %parallel_loop3A_1391 = arith.subi %parallel_loop3A_1387, %parallel_loop3A_1390 : i32
      %parallel_loop3A_1392 = arith.cmpi ne, %parallel_loop3A_1384, %parallel_loop3A_1391 : i32
      %parallel_loop3A_1393 = arith.remsi %parallel_loop3A_1375, %parallel_loop3A_1376 : i32
      %parallel_loop3A_1394 = arith.constant 0 : i32
      %parallel_loop3A_1395 = arith.cmpi ne, %parallel_loop3A_1393, %parallel_loop3A_1394 : i32
      %parallel_loop3A_1396 = arith.andi %parallel_loop3A_1392, %parallel_loop3A_1395 : i1
      %parallel_loop3A_1397 = arith.constant 1 : i32
      %parallel_loop3A_1398 = arith.subi %parallel_loop3A_1377, %parallel_loop3A_1397 : i32
      %parallel_loop3A_1399 = arith.select %parallel_loop3A_1396, %parallel_loop3A_1398, %parallel_loop3A_1377 : i32
      %parallel_loop3A_1400 = arith.constant 0 : i32
      %parallel_loop3A_1401 = arith.addi %parallel_loop3A_1400, %parallel_loop3A_1399 : i32
      %parallel_loop3A_1402 = arith.constant 64 : i32
      %parallel_loop3A_1403 = arith.constant 0 : i32
      %parallel_loop3A_1404 = arith.cmpi eq, %parallel_loop3A_1402, %parallel_loop3A_1403 : i32
      %parallel_loop3A_1405 = arith.constant 1 : i32
      %parallel_loop3A_1406 = arith.select %parallel_loop3A_1404, %parallel_loop3A_1405, %parallel_loop3A_1402 : i32
      %parallel_loop3A_1407 = arith.remsi %parallel_loop3A_1375, %parallel_loop3A_1406 : i32
      %parallel_loop3A_1408 = arith.constant 0 : i32
      %parallel_loop3A_1409 = arith.cmpi ne, %parallel_loop3A_1407, %parallel_loop3A_1408 : i32
      %parallel_loop3A_1410 = arith.constant 0 : i32
      %parallel_loop3A_1411 = arith.cmpi slt, %parallel_loop3A_1407, %parallel_loop3A_1410 : i32
      %parallel_loop3A_1412 = arith.constant 0 : i32
      %parallel_loop3A_1413 = arith.cmpi slt, %parallel_loop3A_1406, %parallel_loop3A_1412 : i32
      %parallel_loop3A_1414 = arith.xori %parallel_loop3A_1411, %parallel_loop3A_1413 : i1
      %parallel_loop3A_1415 = arith.andi %parallel_loop3A_1414, %parallel_loop3A_1409 : i1
      %parallel_loop3A_1416 = arith.addi %parallel_loop3A_1407, %parallel_loop3A_1406 : i32
      %parallel_loop3A_1417 = arith.select %parallel_loop3A_1415, %parallel_loop3A_1416, %parallel_loop3A_1407 : i32
      %parallel_loop3A_1418 = arith.constant 16 : i32
      %parallel_loop3A_1419 = arith.muli %parallel_loop3A_1417, %parallel_loop3A_1418 : i32
      %parallel_loop3A_1420 = arith.index_cast %parallel_loop3A_1401 : i32 to index
      %parallel_loop3A_1421 = arith.index_cast %parallel_loop3A_1419 : i32 to index
      %parallel_loop3A_1422 = tpu.vector_load %arg19[%parallel_loop3A_1420, %parallel_loop3A_1421] {strides = array<i32>} : memref<32x1024xi32, #tpu.memory_space<vmem>>, vector<16xi32>,
      %parallel_loop3A_1423 = tpu.vector_load_idx %arg16[%broadcast_in_dim3A_80, %parallel_loop3A_1422] : memref<1x8192xf32, #tpu.memory_space<vmem>>[vector<16xi32>, vector<16xi32>], vector<16xf32>,
      %parallel_loop3A_1424 = arith.index_cast %parallel_loop3A_1401 : i32 to index
      %parallel_loop3A_1425 = arith.index_cast %parallel_loop3A_1419 : i32 to index
      %parallel_loop3A_1426 = tpu.vector_load %arg18[%parallel_loop3A_1424, %parallel_loop3A_1425] {strides = array<i32>} : memref<32x1024xf32, #tpu.memory_space<vmem>>, vector<16xf32>,
      tpu.vector_store %arg18[%parallel_loop3A_1424, %parallel_loop3A_1425], %parallel_loop3A_1423 {strides = array<i32>} : memref<32x1024xf32, #tpu.memory_space<vmem>>, vector<16xf32>,
    } {sc.loop_unroll_factor = 8 : i64, sc.parallel_access}
    %add3A_289 = arith.constant 0 : i32
    %add3A_290 = arith.addi %mul3A_275, %add3A_289 : i32
    %dma_start3A_291 = arith.constant 0 : i32
    %dma_start3A_292 = arith.constant 0 : i32
    %dma_start3A_293 = tpu.memref_slice %arg18[%dma_start3A_291, %dma_start3A_292] : memref<32x1024xf32, #tpu.memory_space<vmem>> -> memref<16x1024xf32, #tpu.memory_space<vmem>>
    %dma_start3A_294 = arith.constant 0 : i32
    %dma_start3A_295 = tpu.memref_slice %arg5[%add3A_290, %dma_start3A_294] : memref<16768x1024xf32, #tpu.memory_space<hbm>> -> memref<16x1024xf32, #tpu.memory_space<hbm>>
    %dma_start3A_296 = arith.constant 0 : i32
    %dma_start3A_297 = tpu.memref_slice %arg5[%add3A_290, %dma_start3A_296] : memref<16768x1024xf32, #tpu.memory_space<hbm>> -> memref<16x1024xf32, #tpu.memory_space<hbm>>
    %dma_start3A_298 = arith.constant 0 : i32
    %dma_start3A_299 = arith.constant 0 : i32
    %dma_start3A_300 = tpu.memref_slice %arg18[%dma_start3A_298, %dma_start3A_299] : memref<32x1024xf32, #tpu.memory_space<vmem>> -> memref<16x1024xf32, #tpu.memory_space<vmem>>
    tpu.enqueue_dma source(%dma_start3A_300 : memref<16x1024xf32, #tpu.memory_space<vmem>>) target(%dma_start3A_297 : memref<16x1024xf32, #tpu.memory_space<hbm>>) target_semaphore(%arg22 : memref<!tpu.dma_semaphore, #tpu.memory_space<semaphore_mem>>)
    %dma_wait3A_301 = arith.constant 16 : i32
    %dma_wait3A_302 = arith.constant 0 : i32
    %dma_wait3A_303 = tpu.memref_slice %arg18[%dma_wait3A_301, %dma_wait3A_302] : memref<32x1024xf32, #tpu.memory_space<vmem>> -> memref<16x1024xf32, #tpu.memory_space<vmem>>
    %dma_wait3A_304 = arith.constant 0 : i32
    %dma_wait3A_305 = tpu.memref_slice %arg5[%add3A_235, %dma_wait3A_304] : memref<16768x1024xf32, #tpu.memory_space<hbm>> -> memref<16x1024xf32, #tpu.memory_space<hbm>>
    %dma_wait3A_306 = arith.constant 0 : i32
    %dma_wait3A_307 = tpu.memref_slice %arg5[%add3A_235, %dma_wait3A_306] : memref<16768x1024xf32, #tpu.memory_space<hbm>> -> memref<16x1024xf32, #tpu.memory_space<hbm>>
    %dma_wait3A_308 = arith.constant 16 : i32
    %dma_wait3A_309 = arith.constant 0 : i32
    %dma_wait3A_310 = tpu.memref_slice %arg18[%dma_wait3A_308, %dma_wait3A_309] : memref<32x1024xf32, #tpu.memory_space<vmem>> -> memref<16x1024xf32, #tpu.memory_space<vmem>>
    tpu.wait_dma2 semaphore(%arg23 : memref<!tpu.dma_semaphore, #tpu.memory_space<semaphore_mem>>) src(%dma_wait3A_310 : memref<16x1024xf32, #tpu.memory_space<vmem>>) dst(%dma_wait3A_307 : memref<16x1024xf32, #tpu.memory_space<hbm>>)
    %parallel_loop3A_311 = arith.constant 0 : i32
    %parallel_loop3A_312 = arith.constant 1024 : i32
    %parallel_loop3A_313 = arith.constant 1 : i32
    scf.for %parallel_loop3A_1375 = %parallel_loop3A_311 to %parallel_loop3A_312 step %parallel_loop3A_313  : i32 {
      %parallel_loop3A_1376 = arith.constant 64 : i32
      %parallel_loop3A_1377 = arith.divsi %parallel_loop3A_1375, %parallel_loop3A_1376 : i32
      %parallel_loop3A_1378 = arith.constant 0 : i32
      %parallel_loop3A_1379 = arith.cmpi sgt, %parallel_loop3A_1375, %parallel_loop3A_1378 : i32
      %parallel_loop3A_1380 = arith.extui %parallel_loop3A_1379 : i1 to i32
      %parallel_loop3A_1381 = arith.constant 0 : i32
      %parallel_loop3A_1382 = arith.cmpi slt, %parallel_loop3A_1375, %parallel_loop3A_1381 : i32
      %parallel_loop3A_1383 = arith.extui %parallel_loop3A_1382 : i1 to i32
      %parallel_loop3A_1384 = arith.subi %parallel_loop3A_1380, %parallel_loop3A_1383 : i32
      %parallel_loop3A_1385 = arith.constant 0 : i32
      %parallel_loop3A_1386 = arith.cmpi sgt, %parallel_loop3A_1376, %parallel_loop3A_1385 : i32
      %parallel_loop3A_1387 = arith.extui %parallel_loop3A_1386 : i1 to i32
      %parallel_loop3A_1388 = arith.constant 0 : i32
      %parallel_loop3A_1389 = arith.cmpi slt, %parallel_loop3A_1376, %parallel_loop3A_1388 : i32
      %parallel_loop3A_1390 = arith.extui %parallel_loop3A_1389 : i1 to i32
      %parallel_loop3A_1391 = arith.subi %parallel_loop3A_1387, %parallel_loop3A_1390 : i32
      %parallel_loop3A_1392 = arith.cmpi ne, %parallel_loop3A_1384, %parallel_loop3A_1391 : i32
      %parallel_loop3A_1393 = arith.remsi %parallel_loop3A_1375, %parallel_loop3A_1376 : i32
      %parallel_loop3A_1394 = arith.constant 0 : i32
      %parallel_loop3A_1395 = arith.cmpi ne, %parallel_loop3A_1393, %parallel_loop3A_1394 : i32
      %parallel_loop3A_1396 = arith.andi %parallel_loop3A_1392, %parallel_loop3A_1395 : i1
      %parallel_loop3A_1397 = arith.constant 1 : i32
      %parallel_loop3A_1398 = arith.subi %parallel_loop3A_1377, %parallel_loop3A_1397 : i32
      %parallel_loop3A_1399 = arith.select %parallel_loop3A_1396, %parallel_loop3A_1398, %parallel_loop3A_1377 : i32
      %parallel_loop3A_1400 = arith.constant 16 : i32
      %parallel_loop3A_1401 = arith.addi %parallel_loop3A_1400, %parallel_loop3A_1399 : i32
      %parallel_loop3A_1402 = arith.constant 64 : i32
      %parallel_loop3A_1403 = arith.constant 0 : i32
      %parallel_loop3A_1404 = arith.cmpi eq, %parallel_loop3A_1402, %parallel_loop3A_1403 : i32
      %parallel_loop3A_1405 = arith.constant 1 : i32
      %parallel_loop3A_1406 = arith.select %parallel_loop3A_1404, %parallel_loop3A_1405, %parallel_loop3A_1402 : i32
      %parallel_loop3A_1407 = arith.remsi %parallel_loop3A_1375, %parallel_loop3A_1406 : i32
      %parallel_loop3A_1408 = arith.constant 0 : i32
      %parallel_loop3A_1409 = arith.cmpi ne, %parallel_loop3A_1407, %parallel_loop3A_1408 : i32
      %parallel_loop3A_1410 = arith.constant 0 : i32
      %parallel_loop3A_1411 = arith.cmpi slt, %parallel_loop3A_1407, %parallel_loop3A_1410 : i32
      %parallel_loop3A_1412 = arith.constant 0 : i32
      %parallel_loop3A_1413 = arith.cmpi slt, %parallel_loop3A_1406, %parallel_loop3A_1412 : i32
      %parallel_loop3A_1414 = arith.xori %parallel_loop3A_1411, %parallel_loop3A_1413 : i1
      %parallel_loop3A_1415 = arith.andi %parallel_loop3A_1414, %parallel_loop3A_1409 : i1
      %parallel_loop3A_1416 = arith.addi %parallel_loop3A_1407, %parallel_loop3A_1406 : i32
      %parallel_loop3A_1417 = arith.select %parallel_loop3A_1415, %parallel_loop3A_1416, %parallel_loop3A_1407 : i32
      %parallel_loop3A_1418 = arith.constant 16 : i32
      %parallel_loop3A_1419 = arith.muli %parallel_loop3A_1417, %parallel_loop3A_1418 : i32
      %parallel_loop3A_1420 = arith.index_cast %parallel_loop3A_1401 : i32 to index
      %parallel_loop3A_1421 = arith.index_cast %parallel_loop3A_1419 : i32 to index
      %parallel_loop3A_1422 = tpu.vector_load %arg19[%parallel_loop3A_1420, %parallel_loop3A_1421] {strides = array<i32>} : memref<32x1024xi32, #tpu.memory_space<vmem>>, vector<16xi32>,
      %parallel_loop3A_1423 = tpu.vector_load_idx %arg16[%broadcast_in_dim3A_80, %parallel_loop3A_1422] : memref<1x8192xf32, #tpu.memory_space<vmem>>[vector<16xi32>, vector<16xi32>], vector<16xf32>,
      %parallel_loop3A_1424 = arith.index_cast %parallel_loop3A_1401 : i32 to index
      %parallel_loop3A_1425 = arith.index_cast %parallel_loop3A_1419 : i32 to index
      %parallel_loop3A_1426 = tpu.vector_load %arg18[%parallel_loop3A_1424, %parallel_loop3A_1425] {strides = array<i32>} : memref<32x1024xf32, #tpu.memory_space<vmem>>, vector<16xf32>,
      tpu.vector_store %arg18[%parallel_loop3A_1424, %parallel_loop3A_1425], %parallel_loop3A_1423 {strides = array<i32>} : memref<32x1024xf32, #tpu.memory_space<vmem>>, vector<16xf32>,
    } {sc.loop_unroll_factor = 8 : i64, sc.parallel_access}
    %add3A_314 = arith.constant 16 : i32
    %add3A_315 = arith.addi %mul3A_275, %add3A_314 : i32
    %dma_start3A_316 = arith.constant 16 : i32
    %dma_start3A_317 = arith.constant 0 : i32
    %dma_start3A_318 = tpu.memref_slice %arg18[%dma_start3A_316, %dma_start3A_317] : memref<32x1024xf32, #tpu.memory_space<vmem>> -> memref<16x1024xf32, #tpu.memory_space<vmem>>
    %dma_start3A_319 = arith.constant 0 : i32
    %dma_start3A_320 = tpu.memref_slice %arg5[%add3A_315, %dma_start3A_319] : memref<16768x1024xf32, #tpu.memory_space<hbm>> -> memref<16x1024xf32, #tpu.memory_space<hbm>>
    %dma_start3A_321 = arith.constant 0 : i32
    %dma_start3A_322 = tpu.memref_slice %arg5[%add3A_315, %dma_start3A_321] : memref<16768x1024xf32, #tpu.memory_space<hbm>> -> memref<16x1024xf32, #tpu.memory_space<hbm>>
    %dma_start3A_323 = arith.constant 16 : i32
    %dma_start3A_324 = arith.constant 0 : i32
    %dma_start3A_325 = tpu.memref_slice %arg18[%dma_start3A_323, %dma_start3A_324] : memref<32x1024xf32, #tpu.memory_space<vmem>> -> memref<16x1024xf32, #tpu.memory_space<vmem>>
    tpu.enqueue_dma source(%dma_start3A_325 : memref<16x1024xf32, #tpu.memory_space<vmem>>) target(%dma_start3A_322 : memref<16x1024xf32, #tpu.memory_space<hbm>>) target_semaphore(%arg23 : memref<!tpu.dma_semaphore, #tpu.memory_space<semaphore_mem>>)
    %mul3A_326 = arith.constant 2 : i32
    %mul3A_327 = arith.muli %arg0, %mul3A_326 : i32
    %add3A_328 = arith.constant 0 : i32
    %add3A_329 = arith.addi %mul3A_327, %add3A_328 : i32
    %add3A_330 = arith.constant 48 : i32
    %add3A_331 = arith.addi %add3A_330, %arg1 : i32
    %add3A_332 = arith.constant 64 : i32
    %add3A_333 = arith.addi %add3A_332, %arg1 : i32
    %mul3A_334 = arith.constant 2 : i32
    %mul3A_335 = arith.muli %arg0, %mul3A_334 : i32
    %add3A_336 = arith.constant 0 : i32
    %add3A_337 = arith.addi %mul3A_335, %add3A_336 : i32
    %mul3A_338 = arith.constant 128 : i32
    %mul3A_339 = arith.muli %add3A_337, %mul3A_338 : i32
    %add3A_340 = arith.addi %mul3A_339, %add3A_333 : i32
    %dma_start3A_341 = arith.constant 0 : i32
    %dma_start3A_342 = tpu.memref_slice %arg4[%add3A_340, %dma_start3A_341] : memref<512x8192xf32, #tpu.memory_space<hbm>> -> memref<1x8192xf32, #tpu.memory_space<hbm>>
    %dma_start3A_343 = arith.constant 0 : i32
    %dma_start3A_344 = tpu.memref_slice %arg4[%add3A_340, %dma_start3A_343] : memref<512x8192xf32, #tpu.memory_space<hbm>> -> memref<1x8192xf32, #tpu.memory_space<hbm>>
    tpu.enqueue_dma source(%dma_start3A_344 : memref<1x8192xf32, #tpu.memory_space<hbm>>) target(%arg16 : memref<1x8192xf32, #tpu.memory_space<vmem>>) target_semaphore(%arg20 : memref<!tpu.dma_semaphore, #tpu.memory_space<semaphore_mem>>)
    %dma_wait3A_345 = arith.constant 0 : i32
    %dma_wait3A_346 = tpu.memref_slice %arg4[%add3A_260, %dma_wait3A_345] : memref<512x8192xf32, #tpu.memory_space<hbm>> -> memref<1x8192xf32, #tpu.memory_space<hbm>>
    %dma_wait3A_347 = arith.constant 0 : i32
    %dma_wait3A_348 = tpu.memref_slice %arg4[%add3A_260, %dma_wait3A_347] : memref<512x8192xf32, #tpu.memory_space<hbm>> -> memref<1x8192xf32, #tpu.memory_space<hbm>>
    tpu.wait_dma2 semaphore(%arg21 : memref<!tpu.dma_semaphore, #tpu.memory_space<semaphore_mem>>) src(%dma_wait3A_348 : memref<1x8192xf32, #tpu.memory_space<hbm>>) dst(%arg17 : memref<1x8192xf32, #tpu.memory_space<vmem>>)
    %mul3A_349 = arith.constant 131 : i32
    %mul3A_350 = arith.muli %add3A_329, %mul3A_349 : i32
    %add3A_351 = arith.constant 3 : i32
    %add3A_352 = arith.addi %mul3A_350, %add3A_351 : i32
    %add3A_353 = arith.addi %add3A_352, %add3A_331 : i32
    %mul3A_354 = arith.constant 32 : i32
    %mul3A_355 = arith.muli %add3A_353, %mul3A_354 : i32
    %dma_wait3A_356 = arith.constant 0 : i32
    %dma_wait3A_357 = arith.constant 0 : i32
    %dma_wait3A_358 = tpu.memref_slice %arg18[%dma_wait3A_356, %dma_wait3A_357] : memref<32x1024xf32, #tpu.memory_space<vmem>> -> memref<16x1024xf32, #tpu.memory_space<vmem>>
    %dma_wait3A_359 = arith.constant 0 : i32
    %dma_wait3A_360 = tpu.memref_slice %arg5[%add3A_290, %dma_wait3A_359] : memref<16768x1024xf32, #tpu.memory_space<hbm>> -> memref<16x1024xf32, #tpu.memory_space<hbm>>
    %dma_wait3A_361 = arith.constant 0 : i32
    %dma_wait3A_362 = tpu.memref_slice %arg5[%add3A_290, %dma_wait3A_361] : memref<16768x1024xf32, #tpu.memory_space<hbm>> -> memref<16x1024xf32, #tpu.memory_space<hbm>>
    %dma_wait3A_363 = arith.constant 0 : i32
    %dma_wait3A_364 = arith.constant 0 : i32
    %dma_wait3A_365 = tpu.memref_slice %arg18[%dma_wait3A_363, %dma_wait3A_364] : memref<32x1024xf32, #tpu.memory_space<vmem>> -> memref<16x1024xf32, #tpu.memory_space<vmem>>
    tpu.wait_dma2 semaphore(%arg22 : memref<!tpu.dma_semaphore, #tpu.memory_space<semaphore_mem>>) src(%dma_wait3A_365 : memref<16x1024xf32, #tpu.memory_space<vmem>>) dst(%dma_wait3A_362 : memref<16x1024xf32, #tpu.memory_space<hbm>>)
    %parallel_loop3A_366 = arith.constant 0 : i32
    %parallel_loop3A_367 = arith.constant 1024 : i32
    %parallel_loop3A_368 = arith.constant 1 : i32
    scf.for %parallel_loop3A_1375 = %parallel_loop3A_366 to %parallel_loop3A_367 step %parallel_loop3A_368  : i32 {
      %parallel_loop3A_1376 = arith.constant 64 : i32
      %parallel_loop3A_1377 = arith.divsi %parallel_loop3A_1375, %parallel_loop3A_1376 : i32
      %parallel_loop3A_1378 = arith.constant 0 : i32
      %parallel_loop3A_1379 = arith.cmpi sgt, %parallel_loop3A_1375, %parallel_loop3A_1378 : i32
      %parallel_loop3A_1380 = arith.extui %parallel_loop3A_1379 : i1 to i32
      %parallel_loop3A_1381 = arith.constant 0 : i32
      %parallel_loop3A_1382 = arith.cmpi slt, %parallel_loop3A_1375, %parallel_loop3A_1381 : i32
      %parallel_loop3A_1383 = arith.extui %parallel_loop3A_1382 : i1 to i32
      %parallel_loop3A_1384 = arith.subi %parallel_loop3A_1380, %parallel_loop3A_1383 : i32
      %parallel_loop3A_1385 = arith.constant 0 : i32
      %parallel_loop3A_1386 = arith.cmpi sgt, %parallel_loop3A_1376, %parallel_loop3A_1385 : i32
      %parallel_loop3A_1387 = arith.extui %parallel_loop3A_1386 : i1 to i32
      %parallel_loop3A_1388 = arith.constant 0 : i32
      %parallel_loop3A_1389 = arith.cmpi slt, %parallel_loop3A_1376, %parallel_loop3A_1388 : i32
      %parallel_loop3A_1390 = arith.extui %parallel_loop3A_1389 : i1 to i32
      %parallel_loop3A_1391 = arith.subi %parallel_loop3A_1387, %parallel_loop3A_1390 : i32
      %parallel_loop3A_1392 = arith.cmpi ne, %parallel_loop3A_1384, %parallel_loop3A_1391 : i32
      %parallel_loop3A_1393 = arith.remsi %parallel_loop3A_1375, %parallel_loop3A_1376 : i32
      %parallel_loop3A_1394 = arith.constant 0 : i32
      %parallel_loop3A_1395 = arith.cmpi ne, %parallel_loop3A_1393, %parallel_loop3A_1394 : i32
      %parallel_loop3A_1396 = arith.andi %parallel_loop3A_1392, %parallel_loop3A_1395 : i1
      %parallel_loop3A_1397 = arith.constant 1 : i32
      %parallel_loop3A_1398 = arith.subi %parallel_loop3A_1377, %parallel_loop3A_1397 : i32
      %parallel_loop3A_1399 = arith.select %parallel_loop3A_1396, %parallel_loop3A_1398, %parallel_loop3A_1377 : i32
      %parallel_loop3A_1400 = arith.constant 0 : i32
      %parallel_loop3A_1401 = arith.addi %parallel_loop3A_1400, %parallel_loop3A_1399 : i32
      %parallel_loop3A_1402 = arith.constant 64 : i32
      %parallel_loop3A_1403 = arith.constant 0 : i32
      %parallel_loop3A_1404 = arith.cmpi eq, %parallel_loop3A_1402, %parallel_loop3A_1403 : i32
      %parallel_loop3A_1405 = arith.constant 1 : i32
      %parallel_loop3A_1406 = arith.select %parallel_loop3A_1404, %parallel_loop3A_1405, %parallel_loop3A_1402 : i32
      %parallel_loop3A_1407 = arith.remsi %parallel_loop3A_1375, %parallel_loop3A_1406 : i32
      %parallel_loop3A_1408 = arith.constant 0 : i32
      %parallel_loop3A_1409 = arith.cmpi ne, %parallel_loop3A_1407, %parallel_loop3A_1408 : i32
      %parallel_loop3A_1410 = arith.constant 0 : i32
      %parallel_loop3A_1411 = arith.cmpi slt, %parallel_loop3A_1407, %parallel_loop3A_1410 : i32
      %parallel_loop3A_1412 = arith.constant 0 : i32
      %parallel_loop3A_1413 = arith.cmpi slt, %parallel_loop3A_1406, %parallel_loop3A_1412 : i32
      %parallel_loop3A_1414 = arith.xori %parallel_loop3A_1411, %parallel_loop3A_1413 : i1
      %parallel_loop3A_1415 = arith.andi %parallel_loop3A_1414, %parallel_loop3A_1409 : i1
      %parallel_loop3A_1416 = arith.addi %parallel_loop3A_1407, %parallel_loop3A_1406 : i32
      %parallel_loop3A_1417 = arith.select %parallel_loop3A_1415, %parallel_loop3A_1416, %parallel_loop3A_1407 : i32
      %parallel_loop3A_1418 = arith.constant 16 : i32
      %parallel_loop3A_1419 = arith.muli %parallel_loop3A_1417, %parallel_loop3A_1418 : i32
      %parallel_loop3A_1420 = arith.index_cast %parallel_loop3A_1401 : i32 to index
      %parallel_loop3A_1421 = arith.index_cast %parallel_loop3A_1419 : i32 to index
      %parallel_loop3A_1422 = tpu.vector_load %arg19[%parallel_loop3A_1420, %parallel_loop3A_1421] {strides = array<i32>} : memref<32x1024xi32, #tpu.memory_space<vmem>>, vector<16xi32>,
      %parallel_loop3A_1423 = tpu.vector_load_idx %arg17[%broadcast_in_dim3A_80, %parallel_loop3A_1422] : memref<1x8192xf32, #tpu.memory_space<vmem>>[vector<16xi32>, vector<16xi32>], vector<16xf32>,
      %parallel_loop3A_1424 = arith.index_cast %parallel_loop3A_1401 : i32 to index
      %parallel_loop3A_1425 = arith.index_cast %parallel_loop3A_1419 : i32 to index
      %parallel_loop3A_1426 = tpu.vector_load %arg18[%parallel_loop3A_1424, %parallel_loop3A_1425] {strides = array<i32>} : memref<32x1024xf32, #tpu.memory_space<vmem>>, vector<16xf32>,
      tpu.vector_store %arg18[%parallel_loop3A_1424, %parallel_loop3A_1425], %parallel_loop3A_1423 {strides = array<i32>} : memref<32x1024xf32, #tpu.memory_space<vmem>>, vector<16xf32>,
    } {sc.loop_unroll_factor = 8 : i64, sc.parallel_access}
    %add3A_369 = arith.constant 0 : i32
    %add3A_370 = arith.addi %mul3A_355, %add3A_369 : i32
    %dma_start3A_371 = arith.constant 0 : i32
    %dma_start3A_372 = arith.constant 0 : i32
    %dma_start3A_373 = tpu.memref_slice %arg18[%dma_start3A_371, %dma_start3A_372] : memref<32x1024xf32, #tpu.memory_space<vmem>> -> memref<16x1024xf32, #tpu.memory_space<vmem>>
    %dma_start3A_374 = arith.constant 0 : i32
    %dma_start3A_375 = tpu.memref_slice %arg5[%add3A_370, %dma_start3A_374] : memref<16768x1024xf32, #tpu.memory_space<hbm>> -> memref<16x1024xf32, #tpu.memory_space<hbm>>
    %dma_start3A_376 = arith.constant 0 : i32
    %dma_start3A_377 = tpu.memref_slice %arg5[%add3A_370, %dma_start3A_376] : memref<16768x1024xf32, #tpu.memory_space<hbm>> -> memref<16x1024xf32, #tpu.memory_space<hbm>>
    %dma_start3A_378 = arith.constant 0 : i32
    %dma_start3A_379 = arith.constant 0 : i32
    %dma_start3A_380 = tpu.memref_slice %arg18[%dma_start3A_378, %dma_start3A_379] : memref<32x1024xf32, #tpu.memory_space<vmem>> -> memref<16x1024xf32, #tpu.memory_space<vmem>>
    tpu.enqueue_dma source(%dma_start3A_380 : memref<16x1024xf32, #tpu.memory_space<vmem>>) target(%dma_start3A_377 : memref<16x1024xf32, #tpu.memory_space<hbm>>) target_semaphore(%arg22 : memref<!tpu.dma_semaphore, #tpu.memory_space<semaphore_mem>>)
    %dma_wait3A_381 = arith.constant 16 : i32
    %dma_wait3A_382 = arith.constant 0 : i32
    %dma_wait3A_383 = tpu.memref_slice %arg18[%dma_wait3A_381, %dma_wait3A_382] : memref<32x1024xf32, #tpu.memory_space<vmem>> -> memref<16x1024xf32, #tpu.memory_space<vmem>>
    %dma_wait3A_384 = arith.constant 0 : i32
    %dma_wait3A_385 = tpu.memref_slice %arg5[%add3A_315, %dma_wait3A_384] : memref<16768x1024xf32, #tpu.memory_space<hbm>> -> memref<16x1024xf32, #tpu.memory_space<hbm>>
    %dma_wait3A_386 = arith.constant 0 : i32
    %dma_wait3A_387 = tpu.memref_slice %arg5[%add3A_315, %dma_wait3A_386] : memref<16768x1024xf32, #tpu.memory_space<hbm>> -> memref<16x1024xf32, #tpu.memory_space<hbm>>
    %dma_wait3A_388 = arith.constant 16 : i32
    %dma_wait3A_389 = arith.constant 0 : i32
    %dma_wait3A_390 = tpu.memref_slice %arg18[%dma_wait3A_388, %dma_wait3A_389] : memref<32x1024xf32, #tpu.memory_space<vmem>> -> memref<16x1024xf32, #tpu.memory_space<vmem>>
    tpu.wait_dma2 semaphore(%arg23 : memref<!tpu.dma_semaphore, #tpu.memory_space<semaphore_mem>>) src(%dma_wait3A_390 : memref<16x1024xf32, #tpu.memory_space<vmem>>) dst(%dma_wait3A_387 : memref<16x1024xf32, #tpu.memory_space<hbm>>)
    %parallel_loop3A_391 = arith.constant 0 : i32
    %parallel_loop3A_392 = arith.constant 1024 : i32
    %parallel_loop3A_393 = arith.constant 1 : i32
    scf.for %parallel_loop3A_1375 = %parallel_loop3A_391 to %parallel_loop3A_392 step %parallel_loop3A_393  : i32 {
      %parallel_loop3A_1376 = arith.constant 64 : i32
      %parallel_loop3A_1377 = arith.divsi %parallel_loop3A_1375, %parallel_loop3A_1376 : i32
      %parallel_loop3A_1378 = arith.constant 0 : i32
      %parallel_loop3A_1379 = arith.cmpi sgt, %parallel_loop3A_1375, %parallel_loop3A_1378 : i32
      %parallel_loop3A_1380 = arith.extui %parallel_loop3A_1379 : i1 to i32
      %parallel_loop3A_1381 = arith.constant 0 : i32
      %parallel_loop3A_1382 = arith.cmpi slt, %parallel_loop3A_1375, %parallel_loop3A_1381 : i32
      %parallel_loop3A_1383 = arith.extui %parallel_loop3A_1382 : i1 to i32
      %parallel_loop3A_1384 = arith.subi %parallel_loop3A_1380, %parallel_loop3A_1383 : i32
      %parallel_loop3A_1385 = arith.constant 0 : i32
      %parallel_loop3A_1386 = arith.cmpi sgt, %parallel_loop3A_1376, %parallel_loop3A_1385 : i32
      %parallel_loop3A_1387 = arith.extui %parallel_loop3A_1386 : i1 to i32
      %parallel_loop3A_1388 = arith.constant 0 : i32
      %parallel_loop3A_1389 = arith.cmpi slt, %parallel_loop3A_1376, %parallel_loop3A_1388 : i32
      %parallel_loop3A_1390 = arith.extui %parallel_loop3A_1389 : i1 to i32
      %parallel_loop3A_1391 = arith.subi %parallel_loop3A_1387, %parallel_loop3A_1390 : i32
      %parallel_loop3A_1392 = arith.cmpi ne, %parallel_loop3A_1384, %parallel_loop3A_1391 : i32
      %parallel_loop3A_1393 = arith.remsi %parallel_loop3A_1375, %parallel_loop3A_1376 : i32
      %parallel_loop3A_1394 = arith.constant 0 : i32
      %parallel_loop3A_1395 = arith.cmpi ne, %parallel_loop3A_1393, %parallel_loop3A_1394 : i32
      %parallel_loop3A_1396 = arith.andi %parallel_loop3A_1392, %parallel_loop3A_1395 : i1
      %parallel_loop3A_1397 = arith.constant 1 : i32
      %parallel_loop3A_1398 = arith.subi %parallel_loop3A_1377, %parallel_loop3A_1397 : i32
      %parallel_loop3A_1399 = arith.select %parallel_loop3A_1396, %parallel_loop3A_1398, %parallel_loop3A_1377 : i32
      %parallel_loop3A_1400 = arith.constant 16 : i32
      %parallel_loop3A_1401 = arith.addi %parallel_loop3A_1400, %parallel_loop3A_1399 : i32
      %parallel_loop3A_1402 = arith.constant 64 : i32
      %parallel_loop3A_1403 = arith.constant 0 : i32
      %parallel_loop3A_1404 = arith.cmpi eq, %parallel_loop3A_1402, %parallel_loop3A_1403 : i32
      %parallel_loop3A_1405 = arith.constant 1 : i32
      %parallel_loop3A_1406 = arith.select %parallel_loop3A_1404, %parallel_loop3A_1405, %parallel_loop3A_1402 : i32
      %parallel_loop3A_1407 = arith.remsi %parallel_loop3A_1375, %parallel_loop3A_1406 : i32
      %parallel_loop3A_1408 = arith.constant 0 : i32
      %parallel_loop3A_1409 = arith.cmpi ne, %parallel_loop3A_1407, %parallel_loop3A_1408 : i32
      %parallel_loop3A_1410 = arith.constant 0 : i32
      %parallel_loop3A_1411 = arith.cmpi slt, %parallel_loop3A_1407, %parallel_loop3A_1410 : i32
      %parallel_loop3A_1412 = arith.constant 0 : i32
      %parallel_loop3A_1413 = arith.cmpi slt, %parallel_loop3A_1406, %parallel_loop3A_1412 : i32
      %parallel_loop3A_1414 = arith.xori %parallel_loop3A_1411, %parallel_loop3A_1413 : i1
      %parallel_loop3A_1415 = arith.andi %parallel_loop3A_1414, %parallel_loop3A_1409 : i1
      %parallel_loop3A_1416 = arith.addi %parallel_loop3A_1407, %parallel_loop3A_1406 : i32
      %parallel_loop3A_1417 = arith.select %parallel_loop3A_1415, %parallel_loop3A_1416, %parallel_loop3A_1407 : i32
      %parallel_loop3A_1418 = arith.constant 16 : i32
      %parallel_loop3A_1419 = arith.muli %parallel_loop3A_1417, %parallel_loop3A_1418 : i32
      %parallel_loop3A_1420 = arith.index_cast %parallel_loop3A_1401 : i32 to index
      %parallel_loop3A_1421 = arith.index_cast %parallel_loop3A_1419 : i32 to index
      %parallel_loop3A_1422 = tpu.vector_load %arg19[%parallel_loop3A_1420, %parallel_loop3A_1421] {strides = array<i32>} : memref<32x1024xi32, #tpu.memory_space<vmem>>, vector<16xi32>,
      %parallel_loop3A_1423 = tpu.vector_load_idx %arg17[%broadcast_in_dim3A_80, %parallel_loop3A_1422] : memref<1x8192xf32, #tpu.memory_space<vmem>>[vector<16xi32>, vector<16xi32>], vector<16xf32>,
      %parallel_loop3A_1424 = arith.index_cast %parallel_loop3A_1401 : i32 to index
      %parallel_loop3A_1425 = arith.index_cast %parallel_loop3A_1419 : i32 to index
      %parallel_loop3A_1426 = tpu.vector_load %arg18[%parallel_loop3A_1424, %parallel_loop3A_1425] {strides = array<i32>} : memref<32x1024xf32, #tpu.memory_space<vmem>>, vector<16xf32>,
      tpu.vector_store %arg18[%parallel_loop3A_1424, %parallel_loop3A_1425], %parallel_loop3A_1423 {strides = array<i32>} : memref<32x1024xf32, #tpu.memory_space<vmem>>, vector<16xf32>,
    } {sc.loop_unroll_factor = 8 : i64, sc.parallel_access}
    %add3A_394 = arith.constant 16 : i32
    %add3A_395 = arith.addi %mul3A_355, %add3A_394 : i32
    %dma_start3A_396 = arith.constant 16 : i32
    %dma_start3A_397 = arith.constant 0 : i32
    %dma_start3A_398 = tpu.memref_slice %arg18[%dma_start3A_396, %dma_start3A_397] : memref<32x1024xf32, #tpu.memory_space<vmem>> -> memref<16x1024xf32, #tpu.memory_space<vmem>>
    %dma_start3A_399 = arith.constant 0 : i32
    %dma_start3A_400 = tpu.memref_slice %arg5[%add3A_395, %dma_start3A_399] : memref<16768x1024xf32, #tpu.memory_space<hbm>> -> memref<16x1024xf32, #tpu.memory_space<hbm>>
    %dma_start3A_401 = arith.constant 0 : i32
    %dma_start3A_402 = tpu.memref_slice %arg5[%add3A_395, %dma_start3A_401] : memref<16768x1024xf32, #tpu.memory_space<hbm>> -> memref<16x1024xf32, #tpu.memory_space<hbm>>
    %dma_start3A_403 = arith.constant 16 : i32
    %dma_start3A_404 = arith.constant 0 : i32
    %dma_start3A_405 = tpu.memref_slice %arg18[%dma_start3A_403, %dma_start3A_404] : memref<32x1024xf32, #tpu.memory_space<vmem>> -> memref<16x1024xf32, #tpu.memory_space<vmem>>
    tpu.enqueue_dma source(%dma_start3A_405 : memref<16x1024xf32, #tpu.memory_space<vmem>>) target(%dma_start3A_402 : memref<16x1024xf32, #tpu.memory_space<hbm>>) target_semaphore(%arg23 : memref<!tpu.dma_semaphore, #tpu.memory_space<semaphore_mem>>)
    %mul3A_406 = arith.constant 2 : i32
    %mul3A_407 = arith.muli %arg0, %mul3A_406 : i32
    %add3A_408 = arith.constant 0 : i32
    %add3A_409 = arith.addi %mul3A_407, %add3A_408 : i32
    %add3A_410 = arith.constant 64 : i32
    %add3A_411 = arith.addi %add3A_410, %arg1 : i32
    %add3A_412 = arith.constant 80 : i32
    %add3A_413 = arith.addi %add3A_412, %arg1 : i32
    %mul3A_414 = arith.constant 2 : i32
    %mul3A_415 = arith.muli %arg0, %mul3A_414 : i32
    %add3A_416 = arith.constant 0 : i32
    %add3A_417 = arith.addi %mul3A_415, %add3A_416 : i32
    %mul3A_418 = arith.constant 128 : i32
    %mul3A_419 = arith.muli %add3A_417, %mul3A_418 : i32
    %add3A_420 = arith.addi %mul3A_419, %add3A_413 : i32
    %dma_start3A_421 = arith.constant 0 : i32
    %dma_start3A_422 = tpu.memref_slice %arg4[%add3A_420, %dma_start3A_421] : memref<512x8192xf32, #tpu.memory_space<hbm>> -> memref<1x8192xf32, #tpu.memory_space<hbm>>
    %dma_start3A_423 = arith.constant 0 : i32
    %dma_start3A_424 = tpu.memref_slice %arg4[%add3A_420, %dma_start3A_423] : memref<512x8192xf32, #tpu.memory_space<hbm>> -> memref<1x8192xf32, #tpu.memory_space<hbm>>
    tpu.enqueue_dma source(%dma_start3A_424 : memref<1x8192xf32, #tpu.memory_space<hbm>>) target(%arg17 : memref<1x8192xf32, #tpu.memory_space<vmem>>) target_semaphore(%arg21 : memref<!tpu.dma_semaphore, #tpu.memory_space<semaphore_mem>>)
    %dma_wait3A_425 = arith.constant 0 : i32
    %dma_wait3A_426 = tpu.memref_slice %arg4[%add3A_340, %dma_wait3A_425] : memref<512x8192xf32, #tpu.memory_space<hbm>> -> memref<1x8192xf32, #tpu.memory_space<hbm>>
    %dma_wait3A_427 = arith.constant 0 : i32
    %dma_wait3A_428 = tpu.memref_slice %arg4[%add3A_340, %dma_wait3A_427] : memref<512x8192xf32, #tpu.memory_space<hbm>> -> memref<1x8192xf32, #tpu.memory_space<hbm>>
    tpu.wait_dma2 semaphore(%arg20 : memref<!tpu.dma_semaphore, #tpu.memory_space<semaphore_mem>>) src(%dma_wait3A_428 : memref<1x8192xf32, #tpu.memory_space<hbm>>) dst(%arg16 : memref<1x8192xf32, #tpu.memory_space<vmem>>)
    %mul3A_429 = arith.constant 131 : i32
    %mul3A_430 = arith.muli %add3A_409, %mul3A_429 : i32
    %add3A_431 = arith.constant 3 : i32
    %add3A_432 = arith.addi %mul3A_430, %add3A_431 : i32
    %add3A_433 = arith.addi %add3A_432, %add3A_411 : i32
    %mul3A_434 = arith.constant 32 : i32
    %mul3A_435 = arith.muli %add3A_433, %mul3A_434 : i32
    %dma_wait3A_436 = arith.constant 0 : i32
    %dma_wait3A_437 = arith.constant 0 : i32
    %dma_wait3A_438 = tpu.memref_slice %arg18[%dma_wait3A_436, %dma_wait3A_437] : memref<32x1024xf32, #tpu.memory_space<vmem>> -> memref<16x1024xf32, #tpu.memory_space<vmem>>
    %dma_wait3A_439 = arith.constant 0 : i32
    %dma_wait3A_440 = tpu.memref_slice %arg5[%add3A_370, %dma_wait3A_439] : memref<16768x1024xf32, #tpu.memory_space<hbm>> -> memref<16x1024xf32, #tpu.memory_space<hbm>>
    %dma_wait3A_441 = arith.constant 0 : i32
    %dma_wait3A_442 = tpu.memref_slice %arg5[%add3A_370, %dma_wait3A_441] : memref<16768x1024xf32, #tpu.memory_space<hbm>> -> memref<16x1024xf32, #tpu.memory_space<hbm>>
    %dma_wait3A_443 = arith.constant 0 : i32
    %dma_wait3A_444 = arith.constant 0 : i32
    %dma_wait3A_445 = tpu.memref_slice %arg18[%dma_wait3A_443, %dma_wait3A_444] : memref<32x1024xf32, #tpu.memory_space<vmem>> -> memref<16x1024xf32, #tpu.memory_space<vmem>>
    tpu.wait_dma2 semaphore(%arg22 : memref<!tpu.dma_semaphore, #tpu.memory_space<semaphore_mem>>) src(%dma_wait3A_445 : memref<16x1024xf32, #tpu.memory_space<vmem>>) dst(%dma_wait3A_442 : memref<16x1024xf32, #tpu.memory_space<hbm>>)
    %parallel_loop3A_446 = arith.constant 0 : i32
    %parallel_loop3A_447 = arith.constant 1024 : i32
    %parallel_loop3A_448 = arith.constant 1 : i32
    scf.for %parallel_loop3A_1375 = %parallel_loop3A_446 to %parallel_loop3A_447 step %parallel_loop3A_448  : i32 {
      %parallel_loop3A_1376 = arith.constant 64 : i32
      %parallel_loop3A_1377 = arith.divsi %parallel_loop3A_1375, %parallel_loop3A_1376 : i32
      %parallel_loop3A_1378 = arith.constant 0 : i32
      %parallel_loop3A_1379 = arith.cmpi sgt, %parallel_loop3A_1375, %parallel_loop3A_1378 : i32
      %parallel_loop3A_1380 = arith.extui %parallel_loop3A_1379 : i1 to i32
      %parallel_loop3A_1381 = arith.constant 0 : i32
      %parallel_loop3A_1382 = arith.cmpi slt, %parallel_loop3A_1375, %parallel_loop3A_1381 : i32
      %parallel_loop3A_1383 = arith.extui %parallel_loop3A_1382 : i1 to i32
      %parallel_loop3A_1384 = arith.subi %parallel_loop3A_1380, %parallel_loop3A_1383 : i32
      %parallel_loop3A_1385 = arith.constant 0 : i32
      %parallel_loop3A_1386 = arith.cmpi sgt, %parallel_loop3A_1376, %parallel_loop3A_1385 : i32
      %parallel_loop3A_1387 = arith.extui %parallel_loop3A_1386 : i1 to i32
      %parallel_loop3A_1388 = arith.constant 0 : i32
      %parallel_loop3A_1389 = arith.cmpi slt, %parallel_loop3A_1376, %parallel_loop3A_1388 : i32
      %parallel_loop3A_1390 = arith.extui %parallel_loop3A_1389 : i1 to i32
      %parallel_loop3A_1391 = arith.subi %parallel_loop3A_1387, %parallel_loop3A_1390 : i32
      %parallel_loop3A_1392 = arith.cmpi ne, %parallel_loop3A_1384, %parallel_loop3A_1391 : i32
      %parallel_loop3A_1393 = arith.remsi %parallel_loop3A_1375, %parallel_loop3A_1376 : i32
      %parallel_loop3A_1394 = arith.constant 0 : i32
      %parallel_loop3A_1395 = arith.cmpi ne, %parallel_loop3A_1393, %parallel_loop3A_1394 : i32
      %parallel_loop3A_1396 = arith.andi %parallel_loop3A_1392, %parallel_loop3A_1395 : i1
      %parallel_loop3A_1397 = arith.constant 1 : i32
      %parallel_loop3A_1398 = arith.subi %parallel_loop3A_1377, %parallel_loop3A_1397 : i32
      %parallel_loop3A_1399 = arith.select %parallel_loop3A_1396, %parallel_loop3A_1398, %parallel_loop3A_1377 : i32
      %parallel_loop3A_1400 = arith.constant 0 : i32
      %parallel_loop3A_1401 = arith.addi %parallel_loop3A_1400, %parallel_loop3A_1399 : i32
      %parallel_loop3A_1402 = arith.constant 64 : i32
      %parallel_loop3A_1403 = arith.constant 0 : i32
      %parallel_loop3A_1404 = arith.cmpi eq, %parallel_loop3A_1402, %parallel_loop3A_1403 : i32
      %parallel_loop3A_1405 = arith.constant 1 : i32
      %parallel_loop3A_1406 = arith.select %parallel_loop3A_1404, %parallel_loop3A_1405, %parallel_loop3A_1402 : i32
      %parallel_loop3A_1407 = arith.remsi %parallel_loop3A_1375, %parallel_loop3A_1406 : i32
      %parallel_loop3A_1408 = arith.constant 0 : i32
      %parallel_loop3A_1409 = arith.cmpi ne, %parallel_loop3A_1407, %parallel_loop3A_1408 : i32
      %parallel_loop3A_1410 = arith.constant 0 : i32
      %parallel_loop3A_1411 = arith.cmpi slt, %parallel_loop3A_1407, %parallel_loop3A_1410 : i32
      %parallel_loop3A_1412 = arith.constant 0 : i32
      %parallel_loop3A_1413 = arith.cmpi slt, %parallel_loop3A_1406, %parallel_loop3A_1412 : i32
      %parallel_loop3A_1414 = arith.xori %parallel_loop3A_1411, %parallel_loop3A_1413 : i1
      %parallel_loop3A_1415 = arith.andi %parallel_loop3A_1414, %parallel_loop3A_1409 : i1
      %parallel_loop3A_1416 = arith.addi %parallel_loop3A_1407, %parallel_loop3A_1406 : i32
      %parallel_loop3A_1417 = arith.select %parallel_loop3A_1415, %parallel_loop3A_1416, %parallel_loop3A_1407 : i32
      %parallel_loop3A_1418 = arith.constant 16 : i32
      %parallel_loop3A_1419 = arith.muli %parallel_loop3A_1417, %parallel_loop3A_1418 : i32
      %parallel_loop3A_1420 = arith.index_cast %parallel_loop3A_1401 : i32 to index
      %parallel_loop3A_1421 = arith.index_cast %parallel_loop3A_1419 : i32 to index
      %parallel_loop3A_1422 = tpu.vector_load %arg19[%parallel_loop3A_1420, %parallel_loop3A_1421] {strides = array<i32>} : memref<32x1024xi32, #tpu.memory_space<vmem>>, vector<16xi32>,
      %parallel_loop3A_1423 = tpu.vector_load_idx %arg16[%broadcast_in_dim3A_80, %parallel_loop3A_1422] : memref<1x8192xf32, #tpu.memory_space<vmem>>[vector<16xi32>, vector<16xi32>], vector<16xf32>,
      %parallel_loop3A_1424 = arith.index_cast %parallel_loop3A_1401 : i32 to index
      %parallel_loop3A_1425 = arith.index_cast %parallel_loop3A_1419 : i32 to index
      %parallel_loop3A_1426 = tpu.vector_load %arg18[%parallel_loop3A_1424, %parallel_loop3A_1425] {strides = array<i32>} : memref<32x1024xf32, #tpu.memory_space<vmem>>, vector<16xf32>,
      tpu.vector_store %arg18[%parallel_loop3A_1424, %parallel_loop3A_1425], %parallel_loop3A_1423 {strides = array<i32>} : memref<32x1024xf32, #tpu.memory_space<vmem>>, vector<16xf32>,
    } {sc.loop_unroll_factor = 8 : i64, sc.parallel_access}
    %add3A_449 = arith.constant 0 : i32
    %add3A_450 = arith.addi %mul3A_435, %add3A_449 : i32
    %dma_start3A_451 = arith.constant 0 : i32
    %dma_start3A_452 = arith.constant 0 : i32
    %dma_start3A_453 = tpu.memref_slice %arg18[%dma_start3A_451, %dma_start3A_452] : memref<32x1024xf32, #tpu.memory_space<vmem>> -> memref<16x1024xf32, #tpu.memory_space<vmem>>
    %dma_start3A_454 = arith.constant 0 : i32
    %dma_start3A_455 = tpu.memref_slice %arg5[%add3A_450, %dma_start3A_454] : memref<16768x1024xf32, #tpu.memory_space<hbm>> -> memref<16x1024xf32, #tpu.memory_space<hbm>>
    %dma_start3A_456 = arith.constant 0 : i32
    %dma_start3A_457 = tpu.memref_slice %arg5[%add3A_450, %dma_start3A_456] : memref<16768x1024xf32, #tpu.memory_space<hbm>> -> memref<16x1024xf32, #tpu.memory_space<hbm>>
    %dma_start3A_458 = arith.constant 0 : i32
    %dma_start3A_459 = arith.constant 0 : i32
    %dma_start3A_460 = tpu.memref_slice %arg18[%dma_start3A_458, %dma_start3A_459] : memref<32x1024xf32, #tpu.memory_space<vmem>> -> memref<16x1024xf32, #tpu.memory_space<vmem>>
    tpu.enqueue_dma source(%dma_start3A_460 : memref<16x1024xf32, #tpu.memory_space<vmem>>) target(%dma_start3A_457 : memref<16x1024xf32, #tpu.memory_space<hbm>>) target_semaphore(%arg22 : memref<!tpu.dma_semaphore, #tpu.memory_space<semaphore_mem>>)
    %dma_wait3A_461 = arith.constant 16 : i32
    %dma_wait3A_462 = arith.constant 0 : i32
    %dma_wait3A_463 = tpu.memref_slice %arg18[%dma_wait3A_461, %dma_wait3A_462] : memref<32x1024xf32, #tpu.memory_space<vmem>> -> memref<16x1024xf32, #tpu.memory_space<vmem>>
    %dma_wait3A_464 = arith.constant 0 : i32
    %dma_wait3A_465 = tpu.memref_slice %arg5[%add3A_395, %dma_wait3A_464] : memref<16768x1024xf32, #tpu.memory_space<hbm>> -> memref<16x1024xf32, #tpu.memory_space<hbm>>
    %dma_wait3A_466 = arith.constant 0 : i32
    %dma_wait3A_467 = tpu.memref_slice %arg5[%add3A_395, %dma_wait3A_466] : memref<16768x1024xf32, #tpu.memory_space<hbm>> -> memref<16x1024xf32, #tpu.memory_space<hbm>>
    %dma_wait3A_468 = arith.constant 16 : i32
    %dma_wait3A_469 = arith.constant 0 : i32
    %dma_wait3A_470 = tpu.memref_slice %arg18[%dma_wait3A_468, %dma_wait3A_469] : memref<32x1024xf32, #tpu.memory_space<vmem>> -> memref<16x1024xf32, #tpu.memory_space<vmem>>
    tpu.wait_dma2 semaphore(%arg23 : memref<!tpu.dma_semaphore, #tpu.memory_space<semaphore_mem>>) src(%dma_wait3A_470 : memref<16x1024xf32, #tpu.memory_space<vmem>>) dst(%dma_wait3A_467 : memref<16x1024xf32, #tpu.memory_space<hbm>>)
    %parallel_loop3A_471 = arith.constant 0 : i32
    %parallel_loop3A_472 = arith.constant 1024 : i32
    %parallel_loop3A_473 = arith.constant 1 : i32
    scf.for %parallel_loop3A_1375 = %parallel_loop3A_471 to %parallel_loop3A_472 step %parallel_loop3A_473  : i32 {
      %parallel_loop3A_1376 = arith.constant 64 : i32
      %parallel_loop3A_1377 = arith.divsi %parallel_loop3A_1375, %parallel_loop3A_1376 : i32
      %parallel_loop3A_1378 = arith.constant 0 : i32
      %parallel_loop3A_1379 = arith.cmpi sgt, %parallel_loop3A_1375, %parallel_loop3A_1378 : i32
      %parallel_loop3A_1380 = arith.extui %parallel_loop3A_1379 : i1 to i32
      %parallel_loop3A_1381 = arith.constant 0 : i32
      %parallel_loop3A_1382 = arith.cmpi slt, %parallel_loop3A_1375, %parallel_loop3A_1381 : i32
      %parallel_loop3A_1383 = arith.extui %parallel_loop3A_1382 : i1 to i32
      %parallel_loop3A_1384 = arith.subi %parallel_loop3A_1380, %parallel_loop3A_1383 : i32
      %parallel_loop3A_1385 = arith.constant 0 : i32
      %parallel_loop3A_1386 = arith.cmpi sgt, %parallel_loop3A_1376, %parallel_loop3A_1385 : i32
      %parallel_loop3A_1387 = arith.extui %parallel_loop3A_1386 : i1 to i32
      %parallel_loop3A_1388 = arith.constant 0 : i32
      %parallel_loop3A_1389 = arith.cmpi slt, %parallel_loop3A_1376, %parallel_loop3A_1388 : i32
      %parallel_loop3A_1390 = arith.extui %parallel_loop3A_1389 : i1 to i32
      %parallel_loop3A_1391 = arith.subi %parallel_loop3A_1387, %parallel_loop3A_1390 : i32
      %parallel_loop3A_1392 = arith.cmpi ne, %parallel_loop3A_1384, %parallel_loop3A_1391 : i32
      %parallel_loop3A_1393 = arith.remsi %parallel_loop3A_1375, %parallel_loop3A_1376 : i32
      %parallel_loop3A_1394 = arith.constant 0 : i32
      %parallel_loop3A_1395 = arith.cmpi ne, %parallel_loop3A_1393, %parallel_loop3A_1394 : i32
      %parallel_loop3A_1396 = arith.andi %parallel_loop3A_1392, %parallel_loop3A_1395 : i1
      %parallel_loop3A_1397 = arith.constant 1 : i32
      %parallel_loop3A_1398 = arith.subi %parallel_loop3A_1377, %parallel_loop3A_1397 : i32
      %parallel_loop3A_1399 = arith.select %parallel_loop3A_1396, %parallel_loop3A_1398, %parallel_loop3A_1377 : i32
      %parallel_loop3A_1400 = arith.constant 16 : i32
      %parallel_loop3A_1401 = arith.addi %parallel_loop3A_1400, %parallel_loop3A_1399 : i32
      %parallel_loop3A_1402 = arith.constant 64 : i32
      %parallel_loop3A_1403 = arith.constant 0 : i32
      %parallel_loop3A_1404 = arith.cmpi eq, %parallel_loop3A_1402, %parallel_loop3A_1403 : i32
      %parallel_loop3A_1405 = arith.constant 1 : i32
      %parallel_loop3A_1406 = arith.select %parallel_loop3A_1404, %parallel_loop3A_1405, %parallel_loop3A_1402 : i32
      %parallel_loop3A_1407 = arith.remsi %parallel_loop3A_1375, %parallel_loop3A_1406 : i32
      %parallel_loop3A_1408 = arith.constant 0 : i32
      %parallel_loop3A_1409 = arith.cmpi ne, %parallel_loop3A_1407, %parallel_loop3A_1408 : i32
      %parallel_loop3A_1410 = arith.constant 0 : i32
      %parallel_loop3A_1411 = arith.cmpi slt, %parallel_loop3A_1407, %parallel_loop3A_1410 : i32
      %parallel_loop3A_1412 = arith.constant 0 : i32
      %parallel_loop3A_1413 = arith.cmpi slt, %parallel_loop3A_1406, %parallel_loop3A_1412 : i32
      %parallel_loop3A_1414 = arith.xori %parallel_loop3A_1411, %parallel_loop3A_1413 : i1
      %parallel_loop3A_1415 = arith.andi %parallel_loop3A_1414, %parallel_loop3A_1409 : i1
      %parallel_loop3A_1416 = arith.addi %parallel_loop3A_1407, %parallel_loop3A_1406 : i32
      %parallel_loop3A_1417 = arith.select %parallel_loop3A_1415, %parallel_loop3A_1416, %parallel_loop3A_1407 : i32
      %parallel_loop3A_1418 = arith.constant 16 : i32
      %parallel_loop3A_1419 = arith.muli %parallel_loop3A_1417, %parallel_loop3A_1418 : i32
      %parallel_loop3A_1420 = arith.index_cast %parallel_loop3A_1401 : i32 to index
      %parallel_loop3A_1421 = arith.index_cast %parallel_loop3A_1419 : i32 to index
      %parallel_loop3A_1422 = tpu.vector_load %arg19[%parallel_loop3A_1420, %parallel_loop3A_1421] {strides = array<i32>} : memref<32x1024xi32, #tpu.memory_space<vmem>>, vector<16xi32>,
      %parallel_loop3A_1423 = tpu.vector_load_idx %arg16[%broadcast_in_dim3A_80, %parallel_loop3A_1422] : memref<1x8192xf32, #tpu.memory_space<vmem>>[vector<16xi32>, vector<16xi32>], vector<16xf32>,
      %parallel_loop3A_1424 = arith.index_cast %parallel_loop3A_1401 : i32 to index
      %parallel_loop3A_1425 = arith.index_cast %parallel_loop3A_1419 : i32 to index
      %parallel_loop3A_1426 = tpu.vector_load %arg18[%parallel_loop3A_1424, %parallel_loop3A_1425] {strides = array<i32>} : memref<32x1024xf32, #tpu.memory_space<vmem>>, vector<16xf32>,
      tpu.vector_store %arg18[%parallel_loop3A_1424, %parallel_loop3A_1425], %parallel_loop3A_1423 {strides = array<i32>} : memref<32x1024xf32, #tpu.memory_space<vmem>>, vector<16xf32>,
    } {sc.loop_unroll_factor = 8 : i64, sc.parallel_access}
    %add3A_474 = arith.constant 16 : i32
    %add3A_475 = arith.addi %mul3A_435, %add3A_474 : i32
    %dma_start3A_476 = arith.constant 16 : i32
    %dma_start3A_477 = arith.constant 0 : i32
    %dma_start3A_478 = tpu.memref_slice %arg18[%dma_start3A_476, %dma_start3A_477] : memref<32x1024xf32, #tpu.memory_space<vmem>> -> memref<16x1024xf32, #tpu.memory_space<vmem>>
    %dma_start3A_479 = arith.constant 0 : i32
    %dma_start3A_480 = tpu.memref_slice %arg5[%add3A_475, %dma_start3A_479] : memref<16768x1024xf32, #tpu.memory_space<hbm>> -> memref<16x1024xf32, #tpu.memory_space<hbm>>
    %dma_start3A_481 = arith.constant 0 : i32
    %dma_start3A_482 = tpu.memref_slice %arg5[%add3A_475, %dma_start3A_481] : memref<16768x1024xf32, #tpu.memory_space<hbm>> -> memref<16x1024xf32, #tpu.memory_space<hbm>>
    %dma_start3A_483 = arith.constant 16 : i32
    %dma_start3A_484 = arith.constant 0 : i32
    %dma_start3A_485 = tpu.memref_slice %arg18[%dma_start3A_483, %dma_start3A_484] : memref<32x1024xf32, #tpu.memory_space<vmem>> -> memref<16x1024xf32, #tpu.memory_space<vmem>>
    tpu.enqueue_dma source(%dma_start3A_485 : memref<16x1024xf32, #tpu.memory_space<vmem>>) target(%dma_start3A_482 : memref<16x1024xf32, #tpu.memory_space<hbm>>) target_semaphore(%arg23 : memref<!tpu.dma_semaphore, #tpu.memory_space<semaphore_mem>>)
    %mul3A_486 = arith.constant 2 : i32
    %mul3A_487 = arith.muli %arg0, %mul3A_486 : i32
    %add3A_488 = arith.constant 0 : i32
    %add3A_489 = arith.addi %mul3A_487, %add3A_488 : i32
    %add3A_490 = arith.constant 80 : i32
    %add3A_491 = arith.addi %add3A_490, %arg1 : i32
    %add3A_492 = arith.constant 96 : i32
    %add3A_493 = arith.addi %add3A_492, %arg1 : i32
    %mul3A_494 = arith.constant 2 : i32
    %mul3A_495 = arith.muli %arg0, %mul3A_494 : i32
    %add3A_496 = arith.constant 0 : i32
    %add3A_497 = arith.addi %mul3A_495, %add3A_496 : i32
    %mul3A_498 = arith.constant 128 : i32
    %mul3A_499 = arith.muli %add3A_497, %mul3A_498 : i32
    %add3A_500 = arith.addi %mul3A_499, %add3A_493 : i32
    %dma_start3A_501 = arith.constant 0 : i32
    %dma_start3A_502 = tpu.memref_slice %arg4[%add3A_500, %dma_start3A_501] : memref<512x8192xf32, #tpu.memory_space<hbm>> -> memref<1x8192xf32, #tpu.memory_space<hbm>>
    %dma_start3A_503 = arith.constant 0 : i32
    %dma_start3A_504 = tpu.memref_slice %arg4[%add3A_500, %dma_start3A_503] : memref<512x8192xf32, #tpu.memory_space<hbm>> -> memref<1x8192xf32, #tpu.memory_space<hbm>>
    tpu.enqueue_dma source(%dma_start3A_504 : memref<1x8192xf32, #tpu.memory_space<hbm>>) target(%arg16 : memref<1x8192xf32, #tpu.memory_space<vmem>>) target_semaphore(%arg20 : memref<!tpu.dma_semaphore, #tpu.memory_space<semaphore_mem>>)
    %dma_wait3A_505 = arith.constant 0 : i32
    %dma_wait3A_506 = tpu.memref_slice %arg4[%add3A_420, %dma_wait3A_505] : memref<512x8192xf32, #tpu.memory_space<hbm>> -> memref<1x8192xf32, #tpu.memory_space<hbm>>
    %dma_wait3A_507 = arith.constant 0 : i32
    %dma_wait3A_508 = tpu.memref_slice %arg4[%add3A_420, %dma_wait3A_507] : memref<512x8192xf32, #tpu.memory_space<hbm>> -> memref<1x8192xf32, #tpu.memory_space<hbm>>
    tpu.wait_dma2 semaphore(%arg21 : memref<!tpu.dma_semaphore, #tpu.memory_space<semaphore_mem>>) src(%dma_wait3A_508 : memref<1x8192xf32, #tpu.memory_space<hbm>>) dst(%arg17 : memref<1x8192xf32, #tpu.memory_space<vmem>>)
    %mul3A_509 = arith.constant 131 : i32
    %mul3A_510 = arith.muli %add3A_489, %mul3A_509 : i32
    %add3A_511 = arith.constant 3 : i32
    %add3A_512 = arith.addi %mul3A_510, %add3A_511 : i32
    %add3A_513 = arith.addi %add3A_512, %add3A_491 : i32
    %mul3A_514 = arith.constant 32 : i32
    %mul3A_515 = arith.muli %add3A_513, %mul3A_514 : i32
    %dma_wait3A_516 = arith.constant 0 : i32
    %dma_wait3A_517 = arith.constant 0 : i32
    %dma_wait3A_518 = tpu.memref_slice %arg18[%dma_wait3A_516, %dma_wait3A_517] : memref<32x1024xf32, #tpu.memory_space<vmem>> -> memref<16x1024xf32, #tpu.memory_space<vmem>>
    %dma_wait3A_519 = arith.constant 0 : i32
    %dma_wait3A_520 = tpu.memref_slice %arg5[%add3A_450, %dma_wait3A_519] : memref<16768x1024xf32, #tpu.memory_space<hbm>> -> memref<16x1024xf32, #tpu.memory_space<hbm>>
    %dma_wait3A_521 = arith.constant 0 : i32
    %dma_wait3A_522 = tpu.memref_slice %arg5[%add3A_450, %dma_wait3A_521] : memref<16768x1024xf32, #tpu.memory_space<hbm>> -> memref<16x1024xf32, #tpu.memory_space<hbm>>
    %dma_wait3A_523 = arith.constant 0 : i32
    %dma_wait3A_524 = arith.constant 0 : i32
    %dma_wait3A_525 = tpu.memref_slice %arg18[%dma_wait3A_523, %dma_wait3A_524] : memref<32x1024xf32, #tpu.memory_space<vmem>> -> memref<16x1024xf32, #tpu.memory_space<vmem>>
    tpu.wait_dma2 semaphore(%arg22 : memref<!tpu.dma_semaphore, #tpu.memory_space<semaphore_mem>>) src(%dma_wait3A_525 : memref<16x1024xf32, #tpu.memory_space<vmem>>) dst(%dma_wait3A_522 : memref<16x1024xf32, #tpu.memory_space<hbm>>)
    %parallel_loop3A_526 = arith.constant 0 : i32
    %parallel_loop3A_527 = arith.constant 1024 : i32
    %parallel_loop3A_528 = arith.constant 1 : i32
    scf.for %parallel_loop3A_1375 = %parallel_loop3A_526 to %parallel_loop3A_527 step %parallel_loop3A_528  : i32 {
      %parallel_loop3A_1376 = arith.constant 64 : i32
      %parallel_loop3A_1377 = arith.divsi %parallel_loop3A_1375, %parallel_loop3A_1376 : i32
      %parallel_loop3A_1378 = arith.constant 0 : i32
      %parallel_loop3A_1379 = arith.cmpi sgt, %parallel_loop3A_1375, %parallel_loop3A_1378 : i32
      %parallel_loop3A_1380 = arith.extui %parallel_loop3A_1379 : i1 to i32
      %parallel_loop3A_1381 = arith.constant 0 : i32
      %parallel_loop3A_1382 = arith.cmpi slt, %parallel_loop3A_1375, %parallel_loop3A_1381 : i32
      %parallel_loop3A_1383 = arith.extui %parallel_loop3A_1382 : i1 to i32
      %parallel_loop3A_1384 = arith.subi %parallel_loop3A_1380, %parallel_loop3A_1383 : i32
      %parallel_loop3A_1385 = arith.constant 0 : i32
      %parallel_loop3A_1386 = arith.cmpi sgt, %parallel_loop3A_1376, %parallel_loop3A_1385 : i32
      %parallel_loop3A_1387 = arith.extui %parallel_loop3A_1386 : i1 to i32
      %parallel_loop3A_1388 = arith.constant 0 : i32
      %parallel_loop3A_1389 = arith.cmpi slt, %parallel_loop3A_1376, %parallel_loop3A_1388 : i32
      %parallel_loop3A_1390 = arith.extui %parallel_loop3A_1389 : i1 to i32
      %parallel_loop3A_1391 = arith.subi %parallel_loop3A_1387, %parallel_loop3A_1390 : i32
      %parallel_loop3A_1392 = arith.cmpi ne, %parallel_loop3A_1384, %parallel_loop3A_1391 : i32
      %parallel_loop3A_1393 = arith.remsi %parallel_loop3A_1375, %parallel_loop3A_1376 : i32
      %parallel_loop3A_1394 = arith.constant 0 : i32
      %parallel_loop3A_1395 = arith.cmpi ne, %parallel_loop3A_1393, %parallel_loop3A_1394 : i32
      %parallel_loop3A_1396 = arith.andi %parallel_loop3A_1392, %parallel_loop3A_1395 : i1
      %parallel_loop3A_1397 = arith.constant 1 : i32
      %parallel_loop3A_1398 = arith.subi %parallel_loop3A_1377, %parallel_loop3A_1397 : i32
      %parallel_loop3A_1399 = arith.select %parallel_loop3A_1396, %parallel_loop3A_1398, %parallel_loop3A_1377 : i32
      %parallel_loop3A_1400 = arith.constant 0 : i32
      %parallel_loop3A_1401 = arith.addi %parallel_loop3A_1400, %parallel_loop3A_1399 : i32
      %parallel_loop3A_1402 = arith.constant 64 : i32
      %parallel_loop3A_1403 = arith.constant 0 : i32
      %parallel_loop3A_1404 = arith.cmpi eq, %parallel_loop3A_1402, %parallel_loop3A_1403 : i32
      %parallel_loop3A_1405 = arith.constant 1 : i32
      %parallel_loop3A_1406 = arith.select %parallel_loop3A_1404, %parallel_loop3A_1405, %parallel_loop3A_1402 : i32
      %parallel_loop3A_1407 = arith.remsi %parallel_loop3A_1375, %parallel_loop3A_1406 : i32
      %parallel_loop3A_1408 = arith.constant 0 : i32
      %parallel_loop3A_1409 = arith.cmpi ne, %parallel_loop3A_1407, %parallel_loop3A_1408 : i32
      %parallel_loop3A_1410 = arith.constant 0 : i32
      %parallel_loop3A_1411 = arith.cmpi slt, %parallel_loop3A_1407, %parallel_loop3A_1410 : i32
      %parallel_loop3A_1412 = arith.constant 0 : i32
      %parallel_loop3A_1413 = arith.cmpi slt, %parallel_loop3A_1406, %parallel_loop3A_1412 : i32
      %parallel_loop3A_1414 = arith.xori %parallel_loop3A_1411, %parallel_loop3A_1413 : i1
      %parallel_loop3A_1415 = arith.andi %parallel_loop3A_1414, %parallel_loop3A_1409 : i1
      %parallel_loop3A_1416 = arith.addi %parallel_loop3A_1407, %parallel_loop3A_1406 : i32
      %parallel_loop3A_1417 = arith.select %parallel_loop3A_1415, %parallel_loop3A_1416, %parallel_loop3A_1407 : i32
      %parallel_loop3A_1418 = arith.constant 16 : i32
      %parallel_loop3A_1419 = arith.muli %parallel_loop3A_1417, %parallel_loop3A_1418 : i32
      %parallel_loop3A_1420 = arith.index_cast %parallel_loop3A_1401 : i32 to index
      %parallel_loop3A_1421 = arith.index_cast %parallel_loop3A_1419 : i32 to index
      %parallel_loop3A_1422 = tpu.vector_load %arg19[%parallel_loop3A_1420, %parallel_loop3A_1421] {strides = array<i32>} : memref<32x1024xi32, #tpu.memory_space<vmem>>, vector<16xi32>,
      %parallel_loop3A_1423 = tpu.vector_load_idx %arg17[%broadcast_in_dim3A_80, %parallel_loop3A_1422] : memref<1x8192xf32, #tpu.memory_space<vmem>>[vector<16xi32>, vector<16xi32>], vector<16xf32>,
      %parallel_loop3A_1424 = arith.index_cast %parallel_loop3A_1401 : i32 to index
      %parallel_loop3A_1425 = arith.index_cast %parallel_loop3A_1419 : i32 to index
      %parallel_loop3A_1426 = tpu.vector_load %arg18[%parallel_loop3A_1424, %parallel_loop3A_1425] {strides = array<i32>} : memref<32x1024xf32, #tpu.memory_space<vmem>>, vector<16xf32>,
      tpu.vector_store %arg18[%parallel_loop3A_1424, %parallel_loop3A_1425], %parallel_loop3A_1423 {strides = array<i32>} : memref<32x1024xf32, #tpu.memory_space<vmem>>, vector<16xf32>,
    } {sc.loop_unroll_factor = 8 : i64, sc.parallel_access}
    %add3A_529 = arith.constant 0 : i32
    %add3A_530 = arith.addi %mul3A_515, %add3A_529 : i32
    %dma_start3A_531 = arith.constant 0 : i32
    %dma_start3A_532 = arith.constant 0 : i32
    %dma_start3A_533 = tpu.memref_slice %arg18[%dma_start3A_531, %dma_start3A_532] : memref<32x1024xf32, #tpu.memory_space<vmem>> -> memref<16x1024xf32, #tpu.memory_space<vmem>>
    %dma_start3A_534 = arith.constant 0 : i32
    %dma_start3A_535 = tpu.memref_slice %arg5[%add3A_530, %dma_start3A_534] : memref<16768x1024xf32, #tpu.memory_space<hbm>> -> memref<16x1024xf32, #tpu.memory_space<hbm>>
    %dma_start3A_536 = arith.constant 0 : i32
    %dma_start3A_537 = tpu.memref_slice %arg5[%add3A_530, %dma_start3A_536] : memref<16768x1024xf32, #tpu.memory_space<hbm>> -> memref<16x1024xf32, #tpu.memory_space<hbm>>
    %dma_start3A_538 = arith.constant 0 : i32
    %dma_start3A_539 = arith.constant 0 : i32
    %dma_start3A_540 = tpu.memref_slice %arg18[%dma_start3A_538, %dma_start3A_539] : memref<32x1024xf32, #tpu.memory_space<vmem>> -> memref<16x1024xf32, #tpu.memory_space<vmem>>
    tpu.enqueue_dma source(%dma_start3A_540 : memref<16x1024xf32, #tpu.memory_space<vmem>>) target(%dma_start3A_537 : memref<16x1024xf32, #tpu.memory_space<hbm>>) target_semaphore(%arg22 : memref<!tpu.dma_semaphore, #tpu.memory_space<semaphore_mem>>)
    %dma_wait3A_541 = arith.constant 16 : i32
    %dma_wait3A_542 = arith.constant 0 : i32
    %dma_wait3A_543 = tpu.memref_slice %arg18[%dma_wait3A_541, %dma_wait3A_542] : memref<32x1024xf32, #tpu.memory_space<vmem>> -> memref<16x1024xf32, #tpu.memory_space<vmem>>
    %dma_wait3A_544 = arith.constant 0 : i32
    %dma_wait3A_545 = tpu.memref_slice %arg5[%add3A_475, %dma_wait3A_544] : memref<16768x1024xf32, #tpu.memory_space<hbm>> -> memref<16x1024xf32, #tpu.memory_space<hbm>>
    %dma_wait3A_546 = arith.constant 0 : i32
    %dma_wait3A_547 = tpu.memref_slice %arg5[%add3A_475, %dma_wait3A_546] : memref<16768x1024xf32, #tpu.memory_space<hbm>> -> memref<16x1024xf32, #tpu.memory_space<hbm>>
    %dma_wait3A_548 = arith.constant 16 : i32
    %dma_wait3A_549 = arith.constant 0 : i32
    %dma_wait3A_550 = tpu.memref_slice %arg18[%dma_wait3A_548, %dma_wait3A_549] : memref<32x1024xf32, #tpu.memory_space<vmem>> -> memref<16x1024xf32, #tpu.memory_space<vmem>>
    tpu.wait_dma2 semaphore(%arg23 : memref<!tpu.dma_semaphore, #tpu.memory_space<semaphore_mem>>) src(%dma_wait3A_550 : memref<16x1024xf32, #tpu.memory_space<vmem>>) dst(%dma_wait3A_547 : memref<16x1024xf32, #tpu.memory_space<hbm>>)
    %parallel_loop3A_551 = arith.constant 0 : i32
    %parallel_loop3A_552 = arith.constant 1024 : i32
    %parallel_loop3A_553 = arith.constant 1 : i32
    scf.for %parallel_loop3A_1375 = %parallel_loop3A_551 to %parallel_loop3A_552 step %parallel_loop3A_553  : i32 {
      %parallel_loop3A_1376 = arith.constant 64 : i32
      %parallel_loop3A_1377 = arith.divsi %parallel_loop3A_1375, %parallel_loop3A_1376 : i32
      %parallel_loop3A_1378 = arith.constant 0 : i32
      %parallel_loop3A_1379 = arith.cmpi sgt, %parallel_loop3A_1375, %parallel_loop3A_1378 : i32
      %parallel_loop3A_1380 = arith.extui %parallel_loop3A_1379 : i1 to i32
      %parallel_loop3A_1381 = arith.constant 0 : i32
      %parallel_loop3A_1382 = arith.cmpi slt, %parallel_loop3A_1375, %parallel_loop3A_1381 : i32
      %parallel_loop3A_1383 = arith.extui %parallel_loop3A_1382 : i1 to i32
      %parallel_loop3A_1384 = arith.subi %parallel_loop3A_1380, %parallel_loop3A_1383 : i32
      %parallel_loop3A_1385 = arith.constant 0 : i32
      %parallel_loop3A_1386 = arith.cmpi sgt, %parallel_loop3A_1376, %parallel_loop3A_1385 : i32
      %parallel_loop3A_1387 = arith.extui %parallel_loop3A_1386 : i1 to i32
      %parallel_loop3A_1388 = arith.constant 0 : i32
      %parallel_loop3A_1389 = arith.cmpi slt, %parallel_loop3A_1376, %parallel_loop3A_1388 : i32
      %parallel_loop3A_1390 = arith.extui %parallel_loop3A_1389 : i1 to i32
      %parallel_loop3A_1391 = arith.subi %parallel_loop3A_1387, %parallel_loop3A_1390 : i32
      %parallel_loop3A_1392 = arith.cmpi ne, %parallel_loop3A_1384, %parallel_loop3A_1391 : i32
      %parallel_loop3A_1393 = arith.remsi %parallel_loop3A_1375, %parallel_loop3A_1376 : i32
      %parallel_loop3A_1394 = arith.constant 0 : i32
      %parallel_loop3A_1395 = arith.cmpi ne, %parallel_loop3A_1393, %parallel_loop3A_1394 : i32
      %parallel_loop3A_1396 = arith.andi %parallel_loop3A_1392, %parallel_loop3A_1395 : i1
      %parallel_loop3A_1397 = arith.constant 1 : i32
      %parallel_loop3A_1398 = arith.subi %parallel_loop3A_1377, %parallel_loop3A_1397 : i32
      %parallel_loop3A_1399 = arith.select %parallel_loop3A_1396, %parallel_loop3A_1398, %parallel_loop3A_1377 : i32
      %parallel_loop3A_1400 = arith.constant 16 : i32
      %parallel_loop3A_1401 = arith.addi %parallel_loop3A_1400, %parallel_loop3A_1399 : i32
      %parallel_loop3A_1402 = arith.constant 64 : i32
      %parallel_loop3A_1403 = arith.constant 0 : i32
      %parallel_loop3A_1404 = arith.cmpi eq, %parallel_loop3A_1402, %parallel_loop3A_1403 : i32
      %parallel_loop3A_1405 = arith.constant 1 : i32
      %parallel_loop3A_1406 = arith.select %parallel_loop3A_1404, %parallel_loop3A_1405, %parallel_loop3A_1402 : i32
      %parallel_loop3A_1407 = arith.remsi %parallel_loop3A_1375, %parallel_loop3A_1406 : i32
      %parallel_loop3A_1408 = arith.constant 0 : i32
      %parallel_loop3A_1409 = arith.cmpi ne, %parallel_loop3A_1407, %parallel_loop3A_1408 : i32
      %parallel_loop3A_1410 = arith.constant 0 : i32
      %parallel_loop3A_1411 = arith.cmpi slt, %parallel_loop3A_1407, %parallel_loop3A_1410 : i32
      %parallel_loop3A_1412 = arith.constant 0 : i32
      %parallel_loop3A_1413 = arith.cmpi slt, %parallel_loop3A_1406, %parallel_loop3A_1412 : i32
      %parallel_loop3A_1414 = arith.xori %parallel_loop3A_1411, %parallel_loop3A_1413 : i1
      %parallel_loop3A_1415 = arith.andi %parallel_loop3A_1414, %parallel_loop3A_1409 : i1
      %parallel_loop3A_1416 = arith.addi %parallel_loop3A_1407, %parallel_loop3A_1406 : i32
      %parallel_loop3A_1417 = arith.select %parallel_loop3A_1415, %parallel_loop3A_1416, %parallel_loop3A_1407 : i32
      %parallel_loop3A_1418 = arith.constant 16 : i32
      %parallel_loop3A_1419 = arith.muli %parallel_loop3A_1417, %parallel_loop3A_1418 : i32
      %parallel_loop3A_1420 = arith.index_cast %parallel_loop3A_1401 : i32 to index
      %parallel_loop3A_1421 = arith.index_cast %parallel_loop3A_1419 : i32 to index
      %parallel_loop3A_1422 = tpu.vector_load %arg19[%parallel_loop3A_1420, %parallel_loop3A_1421] {strides = array<i32>} : memref<32x1024xi32, #tpu.memory_space<vmem>>, vector<16xi32>,
      %parallel_loop3A_1423 = tpu.vector_load_idx %arg17[%broadcast_in_dim3A_80, %parallel_loop3A_1422] : memref<1x8192xf32, #tpu.memory_space<vmem>>[vector<16xi32>, vector<16xi32>], vector<16xf32>,
      %parallel_loop3A_1424 = arith.index_cast %parallel_loop3A_1401 : i32 to index
      %parallel_loop3A_1425 = arith.index_cast %parallel_loop3A_1419 : i32 to index
      %parallel_loop3A_1426 = tpu.vector_load %arg18[%parallel_loop3A_1424, %parallel_loop3A_1425] {strides = array<i32>} : memref<32x1024xf32, #tpu.memory_space<vmem>>, vector<16xf32>,
      tpu.vector_store %arg18[%parallel_loop3A_1424, %parallel_loop3A_1425], %parallel_loop3A_1423 {strides = array<i32>} : memref<32x1024xf32, #tpu.memory_space<vmem>>, vector<16xf32>,
    } {sc.loop_unroll_factor = 8 : i64, sc.parallel_access}
    %add3A_554 = arith.constant 16 : i32
    %add3A_555 = arith.addi %mul3A_515, %add3A_554 : i32
    %dma_start3A_556 = arith.constant 16 : i32
    %dma_start3A_557 = arith.constant 0 : i32
    %dma_start3A_558 = tpu.memref_slice %arg18[%dma_start3A_556, %dma_start3A_557] : memref<32x1024xf32, #tpu.memory_space<vmem>> -> memref<16x1024xf32, #tpu.memory_space<vmem>>
    %dma_start3A_559 = arith.constant 0 : i32
    %dma_start3A_560 = tpu.memref_slice %arg5[%add3A_555, %dma_start3A_559] : memref<16768x1024xf32, #tpu.memory_space<hbm>> -> memref<16x1024xf32, #tpu.memory_space<hbm>>
    %dma_start3A_561 = arith.constant 0 : i32
    %dma_start3A_562 = tpu.memref_slice %arg5[%add3A_555, %dma_start3A_561] : memref<16768x1024xf32, #tpu.memory_space<hbm>> -> memref<16x1024xf32, #tpu.memory_space<hbm>>
    %dma_start3A_563 = arith.constant 16 : i32
    %dma_start3A_564 = arith.constant 0 : i32
    %dma_start3A_565 = tpu.memref_slice %arg18[%dma_start3A_563, %dma_start3A_564] : memref<32x1024xf32, #tpu.memory_space<vmem>> -> memref<16x1024xf32, #tpu.memory_space<vmem>>
    tpu.enqueue_dma source(%dma_start3A_565 : memref<16x1024xf32, #tpu.memory_space<vmem>>) target(%dma_start3A_562 : memref<16x1024xf32, #tpu.memory_space<hbm>>) target_semaphore(%arg23 : memref<!tpu.dma_semaphore, #tpu.memory_space<semaphore_mem>>)
    %mul3A_566 = arith.constant 2 : i32
    %mul3A_567 = arith.muli %arg0, %mul3A_566 : i32
    %add3A_568 = arith.constant 0 : i32
    %add3A_569 = arith.addi %mul3A_567, %add3A_568 : i32
    %add3A_570 = arith.constant 96 : i32
    %add3A_571 = arith.addi %add3A_570, %arg1 : i32
    %add3A_572 = arith.constant 112 : i32
    %add3A_573 = arith.addi %add3A_572, %arg1 : i32
    %mul3A_574 = arith.constant 2 : i32
    %mul3A_575 = arith.muli %arg0, %mul3A_574 : i32
    %add3A_576 = arith.constant 0 : i32
    %add3A_577 = arith.addi %mul3A_575, %add3A_576 : i32
    %mul3A_578 = arith.constant 128 : i32
    %mul3A_579 = arith.muli %add3A_577, %mul3A_578 : i32
    %add3A_580 = arith.addi %mul3A_579, %add3A_573 : i32
    %dma_start3A_581 = arith.constant 0 : i32
    %dma_start3A_582 = tpu.memref_slice %arg4[%add3A_580, %dma_start3A_581] : memref<512x8192xf32, #tpu.memory_space<hbm>> -> memref<1x8192xf32, #tpu.memory_space<hbm>>
    %dma_start3A_583 = arith.constant 0 : i32
    %dma_start3A_584 = tpu.memref_slice %arg4[%add3A_580, %dma_start3A_583] : memref<512x8192xf32, #tpu.memory_space<hbm>> -> memref<1x8192xf32, #tpu.memory_space<hbm>>
    tpu.enqueue_dma source(%dma_start3A_584 : memref<1x8192xf32, #tpu.memory_space<hbm>>) target(%arg17 : memref<1x8192xf32, #tpu.memory_space<vmem>>) target_semaphore(%arg21 : memref<!tpu.dma_semaphore, #tpu.memory_space<semaphore_mem>>)
    %dma_wait3A_585 = arith.constant 0 : i32
    %dma_wait3A_586 = tpu.memref_slice %arg4[%add3A_500, %dma_wait3A_585] : memref<512x8192xf32, #tpu.memory_space<hbm>> -> memref<1x8192xf32, #tpu.memory_space<hbm>>
    %dma_wait3A_587 = arith.constant 0 : i32
    %dma_wait3A_588 = tpu.memref_slice %arg4[%add3A_500, %dma_wait3A_587] : memref<512x8192xf32, #tpu.memory_space<hbm>> -> memref<1x8192xf32, #tpu.memory_space<hbm>>
    tpu.wait_dma2 semaphore(%arg20 : memref<!tpu.dma_semaphore, #tpu.memory_space<semaphore_mem>>) src(%dma_wait3A_588 : memref<1x8192xf32, #tpu.memory_space<hbm>>) dst(%arg16 : memref<1x8192xf32, #tpu.memory_space<vmem>>)
    %mul3A_589 = arith.constant 131 : i32
    %mul3A_590 = arith.muli %add3A_569, %mul3A_589 : i32
    %add3A_591 = arith.constant 3 : i32
    %add3A_592 = arith.addi %mul3A_590, %add3A_591 : i32
    %add3A_593 = arith.addi %add3A_592, %add3A_571 : i32
    %mul3A_594 = arith.constant 32 : i32
    %mul3A_595 = arith.muli %add3A_593, %mul3A_594 : i32
    %dma_wait3A_596 = arith.constant 0 : i32
    %dma_wait3A_597 = arith.constant 0 : i32
    %dma_wait3A_598 = tpu.memref_slice %arg18[%dma_wait3A_596, %dma_wait3A_597] : memref<32x1024xf32, #tpu.memory_space<vmem>> -> memref<16x1024xf32, #tpu.memory_space<vmem>>
    %dma_wait3A_599 = arith.constant 0 : i32
    %dma_wait3A_600 = tpu.memref_slice %arg5[%add3A_530, %dma_wait3A_599] : memref<16768x1024xf32, #tpu.memory_space<hbm>> -> memref<16x1024xf32, #tpu.memory_space<hbm>>
    %dma_wait3A_601 = arith.constant 0 : i32
    %dma_wait3A_602 = tpu.memref_slice %arg5[%add3A_530, %dma_wait3A_601] : memref<16768x1024xf32, #tpu.memory_space<hbm>> -> memref<16x1024xf32, #tpu.memory_space<hbm>>
    %dma_wait3A_603 = arith.constant 0 : i32
    %dma_wait3A_604 = arith.constant 0 : i32
    %dma_wait3A_605 = tpu.memref_slice %arg18[%dma_wait3A_603, %dma_wait3A_604] : memref<32x1024xf32, #tpu.memory_space<vmem>> -> memref<16x1024xf32, #tpu.memory_space<vmem>>
    tpu.wait_dma2 semaphore(%arg22 : memref<!tpu.dma_semaphore, #tpu.memory_space<semaphore_mem>>) src(%dma_wait3A_605 : memref<16x1024xf32, #tpu.memory_space<vmem>>) dst(%dma_wait3A_602 : memref<16x1024xf32, #tpu.memory_space<hbm>>)
    %parallel_loop3A_606 = arith.constant 0 : i32
    %parallel_loop3A_607 = arith.constant 1024 : i32
    %parallel_loop3A_608 = arith.constant 1 : i32
    scf.for %parallel_loop3A_1375 = %parallel_loop3A_606 to %parallel_loop3A_607 step %parallel_loop3A_608  : i32 {
      %parallel_loop3A_1376 = arith.constant 64 : i32
      %parallel_loop3A_1377 = arith.divsi %parallel_loop3A_1375, %parallel_loop3A_1376 : i32
      %parallel_loop3A_1378 = arith.constant 0 : i32
      %parallel_loop3A_1379 = arith.cmpi sgt, %parallel_loop3A_1375, %parallel_loop3A_1378 : i32
      %parallel_loop3A_1380 = arith.extui %parallel_loop3A_1379 : i1 to i32
      %parallel_loop3A_1381 = arith.constant 0 : i32
      %parallel_loop3A_1382 = arith.cmpi slt, %parallel_loop3A_1375, %parallel_loop3A_1381 : i32
      %parallel_loop3A_1383 = arith.extui %parallel_loop3A_1382 : i1 to i32
      %parallel_loop3A_1384 = arith.subi %parallel_loop3A_1380, %parallel_loop3A_1383 : i32
      %parallel_loop3A_1385 = arith.constant 0 : i32
      %parallel_loop3A_1386 = arith.cmpi sgt, %parallel_loop3A_1376, %parallel_loop3A_1385 : i32
      %parallel_loop3A_1387 = arith.extui %parallel_loop3A_1386 : i1 to i32
      %parallel_loop3A_1388 = arith.constant 0 : i32
      %parallel_loop3A_1389 = arith.cmpi slt, %parallel_loop3A_1376, %parallel_loop3A_1388 : i32
      %parallel_loop3A_1390 = arith.extui %parallel_loop3A_1389 : i1 to i32
      %parallel_loop3A_1391 = arith.subi %parallel_loop3A_1387, %parallel_loop3A_1390 : i32
      %parallel_loop3A_1392 = arith.cmpi ne, %parallel_loop3A_1384, %parallel_loop3A_1391 : i32
      %parallel_loop3A_1393 = arith.remsi %parallel_loop3A_1375, %parallel_loop3A_1376 : i32
      %parallel_loop3A_1394 = arith.constant 0 : i32
      %parallel_loop3A_1395 = arith.cmpi ne, %parallel_loop3A_1393, %parallel_loop3A_1394 : i32
      %parallel_loop3A_1396 = arith.andi %parallel_loop3A_1392, %parallel_loop3A_1395 : i1
      %parallel_loop3A_1397 = arith.constant 1 : i32
      %parallel_loop3A_1398 = arith.subi %parallel_loop3A_1377, %parallel_loop3A_1397 : i32
      %parallel_loop3A_1399 = arith.select %parallel_loop3A_1396, %parallel_loop3A_1398, %parallel_loop3A_1377 : i32
      %parallel_loop3A_1400 = arith.constant 0 : i32
      %parallel_loop3A_1401 = arith.addi %parallel_loop3A_1400, %parallel_loop3A_1399 : i32
      %parallel_loop3A_1402 = arith.constant 64 : i32
      %parallel_loop3A_1403 = arith.constant 0 : i32
      %parallel_loop3A_1404 = arith.cmpi eq, %parallel_loop3A_1402, %parallel_loop3A_1403 : i32
      %parallel_loop3A_1405 = arith.constant 1 : i32
      %parallel_loop3A_1406 = arith.select %parallel_loop3A_1404, %parallel_loop3A_1405, %parallel_loop3A_1402 : i32
      %parallel_loop3A_1407 = arith.remsi %parallel_loop3A_1375, %parallel_loop3A_1406 : i32
      %parallel_loop3A_1408 = arith.constant 0 : i32
      %parallel_loop3A_1409 = arith.cmpi ne, %parallel_loop3A_1407, %parallel_loop3A_1408 : i32
      %parallel_loop3A_1410 = arith.constant 0 : i32
      %parallel_loop3A_1411 = arith.cmpi slt, %parallel_loop3A_1407, %parallel_loop3A_1410 : i32
      %parallel_loop3A_1412 = arith.constant 0 : i32
      %parallel_loop3A_1413 = arith.cmpi slt, %parallel_loop3A_1406, %parallel_loop3A_1412 : i32
      %parallel_loop3A_1414 = arith.xori %parallel_loop3A_1411, %parallel_loop3A_1413 : i1
      %parallel_loop3A_1415 = arith.andi %parallel_loop3A_1414, %parallel_loop3A_1409 : i1
      %parallel_loop3A_1416 = arith.addi %parallel_loop3A_1407, %parallel_loop3A_1406 : i32
      %parallel_loop3A_1417 = arith.select %parallel_loop3A_1415, %parallel_loop3A_1416, %parallel_loop3A_1407 : i32
      %parallel_loop3A_1418 = arith.constant 16 : i32
      %parallel_loop3A_1419 = arith.muli %parallel_loop3A_1417, %parallel_loop3A_1418 : i32
      %parallel_loop3A_1420 = arith.index_cast %parallel_loop3A_1401 : i32 to index
      %parallel_loop3A_1421 = arith.index_cast %parallel_loop3A_1419 : i32 to index
      %parallel_loop3A_1422 = tpu.vector_load %arg19[%parallel_loop3A_1420, %parallel_loop3A_1421] {strides = array<i32>} : memref<32x1024xi32, #tpu.memory_space<vmem>>, vector<16xi32>,
      %parallel_loop3A_1423 = tpu.vector_load_idx %arg16[%broadcast_in_dim3A_80, %parallel_loop3A_1422] : memref<1x8192xf32, #tpu.memory_space<vmem>>[vector<16xi32>, vector<16xi32>], vector<16xf32>,
      %parallel_loop3A_1424 = arith.index_cast %parallel_loop3A_1401 : i32 to index
      %parallel_loop3A_1425 = arith.index_cast %parallel_loop3A_1419 : i32 to index
      %parallel_loop3A_1426 = tpu.vector_load %arg18[%parallel_loop3A_1424, %parallel_loop3A_1425] {strides = array<i32>} : memref<32x1024xf32, #tpu.memory_space<vmem>>, vector<16xf32>,
      tpu.vector_store %arg18[%parallel_loop3A_1424, %parallel_loop3A_1425], %parallel_loop3A_1423 {strides = array<i32>} : memref<32x1024xf32, #tpu.memory_space<vmem>>, vector<16xf32>,
    } {sc.loop_unroll_factor = 8 : i64, sc.parallel_access}
    %add3A_609 = arith.constant 0 : i32
    %add3A_610 = arith.addi %mul3A_595, %add3A_609 : i32
    %dma_start3A_611 = arith.constant 0 : i32
    %dma_start3A_612 = arith.constant 0 : i32
    %dma_start3A_613 = tpu.memref_slice %arg18[%dma_start3A_611, %dma_start3A_612] : memref<32x1024xf32, #tpu.memory_space<vmem>> -> memref<16x1024xf32, #tpu.memory_space<vmem>>
    %dma_start3A_614 = arith.constant 0 : i32
    %dma_start3A_615 = tpu.memref_slice %arg5[%add3A_610, %dma_start3A_614] : memref<16768x1024xf32, #tpu.memory_space<hbm>> -> memref<16x1024xf32, #tpu.memory_space<hbm>>
    %dma_start3A_616 = arith.constant 0 : i32
    %dma_start3A_617 = tpu.memref_slice %arg5[%add3A_610, %dma_start3A_616] : memref<16768x1024xf32, #tpu.memory_space<hbm>> -> memref<16x1024xf32, #tpu.memory_space<hbm>>
    %dma_start3A_618 = arith.constant 0 : i32
    %dma_start3A_619 = arith.constant 0 : i32
    %dma_start3A_620 = tpu.memref_slice %arg18[%dma_start3A_618, %dma_start3A_619] : memref<32x1024xf32, #tpu.memory_space<vmem>> -> memref<16x1024xf32, #tpu.memory_space<vmem>>
    tpu.enqueue_dma source(%dma_start3A_620 : memref<16x1024xf32, #tpu.memory_space<vmem>>) target(%dma_start3A_617 : memref<16x1024xf32, #tpu.memory_space<hbm>>) target_semaphore(%arg22 : memref<!tpu.dma_semaphore, #tpu.memory_space<semaphore_mem>>)
    %dma_wait3A_621 = arith.constant 16 : i32
    %dma_wait3A_622 = arith.constant 0 : i32
    %dma_wait3A_623 = tpu.memref_slice %arg18[%dma_wait3A_621, %dma_wait3A_622] : memref<32x1024xf32, #tpu.memory_space<vmem>> -> memref<16x1024xf32, #tpu.memory_space<vmem>>
    %dma_wait3A_624 = arith.constant 0 : i32
    %dma_wait3A_625 = tpu.memref_slice %arg5[%add3A_555, %dma_wait3A_624] : memref<16768x1024xf32, #tpu.memory_space<hbm>> -> memref<16x1024xf32, #tpu.memory_space<hbm>>
    %dma_wait3A_626 = arith.constant 0 : i32
    %dma_wait3A_627 = tpu.memref_slice %arg5[%add3A_555, %dma_wait3A_626] : memref<16768x1024xf32, #tpu.memory_space<hbm>> -> memref<16x1024xf32, #tpu.memory_space<hbm>>
    %dma_wait3A_628 = arith.constant 16 : i32
    %dma_wait3A_629 = arith.constant 0 : i32
    %dma_wait3A_630 = tpu.memref_slice %arg18[%dma_wait3A_628, %dma_wait3A_629] : memref<32x1024xf32, #tpu.memory_space<vmem>> -> memref<16x1024xf32, #tpu.memory_space<vmem>>
    tpu.wait_dma2 semaphore(%arg23 : memref<!tpu.dma_semaphore, #tpu.memory_space<semaphore_mem>>) src(%dma_wait3A_630 : memref<16x1024xf32, #tpu.memory_space<vmem>>) dst(%dma_wait3A_627 : memref<16x1024xf32, #tpu.memory_space<hbm>>)
    %parallel_loop3A_631 = arith.constant 0 : i32
    %parallel_loop3A_632 = arith.constant 1024 : i32
    %parallel_loop3A_633 = arith.constant 1 : i32
    scf.for %parallel_loop3A_1375 = %parallel_loop3A_631 to %parallel_loop3A_632 step %parallel_loop3A_633  : i32 {
      %parallel_loop3A_1376 = arith.constant 64 : i32
      %parallel_loop3A_1377 = arith.divsi %parallel_loop3A_1375, %parallel_loop3A_1376 : i32
      %parallel_loop3A_1378 = arith.constant 0 : i32
      %parallel_loop3A_1379 = arith.cmpi sgt, %parallel_loop3A_1375, %parallel_loop3A_1378 : i32
      %parallel_loop3A_1380 = arith.extui %parallel_loop3A_1379 : i1 to i32
      %parallel_loop3A_1381 = arith.constant 0 : i32
      %parallel_loop3A_1382 = arith.cmpi slt, %parallel_loop3A_1375, %parallel_loop3A_1381 : i32
      %parallel_loop3A_1383 = arith.extui %parallel_loop3A_1382 : i1 to i32
      %parallel_loop3A_1384 = arith.subi %parallel_loop3A_1380, %parallel_loop3A_1383 : i32
      %parallel_loop3A_1385 = arith.constant 0 : i32
      %parallel_loop3A_1386 = arith.cmpi sgt, %parallel_loop3A_1376, %parallel_loop3A_1385 : i32
      %parallel_loop3A_1387 = arith.extui %parallel_loop3A_1386 : i1 to i32
      %parallel_loop3A_1388 = arith.constant 0 : i32
      %parallel_loop3A_1389 = arith.cmpi slt, %parallel_loop3A_1376, %parallel_loop3A_1388 : i32
      %parallel_loop3A_1390 = arith.extui %parallel_loop3A_1389 : i1 to i32
      %parallel_loop3A_1391 = arith.subi %parallel_loop3A_1387, %parallel_loop3A_1390 : i32
      %parallel_loop3A_1392 = arith.cmpi ne, %parallel_loop3A_1384, %parallel_loop3A_1391 : i32
      %parallel_loop3A_1393 = arith.remsi %parallel_loop3A_1375, %parallel_loop3A_1376 : i32
      %parallel_loop3A_1394 = arith.constant 0 : i32
      %parallel_loop3A_1395 = arith.cmpi ne, %parallel_loop3A_1393, %parallel_loop3A_1394 : i32
      %parallel_loop3A_1396 = arith.andi %parallel_loop3A_1392, %parallel_loop3A_1395 : i1
      %parallel_loop3A_1397 = arith.constant 1 : i32
      %parallel_loop3A_1398 = arith.subi %parallel_loop3A_1377, %parallel_loop3A_1397 : i32
      %parallel_loop3A_1399 = arith.select %parallel_loop3A_1396, %parallel_loop3A_1398, %parallel_loop3A_1377 : i32
      %parallel_loop3A_1400 = arith.constant 16 : i32
      %parallel_loop3A_1401 = arith.addi %parallel_loop3A_1400, %parallel_loop3A_1399 : i32
      %parallel_loop3A_1402 = arith.constant 64 : i32
      %parallel_loop3A_1403 = arith.constant 0 : i32
      %parallel_loop3A_1404 = arith.cmpi eq, %parallel_loop3A_1402, %parallel_loop3A_1403 : i32
      %parallel_loop3A_1405 = arith.constant 1 : i32
      %parallel_loop3A_1406 = arith.select %parallel_loop3A_1404, %parallel_loop3A_1405, %parallel_loop3A_1402 : i32
      %parallel_loop3A_1407 = arith.remsi %parallel_loop3A_1375, %parallel_loop3A_1406 : i32
      %parallel_loop3A_1408 = arith.constant 0 : i32
      %parallel_loop3A_1409 = arith.cmpi ne, %parallel_loop3A_1407, %parallel_loop3A_1408 : i32
      %parallel_loop3A_1410 = arith.constant 0 : i32
      %parallel_loop3A_1411 = arith.cmpi slt, %parallel_loop3A_1407, %parallel_loop3A_1410 : i32
      %parallel_loop3A_1412 = arith.constant 0 : i32
      %parallel_loop3A_1413 = arith.cmpi slt, %parallel_loop3A_1406, %parallel_loop3A_1412 : i32
      %parallel_loop3A_1414 = arith.xori %parallel_loop3A_1411, %parallel_loop3A_1413 : i1
      %parallel_loop3A_1415 = arith.andi %parallel_loop3A_1414, %parallel_loop3A_1409 : i1
      %parallel_loop3A_1416 = arith.addi %parallel_loop3A_1407, %parallel_loop3A_1406 : i32
      %parallel_loop3A_1417 = arith.select %parallel_loop3A_1415, %parallel_loop3A_1416, %parallel_loop3A_1407 : i32
      %parallel_loop3A_1418 = arith.constant 16 : i32
      %parallel_loop3A_1419 = arith.muli %parallel_loop3A_1417, %parallel_loop3A_1418 : i32
      %parallel_loop3A_1420 = arith.index_cast %parallel_loop3A_1401 : i32 to index
      %parallel_loop3A_1421 = arith.index_cast %parallel_loop3A_1419 : i32 to index
      %parallel_loop3A_1422 = tpu.vector_load %arg19[%parallel_loop3A_1420, %parallel_loop3A_1421] {strides = array<i32>} : memref<32x1024xi32, #tpu.memory_space<vmem>>, vector<16xi32>,
      %parallel_loop3A_1423 = tpu.vector_load_idx %arg16[%broadcast_in_dim3A_80, %parallel_loop3A_1422] : memref<1x8192xf32, #tpu.memory_space<vmem>>[vector<16xi32>, vector<16xi32>], vector<16xf32>,
      %parallel_loop3A_1424 = arith.index_cast %parallel_loop3A_1401 : i32 to index
      %parallel_loop3A_1425 = arith.index_cast %parallel_loop3A_1419 : i32 to index
      %parallel_loop3A_1426 = tpu.vector_load %arg18[%parallel_loop3A_1424, %parallel_loop3A_1425] {strides = array<i32>} : memref<32x1024xf32, #tpu.memory_space<vmem>>, vector<16xf32>,
      tpu.vector_store %arg18[%parallel_loop3A_1424, %parallel_loop3A_1425], %parallel_loop3A_1423 {strides = array<i32>} : memref<32x1024xf32, #tpu.memory_space<vmem>>, vector<16xf32>,
    } {sc.loop_unroll_factor = 8 : i64, sc.parallel_access}
    %add3A_634 = arith.constant 16 : i32
    %add3A_635 = arith.addi %mul3A_595, %add3A_634 : i32
    %dma_start3A_636 = arith.constant 16 : i32
    %dma_start3A_637 = arith.constant 0 : i32
    %dma_start3A_638 = tpu.memref_slice %arg18[%dma_start3A_636, %dma_start3A_637] : memref<32x1024xf32, #tpu.memory_space<vmem>> -> memref<16x1024xf32, #tpu.memory_space<vmem>>
    %dma_start3A_639 = arith.constant 0 : i32
    %dma_start3A_640 = tpu.memref_slice %arg5[%add3A_635, %dma_start3A_639] : memref<16768x1024xf32, #tpu.memory_space<hbm>> -> memref<16x1024xf32, #tpu.memory_space<hbm>>
    %dma_start3A_641 = arith.constant 0 : i32
    %dma_start3A_642 = tpu.memref_slice %arg5[%add3A_635, %dma_start3A_641] : memref<16768x1024xf32, #tpu.memory_space<hbm>> -> memref<16x1024xf32, #tpu.memory_space<hbm>>
    %dma_start3A_643 = arith.constant 16 : i32
    %dma_start3A_644 = arith.constant 0 : i32
    %dma_start3A_645 = tpu.memref_slice %arg18[%dma_start3A_643, %dma_start3A_644] : memref<32x1024xf32, #tpu.memory_space<vmem>> -> memref<16x1024xf32, #tpu.memory_space<vmem>>
    tpu.enqueue_dma source(%dma_start3A_645 : memref<16x1024xf32, #tpu.memory_space<vmem>>) target(%dma_start3A_642 : memref<16x1024xf32, #tpu.memory_space<hbm>>) target_semaphore(%arg23 : memref<!tpu.dma_semaphore, #tpu.memory_space<semaphore_mem>>)
    %mul3A_646 = arith.constant 2 : i32
    %mul3A_647 = arith.muli %arg0, %mul3A_646 : i32
    %add3A_648 = arith.constant 0 : i32
    %add3A_649 = arith.addi %mul3A_647, %add3A_648 : i32
    %add3A_650 = arith.constant 112 : i32
    %add3A_651 = arith.addi %add3A_650, %arg1 : i32
    %add3A_652 = arith.constant 0 : i32
    %add3A_653 = arith.addi %add3A_652, %arg1 : i32
    %mul3A_654 = arith.constant 2 : i32
    %mul3A_655 = arith.muli %arg0, %mul3A_654 : i32
    %add3A_656 = arith.constant 1 : i32
    %add3A_657 = arith.addi %mul3A_655, %add3A_656 : i32
    %mul3A_658 = arith.constant 128 : i32
    %mul3A_659 = arith.muli %add3A_657, %mul3A_658 : i32
    %add3A_660 = arith.addi %mul3A_659, %add3A_653 : i32
    %dma_start3A_661 = arith.constant 0 : i32
    %dma_start3A_662 = tpu.memref_slice %arg4[%add3A_660, %dma_start3A_661] : memref<512x8192xf32, #tpu.memory_space<hbm>> -> memref<1x8192xf32, #tpu.memory_space<hbm>>
    %dma_start3A_663 = arith.constant 0 : i32
    %dma_start3A_664 = tpu.memref_slice %arg4[%add3A_660, %dma_start3A_663] : memref<512x8192xf32, #tpu.memory_space<hbm>> -> memref<1x8192xf32, #tpu.memory_space<hbm>>
    tpu.enqueue_dma source(%dma_start3A_664 : memref<1x8192xf32, #tpu.memory_space<hbm>>) target(%arg16 : memref<1x8192xf32, #tpu.memory_space<vmem>>) target_semaphore(%arg20 : memref<!tpu.dma_semaphore, #tpu.memory_space<semaphore_mem>>)
    %dma_wait3A_665 = arith.constant 0 : i32
    %dma_wait3A_666 = tpu.memref_slice %arg4[%add3A_580, %dma_wait3A_665] : memref<512x8192xf32, #tpu.memory_space<hbm>> -> memref<1x8192xf32, #tpu.memory_space<hbm>>
    %dma_wait3A_667 = arith.constant 0 : i32
    %dma_wait3A_668 = tpu.memref_slice %arg4[%add3A_580, %dma_wait3A_667] : memref<512x8192xf32, #tpu.memory_space<hbm>> -> memref<1x8192xf32, #tpu.memory_space<hbm>>
    tpu.wait_dma2 semaphore(%arg21 : memref<!tpu.dma_semaphore, #tpu.memory_space<semaphore_mem>>) src(%dma_wait3A_668 : memref<1x8192xf32, #tpu.memory_space<hbm>>) dst(%arg17 : memref<1x8192xf32, #tpu.memory_space<vmem>>)
    %mul3A_669 = arith.constant 131 : i32
    %mul3A_670 = arith.muli %add3A_649, %mul3A_669 : i32
    %add3A_671 = arith.constant 3 : i32
    %add3A_672 = arith.addi %mul3A_670, %add3A_671 : i32
    %add3A_673 = arith.addi %add3A_672, %add3A_651 : i32
    %mul3A_674 = arith.constant 32 : i32
    %mul3A_675 = arith.muli %add3A_673, %mul3A_674 : i32
    %dma_wait3A_676 = arith.constant 0 : i32
    %dma_wait3A_677 = arith.constant 0 : i32
    %dma_wait3A_678 = tpu.memref_slice %arg18[%dma_wait3A_676, %dma_wait3A_677] : memref<32x1024xf32, #tpu.memory_space<vmem>> -> memref<16x1024xf32, #tpu.memory_space<vmem>>
    %dma_wait3A_679 = arith.constant 0 : i32
    %dma_wait3A_680 = tpu.memref_slice %arg5[%add3A_610, %dma_wait3A_679] : memref<16768x1024xf32, #tpu.memory_space<hbm>> -> memref<16x1024xf32, #tpu.memory_space<hbm>>
    %dma_wait3A_681 = arith.constant 0 : i32
    %dma_wait3A_682 = tpu.memref_slice %arg5[%add3A_610, %dma_wait3A_681] : memref<16768x1024xf32, #tpu.memory_space<hbm>> -> memref<16x1024xf32, #tpu.memory_space<hbm>>
    %dma_wait3A_683 = arith.constant 0 : i32
    %dma_wait3A_684 = arith.constant 0 : i32
    %dma_wait3A_685 = tpu.memref_slice %arg18[%dma_wait3A_683, %dma_wait3A_684] : memref<32x1024xf32, #tpu.memory_space<vmem>> -> memref<16x1024xf32, #tpu.memory_space<vmem>>
    tpu.wait_dma2 semaphore(%arg22 : memref<!tpu.dma_semaphore, #tpu.memory_space<semaphore_mem>>) src(%dma_wait3A_685 : memref<16x1024xf32, #tpu.memory_space<vmem>>) dst(%dma_wait3A_682 : memref<16x1024xf32, #tpu.memory_space<hbm>>)
    %parallel_loop3A_686 = arith.constant 0 : i32
    %parallel_loop3A_687 = arith.constant 1024 : i32
    %parallel_loop3A_688 = arith.constant 1 : i32
    scf.for %parallel_loop3A_1375 = %parallel_loop3A_686 to %parallel_loop3A_687 step %parallel_loop3A_688  : i32 {
      %parallel_loop3A_1376 = arith.constant 64 : i32
      %parallel_loop3A_1377 = arith.divsi %parallel_loop3A_1375, %parallel_loop3A_1376 : i32
      %parallel_loop3A_1378 = arith.constant 0 : i32
      %parallel_loop3A_1379 = arith.cmpi sgt, %parallel_loop3A_1375, %parallel_loop3A_1378 : i32
      %parallel_loop3A_1380 = arith.extui %parallel_loop3A_1379 : i1 to i32
      %parallel_loop3A_1381 = arith.constant 0 : i32
      %parallel_loop3A_1382 = arith.cmpi slt, %parallel_loop3A_1375, %parallel_loop3A_1381 : i32
      %parallel_loop3A_1383 = arith.extui %parallel_loop3A_1382 : i1 to i32
      %parallel_loop3A_1384 = arith.subi %parallel_loop3A_1380, %parallel_loop3A_1383 : i32
      %parallel_loop3A_1385 = arith.constant 0 : i32
      %parallel_loop3A_1386 = arith.cmpi sgt, %parallel_loop3A_1376, %parallel_loop3A_1385 : i32
      %parallel_loop3A_1387 = arith.extui %parallel_loop3A_1386 : i1 to i32
      %parallel_loop3A_1388 = arith.constant 0 : i32
      %parallel_loop3A_1389 = arith.cmpi slt, %parallel_loop3A_1376, %parallel_loop3A_1388 : i32
      %parallel_loop3A_1390 = arith.extui %parallel_loop3A_1389 : i1 to i32
      %parallel_loop3A_1391 = arith.subi %parallel_loop3A_1387, %parallel_loop3A_1390 : i32
      %parallel_loop3A_1392 = arith.cmpi ne, %parallel_loop3A_1384, %parallel_loop3A_1391 : i32
      %parallel_loop3A_1393 = arith.remsi %parallel_loop3A_1375, %parallel_loop3A_1376 : i32
      %parallel_loop3A_1394 = arith.constant 0 : i32
      %parallel_loop3A_1395 = arith.cmpi ne, %parallel_loop3A_1393, %parallel_loop3A_1394 : i32
      %parallel_loop3A_1396 = arith.andi %parallel_loop3A_1392, %parallel_loop3A_1395 : i1
      %parallel_loop3A_1397 = arith.constant 1 : i32
      %parallel_loop3A_1398 = arith.subi %parallel_loop3A_1377, %parallel_loop3A_1397 : i32
      %parallel_loop3A_1399 = arith.select %parallel_loop3A_1396, %parallel_loop3A_1398, %parallel_loop3A_1377 : i32
      %parallel_loop3A_1400 = arith.constant 0 : i32
      %parallel_loop3A_1401 = arith.addi %parallel_loop3A_1400, %parallel_loop3A_1399 : i32
      %parallel_loop3A_1402 = arith.constant 64 : i32
      %parallel_loop3A_1403 = arith.constant 0 : i32
      %parallel_loop3A_1404 = arith.cmpi eq, %parallel_loop3A_1402, %parallel_loop3A_1403 : i32
      %parallel_loop3A_1405 = arith.constant 1 : i32
      %parallel_loop3A_1406 = arith.select %parallel_loop3A_1404, %parallel_loop3A_1405, %parallel_loop3A_1402 : i32
      %parallel_loop3A_1407 = arith.remsi %parallel_loop3A_1375, %parallel_loop3A_1406 : i32
      %parallel_loop3A_1408 = arith.constant 0 : i32
      %parallel_loop3A_1409 = arith.cmpi ne, %parallel_loop3A_1407, %parallel_loop3A_1408 : i32
      %parallel_loop3A_1410 = arith.constant 0 : i32
      %parallel_loop3A_1411 = arith.cmpi slt, %parallel_loop3A_1407, %parallel_loop3A_1410 : i32
      %parallel_loop3A_1412 = arith.constant 0 : i32
      %parallel_loop3A_1413 = arith.cmpi slt, %parallel_loop3A_1406, %parallel_loop3A_1412 : i32
      %parallel_loop3A_1414 = arith.xori %parallel_loop3A_1411, %parallel_loop3A_1413 : i1
      %parallel_loop3A_1415 = arith.andi %parallel_loop3A_1414, %parallel_loop3A_1409 : i1
      %parallel_loop3A_1416 = arith.addi %parallel_loop3A_1407, %parallel_loop3A_1406 : i32
      %parallel_loop3A_1417 = arith.select %parallel_loop3A_1415, %parallel_loop3A_1416, %parallel_loop3A_1407 : i32
      %parallel_loop3A_1418 = arith.constant 16 : i32
      %parallel_loop3A_1419 = arith.muli %parallel_loop3A_1417, %parallel_loop3A_1418 : i32
      %parallel_loop3A_1420 = arith.index_cast %parallel_loop3A_1401 : i32 to index
      %parallel_loop3A_1421 = arith.index_cast %parallel_loop3A_1419 : i32 to index
      %parallel_loop3A_1422 = tpu.vector_load %arg19[%parallel_loop3A_1420, %parallel_loop3A_1421] {strides = array<i32>} : memref<32x1024xi32, #tpu.memory_space<vmem>>, vector<16xi32>,
      %parallel_loop3A_1423 = tpu.vector_load_idx %arg17[%broadcast_in_dim3A_80, %parallel_loop3A_1422] : memref<1x8192xf32, #tpu.memory_space<vmem>>[vector<16xi32>, vector<16xi32>], vector<16xf32>,
      %parallel_loop3A_1424 = arith.index_cast %parallel_loop3A_1401 : i32 to index
      %parallel_loop3A_1425 = arith.index_cast %parallel_loop3A_1419 : i32 to index
      %parallel_loop3A_1426 = tpu.vector_load %arg18[%parallel_loop3A_1424, %parallel_loop3A_1425] {strides = array<i32>} : memref<32x1024xf32, #tpu.memory_space<vmem>>, vector<16xf32>,
      tpu.vector_store %arg18[%parallel_loop3A_1424, %parallel_loop3A_1425], %parallel_loop3A_1423 {strides = array<i32>} : memref<32x1024xf32, #tpu.memory_space<vmem>>, vector<16xf32>,
    } {sc.loop_unroll_factor = 8 : i64, sc.parallel_access}
    %add3A_689 = arith.constant 0 : i32
    %add3A_690 = arith.addi %mul3A_675, %add3A_689 : i32
    %dma_start3A_691 = arith.constant 0 : i32
    %dma_start3A_692 = arith.constant 0 : i32
    %dma_start3A_693 = tpu.memref_slice %arg18[%dma_start3A_691, %dma_start3A_692] : memref<32x1024xf32, #tpu.memory_space<vmem>> -> memref<16x1024xf32, #tpu.memory_space<vmem>>
    %dma_start3A_694 = arith.constant 0 : i32
    %dma_start3A_695 = tpu.memref_slice %arg5[%add3A_690, %dma_start3A_694] : memref<16768x1024xf32, #tpu.memory_space<hbm>> -> memref<16x1024xf32, #tpu.memory_space<hbm>>
    %dma_start3A_696 = arith.constant 0 : i32
    %dma_start3A_697 = tpu.memref_slice %arg5[%add3A_690, %dma_start3A_696] : memref<16768x1024xf32, #tpu.memory_space<hbm>> -> memref<16x1024xf32, #tpu.memory_space<hbm>>
    %dma_start3A_698 = arith.constant 0 : i32
    %dma_start3A_699 = arith.constant 0 : i32
    %dma_start3A_700 = tpu.memref_slice %arg18[%dma_start3A_698, %dma_start3A_699] : memref<32x1024xf32, #tpu.memory_space<vmem>> -> memref<16x1024xf32, #tpu.memory_space<vmem>>
    tpu.enqueue_dma source(%dma_start3A_700 : memref<16x1024xf32, #tpu.memory_space<vmem>>) target(%dma_start3A_697 : memref<16x1024xf32, #tpu.memory_space<hbm>>) target_semaphore(%arg22 : memref<!tpu.dma_semaphore, #tpu.memory_space<semaphore_mem>>)
    %dma_wait3A_701 = arith.constant 16 : i32
    %dma_wait3A_702 = arith.constant 0 : i32
    %dma_wait3A_703 = tpu.memref_slice %arg18[%dma_wait3A_701, %dma_wait3A_702] : memref<32x1024xf32, #tpu.memory_space<vmem>> -> memref<16x1024xf32, #tpu.memory_space<vmem>>
    %dma_wait3A_704 = arith.constant 0 : i32
    %dma_wait3A_705 = tpu.memref_slice %arg5[%add3A_635, %dma_wait3A_704] : memref<16768x1024xf32, #tpu.memory_space<hbm>> -> memref<16x1024xf32, #tpu.memory_space<hbm>>
    %dma_wait3A_706 = arith.constant 0 : i32
    %dma_wait3A_707 = tpu.memref_slice %arg5[%add3A_635, %dma_wait3A_706] : memref<16768x1024xf32, #tpu.memory_space<hbm>> -> memref<16x1024xf32, #tpu.memory_space<hbm>>
    %dma_wait3A_708 = arith.constant 16 : i32
    %dma_wait3A_709 = arith.constant 0 : i32
    %dma_wait3A_710 = tpu.memref_slice %arg18[%dma_wait3A_708, %dma_wait3A_709] : memref<32x1024xf32, #tpu.memory_space<vmem>> -> memref<16x1024xf32, #tpu.memory_space<vmem>>
    tpu.wait_dma2 semaphore(%arg23 : memref<!tpu.dma_semaphore, #tpu.memory_space<semaphore_mem>>) src(%dma_wait3A_710 : memref<16x1024xf32, #tpu.memory_space<vmem>>) dst(%dma_wait3A_707 : memref<16x1024xf32, #tpu.memory_space<hbm>>)
    %parallel_loop3A_711 = arith.constant 0 : i32
    %parallel_loop3A_712 = arith.constant 1024 : i32
    %parallel_loop3A_713 = arith.constant 1 : i32
    scf.for %parallel_loop3A_1375 = %parallel_loop3A_711 to %parallel_loop3A_712 step %parallel_loop3A_713  : i32 {
      %parallel_loop3A_1376 = arith.constant 64 : i32
      %parallel_loop3A_1377 = arith.divsi %parallel_loop3A_1375, %parallel_loop3A_1376 : i32
      %parallel_loop3A_1378 = arith.constant 0 : i32
      %parallel_loop3A_1379 = arith.cmpi sgt, %parallel_loop3A_1375, %parallel_loop3A_1378 : i32
      %parallel_loop3A_1380 = arith.extui %parallel_loop3A_1379 : i1 to i32
      %parallel_loop3A_1381 = arith.constant 0 : i32
      %parallel_loop3A_1382 = arith.cmpi slt, %parallel_loop3A_1375, %parallel_loop3A_1381 : i32
      %parallel_loop3A_1383 = arith.extui %parallel_loop3A_1382 : i1 to i32
      %parallel_loop3A_1384 = arith.subi %parallel_loop3A_1380, %parallel_loop3A_1383 : i32
      %parallel_loop3A_1385 = arith.constant 0 : i32
      %parallel_loop3A_1386 = arith.cmpi sgt, %parallel_loop3A_1376, %parallel_loop3A_1385 : i32
      %parallel_loop3A_1387 = arith.extui %parallel_loop3A_1386 : i1 to i32
      %parallel_loop3A_1388 = arith.constant 0 : i32
      %parallel_loop3A_1389 = arith.cmpi slt, %parallel_loop3A_1376, %parallel_loop3A_1388 : i32
      %parallel_loop3A_1390 = arith.extui %parallel_loop3A_1389 : i1 to i32
      %parallel_loop3A_1391 = arith.subi %parallel_loop3A_1387, %parallel_loop3A_1390 : i32
      %parallel_loop3A_1392 = arith.cmpi ne, %parallel_loop3A_1384, %parallel_loop3A_1391 : i32
      %parallel_loop3A_1393 = arith.remsi %parallel_loop3A_1375, %parallel_loop3A_1376 : i32
      %parallel_loop3A_1394 = arith.constant 0 : i32
      %parallel_loop3A_1395 = arith.cmpi ne, %parallel_loop3A_1393, %parallel_loop3A_1394 : i32
      %parallel_loop3A_1396 = arith.andi %parallel_loop3A_1392, %parallel_loop3A_1395 : i1
      %parallel_loop3A_1397 = arith.constant 1 : i32
      %parallel_loop3A_1398 = arith.subi %parallel_loop3A_1377, %parallel_loop3A_1397 : i32
      %parallel_loop3A_1399 = arith.select %parallel_loop3A_1396, %parallel_loop3A_1398, %parallel_loop3A_1377 : i32
      %parallel_loop3A_1400 = arith.constant 16 : i32
      %parallel_loop3A_1401 = arith.addi %parallel_loop3A_1400, %parallel_loop3A_1399 : i32
      %parallel_loop3A_1402 = arith.constant 64 : i32
      %parallel_loop3A_1403 = arith.constant 0 : i32
      %parallel_loop3A_1404 = arith.cmpi eq, %parallel_loop3A_1402, %parallel_loop3A_1403 : i32
      %parallel_loop3A_1405 = arith.constant 1 : i32
      %parallel_loop3A_1406 = arith.select %parallel_loop3A_1404, %parallel_loop3A_1405, %parallel_loop3A_1402 : i32
      %parallel_loop3A_1407 = arith.remsi %parallel_loop3A_1375, %parallel_loop3A_1406 : i32
      %parallel_loop3A_1408 = arith.constant 0 : i32
      %parallel_loop3A_1409 = arith.cmpi ne, %parallel_loop3A_1407, %parallel_loop3A_1408 : i32
      %parallel_loop3A_1410 = arith.constant 0 : i32
      %parallel_loop3A_1411 = arith.cmpi slt, %parallel_loop3A_1407, %parallel_loop3A_1410 : i32
      %parallel_loop3A_1412 = arith.constant 0 : i32
      %parallel_loop3A_1413 = arith.cmpi slt, %parallel_loop3A_1406, %parallel_loop3A_1412 : i32
      %parallel_loop3A_1414 = arith.xori %parallel_loop3A_1411, %parallel_loop3A_1413 : i1
      %parallel_loop3A_1415 = arith.andi %parallel_loop3A_1414, %parallel_loop3A_1409 : i1
      %parallel_loop3A_1416 = arith.addi %parallel_loop3A_1407, %parallel_loop3A_1406 : i32
      %parallel_loop3A_1417 = arith.select %parallel_loop3A_1415, %parallel_loop3A_1416, %parallel_loop3A_1407 : i32
      %parallel_loop3A_1418 = arith.constant 16 : i32
      %parallel_loop3A_1419 = arith.muli %parallel_loop3A_1417, %parallel_loop3A_1418 : i32
      %parallel_loop3A_1420 = arith.index_cast %parallel_loop3A_1401 : i32 to index
      %parallel_loop3A_1421 = arith.index_cast %parallel_loop3A_1419 : i32 to index
      %parallel_loop3A_1422 = tpu.vector_load %arg19[%parallel_loop3A_1420, %parallel_loop3A_1421] {strides = array<i32>} : memref<32x1024xi32, #tpu.memory_space<vmem>>, vector<16xi32>,
      %parallel_loop3A_1423 = tpu.vector_load_idx %arg17[%broadcast_in_dim3A_80, %parallel_loop3A_1422] : memref<1x8192xf32, #tpu.memory_space<vmem>>[vector<16xi32>, vector<16xi32>], vector<16xf32>,
      %parallel_loop3A_1424 = arith.index_cast %parallel_loop3A_1401 : i32 to index
      %parallel_loop3A_1425 = arith.index_cast %parallel_loop3A_1419 : i32 to index
      %parallel_loop3A_1426 = tpu.vector_load %arg18[%parallel_loop3A_1424, %parallel_loop3A_1425] {strides = array<i32>} : memref<32x1024xf32, #tpu.memory_space<vmem>>, vector<16xf32>,
      tpu.vector_store %arg18[%parallel_loop3A_1424, %parallel_loop3A_1425], %parallel_loop3A_1423 {strides = array<i32>} : memref<32x1024xf32, #tpu.memory_space<vmem>>, vector<16xf32>,
    } {sc.loop_unroll_factor = 8 : i64, sc.parallel_access}
    %add3A_714 = arith.constant 16 : i32
    %add3A_715 = arith.addi %mul3A_675, %add3A_714 : i32
    %dma_start3A_716 = arith.constant 16 : i32
    %dma_start3A_717 = arith.constant 0 : i32
    %dma_start3A_718 = tpu.memref_slice %arg18[%dma_start3A_716, %dma_start3A_717] : memref<32x1024xf32, #tpu.memory_space<vmem>> -> memref<16x1024xf32, #tpu.memory_space<vmem>>
    %dma_start3A_719 = arith.constant 0 : i32
    %dma_start3A_720 = tpu.memref_slice %arg5[%add3A_715, %dma_start3A_719] : memref<16768x1024xf32, #tpu.memory_space<hbm>> -> memref<16x1024xf32, #tpu.memory_space<hbm>>
    %dma_start3A_721 = arith.constant 0 : i32
    %dma_start3A_722 = tpu.memref_slice %arg5[%add3A_715, %dma_start3A_721] : memref<16768x1024xf32, #tpu.memory_space<hbm>> -> memref<16x1024xf32, #tpu.memory_space<hbm>>
    %dma_start3A_723 = arith.constant 16 : i32
    %dma_start3A_724 = arith.constant 0 : i32
    %dma_start3A_725 = tpu.memref_slice %arg18[%dma_start3A_723, %dma_start3A_724] : memref<32x1024xf32, #tpu.memory_space<vmem>> -> memref<16x1024xf32, #tpu.memory_space<vmem>>
    tpu.enqueue_dma source(%dma_start3A_725 : memref<16x1024xf32, #tpu.memory_space<vmem>>) target(%dma_start3A_722 : memref<16x1024xf32, #tpu.memory_space<hbm>>) target_semaphore(%arg23 : memref<!tpu.dma_semaphore, #tpu.memory_space<semaphore_mem>>)
    %mul3A_726 = arith.constant 2 : i32
    %mul3A_727 = arith.muli %arg0, %mul3A_726 : i32
    %add3A_728 = arith.constant 1 : i32
    %add3A_729 = arith.addi %mul3A_727, %add3A_728 : i32
    %add3A_730 = arith.constant 0 : i32
    %add3A_731 = arith.addi %add3A_730, %arg1 : i32
    %mul3A_732 = arith.constant 32 : i32
    %mul3A_733 = arith.muli %add3A_729, %mul3A_732 : i32
    "tpu.region"() ({
      %run_scoped3A = tpu.sem_alloc : memref<!tpu.dma_semaphore, #tpu.memory_space<semaphore_mem>>
      %dma_start3A_1375 = arith.constant 0 : i32
      %dma_start3A_1376 = tpu.memref_slice %arg6[%mul3A_733, %dma_start3A_1375] : memref<128x1024xi32, #tpu.memory_space<hbm>> -> memref<32x1024xi32, #tpu.memory_space<hbm>>
      %dma_start3A_1377 = arith.constant 0 : i32
      %dma_start3A_1378 = tpu.memref_slice %arg6[%mul3A_733, %dma_start3A_1377] : memref<128x1024xi32, #tpu.memory_space<hbm>> -> memref<32x1024xi32, #tpu.memory_space<hbm>>
      tpu.enqueue_dma source(%dma_start3A_1378 : memref<32x1024xi32, #tpu.memory_space<hbm>>) target(%arg19 : memref<32x1024xi32, #tpu.memory_space<vmem>>) target_semaphore(%run_scoped3A : memref<!tpu.dma_semaphore, #tpu.memory_space<semaphore_mem>>)
      %dma_wait3A_1379 = arith.constant 0 : i32
      %dma_wait3A_1380 = tpu.memref_slice %arg6[%mul3A_733, %dma_wait3A_1379] : memref<128x1024xi32, #tpu.memory_space<hbm>> -> memref<32x1024xi32, #tpu.memory_space<hbm>>
      %dma_wait3A_1381 = arith.constant 0 : i32
      %dma_wait3A_1382 = tpu.memref_slice %arg6[%mul3A_733, %dma_wait3A_1381] : memref<128x1024xi32, #tpu.memory_space<hbm>> -> memref<32x1024xi32, #tpu.memory_space<hbm>>
      tpu.wait_dma2 semaphore(%run_scoped3A : memref<!tpu.dma_semaphore, #tpu.memory_space<semaphore_mem>>) src(%dma_wait3A_1382 : memref<32x1024xi32, #tpu.memory_space<hbm>>) dst(%arg19 : memref<32x1024xi32, #tpu.memory_space<vmem>>)
      tpu.yield
    }) : () -> ()
    %add3A_734 = arith.constant 16 : i32
    %add3A_735 = arith.addi %add3A_734, %arg1 : i32
    %mul3A_736 = arith.constant 2 : i32
    %mul3A_737 = arith.muli %arg0, %mul3A_736 : i32
    %add3A_738 = arith.constant 1 : i32
    %add3A_739 = arith.addi %mul3A_737, %add3A_738 : i32
    %mul3A_740 = arith.constant 128 : i32
    %mul3A_741 = arith.muli %add3A_739, %mul3A_740 : i32
    %add3A_742 = arith.addi %mul3A_741, %add3A_735 : i32
    %dma_start3A_743 = arith.constant 0 : i32
    %dma_start3A_744 = tpu.memref_slice %arg4[%add3A_742, %dma_start3A_743] : memref<512x8192xf32, #tpu.memory_space<hbm>> -> memref<1x8192xf32, #tpu.memory_space<hbm>>
    %dma_start3A_745 = arith.constant 0 : i32
    %dma_start3A_746 = tpu.memref_slice %arg4[%add3A_742, %dma_start3A_745] : memref<512x8192xf32, #tpu.memory_space<hbm>> -> memref<1x8192xf32, #tpu.memory_space<hbm>>
    tpu.enqueue_dma source(%dma_start3A_746 : memref<1x8192xf32, #tpu.memory_space<hbm>>) target(%arg17 : memref<1x8192xf32, #tpu.memory_space<vmem>>) target_semaphore(%arg21 : memref<!tpu.dma_semaphore, #tpu.memory_space<semaphore_mem>>)
    %dma_wait3A_747 = arith.constant 0 : i32
    %dma_wait3A_748 = tpu.memref_slice %arg4[%add3A_660, %dma_wait3A_747] : memref<512x8192xf32, #tpu.memory_space<hbm>> -> memref<1x8192xf32, #tpu.memory_space<hbm>>
    %dma_wait3A_749 = arith.constant 0 : i32
    %dma_wait3A_750 = tpu.memref_slice %arg4[%add3A_660, %dma_wait3A_749] : memref<512x8192xf32, #tpu.memory_space<hbm>> -> memref<1x8192xf32, #tpu.memory_space<hbm>>
    tpu.wait_dma2 semaphore(%arg20 : memref<!tpu.dma_semaphore, #tpu.memory_space<semaphore_mem>>) src(%dma_wait3A_750 : memref<1x8192xf32, #tpu.memory_space<hbm>>) dst(%arg16 : memref<1x8192xf32, #tpu.memory_space<vmem>>)
    %mul3A_751 = arith.constant 131 : i32
    %mul3A_752 = arith.muli %add3A_729, %mul3A_751 : i32
    %add3A_753 = arith.constant 3 : i32
    %add3A_754 = arith.addi %mul3A_752, %add3A_753 : i32
    %add3A_755 = arith.addi %add3A_754, %add3A_731 : i32
    %mul3A_756 = arith.constant 32 : i32
    %mul3A_757 = arith.muli %add3A_755, %mul3A_756 : i32
    %dma_wait3A_758 = arith.constant 0 : i32
    %dma_wait3A_759 = arith.constant 0 : i32
    %dma_wait3A_760 = tpu.memref_slice %arg18[%dma_wait3A_758, %dma_wait3A_759] : memref<32x1024xf32, #tpu.memory_space<vmem>> -> memref<16x1024xf32, #tpu.memory_space<vmem>>
    %dma_wait3A_761 = arith.constant 0 : i32
    %dma_wait3A_762 = tpu.memref_slice %arg5[%add3A_690, %dma_wait3A_761] : memref<16768x1024xf32, #tpu.memory_space<hbm>> -> memref<16x1024xf32, #tpu.memory_space<hbm>>
    %dma_wait3A_763 = arith.constant 0 : i32
    %dma_wait3A_764 = tpu.memref_slice %arg5[%add3A_690, %dma_wait3A_763] : memref<16768x1024xf32, #tpu.memory_space<hbm>> -> memref<16x1024xf32, #tpu.memory_space<hbm>>
    %dma_wait3A_765 = arith.constant 0 : i32
    %dma_wait3A_766 = arith.constant 0 : i32
    %dma_wait3A_767 = tpu.memref_slice %arg18[%dma_wait3A_765, %dma_wait3A_766] : memref<32x1024xf32, #tpu.memory_space<vmem>> -> memref<16x1024xf32, #tpu.memory_space<vmem>>
    tpu.wait_dma2 semaphore(%arg22 : memref<!tpu.dma_semaphore, #tpu.memory_space<semaphore_mem>>) src(%dma_wait3A_767 : memref<16x1024xf32, #tpu.memory_space<vmem>>) dst(%dma_wait3A_764 : memref<16x1024xf32, #tpu.memory_space<hbm>>)
    %parallel_loop3A_768 = arith.constant 0 : i32
    %parallel_loop3A_769 = arith.constant 1024 : i32
    %parallel_loop3A_770 = arith.constant 1 : i32
    scf.for %parallel_loop3A_1375 = %parallel_loop3A_768 to %parallel_loop3A_769 step %parallel_loop3A_770  : i32 {
      %parallel_loop3A_1376 = arith.constant 64 : i32
      %parallel_loop3A_1377 = arith.divsi %parallel_loop3A_1375, %parallel_loop3A_1376 : i32
      %parallel_loop3A_1378 = arith.constant 0 : i32
      %parallel_loop3A_1379 = arith.cmpi sgt, %parallel_loop3A_1375, %parallel_loop3A_1378 : i32
      %parallel_loop3A_1380 = arith.extui %parallel_loop3A_1379 : i1 to i32
      %parallel_loop3A_1381 = arith.constant 0 : i32
      %parallel_loop3A_1382 = arith.cmpi slt, %parallel_loop3A_1375, %parallel_loop3A_1381 : i32
      %parallel_loop3A_1383 = arith.extui %parallel_loop3A_1382 : i1 to i32
      %parallel_loop3A_1384 = arith.subi %parallel_loop3A_1380, %parallel_loop3A_1383 : i32
      %parallel_loop3A_1385 = arith.constant 0 : i32
      %parallel_loop3A_1386 = arith.cmpi sgt, %parallel_loop3A_1376, %parallel_loop3A_1385 : i32
      %parallel_loop3A_1387 = arith.extui %parallel_loop3A_1386 : i1 to i32
      %parallel_loop3A_1388 = arith.constant 0 : i32
      %parallel_loop3A_1389 = arith.cmpi slt, %parallel_loop3A_1376, %parallel_loop3A_1388 : i32
      %parallel_loop3A_1390 = arith.extui %parallel_loop3A_1389 : i1 to i32
      %parallel_loop3A_1391 = arith.subi %parallel_loop3A_1387, %parallel_loop3A_1390 : i32
      %parallel_loop3A_1392 = arith.cmpi ne, %parallel_loop3A_1384, %parallel_loop3A_1391 : i32
      %parallel_loop3A_1393 = arith.remsi %parallel_loop3A_1375, %parallel_loop3A_1376 : i32
      %parallel_loop3A_1394 = arith.constant 0 : i32
      %parallel_loop3A_1395 = arith.cmpi ne, %parallel_loop3A_1393, %parallel_loop3A_1394 : i32
      %parallel_loop3A_1396 = arith.andi %parallel_loop3A_1392, %parallel_loop3A_1395 : i1
      %parallel_loop3A_1397 = arith.constant 1 : i32
      %parallel_loop3A_1398 = arith.subi %parallel_loop3A_1377, %parallel_loop3A_1397 : i32
      %parallel_loop3A_1399 = arith.select %parallel_loop3A_1396, %parallel_loop3A_1398, %parallel_loop3A_1377 : i32
      %parallel_loop3A_1400 = arith.constant 0 : i32
      %parallel_loop3A_1401 = arith.addi %parallel_loop3A_1400, %parallel_loop3A_1399 : i32
      %parallel_loop3A_1402 = arith.constant 64 : i32
      %parallel_loop3A_1403 = arith.constant 0 : i32
      %parallel_loop3A_1404 = arith.cmpi eq, %parallel_loop3A_1402, %parallel_loop3A_1403 : i32
      %parallel_loop3A_1405 = arith.constant 1 : i32
      %parallel_loop3A_1406 = arith.select %parallel_loop3A_1404, %parallel_loop3A_1405, %parallel_loop3A_1402 : i32
      %parallel_loop3A_1407 = arith.remsi %parallel_loop3A_1375, %parallel_loop3A_1406 : i32
      %parallel_loop3A_1408 = arith.constant 0 : i32
      %parallel_loop3A_1409 = arith.cmpi ne, %parallel_loop3A_1407, %parallel_loop3A_1408 : i32
      %parallel_loop3A_1410 = arith.constant 0 : i32
      %parallel_loop3A_1411 = arith.cmpi slt, %parallel_loop3A_1407, %parallel_loop3A_1410 : i32
      %parallel_loop3A_1412 = arith.constant 0 : i32
      %parallel_loop3A_1413 = arith.cmpi slt, %parallel_loop3A_1406, %parallel_loop3A_1412 : i32
      %parallel_loop3A_1414 = arith.xori %parallel_loop3A_1411, %parallel_loop3A_1413 : i1
      %parallel_loop3A_1415 = arith.andi %parallel_loop3A_1414, %parallel_loop3A_1409 : i1
      %parallel_loop3A_1416 = arith.addi %parallel_loop3A_1407, %parallel_loop3A_1406 : i32
      %parallel_loop3A_1417 = arith.select %parallel_loop3A_1415, %parallel_loop3A_1416, %parallel_loop3A_1407 : i32
      %parallel_loop3A_1418 = arith.constant 16 : i32
      %parallel_loop3A_1419 = arith.muli %parallel_loop3A_1417, %parallel_loop3A_1418 : i32
      %parallel_loop3A_1420 = arith.index_cast %parallel_loop3A_1401 : i32 to index
      %parallel_loop3A_1421 = arith.index_cast %parallel_loop3A_1419 : i32 to index
      %parallel_loop3A_1422 = tpu.vector_load %arg19[%parallel_loop3A_1420, %parallel_loop3A_1421] {strides = array<i32>} : memref<32x1024xi32, #tpu.memory_space<vmem>>, vector<16xi32>,
      %parallel_loop3A_1423 = tpu.vector_load_idx %arg16[%broadcast_in_dim3A_80, %parallel_loop3A_1422] : memref<1x8192xf32, #tpu.memory_space<vmem>>[vector<16xi32>, vector<16xi32>], vector<16xf32>,
      %parallel_loop3A_1424 = arith.index_cast %parallel_loop3A_1401 : i32 to index
      %parallel_loop3A_1425 = arith.index_cast %parallel_loop3A_1419 : i32 to index
      %parallel_loop3A_1426 = tpu.vector_load %arg18[%parallel_loop3A_1424, %parallel_loop3A_1425] {strides = array<i32>} : memref<32x1024xf32, #tpu.memory_space<vmem>>, vector<16xf32>,
      tpu.vector_store %arg18[%parallel_loop3A_1424, %parallel_loop3A_1425], %parallel_loop3A_1423 {strides = array<i32>} : memref<32x1024xf32, #tpu.memory_space<vmem>>, vector<16xf32>,
    } {sc.loop_unroll_factor = 8 : i64, sc.parallel_access}
    %add3A_771 = arith.constant 0 : i32
    %add3A_772 = arith.addi %mul3A_757, %add3A_771 : i32
    %dma_start3A_773 = arith.constant 0 : i32
    %dma_start3A_774 = arith.constant 0 : i32
    %dma_start3A_775 = tpu.memref_slice %arg18[%dma_start3A_773, %dma_start3A_774] : memref<32x1024xf32, #tpu.memory_space<vmem>> -> memref<16x1024xf32, #tpu.memory_space<vmem>>
    %dma_start3A_776 = arith.constant 0 : i32
    %dma_start3A_777 = tpu.memref_slice %arg5[%add3A_772, %dma_start3A_776] : memref<16768x1024xf32, #tpu.memory_space<hbm>> -> memref<16x1024xf32, #tpu.memory_space<hbm>>
    %dma_start3A_778 = arith.constant 0 : i32
    %dma_start3A_779 = tpu.memref_slice %arg5[%add3A_772, %dma_start3A_778] : memref<16768x1024xf32, #tpu.memory_space<hbm>> -> memref<16x1024xf32, #tpu.memory_space<hbm>>
    %dma_start3A_780 = arith.constant 0 : i32
    %dma_start3A_781 = arith.constant 0 : i32
    %dma_start3A_782 = tpu.memref_slice %arg18[%dma_start3A_780, %dma_start3A_781] : memref<32x1024xf32, #tpu.memory_space<vmem>> -> memref<16x1024xf32, #tpu.memory_space<vmem>>
    tpu.enqueue_dma source(%dma_start3A_782 : memref<16x1024xf32, #tpu.memory_space<vmem>>) target(%dma_start3A_779 : memref<16x1024xf32, #tpu.memory_space<hbm>>) target_semaphore(%arg22 : memref<!tpu.dma_semaphore, #tpu.memory_space<semaphore_mem>>)
    %dma_wait3A_783 = arith.constant 16 : i32
    %dma_wait3A_784 = arith.constant 0 : i32
    %dma_wait3A_785 = tpu.memref_slice %arg18[%dma_wait3A_783, %dma_wait3A_784] : memref<32x1024xf32, #tpu.memory_space<vmem>> -> memref<16x1024xf32, #tpu.memory_space<vmem>>
    %dma_wait3A_786 = arith.constant 0 : i32
    %dma_wait3A_787 = tpu.memref_slice %arg5[%add3A_715, %dma_wait3A_786] : memref<16768x1024xf32, #tpu.memory_space<hbm>> -> memref<16x1024xf32, #tpu.memory_space<hbm>>
    %dma_wait3A_788 = arith.constant 0 : i32
    %dma_wait3A_789 = tpu.memref_slice %arg5[%add3A_715, %dma_wait3A_788] : memref<16768x1024xf32, #tpu.memory_space<hbm>> -> memref<16x1024xf32, #tpu.memory_space<hbm>>
    %dma_wait3A_790 = arith.constant 16 : i32
    %dma_wait3A_791 = arith.constant 0 : i32
    %dma_wait3A_792 = tpu.memref_slice %arg18[%dma_wait3A_790, %dma_wait3A_791] : memref<32x1024xf32, #tpu.memory_space<vmem>> -> memref<16x1024xf32, #tpu.memory_space<vmem>>
    tpu.wait_dma2 semaphore(%arg23 : memref<!tpu.dma_semaphore, #tpu.memory_space<semaphore_mem>>) src(%dma_wait3A_792 : memref<16x1024xf32, #tpu.memory_space<vmem>>) dst(%dma_wait3A_789 : memref<16x1024xf32, #tpu.memory_space<hbm>>)
    %parallel_loop3A_793 = arith.constant 0 : i32
    %parallel_loop3A_794 = arith.constant 1024 : i32
    %parallel_loop3A_795 = arith.constant 1 : i32
    scf.for %parallel_loop3A_1375 = %parallel_loop3A_793 to %parallel_loop3A_794 step %parallel_loop3A_795  : i32 {
      %parallel_loop3A_1376 = arith.constant 64 : i32
      %parallel_loop3A_1377 = arith.divsi %parallel_loop3A_1375, %parallel_loop3A_1376 : i32
      %parallel_loop3A_1378 = arith.constant 0 : i32
      %parallel_loop3A_1379 = arith.cmpi sgt, %parallel_loop3A_1375, %parallel_loop3A_1378 : i32
      %parallel_loop3A_1380 = arith.extui %parallel_loop3A_1379 : i1 to i32
      %parallel_loop3A_1381 = arith.constant 0 : i32
      %parallel_loop3A_1382 = arith.cmpi slt, %parallel_loop3A_1375, %parallel_loop3A_1381 : i32
      %parallel_loop3A_1383 = arith.extui %parallel_loop3A_1382 : i1 to i32
      %parallel_loop3A_1384 = arith.subi %parallel_loop3A_1380, %parallel_loop3A_1383 : i32
      %parallel_loop3A_1385 = arith.constant 0 : i32
      %parallel_loop3A_1386 = arith.cmpi sgt, %parallel_loop3A_1376, %parallel_loop3A_1385 : i32
      %parallel_loop3A_1387 = arith.extui %parallel_loop3A_1386 : i1 to i32
      %parallel_loop3A_1388 = arith.constant 0 : i32
      %parallel_loop3A_1389 = arith.cmpi slt, %parallel_loop3A_1376, %parallel_loop3A_1388 : i32
      %parallel_loop3A_1390 = arith.extui %parallel_loop3A_1389 : i1 to i32
      %parallel_loop3A_1391 = arith.subi %parallel_loop3A_1387, %parallel_loop3A_1390 : i32
      %parallel_loop3A_1392 = arith.cmpi ne, %parallel_loop3A_1384, %parallel_loop3A_1391 : i32
      %parallel_loop3A_1393 = arith.remsi %parallel_loop3A_1375, %parallel_loop3A_1376 : i32
      %parallel_loop3A_1394 = arith.constant 0 : i32
      %parallel_loop3A_1395 = arith.cmpi ne, %parallel_loop3A_1393, %parallel_loop3A_1394 : i32
      %parallel_loop3A_1396 = arith.andi %parallel_loop3A_1392, %parallel_loop3A_1395 : i1
      %parallel_loop3A_1397 = arith.constant 1 : i32
      %parallel_loop3A_1398 = arith.subi %parallel_loop3A_1377, %parallel_loop3A_1397 : i32
      %parallel_loop3A_1399 = arith.select %parallel_loop3A_1396, %parallel_loop3A_1398, %parallel_loop3A_1377 : i32
      %parallel_loop3A_1400 = arith.constant 16 : i32
      %parallel_loop3A_1401 = arith.addi %parallel_loop3A_1400, %parallel_loop3A_1399 : i32
      %parallel_loop3A_1402 = arith.constant 64 : i32
      %parallel_loop3A_1403 = arith.constant 0 : i32
      %parallel_loop3A_1404 = arith.cmpi eq, %parallel_loop3A_1402, %parallel_loop3A_1403 : i32
      %parallel_loop3A_1405 = arith.constant 1 : i32
      %parallel_loop3A_1406 = arith.select %parallel_loop3A_1404, %parallel_loop3A_1405, %parallel_loop3A_1402 : i32
      %parallel_loop3A_1407 = arith.remsi %parallel_loop3A_1375, %parallel_loop3A_1406 : i32
      %parallel_loop3A_1408 = arith.constant 0 : i32
      %parallel_loop3A_1409 = arith.cmpi ne, %parallel_loop3A_1407, %parallel_loop3A_1408 : i32
      %parallel_loop3A_1410 = arith.constant 0 : i32
      %parallel_loop3A_1411 = arith.cmpi slt, %parallel_loop3A_1407, %parallel_loop3A_1410 : i32
      %parallel_loop3A_1412 = arith.constant 0 : i32
      %parallel_loop3A_1413 = arith.cmpi slt, %parallel_loop3A_1406, %parallel_loop3A_1412 : i32
      %parallel_loop3A_1414 = arith.xori %parallel_loop3A_1411, %parallel_loop3A_1413 : i1
      %parallel_loop3A_1415 = arith.andi %parallel_loop3A_1414, %parallel_loop3A_1409 : i1
      %parallel_loop3A_1416 = arith.addi %parallel_loop3A_1407, %parallel_loop3A_1406 : i32
      %parallel_loop3A_1417 = arith.select %parallel_loop3A_1415, %parallel_loop3A_1416, %parallel_loop3A_1407 : i32
      %parallel_loop3A_1418 = arith.constant 16 : i32
      %parallel_loop3A_1419 = arith.muli %parallel_loop3A_1417, %parallel_loop3A_1418 : i32
      %parallel_loop3A_1420 = arith.index_cast %parallel_loop3A_1401 : i32 to index
      %parallel_loop3A_1421 = arith.index_cast %parallel_loop3A_1419 : i32 to index
      %parallel_loop3A_1422 = tpu.vector_load %arg19[%parallel_loop3A_1420, %parallel_loop3A_1421] {strides = array<i32>} : memref<32x1024xi32, #tpu.memory_space<vmem>>, vector<16xi32>,
      %parallel_loop3A_1423 = tpu.vector_load_idx %arg16[%broadcast_in_dim3A_80, %parallel_loop3A_1422] : memref<1x8192xf32, #tpu.memory_space<vmem>>[vector<16xi32>, vector<16xi32>], vector<16xf32>,
      %parallel_loop3A_1424 = arith.index_cast %parallel_loop3A_1401 : i32 to index
      %parallel_loop3A_1425 = arith.index_cast %parallel_loop3A_1419 : i32 to index
      %parallel_loop3A_1426 = tpu.vector_load %arg18[%parallel_loop3A_1424, %parallel_loop3A_1425] {strides = array<i32>} : memref<32x1024xf32, #tpu.memory_space<vmem>>, vector<16xf32>,
      tpu.vector_store %arg18[%parallel_loop3A_1424, %parallel_loop3A_1425], %parallel_loop3A_1423 {strides = array<i32>} : memref<32x1024xf32, #tpu.memory_space<vmem>>, vector<16xf32>,
    } {sc.loop_unroll_factor = 8 : i64, sc.parallel_access}
    %add3A_796 = arith.constant 16 : i32
    %add3A_797 = arith.addi %mul3A_757, %add3A_796 : i32
    %dma_start3A_798 = arith.constant 16 : i32
    %dma_start3A_799 = arith.constant 0 : i32
    %dma_start3A_800 = tpu.memref_slice %arg18[%dma_start3A_798, %dma_start3A_799] : memref<32x1024xf32, #tpu.memory_space<vmem>> -> memref<16x1024xf32, #tpu.memory_space<vmem>>
    %dma_start3A_801 = arith.constant 0 : i32
    %dma_start3A_802 = tpu.memref_slice %arg5[%add3A_797, %dma_start3A_801] : memref<16768x1024xf32, #tpu.memory_space<hbm>> -> memref<16x1024xf32, #tpu.memory_space<hbm>>
    %dma_start3A_803 = arith.constant 0 : i32
    %dma_start3A_804 = tpu.memref_slice %arg5[%add3A_797, %dma_start3A_803] : memref<16768x1024xf32, #tpu.memory_space<hbm>> -> memref<16x1024xf32, #tpu.memory_space<hbm>>
    %dma_start3A_805 = arith.constant 16 : i32
    %dma_start3A_806 = arith.constant 0 : i32
    %dma_start3A_807 = tpu.memref_slice %arg18[%dma_start3A_805, %dma_start3A_806] : memref<32x1024xf32, #tpu.memory_space<vmem>> -> memref<16x1024xf32, #tpu.memory_space<vmem>>
    tpu.enqueue_dma source(%dma_start3A_807 : memref<16x1024xf32, #tpu.memory_space<vmem>>) target(%dma_start3A_804 : memref<16x1024xf32, #tpu.memory_space<hbm>>) target_semaphore(%arg23 : memref<!tpu.dma_semaphore, #tpu.memory_space<semaphore_mem>>)
    %mul3A_808 = arith.constant 2 : i32
    %mul3A_809 = arith.muli %arg0, %mul3A_808 : i32
    %add3A_810 = arith.constant 1 : i32
    %add3A_811 = arith.addi %mul3A_809, %add3A_810 : i32
    %add3A_812 = arith.constant 16 : i32
    %add3A_813 = arith.addi %add3A_812, %arg1 : i32
    %add3A_814 = arith.constant 32 : i32
    %add3A_815 = arith.addi %add3A_814, %arg1 : i32
    %mul3A_816 = arith.constant 2 : i32
    %mul3A_817 = arith.muli %arg0, %mul3A_816 : i32
    %add3A_818 = arith.constant 1 : i32
    %add3A_819 = arith.addi %mul3A_817, %add3A_818 : i32
    %mul3A_820 = arith.constant 128 : i32
    %mul3A_821 = arith.muli %add3A_819, %mul3A_820 : i32
    %add3A_822 = arith.addi %mul3A_821, %add3A_815 : i32
    %dma_start3A_823 = arith.constant 0 : i32
    %dma_start3A_824 = tpu.memref_slice %arg4[%add3A_822, %dma_start3A_823] : memref<512x8192xf32, #tpu.memory_space<hbm>> -> memref<1x8192xf32, #tpu.memory_space<hbm>>
    %dma_start3A_825 = arith.constant 0 : i32
    %dma_start3A_826 = tpu.memref_slice %arg4[%add3A_822, %dma_start3A_825] : memref<512x8192xf32, #tpu.memory_space<hbm>> -> memref<1x8192xf32, #tpu.memory_space<hbm>>
    tpu.enqueue_dma source(%dma_start3A_826 : memref<1x8192xf32, #tpu.memory_space<hbm>>) target(%arg16 : memref<1x8192xf32, #tpu.memory_space<vmem>>) target_semaphore(%arg20 : memref<!tpu.dma_semaphore, #tpu.memory_space<semaphore_mem>>)
    %dma_wait3A_827 = arith.constant 0 : i32
    %dma_wait3A_828 = tpu.memref_slice %arg4[%add3A_742, %dma_wait3A_827] : memref<512x8192xf32, #tpu.memory_space<hbm>> -> memref<1x8192xf32, #tpu.memory_space<hbm>>
    %dma_wait3A_829 = arith.constant 0 : i32
    %dma_wait3A_830 = tpu.memref_slice %arg4[%add3A_742, %dma_wait3A_829] : memref<512x8192xf32, #tpu.memory_space<hbm>> -> memref<1x8192xf32, #tpu.memory_space<hbm>>
    tpu.wait_dma2 semaphore(%arg21 : memref<!tpu.dma_semaphore, #tpu.memory_space<semaphore_mem>>) src(%dma_wait3A_830 : memref<1x8192xf32, #tpu.memory_space<hbm>>) dst(%arg17 : memref<1x8192xf32, #tpu.memory_space<vmem>>)
    %mul3A_831 = arith.constant 131 : i32
    %mul3A_832 = arith.muli %add3A_811, %mul3A_831 : i32
    %add3A_833 = arith.constant 3 : i32
    %add3A_834 = arith.addi %mul3A_832, %add3A_833 : i32
    %add3A_835 = arith.addi %add3A_834, %add3A_813 : i32
    %mul3A_836 = arith.constant 32 : i32
    %mul3A_837 = arith.muli %add3A_835, %mul3A_836 : i32
    %dma_wait3A_838 = arith.constant 0 : i32
    %dma_wait3A_839 = arith.constant 0 : i32
    %dma_wait3A_840 = tpu.memref_slice %arg18[%dma_wait3A_838, %dma_wait3A_839] : memref<32x1024xf32, #tpu.memory_space<vmem>> -> memref<16x1024xf32, #tpu.memory_space<vmem>>
    %dma_wait3A_841 = arith.constant 0 : i32
    %dma_wait3A_842 = tpu.memref_slice %arg5[%add3A_772, %dma_wait3A_841] : memref<16768x1024xf32, #tpu.memory_space<hbm>> -> memref<16x1024xf32, #tpu.memory_space<hbm>>
    %dma_wait3A_843 = arith.constant 0 : i32
    %dma_wait3A_844 = tpu.memref_slice %arg5[%add3A_772, %dma_wait3A_843] : memref<16768x1024xf32, #tpu.memory_space<hbm>> -> memref<16x1024xf32, #tpu.memory_space<hbm>>
    %dma_wait3A_845 = arith.constant 0 : i32
    %dma_wait3A_846 = arith.constant 0 : i32
    %dma_wait3A_847 = tpu.memref_slice %arg18[%dma_wait3A_845, %dma_wait3A_846] : memref<32x1024xf32, #tpu.memory_space<vmem>> -> memref<16x1024xf32, #tpu.memory_space<vmem>>
    tpu.wait_dma2 semaphore(%arg22 : memref<!tpu.dma_semaphore, #tpu.memory_space<semaphore_mem>>) src(%dma_wait3A_847 : memref<16x1024xf32, #tpu.memory_space<vmem>>) dst(%dma_wait3A_844 : memref<16x1024xf32, #tpu.memory_space<hbm>>)
    %parallel_loop3A_848 = arith.constant 0 : i32
    %parallel_loop3A_849 = arith.constant 1024 : i32
    %parallel_loop3A_850 = arith.constant 1 : i32
    scf.for %parallel_loop3A_1375 = %parallel_loop3A_848 to %parallel_loop3A_849 step %parallel_loop3A_850  : i32 {
      %parallel_loop3A_1376 = arith.constant 64 : i32
      %parallel_loop3A_1377 = arith.divsi %parallel_loop3A_1375, %parallel_loop3A_1376 : i32
      %parallel_loop3A_1378 = arith.constant 0 : i32
      %parallel_loop3A_1379 = arith.cmpi sgt, %parallel_loop3A_1375, %parallel_loop3A_1378 : i32
      %parallel_loop3A_1380 = arith.extui %parallel_loop3A_1379 : i1 to i32
      %parallel_loop3A_1381 = arith.constant 0 : i32
      %parallel_loop3A_1382 = arith.cmpi slt, %parallel_loop3A_1375, %parallel_loop3A_1381 : i32
      %parallel_loop3A_1383 = arith.extui %parallel_loop3A_1382 : i1 to i32
      %parallel_loop3A_1384 = arith.subi %parallel_loop3A_1380, %parallel_loop3A_1383 : i32
      %parallel_loop3A_1385 = arith.constant 0 : i32
      %parallel_loop3A_1386 = arith.cmpi sgt, %parallel_loop3A_1376, %parallel_loop3A_1385 : i32
      %parallel_loop3A_1387 = arith.extui %parallel_loop3A_1386 : i1 to i32
      %parallel_loop3A_1388 = arith.constant 0 : i32
      %parallel_loop3A_1389 = arith.cmpi slt, %parallel_loop3A_1376, %parallel_loop3A_1388 : i32
      %parallel_loop3A_1390 = arith.extui %parallel_loop3A_1389 : i1 to i32
      %parallel_loop3A_1391 = arith.subi %parallel_loop3A_1387, %parallel_loop3A_1390 : i32
      %parallel_loop3A_1392 = arith.cmpi ne, %parallel_loop3A_1384, %parallel_loop3A_1391 : i32
      %parallel_loop3A_1393 = arith.remsi %parallel_loop3A_1375, %parallel_loop3A_1376 : i32
      %parallel_loop3A_1394 = arith.constant 0 : i32
      %parallel_loop3A_1395 = arith.cmpi ne, %parallel_loop3A_1393, %parallel_loop3A_1394 : i32
      %parallel_loop3A_1396 = arith.andi %parallel_loop3A_1392, %parallel_loop3A_1395 : i1
      %parallel_loop3A_1397 = arith.constant 1 : i32
      %parallel_loop3A_1398 = arith.subi %parallel_loop3A_1377, %parallel_loop3A_1397 : i32
      %parallel_loop3A_1399 = arith.select %parallel_loop3A_1396, %parallel_loop3A_1398, %parallel_loop3A_1377 : i32
      %parallel_loop3A_1400 = arith.constant 0 : i32
      %parallel_loop3A_1401 = arith.addi %parallel_loop3A_1400, %parallel_loop3A_1399 : i32
      %parallel_loop3A_1402 = arith.constant 64 : i32
      %parallel_loop3A_1403 = arith.constant 0 : i32
      %parallel_loop3A_1404 = arith.cmpi eq, %parallel_loop3A_1402, %parallel_loop3A_1403 : i32
      %parallel_loop3A_1405 = arith.constant 1 : i32
      %parallel_loop3A_1406 = arith.select %parallel_loop3A_1404, %parallel_loop3A_1405, %parallel_loop3A_1402 : i32
      %parallel_loop3A_1407 = arith.remsi %parallel_loop3A_1375, %parallel_loop3A_1406 : i32
      %parallel_loop3A_1408 = arith.constant 0 : i32
      %parallel_loop3A_1409 = arith.cmpi ne, %parallel_loop3A_1407, %parallel_loop3A_1408 : i32
      %parallel_loop3A_1410 = arith.constant 0 : i32
      %parallel_loop3A_1411 = arith.cmpi slt, %parallel_loop3A_1407, %parallel_loop3A_1410 : i32
      %parallel_loop3A_1412 = arith.constant 0 : i32
      %parallel_loop3A_1413 = arith.cmpi slt, %parallel_loop3A_1406, %parallel_loop3A_1412 : i32
      %parallel_loop3A_1414 = arith.xori %parallel_loop3A_1411, %parallel_loop3A_1413 : i1
      %parallel_loop3A_1415 = arith.andi %parallel_loop3A_1414, %parallel_loop3A_1409 : i1
      %parallel_loop3A_1416 = arith.addi %parallel_loop3A_1407, %parallel_loop3A_1406 : i32
      %parallel_loop3A_1417 = arith.select %parallel_loop3A_1415, %parallel_loop3A_1416, %parallel_loop3A_1407 : i32
      %parallel_loop3A_1418 = arith.constant 16 : i32
      %parallel_loop3A_1419 = arith.muli %parallel_loop3A_1417, %parallel_loop3A_1418 : i32
      %parallel_loop3A_1420 = arith.index_cast %parallel_loop3A_1401 : i32 to index
      %parallel_loop3A_1421 = arith.index_cast %parallel_loop3A_1419 : i32 to index
      %parallel_loop3A_1422 = tpu.vector_load %arg19[%parallel_loop3A_1420, %parallel_loop3A_1421] {strides = array<i32>} : memref<32x1024xi32, #tpu.memory_space<vmem>>, vector<16xi32>,
      %parallel_loop3A_1423 = tpu.vector_load_idx %arg17[%broadcast_in_dim3A_80, %parallel_loop3A_1422] : memref<1x8192xf32, #tpu.memory_space<vmem>>[vector<16xi32>, vector<16xi32>], vector<16xf32>,
      %parallel_loop3A_1424 = arith.index_cast %parallel_loop3A_1401 : i32 to index
      %parallel_loop3A_1425 = arith.index_cast %parallel_loop3A_1419 : i32 to index
      %parallel_loop3A_1426 = tpu.vector_load %arg18[%parallel_loop3A_1424, %parallel_loop3A_1425] {strides = array<i32>} : memref<32x1024xf32, #tpu.memory_space<vmem>>, vector<16xf32>,
      tpu.vector_store %arg18[%parallel_loop3A_1424, %parallel_loop3A_1425], %parallel_loop3A_1423 {strides = array<i32>} : memref<32x1024xf32, #tpu.memory_space<vmem>>, vector<16xf32>,
    } {sc.loop_unroll_factor = 8 : i64, sc.parallel_access}
    %add3A_851 = arith.constant 0 : i32
    %add3A_852 = arith.addi %mul3A_837, %add3A_851 : i32
    %dma_start3A_853 = arith.constant 0 : i32
    %dma_start3A_854 = arith.constant 0 : i32
    %dma_start3A_855 = tpu.memref_slice %arg18[%dma_start3A_853, %dma_start3A_854] : memref<32x1024xf32, #tpu.memory_space<vmem>> -> memref<16x1024xf32, #tpu.memory_space<vmem>>
    %dma_start3A_856 = arith.constant 0 : i32
    %dma_start3A_857 = tpu.memref_slice %arg5[%add3A_852, %dma_start3A_856] : memref<16768x1024xf32, #tpu.memory_space<hbm>> -> memref<16x1024xf32, #tpu.memory_space<hbm>>
    %dma_start3A_858 = arith.constant 0 : i32
    %dma_start3A_859 = tpu.memref_slice %arg5[%add3A_852, %dma_start3A_858] : memref<16768x1024xf32, #tpu.memory_space<hbm>> -> memref<16x1024xf32, #tpu.memory_space<hbm>>
    %dma_start3A_860 = arith.constant 0 : i32
    %dma_start3A_861 = arith.constant 0 : i32
    %dma_start3A_862 = tpu.memref_slice %arg18[%dma_start3A_860, %dma_start3A_861] : memref<32x1024xf32, #tpu.memory_space<vmem>> -> memref<16x1024xf32, #tpu.memory_space<vmem>>
    tpu.enqueue_dma source(%dma_start3A_862 : memref<16x1024xf32, #tpu.memory_space<vmem>>) target(%dma_start3A_859 : memref<16x1024xf32, #tpu.memory_space<hbm>>) target_semaphore(%arg22 : memref<!tpu.dma_semaphore, #tpu.memory_space<semaphore_mem>>)
    %dma_wait3A_863 = arith.constant 16 : i32
    %dma_wait3A_864 = arith.constant 0 : i32
    %dma_wait3A_865 = tpu.memref_slice %arg18[%dma_wait3A_863, %dma_wait3A_864] : memref<32x1024xf32, #tpu.memory_space<vmem>> -> memref<16x1024xf32, #tpu.memory_space<vmem>>
    %dma_wait3A_866 = arith.constant 0 : i32
    %dma_wait3A_867 = tpu.memref_slice %arg5[%add3A_797, %dma_wait3A_866] : memref<16768x1024xf32, #tpu.memory_space<hbm>> -> memref<16x1024xf32, #tpu.memory_space<hbm>>
    %dma_wait3A_868 = arith.constant 0 : i32
    %dma_wait3A_869 = tpu.memref_slice %arg5[%add3A_797, %dma_wait3A_868] : memref<16768x1024xf32, #tpu.memory_space<hbm>> -> memref<16x1024xf32, #tpu.memory_space<hbm>>
    %dma_wait3A_870 = arith.constant 16 : i32
    %dma_wait3A_871 = arith.constant 0 : i32
    %dma_wait3A_872 = tpu.memref_slice %arg18[%dma_wait3A_870, %dma_wait3A_871] : memref<32x1024xf32, #tpu.memory_space<vmem>> -> memref<16x1024xf32, #tpu.memory_space<vmem>>
    tpu.wait_dma2 semaphore(%arg23 : memref<!tpu.dma_semaphore, #tpu.memory_space<semaphore_mem>>) src(%dma_wait3A_872 : memref<16x1024xf32, #tpu.memory_space<vmem>>) dst(%dma_wait3A_869 : memref<16x1024xf32, #tpu.memory_space<hbm>>)
    %parallel_loop3A_873 = arith.constant 0 : i32
    %parallel_loop3A_874 = arith.constant 1024 : i32
    %parallel_loop3A_875 = arith.constant 1 : i32
    scf.for %parallel_loop3A_1375 = %parallel_loop3A_873 to %parallel_loop3A_874 step %parallel_loop3A_875  : i32 {
      %parallel_loop3A_1376 = arith.constant 64 : i32
      %parallel_loop3A_1377 = arith.divsi %parallel_loop3A_1375, %parallel_loop3A_1376 : i32
      %parallel_loop3A_1378 = arith.constant 0 : i32
      %parallel_loop3A_1379 = arith.cmpi sgt, %parallel_loop3A_1375, %parallel_loop3A_1378 : i32
      %parallel_loop3A_1380 = arith.extui %parallel_loop3A_1379 : i1 to i32
      %parallel_loop3A_1381 = arith.constant 0 : i32
      %parallel_loop3A_1382 = arith.cmpi slt, %parallel_loop3A_1375, %parallel_loop3A_1381 : i32
      %parallel_loop3A_1383 = arith.extui %parallel_loop3A_1382 : i1 to i32
      %parallel_loop3A_1384 = arith.subi %parallel_loop3A_1380, %parallel_loop3A_1383 : i32
      %parallel_loop3A_1385 = arith.constant 0 : i32
      %parallel_loop3A_1386 = arith.cmpi sgt, %parallel_loop3A_1376, %parallel_loop3A_1385 : i32
      %parallel_loop3A_1387 = arith.extui %parallel_loop3A_1386 : i1 to i32
      %parallel_loop3A_1388 = arith.constant 0 : i32
      %parallel_loop3A_1389 = arith.cmpi slt, %parallel_loop3A_1376, %parallel_loop3A_1388 : i32
      %parallel_loop3A_1390 = arith.extui %parallel_loop3A_1389 : i1 to i32
      %parallel_loop3A_1391 = arith.subi %parallel_loop3A_1387, %parallel_loop3A_1390 : i32
      %parallel_loop3A_1392 = arith.cmpi ne, %parallel_loop3A_1384, %parallel_loop3A_1391 : i32
      %parallel_loop3A_1393 = arith.remsi %parallel_loop3A_1375, %parallel_loop3A_1376 : i32
      %parallel_loop3A_1394 = arith.constant 0 : i32
      %parallel_loop3A_1395 = arith.cmpi ne, %parallel_loop3A_1393, %parallel_loop3A_1394 : i32
      %parallel_loop3A_1396 = arith.andi %parallel_loop3A_1392, %parallel_loop3A_1395 : i1
      %parallel_loop3A_1397 = arith.constant 1 : i32
      %parallel_loop3A_1398 = arith.subi %parallel_loop3A_1377, %parallel_loop3A_1397 : i32
      %parallel_loop3A_1399 = arith.select %parallel_loop3A_1396, %parallel_loop3A_1398, %parallel_loop3A_1377 : i32
      %parallel_loop3A_1400 = arith.constant 16 : i32
      %parallel_loop3A_1401 = arith.addi %parallel_loop3A_1400, %parallel_loop3A_1399 : i32
      %parallel_loop3A_1402 = arith.constant 64 : i32
      %parallel_loop3A_1403 = arith.constant 0 : i32
      %parallel_loop3A_1404 = arith.cmpi eq, %parallel_loop3A_1402, %parallel_loop3A_1403 : i32
      %parallel_loop3A_1405 = arith.constant 1 : i32
      %parallel_loop3A_1406 = arith.select %parallel_loop3A_1404, %parallel_loop3A_1405, %parallel_loop3A_1402 : i32
      %parallel_loop3A_1407 = arith.remsi %parallel_loop3A_1375, %parallel_loop3A_1406 : i32
      %parallel_loop3A_1408 = arith.constant 0 : i32
      %parallel_loop3A_1409 = arith.cmpi ne, %parallel_loop3A_1407, %parallel_loop3A_1408 : i32
      %parallel_loop3A_1410 = arith.constant 0 : i32
      %parallel_loop3A_1411 = arith.cmpi slt, %parallel_loop3A_1407, %parallel_loop3A_1410 : i32
      %parallel_loop3A_1412 = arith.constant 0 : i32
      %parallel_loop3A_1413 = arith.cmpi slt, %parallel_loop3A_1406, %parallel_loop3A_1412 : i32
      %parallel_loop3A_1414 = arith.xori %parallel_loop3A_1411, %parallel_loop3A_1413 : i1
      %parallel_loop3A_1415 = arith.andi %parallel_loop3A_1414, %parallel_loop3A_1409 : i1
      %parallel_loop3A_1416 = arith.addi %parallel_loop3A_1407, %parallel_loop3A_1406 : i32
      %parallel_loop3A_1417 = arith.select %parallel_loop3A_1415, %parallel_loop3A_1416, %parallel_loop3A_1407 : i32
      %parallel_loop3A_1418 = arith.constant 16 : i32
      %parallel_loop3A_1419 = arith.muli %parallel_loop3A_1417, %parallel_loop3A_1418 : i32
      %parallel_loop3A_1420 = arith.index_cast %parallel_loop3A_1401 : i32 to index
      %parallel_loop3A_1421 = arith.index_cast %parallel_loop3A_1419 : i32 to index
      %parallel_loop3A_1422 = tpu.vector_load %arg19[%parallel_loop3A_1420, %parallel_loop3A_1421] {strides = array<i32>} : memref<32x1024xi32, #tpu.memory_space<vmem>>, vector<16xi32>,
      %parallel_loop3A_1423 = tpu.vector_load_idx %arg17[%broadcast_in_dim3A_80, %parallel_loop3A_1422] : memref<1x8192xf32, #tpu.memory_space<vmem>>[vector<16xi32>, vector<16xi32>], vector<16xf32>,
      %parallel_loop3A_1424 = arith.index_cast %parallel_loop3A_1401 : i32 to index
      %parallel_loop3A_1425 = arith.index_cast %parallel_loop3A_1419 : i32 to index
      %parallel_loop3A_1426 = tpu.vector_load %arg18[%parallel_loop3A_1424, %parallel_loop3A_1425] {strides = array<i32>} : memref<32x1024xf32, #tpu.memory_space<vmem>>, vector<16xf32>,
      tpu.vector_store %arg18[%parallel_loop3A_1424, %parallel_loop3A_1425], %parallel_loop3A_1423 {strides = array<i32>} : memref<32x1024xf32, #tpu.memory_space<vmem>>, vector<16xf32>,
    } {sc.loop_unroll_factor = 8 : i64, sc.parallel_access}
    %add3A_876 = arith.constant 16 : i32
    %add3A_877 = arith.addi %mul3A_837, %add3A_876 : i32
    %dma_start3A_878 = arith.constant 16 : i32
    %dma_start3A_879 = arith.constant 0 : i32
    %dma_start3A_880 = tpu.memref_slice %arg18[%dma_start3A_878, %dma_start3A_879] : memref<32x1024xf32, #tpu.memory_space<vmem>> -> memref<16x1024xf32, #tpu.memory_space<vmem>>
    %dma_start3A_881 = arith.constant 0 : i32
    %dma_start3A_882 = tpu.memref_slice %arg5[%add3A_877, %dma_start3A_881] : memref<16768x1024xf32, #tpu.memory_space<hbm>> -> memref<16x1024xf32, #tpu.memory_space<hbm>>
    %dma_start3A_883 = arith.constant 0 : i32
    %dma_start3A_884 = tpu.memref_slice %arg5[%add3A_877, %dma_start3A_883] : memref<16768x1024xf32, #tpu.memory_space<hbm>> -> memref<16x1024xf32, #tpu.memory_space<hbm>>
    %dma_start3A_885 = arith.constant 16 : i32
    %dma_start3A_886 = arith.constant 0 : i32
    %dma_start3A_887 = tpu.memref_slice %arg18[%dma_start3A_885, %dma_start3A_886] : memref<32x1024xf32, #tpu.memory_space<vmem>> -> memref<16x1024xf32, #tpu.memory_space<vmem>>
    tpu.enqueue_dma source(%dma_start3A_887 : memref<16x1024xf32, #tpu.memory_space<vmem>>) target(%dma_start3A_884 : memref<16x1024xf32, #tpu.memory_space<hbm>>) target_semaphore(%arg23 : memref<!tpu.dma_semaphore, #tpu.memory_space<semaphore_mem>>)
    %mul3A_888 = arith.constant 2 : i32
    %mul3A_889 = arith.muli %arg0, %mul3A_888 : i32
    %add3A_890 = arith.constant 1 : i32
    %add3A_891 = arith.addi %mul3A_889, %add3A_890 : i32
    %add3A_892 = arith.constant 32 : i32
    %add3A_893 = arith.addi %add3A_892, %arg1 : i32
    %add3A_894 = arith.constant 48 : i32
    %add3A_895 = arith.addi %add3A_894, %arg1 : i32
    %mul3A_896 = arith.constant 2 : i32
    %mul3A_897 = arith.muli %arg0, %mul3A_896 : i32
    %add3A_898 = arith.constant 1 : i32
    %add3A_899 = arith.addi %mul3A_897, %add3A_898 : i32
    %mul3A_900 = arith.constant 128 : i32
    %mul3A_901 = arith.muli %add3A_899, %mul3A_900 : i32
    %add3A_902 = arith.addi %mul3A_901, %add3A_895 : i32
    %dma_start3A_903 = arith.constant 0 : i32
    %dma_start3A_904 = tpu.memref_slice %arg4[%add3A_902, %dma_start3A_903] : memref<512x8192xf32, #tpu.memory_space<hbm>> -> memref<1x8192xf32, #tpu.memory_space<hbm>>
    %dma_start3A_905 = arith.constant 0 : i32
    %dma_start3A_906 = tpu.memref_slice %arg4[%add3A_902, %dma_start3A_905] : memref<512x8192xf32, #tpu.memory_space<hbm>> -> memref<1x8192xf32, #tpu.memory_space<hbm>>
    tpu.enqueue_dma source(%dma_start3A_906 : memref<1x8192xf32, #tpu.memory_space<hbm>>) target(%arg17 : memref<1x8192xf32, #tpu.memory_space<vmem>>) target_semaphore(%arg21 : memref<!tpu.dma_semaphore, #tpu.memory_space<semaphore_mem>>)
    %dma_wait3A_907 = arith.constant 0 : i32
    %dma_wait3A_908 = tpu.memref_slice %arg4[%add3A_822, %dma_wait3A_907] : memref<512x8192xf32, #tpu.memory_space<hbm>> -> memref<1x8192xf32, #tpu.memory_space<hbm>>
    %dma_wait3A_909 = arith.constant 0 : i32
    %dma_wait3A_910 = tpu.memref_slice %arg4[%add3A_822, %dma_wait3A_909] : memref<512x8192xf32, #tpu.memory_space<hbm>> -> memref<1x8192xf32, #tpu.memory_space<hbm>>
    tpu.wait_dma2 semaphore(%arg20 : memref<!tpu.dma_semaphore, #tpu.memory_space<semaphore_mem>>) src(%dma_wait3A_910 : memref<1x8192xf32, #tpu.memory_space<hbm>>) dst(%arg16 : memref<1x8192xf32, #tpu.memory_space<vmem>>)
    %mul3A_911 = arith.constant 131 : i32
    %mul3A_912 = arith.muli %add3A_891, %mul3A_911 : i32
    %add3A_913 = arith.constant 3 : i32
    %add3A_914 = arith.addi %mul3A_912, %add3A_913 : i32
    %add3A_915 = arith.addi %add3A_914, %add3A_893 : i32
    %mul3A_916 = arith.constant 32 : i32
    %mul3A_917 = arith.muli %add3A_915, %mul3A_916 : i32
    %dma_wait3A_918 = arith.constant 0 : i32
    %dma_wait3A_919 = arith.constant 0 : i32
    %dma_wait3A_920 = tpu.memref_slice %arg18[%dma_wait3A_918, %dma_wait3A_919] : memref<32x1024xf32, #tpu.memory_space<vmem>> -> memref<16x1024xf32, #tpu.memory_space<vmem>>
    %dma_wait3A_921 = arith.constant 0 : i32
    %dma_wait3A_922 = tpu.memref_slice %arg5[%add3A_852, %dma_wait3A_921] : memref<16768x1024xf32, #tpu.memory_space<hbm>> -> memref<16x1024xf32, #tpu.memory_space<hbm>>
    %dma_wait3A_923 = arith.constant 0 : i32
    %dma_wait3A_924 = tpu.memref_slice %arg5[%add3A_852, %dma_wait3A_923] : memref<16768x1024xf32, #tpu.memory_space<hbm>> -> memref<16x1024xf32, #tpu.memory_space<hbm>>
    %dma_wait3A_925 = arith.constant 0 : i32
    %dma_wait3A_926 = arith.constant 0 : i32
    %dma_wait3A_927 = tpu.memref_slice %arg18[%dma_wait3A_925, %dma_wait3A_926] : memref<32x1024xf32, #tpu.memory_space<vmem>> -> memref<16x1024xf32, #tpu.memory_space<vmem>>
    tpu.wait_dma2 semaphore(%arg22 : memref<!tpu.dma_semaphore, #tpu.memory_space<semaphore_mem>>) src(%dma_wait3A_927 : memref<16x1024xf32, #tpu.memory_space<vmem>>) dst(%dma_wait3A_924 : memref<16x1024xf32, #tpu.memory_space<hbm>>)
    %parallel_loop3A_928 = arith.constant 0 : i32
    %parallel_loop3A_929 = arith.constant 1024 : i32
    %parallel_loop3A_930 = arith.constant 1 : i32
    scf.for %parallel_loop3A_1375 = %parallel_loop3A_928 to %parallel_loop3A_929 step %parallel_loop3A_930  : i32 {
      %parallel_loop3A_1376 = arith.constant 64 : i32
      %parallel_loop3A_1377 = arith.divsi %parallel_loop3A_1375, %parallel_loop3A_1376 : i32
      %parallel_loop3A_1378 = arith.constant 0 : i32
      %parallel_loop3A_1379 = arith.cmpi sgt, %parallel_loop3A_1375, %parallel_loop3A_1378 : i32
      %parallel_loop3A_1380 = arith.extui %parallel_loop3A_1379 : i1 to i32
      %parallel_loop3A_1381 = arith.constant 0 : i32
      %parallel_loop3A_1382 = arith.cmpi slt, %parallel_loop3A_1375, %parallel_loop3A_1381 : i32
      %parallel_loop3A_1383 = arith.extui %parallel_loop3A_1382 : i1 to i32
      %parallel_loop3A_1384 = arith.subi %parallel_loop3A_1380, %parallel_loop3A_1383 : i32
      %parallel_loop3A_1385 = arith.constant 0 : i32
      %parallel_loop3A_1386 = arith.cmpi sgt, %parallel_loop3A_1376, %parallel_loop3A_1385 : i32
      %parallel_loop3A_1387 = arith.extui %parallel_loop3A_1386 : i1 to i32
      %parallel_loop3A_1388 = arith.constant 0 : i32
      %parallel_loop3A_1389 = arith.cmpi slt, %parallel_loop3A_1376, %parallel_loop3A_1388 : i32
      %parallel_loop3A_1390 = arith.extui %parallel_loop3A_1389 : i1 to i32
      %parallel_loop3A_1391 = arith.subi %parallel_loop3A_1387, %parallel_loop3A_1390 : i32
      %parallel_loop3A_1392 = arith.cmpi ne, %parallel_loop3A_1384, %parallel_loop3A_1391 : i32
      %parallel_loop3A_1393 = arith.remsi %parallel_loop3A_1375, %parallel_loop3A_1376 : i32
      %parallel_loop3A_1394 = arith.constant 0 : i32
      %parallel_loop3A_1395 = arith.cmpi ne, %parallel_loop3A_1393, %parallel_loop3A_1394 : i32
      %parallel_loop3A_1396 = arith.andi %parallel_loop3A_1392, %parallel_loop3A_1395 : i1
      %parallel_loop3A_1397 = arith.constant 1 : i32
      %parallel_loop3A_1398 = arith.subi %parallel_loop3A_1377, %parallel_loop3A_1397 : i32
      %parallel_loop3A_1399 = arith.select %parallel_loop3A_1396, %parallel_loop3A_1398, %parallel_loop3A_1377 : i32
      %parallel_loop3A_1400 = arith.constant 0 : i32
      %parallel_loop3A_1401 = arith.addi %parallel_loop3A_1400, %parallel_loop3A_1399 : i32
      %parallel_loop3A_1402 = arith.constant 64 : i32
      %parallel_loop3A_1403 = arith.constant 0 : i32
      %parallel_loop3A_1404 = arith.cmpi eq, %parallel_loop3A_1402, %parallel_loop3A_1403 : i32
      %parallel_loop3A_1405 = arith.constant 1 : i32
      %parallel_loop3A_1406 = arith.select %parallel_loop3A_1404, %parallel_loop3A_1405, %parallel_loop3A_1402 : i32
      %parallel_loop3A_1407 = arith.remsi %parallel_loop3A_1375, %parallel_loop3A_1406 : i32
      %parallel_loop3A_1408 = arith.constant 0 : i32
      %parallel_loop3A_1409 = arith.cmpi ne, %parallel_loop3A_1407, %parallel_loop3A_1408 : i32
      %parallel_loop3A_1410 = arith.constant 0 : i32
      %parallel_loop3A_1411 = arith.cmpi slt, %parallel_loop3A_1407, %parallel_loop3A_1410 : i32
      %parallel_loop3A_1412 = arith.constant 0 : i32
      %parallel_loop3A_1413 = arith.cmpi slt, %parallel_loop3A_1406, %parallel_loop3A_1412 : i32
      %parallel_loop3A_1414 = arith.xori %parallel_loop3A_1411, %parallel_loop3A_1413 : i1
      %parallel_loop3A_1415 = arith.andi %parallel_loop3A_1414, %parallel_loop3A_1409 : i1
      %parallel_loop3A_1416 = arith.addi %parallel_loop3A_1407, %parallel_loop3A_1406 : i32
      %parallel_loop3A_1417 = arith.select %parallel_loop3A_1415, %parallel_loop3A_1416, %parallel_loop3A_1407 : i32
      %parallel_loop3A_1418 = arith.constant 16 : i32
      %parallel_loop3A_1419 = arith.muli %parallel_loop3A_1417, %parallel_loop3A_1418 : i32
      %parallel_loop3A_1420 = arith.index_cast %parallel_loop3A_1401 : i32 to index
      %parallel_loop3A_1421 = arith.index_cast %parallel_loop3A_1419 : i32 to index
      %parallel_loop3A_1422 = tpu.vector_load %arg19[%parallel_loop3A_1420, %parallel_loop3A_1421] {strides = array<i32>} : memref<32x1024xi32, #tpu.memory_space<vmem>>, vector<16xi32>,
      %parallel_loop3A_1423 = tpu.vector_load_idx %arg16[%broadcast_in_dim3A_80, %parallel_loop3A_1422] : memref<1x8192xf32, #tpu.memory_space<vmem>>[vector<16xi32>, vector<16xi32>], vector<16xf32>,
      %parallel_loop3A_1424 = arith.index_cast %parallel_loop3A_1401 : i32 to index
      %parallel_loop3A_1425 = arith.index_cast %parallel_loop3A_1419 : i32 to index
      %parallel_loop3A_1426 = tpu.vector_load %arg18[%parallel_loop3A_1424, %parallel_loop3A_1425] {strides = array<i32>} : memref<32x1024xf32, #tpu.memory_space<vmem>>, vector<16xf32>,
      tpu.vector_store %arg18[%parallel_loop3A_1424, %parallel_loop3A_1425], %parallel_loop3A_1423 {strides = array<i32>} : memref<32x1024xf32, #tpu.memory_space<vmem>>, vector<16xf32>,
    } {sc.loop_unroll_factor = 8 : i64, sc.parallel_access}
    %add3A_931 = arith.constant 0 : i32
    %add3A_932 = arith.addi %mul3A_917, %add3A_931 : i32
    %dma_start3A_933 = arith.constant 0 : i32
    %dma_start3A_934 = arith.constant 0 : i32
    %dma_start3A_935 = tpu.memref_slice %arg18[%dma_start3A_933, %dma_start3A_934] : memref<32x1024xf32, #tpu.memory_space<vmem>> -> memref<16x1024xf32, #tpu.memory_space<vmem>>
    %dma_start3A_936 = arith.constant 0 : i32
    %dma_start3A_937 = tpu.memref_slice %arg5[%add3A_932, %dma_start3A_936] : memref<16768x1024xf32, #tpu.memory_space<hbm>> -> memref<16x1024xf32, #tpu.memory_space<hbm>>
    %dma_start3A_938 = arith.constant 0 : i32
    %dma_start3A_939 = tpu.memref_slice %arg5[%add3A_932, %dma_start3A_938] : memref<16768x1024xf32, #tpu.memory_space<hbm>> -> memref<16x1024xf32, #tpu.memory_space<hbm>>
    %dma_start3A_940 = arith.constant 0 : i32
    %dma_start3A_941 = arith.constant 0 : i32
    %dma_start3A_942 = tpu.memref_slice %arg18[%dma_start3A_940, %dma_start3A_941] : memref<32x1024xf32, #tpu.memory_space<vmem>> -> memref<16x1024xf32, #tpu.memory_space<vmem>>
    tpu.enqueue_dma source(%dma_start3A_942 : memref<16x1024xf32, #tpu.memory_space<vmem>>) target(%dma_start3A_939 : memref<16x1024xf32, #tpu.memory_space<hbm>>) target_semaphore(%arg22 : memref<!tpu.dma_semaphore, #tpu.memory_space<semaphore_mem>>)
    %dma_wait3A_943 = arith.constant 16 : i32
    %dma_wait3A_944 = arith.constant 0 : i32
    %dma_wait3A_945 = tpu.memref_slice %arg18[%dma_wait3A_943, %dma_wait3A_944] : memref<32x1024xf32, #tpu.memory_space<vmem>> -> memref<16x1024xf32, #tpu.memory_space<vmem>>
    %dma_wait3A_946 = arith.constant 0 : i32
    %dma_wait3A_947 = tpu.memref_slice %arg5[%add3A_877, %dma_wait3A_946] : memref<16768x1024xf32, #tpu.memory_space<hbm>> -> memref<16x1024xf32, #tpu.memory_space<hbm>>
    %dma_wait3A_948 = arith.constant 0 : i32
    %dma_wait3A_949 = tpu.memref_slice %arg5[%add3A_877, %dma_wait3A_948] : memref<16768x1024xf32, #tpu.memory_space<hbm>> -> memref<16x1024xf32, #tpu.memory_space<hbm>>
    %dma_wait3A_950 = arith.constant 16 : i32
    %dma_wait3A_951 = arith.constant 0 : i32
    %dma_wait3A_952 = tpu.memref_slice %arg18[%dma_wait3A_950, %dma_wait3A_951] : memref<32x1024xf32, #tpu.memory_space<vmem>> -> memref<16x1024xf32, #tpu.memory_space<vmem>>
    tpu.wait_dma2 semaphore(%arg23 : memref<!tpu.dma_semaphore, #tpu.memory_space<semaphore_mem>>) src(%dma_wait3A_952 : memref<16x1024xf32, #tpu.memory_space<vmem>>) dst(%dma_wait3A_949 : memref<16x1024xf32, #tpu.memory_space<hbm>>)
    %parallel_loop3A_953 = arith.constant 0 : i32
    %parallel_loop3A_954 = arith.constant 1024 : i32
    %parallel_loop3A_955 = arith.constant 1 : i32
    scf.for %parallel_loop3A_1375 = %parallel_loop3A_953 to %parallel_loop3A_954 step %parallel_loop3A_955  : i32 {
      %parallel_loop3A_1376 = arith.constant 64 : i32
      %parallel_loop3A_1377 = arith.divsi %parallel_loop3A_1375, %parallel_loop3A_1376 : i32
      %parallel_loop3A_1378 = arith.constant 0 : i32
      %parallel_loop3A_1379 = arith.cmpi sgt, %parallel_loop3A_1375, %parallel_loop3A_1378 : i32
      %parallel_loop3A_1380 = arith.extui %parallel_loop3A_1379 : i1 to i32
      %parallel_loop3A_1381 = arith.constant 0 : i32
      %parallel_loop3A_1382 = arith.cmpi slt, %parallel_loop3A_1375, %parallel_loop3A_1381 : i32
      %parallel_loop3A_1383 = arith.extui %parallel_loop3A_1382 : i1 to i32
      %parallel_loop3A_1384 = arith.subi %parallel_loop3A_1380, %parallel_loop3A_1383 : i32
      %parallel_loop3A_1385 = arith.constant 0 : i32
      %parallel_loop3A_1386 = arith.cmpi sgt, %parallel_loop3A_1376, %parallel_loop3A_1385 : i32
      %parallel_loop3A_1387 = arith.extui %parallel_loop3A_1386 : i1 to i32
      %parallel_loop3A_1388 = arith.constant 0 : i32
      %parallel_loop3A_1389 = arith.cmpi slt, %parallel_loop3A_1376, %parallel_loop3A_1388 : i32
      %parallel_loop3A_1390 = arith.extui %parallel_loop3A_1389 : i1 to i32
      %parallel_loop3A_1391 = arith.subi %parallel_loop3A_1387, %parallel_loop3A_1390 : i32
      %parallel_loop3A_1392 = arith.cmpi ne, %parallel_loop3A_1384, %parallel_loop3A_1391 : i32
      %parallel_loop3A_1393 = arith.remsi %parallel_loop3A_1375, %parallel_loop3A_1376 : i32
      %parallel_loop3A_1394 = arith.constant 0 : i32
      %parallel_loop3A_1395 = arith.cmpi ne, %parallel_loop3A_1393, %parallel_loop3A_1394 : i32
      %parallel_loop3A_1396 = arith.andi %parallel_loop3A_1392, %parallel_loop3A_1395 : i1
      %parallel_loop3A_1397 = arith.constant 1 : i32
      %parallel_loop3A_1398 = arith.subi %parallel_loop3A_1377, %parallel_loop3A_1397 : i32
      %parallel_loop3A_1399 = arith.select %parallel_loop3A_1396, %parallel_loop3A_1398, %parallel_loop3A_1377 : i32
      %parallel_loop3A_1400 = arith.constant 16 : i32
      %parallel_loop3A_1401 = arith.addi %parallel_loop3A_1400, %parallel_loop3A_1399 : i32
      %parallel_loop3A_1402 = arith.constant 64 : i32
      %parallel_loop3A_1403 = arith.constant 0 : i32
      %parallel_loop3A_1404 = arith.cmpi eq, %parallel_loop3A_1402, %parallel_loop3A_1403 : i32
      %parallel_loop3A_1405 = arith.constant 1 : i32
      %parallel_loop3A_1406 = arith.select %parallel_loop3A_1404, %parallel_loop3A_1405, %parallel_loop3A_1402 : i32
      %parallel_loop3A_1407 = arith.remsi %parallel_loop3A_1375, %parallel_loop3A_1406 : i32
      %parallel_loop3A_1408 = arith.constant 0 : i32
      %parallel_loop3A_1409 = arith.cmpi ne, %parallel_loop3A_1407, %parallel_loop3A_1408 : i32
      %parallel_loop3A_1410 = arith.constant 0 : i32
      %parallel_loop3A_1411 = arith.cmpi slt, %parallel_loop3A_1407, %parallel_loop3A_1410 : i32
      %parallel_loop3A_1412 = arith.constant 0 : i32
      %parallel_loop3A_1413 = arith.cmpi slt, %parallel_loop3A_1406, %parallel_loop3A_1412 : i32
      %parallel_loop3A_1414 = arith.xori %parallel_loop3A_1411, %parallel_loop3A_1413 : i1
      %parallel_loop3A_1415 = arith.andi %parallel_loop3A_1414, %parallel_loop3A_1409 : i1
      %parallel_loop3A_1416 = arith.addi %parallel_loop3A_1407, %parallel_loop3A_1406 : i32
      %parallel_loop3A_1417 = arith.select %parallel_loop3A_1415, %parallel_loop3A_1416, %parallel_loop3A_1407 : i32
      %parallel_loop3A_1418 = arith.constant 16 : i32
      %parallel_loop3A_1419 = arith.muli %parallel_loop3A_1417, %parallel_loop3A_1418 : i32
      %parallel_loop3A_1420 = arith.index_cast %parallel_loop3A_1401 : i32 to index
      %parallel_loop3A_1421 = arith.index_cast %parallel_loop3A_1419 : i32 to index
      %parallel_loop3A_1422 = tpu.vector_load %arg19[%parallel_loop3A_1420, %parallel_loop3A_1421] {strides = array<i32>} : memref<32x1024xi32, #tpu.memory_space<vmem>>, vector<16xi32>,
      %parallel_loop3A_1423 = tpu.vector_load_idx %arg16[%broadcast_in_dim3A_80, %parallel_loop3A_1422] : memref<1x8192xf32, #tpu.memory_space<vmem>>[vector<16xi32>, vector<16xi32>], vector<16xf32>,
      %parallel_loop3A_1424 = arith.index_cast %parallel_loop3A_1401 : i32 to index
      %parallel_loop3A_1425 = arith.index_cast %parallel_loop3A_1419 : i32 to index
      %parallel_loop3A_1426 = tpu.vector_load %arg18[%parallel_loop3A_1424, %parallel_loop3A_1425] {strides = array<i32>} : memref<32x1024xf32, #tpu.memory_space<vmem>>, vector<16xf32>,
      tpu.vector_store %arg18[%parallel_loop3A_1424, %parallel_loop3A_1425], %parallel_loop3A_1423 {strides = array<i32>} : memref<32x1024xf32, #tpu.memory_space<vmem>>, vector<16xf32>,
    } {sc.loop_unroll_factor = 8 : i64, sc.parallel_access}
    %add3A_956 = arith.constant 16 : i32
    %add3A_957 = arith.addi %mul3A_917, %add3A_956 : i32
    %dma_start3A_958 = arith.constant 16 : i32
    %dma_start3A_959 = arith.constant 0 : i32
    %dma_start3A_960 = tpu.memref_slice %arg18[%dma_start3A_958, %dma_start3A_959] : memref<32x1024xf32, #tpu.memory_space<vmem>> -> memref<16x1024xf32, #tpu.memory_space<vmem>>
    %dma_start3A_961 = arith.constant 0 : i32
    %dma_start3A_962 = tpu.memref_slice %arg5[%add3A_957, %dma_start3A_961] : memref<16768x1024xf32, #tpu.memory_space<hbm>> -> memref<16x1024xf32, #tpu.memory_space<hbm>>
    %dma_start3A_963 = arith.constant 0 : i32
    %dma_start3A_964 = tpu.memref_slice %arg5[%add3A_957, %dma_start3A_963] : memref<16768x1024xf32, #tpu.memory_space<hbm>> -> memref<16x1024xf32, #tpu.memory_space<hbm>>
    %dma_start3A_965 = arith.constant 16 : i32
    %dma_start3A_966 = arith.constant 0 : i32
    %dma_start3A_967 = tpu.memref_slice %arg18[%dma_start3A_965, %dma_start3A_966] : memref<32x1024xf32, #tpu.memory_space<vmem>> -> memref<16x1024xf32, #tpu.memory_space<vmem>>
    tpu.enqueue_dma source(%dma_start3A_967 : memref<16x1024xf32, #tpu.memory_space<vmem>>) target(%dma_start3A_964 : memref<16x1024xf32, #tpu.memory_space<hbm>>) target_semaphore(%arg23 : memref<!tpu.dma_semaphore, #tpu.memory_space<semaphore_mem>>)
    %mul3A_968 = arith.constant 2 : i32
    %mul3A_969 = arith.muli %arg0, %mul3A_968 : i32
    %add3A_970 = arith.constant 1 : i32
    %add3A_971 = arith.addi %mul3A_969, %add3A_970 : i32
    %add3A_972 = arith.constant 48 : i32
    %add3A_973 = arith.addi %add3A_972, %arg1 : i32
    %add3A_974 = arith.constant 64 : i32
    %add3A_975 = arith.addi %add3A_974, %arg1 : i32
    %mul3A_976 = arith.constant 2 : i32
    %mul3A_977 = arith.muli %arg0, %mul3A_976 : i32
    %add3A_978 = arith.constant 1 : i32
    %add3A_979 = arith.addi %mul3A_977, %add3A_978 : i32
    %mul3A_980 = arith.constant 128 : i32
    %mul3A_981 = arith.muli %add3A_979, %mul3A_980 : i32
    %add3A_982 = arith.addi %mul3A_981, %add3A_975 : i32
    %dma_start3A_983 = arith.constant 0 : i32
    %dma_start3A_984 = tpu.memref_slice %arg4[%add3A_982, %dma_start3A_983] : memref<512x8192xf32, #tpu.memory_space<hbm>> -> memref<1x8192xf32, #tpu.memory_space<hbm>>
    %dma_start3A_985 = arith.constant 0 : i32
    %dma_start3A_986 = tpu.memref_slice %arg4[%add3A_982, %dma_start3A_985] : memref<512x8192xf32, #tpu.memory_space<hbm>> -> memref<1x8192xf32, #tpu.memory_space<hbm>>
    tpu.enqueue_dma source(%dma_start3A_986 : memref<1x8192xf32, #tpu.memory_space<hbm>>) target(%arg16 : memref<1x8192xf32, #tpu.memory_space<vmem>>) target_semaphore(%arg20 : memref<!tpu.dma_semaphore, #tpu.memory_space<semaphore_mem>>)
    %dma_wait3A_987 = arith.constant 0 : i32
    %dma_wait3A_988 = tpu.memref_slice %arg4[%add3A_902, %dma_wait3A_987] : memref<512x8192xf32, #tpu.memory_space<hbm>> -> memref<1x8192xf32, #tpu.memory_space<hbm>>
    %dma_wait3A_989 = arith.constant 0 : i32
    %dma_wait3A_990 = tpu.memref_slice %arg4[%add3A_902, %dma_wait3A_989] : memref<512x8192xf32, #tpu.memory_space<hbm>> -> memref<1x8192xf32, #tpu.memory_space<hbm>>
    tpu.wait_dma2 semaphore(%arg21 : memref<!tpu.dma_semaphore, #tpu.memory_space<semaphore_mem>>) src(%dma_wait3A_990 : memref<1x8192xf32, #tpu.memory_space<hbm>>) dst(%arg17 : memref<1x8192xf32, #tpu.memory_space<vmem>>)
    %mul3A_991 = arith.constant 131 : i32
    %mul3A_992 = arith.muli %add3A_971, %mul3A_991 : i32
    %add3A_993 = arith.constant 3 : i32
    %add3A_994 = arith.addi %mul3A_992, %add3A_993 : i32
    %add3A_995 = arith.addi %add3A_994, %add3A_973 : i32
    %mul3A_996 = arith.constant 32 : i32
    %mul3A_997 = arith.muli %add3A_995, %mul3A_996 : i32
    %dma_wait3A_998 = arith.constant 0 : i32
    %dma_wait3A_999 = arith.constant 0 : i32
    %dma_wait3A_1000 = tpu.memref_slice %arg18[%dma_wait3A_998, %dma_wait3A_999] : memref<32x1024xf32, #tpu.memory_space<vmem>> -> memref<16x1024xf32, #tpu.memory_space<vmem>>
    %dma_wait3A_1001 = arith.constant 0 : i32
    %dma_wait3A_1002 = tpu.memref_slice %arg5[%add3A_932, %dma_wait3A_1001] : memref<16768x1024xf32, #tpu.memory_space<hbm>> -> memref<16x1024xf32, #tpu.memory_space<hbm>>
    %dma_wait3A_1003 = arith.constant 0 : i32
    %dma_wait3A_1004 = tpu.memref_slice %arg5[%add3A_932, %dma_wait3A_1003] : memref<16768x1024xf32, #tpu.memory_space<hbm>> -> memref<16x1024xf32, #tpu.memory_space<hbm>>
    %dma_wait3A_1005 = arith.constant 0 : i32
    %dma_wait3A_1006 = arith.constant 0 : i32
    %dma_wait3A_1007 = tpu.memref_slice %arg18[%dma_wait3A_1005, %dma_wait3A_1006] : memref<32x1024xf32, #tpu.memory_space<vmem>> -> memref<16x1024xf32, #tpu.memory_space<vmem>>
    tpu.wait_dma2 semaphore(%arg22 : memref<!tpu.dma_semaphore, #tpu.memory_space<semaphore_mem>>) src(%dma_wait3A_1007 : memref<16x1024xf32, #tpu.memory_space<vmem>>) dst(%dma_wait3A_1004 : memref<16x1024xf32, #tpu.memory_space<hbm>>)
    %parallel_loop3A_1008 = arith.constant 0 : i32
    %parallel_loop3A_1009 = arith.constant 1024 : i32
    %parallel_loop3A_1010 = arith.constant 1 : i32
    scf.for %parallel_loop3A_1375 = %parallel_loop3A_1008 to %parallel_loop3A_1009 step %parallel_loop3A_1010  : i32 {
      %parallel_loop3A_1376 = arith.constant 64 : i32
      %parallel_loop3A_1377 = arith.divsi %parallel_loop3A_1375, %parallel_loop3A_1376 : i32
      %parallel_loop3A_1378 = arith.constant 0 : i32
      %parallel_loop3A_1379 = arith.cmpi sgt, %parallel_loop3A_1375, %parallel_loop3A_1378 : i32
      %parallel_loop3A_1380 = arith.extui %parallel_loop3A_1379 : i1 to i32
      %parallel_loop3A_1381 = arith.constant 0 : i32
      %parallel_loop3A_1382 = arith.cmpi slt, %parallel_loop3A_1375, %parallel_loop3A_1381 : i32
      %parallel_loop3A_1383 = arith.extui %parallel_loop3A_1382 : i1 to i32
      %parallel_loop3A_1384 = arith.subi %parallel_loop3A_1380, %parallel_loop3A_1383 : i32
      %parallel_loop3A_1385 = arith.constant 0 : i32
      %parallel_loop3A_1386 = arith.cmpi sgt, %parallel_loop3A_1376, %parallel_loop3A_1385 : i32
      %parallel_loop3A_1387 = arith.extui %parallel_loop3A_1386 : i1 to i32
      %parallel_loop3A_1388 = arith.constant 0 : i32
      %parallel_loop3A_1389 = arith.cmpi slt, %parallel_loop3A_1376, %parallel_loop3A_1388 : i32
      %parallel_loop3A_1390 = arith.extui %parallel_loop3A_1389 : i1 to i32
      %parallel_loop3A_1391 = arith.subi %parallel_loop3A_1387, %parallel_loop3A_1390 : i32
      %parallel_loop3A_1392 = arith.cmpi ne, %parallel_loop3A_1384, %parallel_loop3A_1391 : i32
      %parallel_loop3A_1393 = arith.remsi %parallel_loop3A_1375, %parallel_loop3A_1376 : i32
      %parallel_loop3A_1394 = arith.constant 0 : i32
      %parallel_loop3A_1395 = arith.cmpi ne, %parallel_loop3A_1393, %parallel_loop3A_1394 : i32
      %parallel_loop3A_1396 = arith.andi %parallel_loop3A_1392, %parallel_loop3A_1395 : i1
      %parallel_loop3A_1397 = arith.constant 1 : i32
      %parallel_loop3A_1398 = arith.subi %parallel_loop3A_1377, %parallel_loop3A_1397 : i32
      %parallel_loop3A_1399 = arith.select %parallel_loop3A_1396, %parallel_loop3A_1398, %parallel_loop3A_1377 : i32
      %parallel_loop3A_1400 = arith.constant 0 : i32
      %parallel_loop3A_1401 = arith.addi %parallel_loop3A_1400, %parallel_loop3A_1399 : i32
      %parallel_loop3A_1402 = arith.constant 64 : i32
      %parallel_loop3A_1403 = arith.constant 0 : i32
      %parallel_loop3A_1404 = arith.cmpi eq, %parallel_loop3A_1402, %parallel_loop3A_1403 : i32
      %parallel_loop3A_1405 = arith.constant 1 : i32
      %parallel_loop3A_1406 = arith.select %parallel_loop3A_1404, %parallel_loop3A_1405, %parallel_loop3A_1402 : i32
      %parallel_loop3A_1407 = arith.remsi %parallel_loop3A_1375, %parallel_loop3A_1406 : i32
      %parallel_loop3A_1408 = arith.constant 0 : i32
      %parallel_loop3A_1409 = arith.cmpi ne, %parallel_loop3A_1407, %parallel_loop3A_1408 : i32
      %parallel_loop3A_1410 = arith.constant 0 : i32
      %parallel_loop3A_1411 = arith.cmpi slt, %parallel_loop3A_1407, %parallel_loop3A_1410 : i32
      %parallel_loop3A_1412 = arith.constant 0 : i32
      %parallel_loop3A_1413 = arith.cmpi slt, %parallel_loop3A_1406, %parallel_loop3A_1412 : i32
      %parallel_loop3A_1414 = arith.xori %parallel_loop3A_1411, %parallel_loop3A_1413 : i1
      %parallel_loop3A_1415 = arith.andi %parallel_loop3A_1414, %parallel_loop3A_1409 : i1
      %parallel_loop3A_1416 = arith.addi %parallel_loop3A_1407, %parallel_loop3A_1406 : i32
      %parallel_loop3A_1417 = arith.select %parallel_loop3A_1415, %parallel_loop3A_1416, %parallel_loop3A_1407 : i32
      %parallel_loop3A_1418 = arith.constant 16 : i32
      %parallel_loop3A_1419 = arith.muli %parallel_loop3A_1417, %parallel_loop3A_1418 : i32
      %parallel_loop3A_1420 = arith.index_cast %parallel_loop3A_1401 : i32 to index
      %parallel_loop3A_1421 = arith.index_cast %parallel_loop3A_1419 : i32 to index
      %parallel_loop3A_1422 = tpu.vector_load %arg19[%parallel_loop3A_1420, %parallel_loop3A_1421] {strides = array<i32>} : memref<32x1024xi32, #tpu.memory_space<vmem>>, vector<16xi32>,
      %parallel_loop3A_1423 = tpu.vector_load_idx %arg17[%broadcast_in_dim3A_80, %parallel_loop3A_1422] : memref<1x8192xf32, #tpu.memory_space<vmem>>[vector<16xi32>, vector<16xi32>], vector<16xf32>,
      %parallel_loop3A_1424 = arith.index_cast %parallel_loop3A_1401 : i32 to index
      %parallel_loop3A_1425 = arith.index_cast %parallel_loop3A_1419 : i32 to index
      %parallel_loop3A_1426 = tpu.vector_load %arg18[%parallel_loop3A_1424, %parallel_loop3A_1425] {strides = array<i32>} : memref<32x1024xf32, #tpu.memory_space<vmem>>, vector<16xf32>,
      tpu.vector_store %arg18[%parallel_loop3A_1424, %parallel_loop3A_1425], %parallel_loop3A_1423 {strides = array<i32>} : memref<32x1024xf32, #tpu.memory_space<vmem>>, vector<16xf32>,
    } {sc.loop_unroll_factor = 8 : i64, sc.parallel_access}
    %add3A_1011 = arith.constant 0 : i32
    %add3A_1012 = arith.addi %mul3A_997, %add3A_1011 : i32
    %dma_start3A_1013 = arith.constant 0 : i32
    %dma_start3A_1014 = arith.constant 0 : i32
    %dma_start3A_1015 = tpu.memref_slice %arg18[%dma_start3A_1013, %dma_start3A_1014] : memref<32x1024xf32, #tpu.memory_space<vmem>> -> memref<16x1024xf32, #tpu.memory_space<vmem>>
    %dma_start3A_1016 = arith.constant 0 : i32
    %dma_start3A_1017 = tpu.memref_slice %arg5[%add3A_1012, %dma_start3A_1016] : memref<16768x1024xf32, #tpu.memory_space<hbm>> -> memref<16x1024xf32, #tpu.memory_space<hbm>>
    %dma_start3A_1018 = arith.constant 0 : i32
    %dma_start3A_1019 = tpu.memref_slice %arg5[%add3A_1012, %dma_start3A_1018] : memref<16768x1024xf32, #tpu.memory_space<hbm>> -> memref<16x1024xf32, #tpu.memory_space<hbm>>
    %dma_start3A_1020 = arith.constant 0 : i32
    %dma_start3A_1021 = arith.constant 0 : i32
    %dma_start3A_1022 = tpu.memref_slice %arg18[%dma_start3A_1020, %dma_start3A_1021] : memref<32x1024xf32, #tpu.memory_space<vmem>> -> memref<16x1024xf32, #tpu.memory_space<vmem>>
    tpu.enqueue_dma source(%dma_start3A_1022 : memref<16x1024xf32, #tpu.memory_space<vmem>>) target(%dma_start3A_1019 : memref<16x1024xf32, #tpu.memory_space<hbm>>) target_semaphore(%arg22 : memref<!tpu.dma_semaphore, #tpu.memory_space<semaphore_mem>>)
    %dma_wait3A_1023 = arith.constant 16 : i32
    %dma_wait3A_1024 = arith.constant 0 : i32
    %dma_wait3A_1025 = tpu.memref_slice %arg18[%dma_wait3A_1023, %dma_wait3A_1024] : memref<32x1024xf32, #tpu.memory_space<vmem>> -> memref<16x1024xf32, #tpu.memory_space<vmem>>
    %dma_wait3A_1026 = arith.constant 0 : i32
    %dma_wait3A_1027 = tpu.memref_slice %arg5[%add3A_957, %dma_wait3A_1026] : memref<16768x1024xf32, #tpu.memory_space<hbm>> -> memref<16x1024xf32, #tpu.memory_space<hbm>>
    %dma_wait3A_1028 = arith.constant 0 : i32
    %dma_wait3A_1029 = tpu.memref_slice %arg5[%add3A_957, %dma_wait3A_1028] : memref<16768x1024xf32, #tpu.memory_space<hbm>> -> memref<16x1024xf32, #tpu.memory_space<hbm>>
    %dma_wait3A_1030 = arith.constant 16 : i32
    %dma_wait3A_1031 = arith.constant 0 : i32
    %dma_wait3A_1032 = tpu.memref_slice %arg18[%dma_wait3A_1030, %dma_wait3A_1031] : memref<32x1024xf32, #tpu.memory_space<vmem>> -> memref<16x1024xf32, #tpu.memory_space<vmem>>
    tpu.wait_dma2 semaphore(%arg23 : memref<!tpu.dma_semaphore, #tpu.memory_space<semaphore_mem>>) src(%dma_wait3A_1032 : memref<16x1024xf32, #tpu.memory_space<vmem>>) dst(%dma_wait3A_1029 : memref<16x1024xf32, #tpu.memory_space<hbm>>)
    %parallel_loop3A_1033 = arith.constant 0 : i32
    %parallel_loop3A_1034 = arith.constant 1024 : i32
    %parallel_loop3A_1035 = arith.constant 1 : i32
    scf.for %parallel_loop3A_1375 = %parallel_loop3A_1033 to %parallel_loop3A_1034 step %parallel_loop3A_1035  : i32 {
      %parallel_loop3A_1376 = arith.constant 64 : i32
      %parallel_loop3A_1377 = arith.divsi %parallel_loop3A_1375, %parallel_loop3A_1376 : i32
      %parallel_loop3A_1378 = arith.constant 0 : i32
      %parallel_loop3A_1379 = arith.cmpi sgt, %parallel_loop3A_1375, %parallel_loop3A_1378 : i32
      %parallel_loop3A_1380 = arith.extui %parallel_loop3A_1379 : i1 to i32
      %parallel_loop3A_1381 = arith.constant 0 : i32
      %parallel_loop3A_1382 = arith.cmpi slt, %parallel_loop3A_1375, %parallel_loop3A_1381 : i32
      %parallel_loop3A_1383 = arith.extui %parallel_loop3A_1382 : i1 to i32
      %parallel_loop3A_1384 = arith.subi %parallel_loop3A_1380, %parallel_loop3A_1383 : i32
      %parallel_loop3A_1385 = arith.constant 0 : i32
      %parallel_loop3A_1386 = arith.cmpi sgt, %parallel_loop3A_1376, %parallel_loop3A_1385 : i32
      %parallel_loop3A_1387 = arith.extui %parallel_loop3A_1386 : i1 to i32
      %parallel_loop3A_1388 = arith.constant 0 : i32
      %parallel_loop3A_1389 = arith.cmpi slt, %parallel_loop3A_1376, %parallel_loop3A_1388 : i32
      %parallel_loop3A_1390 = arith.extui %parallel_loop3A_1389 : i1 to i32
      %parallel_loop3A_1391 = arith.subi %parallel_loop3A_1387, %parallel_loop3A_1390 : i32
      %parallel_loop3A_1392 = arith.cmpi ne, %parallel_loop3A_1384, %parallel_loop3A_1391 : i32
      %parallel_loop3A_1393 = arith.remsi %parallel_loop3A_1375, %parallel_loop3A_1376 : i32
      %parallel_loop3A_1394 = arith.constant 0 : i32
      %parallel_loop3A_1395 = arith.cmpi ne, %parallel_loop3A_1393, %parallel_loop3A_1394 : i32
      %parallel_loop3A_1396 = arith.andi %parallel_loop3A_1392, %parallel_loop3A_1395 : i1
      %parallel_loop3A_1397 = arith.constant 1 : i32
      %parallel_loop3A_1398 = arith.subi %parallel_loop3A_1377, %parallel_loop3A_1397 : i32
      %parallel_loop3A_1399 = arith.select %parallel_loop3A_1396, %parallel_loop3A_1398, %parallel_loop3A_1377 : i32
      %parallel_loop3A_1400 = arith.constant 16 : i32
      %parallel_loop3A_1401 = arith.addi %parallel_loop3A_1400, %parallel_loop3A_1399 : i32
      %parallel_loop3A_1402 = arith.constant 64 : i32
      %parallel_loop3A_1403 = arith.constant 0 : i32
      %parallel_loop3A_1404 = arith.cmpi eq, %parallel_loop3A_1402, %parallel_loop3A_1403 : i32
      %parallel_loop3A_1405 = arith.constant 1 : i32
      %parallel_loop3A_1406 = arith.select %parallel_loop3A_1404, %parallel_loop3A_1405, %parallel_loop3A_1402 : i32
      %parallel_loop3A_1407 = arith.remsi %parallel_loop3A_1375, %parallel_loop3A_1406 : i32
      %parallel_loop3A_1408 = arith.constant 0 : i32
      %parallel_loop3A_1409 = arith.cmpi ne, %parallel_loop3A_1407, %parallel_loop3A_1408 : i32
      %parallel_loop3A_1410 = arith.constant 0 : i32
      %parallel_loop3A_1411 = arith.cmpi slt, %parallel_loop3A_1407, %parallel_loop3A_1410 : i32
      %parallel_loop3A_1412 = arith.constant 0 : i32
      %parallel_loop3A_1413 = arith.cmpi slt, %parallel_loop3A_1406, %parallel_loop3A_1412 : i32
      %parallel_loop3A_1414 = arith.xori %parallel_loop3A_1411, %parallel_loop3A_1413 : i1
      %parallel_loop3A_1415 = arith.andi %parallel_loop3A_1414, %parallel_loop3A_1409 : i1
      %parallel_loop3A_1416 = arith.addi %parallel_loop3A_1407, %parallel_loop3A_1406 : i32
      %parallel_loop3A_1417 = arith.select %parallel_loop3A_1415, %parallel_loop3A_1416, %parallel_loop3A_1407 : i32
      %parallel_loop3A_1418 = arith.constant 16 : i32
      %parallel_loop3A_1419 = arith.muli %parallel_loop3A_1417, %parallel_loop3A_1418 : i32
      %parallel_loop3A_1420 = arith.index_cast %parallel_loop3A_1401 : i32 to index
      %parallel_loop3A_1421 = arith.index_cast %parallel_loop3A_1419 : i32 to index
      %parallel_loop3A_1422 = tpu.vector_load %arg19[%parallel_loop3A_1420, %parallel_loop3A_1421] {strides = array<i32>} : memref<32x1024xi32, #tpu.memory_space<vmem>>, vector<16xi32>,
      %parallel_loop3A_1423 = tpu.vector_load_idx %arg17[%broadcast_in_dim3A_80, %parallel_loop3A_1422] : memref<1x8192xf32, #tpu.memory_space<vmem>>[vector<16xi32>, vector<16xi32>], vector<16xf32>,
      %parallel_loop3A_1424 = arith.index_cast %parallel_loop3A_1401 : i32 to index
      %parallel_loop3A_1425 = arith.index_cast %parallel_loop3A_1419 : i32 to index
      %parallel_loop3A_1426 = tpu.vector_load %arg18[%parallel_loop3A_1424, %parallel_loop3A_1425] {strides = array<i32>} : memref<32x1024xf32, #tpu.memory_space<vmem>>, vector<16xf32>,
      tpu.vector_store %arg18[%parallel_loop3A_1424, %parallel_loop3A_1425], %parallel_loop3A_1423 {strides = array<i32>} : memref<32x1024xf32, #tpu.memory_space<vmem>>, vector<16xf32>,
    } {sc.loop_unroll_factor = 8 : i64, sc.parallel_access}
    %add3A_1036 = arith.constant 16 : i32
    %add3A_1037 = arith.addi %mul3A_997, %add3A_1036 : i32
    %dma_start3A_1038 = arith.constant 16 : i32
    %dma_start3A_1039 = arith.constant 0 : i32
    %dma_start3A_1040 = tpu.memref_slice %arg18[%dma_start3A_1038, %dma_start3A_1039] : memref<32x1024xf32, #tpu.memory_space<vmem>> -> memref<16x1024xf32, #tpu.memory_space<vmem>>
    %dma_start3A_1041 = arith.constant 0 : i32
    %dma_start3A_1042 = tpu.memref_slice %arg5[%add3A_1037, %dma_start3A_1041] : memref<16768x1024xf32, #tpu.memory_space<hbm>> -> memref<16x1024xf32, #tpu.memory_space<hbm>>
    %dma_start3A_1043 = arith.constant 0 : i32
    %dma_start3A_1044 = tpu.memref_slice %arg5[%add3A_1037, %dma_start3A_1043] : memref<16768x1024xf32, #tpu.memory_space<hbm>> -> memref<16x1024xf32, #tpu.memory_space<hbm>>
    %dma_start3A_1045 = arith.constant 16 : i32
    %dma_start3A_1046 = arith.constant 0 : i32
    %dma_start3A_1047 = tpu.memref_slice %arg18[%dma_start3A_1045, %dma_start3A_1046] : memref<32x1024xf32, #tpu.memory_space<vmem>> -> memref<16x1024xf32, #tpu.memory_space<vmem>>
    tpu.enqueue_dma source(%dma_start3A_1047 : memref<16x1024xf32, #tpu.memory_space<vmem>>) target(%dma_start3A_1044 : memref<16x1024xf32, #tpu.memory_space<hbm>>) target_semaphore(%arg23 : memref<!tpu.dma_semaphore, #tpu.memory_space<semaphore_mem>>)
    %mul3A_1048 = arith.constant 2 : i32
    %mul3A_1049 = arith.muli %arg0, %mul3A_1048 : i32
    %add3A_1050 = arith.constant 1 : i32
    %add3A_1051 = arith.addi %mul3A_1049, %add3A_1050 : i32
    %add3A_1052 = arith.constant 64 : i32
    %add3A_1053 = arith.addi %add3A_1052, %arg1 : i32
    %add3A_1054 = arith.constant 80 : i32
    %add3A_1055 = arith.addi %add3A_1054, %arg1 : i32
    %mul3A_1056 = arith.constant 2 : i32
    %mul3A_1057 = arith.muli %arg0, %mul3A_1056 : i32
    %add3A_1058 = arith.constant 1 : i32
    %add3A_1059 = arith.addi %mul3A_1057, %add3A_1058 : i32
    %mul3A_1060 = arith.constant 128 : i32
    %mul3A_1061 = arith.muli %add3A_1059, %mul3A_1060 : i32
    %add3A_1062 = arith.addi %mul3A_1061, %add3A_1055 : i32
    %dma_start3A_1063 = arith.constant 0 : i32
    %dma_start3A_1064 = tpu.memref_slice %arg4[%add3A_1062, %dma_start3A_1063] : memref<512x8192xf32, #tpu.memory_space<hbm>> -> memref<1x8192xf32, #tpu.memory_space<hbm>>
    %dma_start3A_1065 = arith.constant 0 : i32
    %dma_start3A_1066 = tpu.memref_slice %arg4[%add3A_1062, %dma_start3A_1065] : memref<512x8192xf32, #tpu.memory_space<hbm>> -> memref<1x8192xf32, #tpu.memory_space<hbm>>
    tpu.enqueue_dma source(%dma_start3A_1066 : memref<1x8192xf32, #tpu.memory_space<hbm>>) target(%arg17 : memref<1x8192xf32, #tpu.memory_space<vmem>>) target_semaphore(%arg21 : memref<!tpu.dma_semaphore, #tpu.memory_space<semaphore_mem>>)
    %dma_wait3A_1067 = arith.constant 0 : i32
    %dma_wait3A_1068 = tpu.memref_slice %arg4[%add3A_982, %dma_wait3A_1067] : memref<512x8192xf32, #tpu.memory_space<hbm>> -> memref<1x8192xf32, #tpu.memory_space<hbm>>
    %dma_wait3A_1069 = arith.constant 0 : i32
    %dma_wait3A_1070 = tpu.memref_slice %arg4[%add3A_982, %dma_wait3A_1069] : memref<512x8192xf32, #tpu.memory_space<hbm>> -> memref<1x8192xf32, #tpu.memory_space<hbm>>
    tpu.wait_dma2 semaphore(%arg20 : memref<!tpu.dma_semaphore, #tpu.memory_space<semaphore_mem>>) src(%dma_wait3A_1070 : memref<1x8192xf32, #tpu.memory_space<hbm>>) dst(%arg16 : memref<1x8192xf32, #tpu.memory_space<vmem>>)
    %mul3A_1071 = arith.constant 131 : i32
    %mul3A_1072 = arith.muli %add3A_1051, %mul3A_1071 : i32
    %add3A_1073 = arith.constant 3 : i32
    %add3A_1074 = arith.addi %mul3A_1072, %add3A_1073 : i32
    %add3A_1075 = arith.addi %add3A_1074, %add3A_1053 : i32
    %mul3A_1076 = arith.constant 32 : i32
    %mul3A_1077 = arith.muli %add3A_1075, %mul3A_1076 : i32
    %dma_wait3A_1078 = arith.constant 0 : i32
    %dma_wait3A_1079 = arith.constant 0 : i32
    %dma_wait3A_1080 = tpu.memref_slice %arg18[%dma_wait3A_1078, %dma_wait3A_1079] : memref<32x1024xf32, #tpu.memory_space<vmem>> -> memref<16x1024xf32, #tpu.memory_space<vmem>>
    %dma_wait3A_1081 = arith.constant 0 : i32
    %dma_wait3A_1082 = tpu.memref_slice %arg5[%add3A_1012, %dma_wait3A_1081] : memref<16768x1024xf32, #tpu.memory_space<hbm>> -> memref<16x1024xf32, #tpu.memory_space<hbm>>
    %dma_wait3A_1083 = arith.constant 0 : i32
    %dma_wait3A_1084 = tpu.memref_slice %arg5[%add3A_1012, %dma_wait3A_1083] : memref<16768x1024xf32, #tpu.memory_space<hbm>> -> memref<16x1024xf32, #tpu.memory_space<hbm>>
    %dma_wait3A_1085 = arith.constant 0 : i32
    %dma_wait3A_1086 = arith.constant 0 : i32
    %dma_wait3A_1087 = tpu.memref_slice %arg18[%dma_wait3A_1085, %dma_wait3A_1086] : memref<32x1024xf32, #tpu.memory_space<vmem>> -> memref<16x1024xf32, #tpu.memory_space<vmem>>
    tpu.wait_dma2 semaphore(%arg22 : memref<!tpu.dma_semaphore, #tpu.memory_space<semaphore_mem>>) src(%dma_wait3A_1087 : memref<16x1024xf32, #tpu.memory_space<vmem>>) dst(%dma_wait3A_1084 : memref<16x1024xf32, #tpu.memory_space<hbm>>)
    %parallel_loop3A_1088 = arith.constant 0 : i32
    %parallel_loop3A_1089 = arith.constant 1024 : i32
    %parallel_loop3A_1090 = arith.constant 1 : i32
    scf.for %parallel_loop3A_1375 = %parallel_loop3A_1088 to %parallel_loop3A_1089 step %parallel_loop3A_1090  : i32 {
      %parallel_loop3A_1376 = arith.constant 64 : i32
      %parallel_loop3A_1377 = arith.divsi %parallel_loop3A_1375, %parallel_loop3A_1376 : i32
      %parallel_loop3A_1378 = arith.constant 0 : i32
      %parallel_loop3A_1379 = arith.cmpi sgt, %parallel_loop3A_1375, %parallel_loop3A_1378 : i32
      %parallel_loop3A_1380 = arith.extui %parallel_loop3A_1379 : i1 to i32
      %parallel_loop3A_1381 = arith.constant 0 : i32
      %parallel_loop3A_1382 = arith.cmpi slt, %parallel_loop3A_1375, %parallel_loop3A_1381 : i32
      %parallel_loop3A_1383 = arith.extui %parallel_loop3A_1382 : i1 to i32
      %parallel_loop3A_1384 = arith.subi %parallel_loop3A_1380, %parallel_loop3A_1383 : i32
      %parallel_loop3A_1385 = arith.constant 0 : i32
      %parallel_loop3A_1386 = arith.cmpi sgt, %parallel_loop3A_1376, %parallel_loop3A_1385 : i32
      %parallel_loop3A_1387 = arith.extui %parallel_loop3A_1386 : i1 to i32
      %parallel_loop3A_1388 = arith.constant 0 : i32
      %parallel_loop3A_1389 = arith.cmpi slt, %parallel_loop3A_1376, %parallel_loop3A_1388 : i32
      %parallel_loop3A_1390 = arith.extui %parallel_loop3A_1389 : i1 to i32
      %parallel_loop3A_1391 = arith.subi %parallel_loop3A_1387, %parallel_loop3A_1390 : i32
      %parallel_loop3A_1392 = arith.cmpi ne, %parallel_loop3A_1384, %parallel_loop3A_1391 : i32
      %parallel_loop3A_1393 = arith.remsi %parallel_loop3A_1375, %parallel_loop3A_1376 : i32
      %parallel_loop3A_1394 = arith.constant 0 : i32
      %parallel_loop3A_1395 = arith.cmpi ne, %parallel_loop3A_1393, %parallel_loop3A_1394 : i32
      %parallel_loop3A_1396 = arith.andi %parallel_loop3A_1392, %parallel_loop3A_1395 : i1
      %parallel_loop3A_1397 = arith.constant 1 : i32
      %parallel_loop3A_1398 = arith.subi %parallel_loop3A_1377, %parallel_loop3A_1397 : i32
      %parallel_loop3A_1399 = arith.select %parallel_loop3A_1396, %parallel_loop3A_1398, %parallel_loop3A_1377 : i32
      %parallel_loop3A_1400 = arith.constant 0 : i32
      %parallel_loop3A_1401 = arith.addi %parallel_loop3A_1400, %parallel_loop3A_1399 : i32
      %parallel_loop3A_1402 = arith.constant 64 : i32
      %parallel_loop3A_1403 = arith.constant 0 : i32
      %parallel_loop3A_1404 = arith.cmpi eq, %parallel_loop3A_1402, %parallel_loop3A_1403 : i32
      %parallel_loop3A_1405 = arith.constant 1 : i32
      %parallel_loop3A_1406 = arith.select %parallel_loop3A_1404, %parallel_loop3A_1405, %parallel_loop3A_1402 : i32
      %parallel_loop3A_1407 = arith.remsi %parallel_loop3A_1375, %parallel_loop3A_1406 : i32
      %parallel_loop3A_1408 = arith.constant 0 : i32
      %parallel_loop3A_1409 = arith.cmpi ne, %parallel_loop3A_1407, %parallel_loop3A_1408 : i32
      %parallel_loop3A_1410 = arith.constant 0 : i32
      %parallel_loop3A_1411 = arith.cmpi slt, %parallel_loop3A_1407, %parallel_loop3A_1410 : i32
      %parallel_loop3A_1412 = arith.constant 0 : i32
      %parallel_loop3A_1413 = arith.cmpi slt, %parallel_loop3A_1406, %parallel_loop3A_1412 : i32
      %parallel_loop3A_1414 = arith.xori %parallel_loop3A_1411, %parallel_loop3A_1413 : i1
      %parallel_loop3A_1415 = arith.andi %parallel_loop3A_1414, %parallel_loop3A_1409 : i1
      %parallel_loop3A_1416 = arith.addi %parallel_loop3A_1407, %parallel_loop3A_1406 : i32
      %parallel_loop3A_1417 = arith.select %parallel_loop3A_1415, %parallel_loop3A_1416, %parallel_loop3A_1407 : i32
      %parallel_loop3A_1418 = arith.constant 16 : i32
      %parallel_loop3A_1419 = arith.muli %parallel_loop3A_1417, %parallel_loop3A_1418 : i32
      %parallel_loop3A_1420 = arith.index_cast %parallel_loop3A_1401 : i32 to index
      %parallel_loop3A_1421 = arith.index_cast %parallel_loop3A_1419 : i32 to index
      %parallel_loop3A_1422 = tpu.vector_load %arg19[%parallel_loop3A_1420, %parallel_loop3A_1421] {strides = array<i32>} : memref<32x1024xi32, #tpu.memory_space<vmem>>, vector<16xi32>,
      %parallel_loop3A_1423 = tpu.vector_load_idx %arg16[%broadcast_in_dim3A_80, %parallel_loop3A_1422] : memref<1x8192xf32, #tpu.memory_space<vmem>>[vector<16xi32>, vector<16xi32>], vector<16xf32>,
      %parallel_loop3A_1424 = arith.index_cast %parallel_loop3A_1401 : i32 to index
      %parallel_loop3A_1425 = arith.index_cast %parallel_loop3A_1419 : i32 to index
      %parallel_loop3A_1426 = tpu.vector_load %arg18[%parallel_loop3A_1424, %parallel_loop3A_1425] {strides = array<i32>} : memref<32x1024xf32, #tpu.memory_space<vmem>>, vector<16xf32>,
      tpu.vector_store %arg18[%parallel_loop3A_1424, %parallel_loop3A_1425], %parallel_loop3A_1423 {strides = array<i32>} : memref<32x1024xf32, #tpu.memory_space<vmem>>, vector<16xf32>,
    } {sc.loop_unroll_factor = 8 : i64, sc.parallel_access}
    %add3A_1091 = arith.constant 0 : i32
    %add3A_1092 = arith.addi %mul3A_1077, %add3A_1091 : i32
    %dma_start3A_1093 = arith.constant 0 : i32
    %dma_start3A_1094 = arith.constant 0 : i32
    %dma_start3A_1095 = tpu.memref_slice %arg18[%dma_start3A_1093, %dma_start3A_1094] : memref<32x1024xf32, #tpu.memory_space<vmem>> -> memref<16x1024xf32, #tpu.memory_space<vmem>>
    %dma_start3A_1096 = arith.constant 0 : i32
    %dma_start3A_1097 = tpu.memref_slice %arg5[%add3A_1092, %dma_start3A_1096] : memref<16768x1024xf32, #tpu.memory_space<hbm>> -> memref<16x1024xf32, #tpu.memory_space<hbm>>
    %dma_start3A_1098 = arith.constant 0 : i32
    %dma_start3A_1099 = tpu.memref_slice %arg5[%add3A_1092, %dma_start3A_1098] : memref<16768x1024xf32, #tpu.memory_space<hbm>> -> memref<16x1024xf32, #tpu.memory_space<hbm>>
    %dma_start3A_1100 = arith.constant 0 : i32
    %dma_start3A_1101 = arith.constant 0 : i32
    %dma_start3A_1102 = tpu.memref_slice %arg18[%dma_start3A_1100, %dma_start3A_1101] : memref<32x1024xf32, #tpu.memory_space<vmem>> -> memref<16x1024xf32, #tpu.memory_space<vmem>>
    tpu.enqueue_dma source(%dma_start3A_1102 : memref<16x1024xf32, #tpu.memory_space<vmem>>) target(%dma_start3A_1099 : memref<16x1024xf32, #tpu.memory_space<hbm>>) target_semaphore(%arg22 : memref<!tpu.dma_semaphore, #tpu.memory_space<semaphore_mem>>)
    %dma_wait3A_1103 = arith.constant 16 : i32
    %dma_wait3A_1104 = arith.constant 0 : i32
    %dma_wait3A_1105 = tpu.memref_slice %arg18[%dma_wait3A_1103, %dma_wait3A_1104] : memref<32x1024xf32, #tpu.memory_space<vmem>> -> memref<16x1024xf32, #tpu.memory_space<vmem>>
    %dma_wait3A_1106 = arith.constant 0 : i32
    %dma_wait3A_1107 = tpu.memref_slice %arg5[%add3A_1037, %dma_wait3A_1106] : memref<16768x1024xf32, #tpu.memory_space<hbm>> -> memref<16x1024xf32, #tpu.memory_space<hbm>>
    %dma_wait3A_1108 = arith.constant 0 : i32
    %dma_wait3A_1109 = tpu.memref_slice %arg5[%add3A_1037, %dma_wait3A_1108] : memref<16768x1024xf32, #tpu.memory_space<hbm>> -> memref<16x1024xf32, #tpu.memory_space<hbm>>
    %dma_wait3A_1110 = arith.constant 16 : i32
    %dma_wait3A_1111 = arith.constant 0 : i32
    %dma_wait3A_1112 = tpu.memref_slice %arg18[%dma_wait3A_1110, %dma_wait3A_1111] : memref<32x1024xf32, #tpu.memory_space<vmem>> -> memref<16x1024xf32, #tpu.memory_space<vmem>>
    tpu.wait_dma2 semaphore(%arg23 : memref<!tpu.dma_semaphore, #tpu.memory_space<semaphore_mem>>) src(%dma_wait3A_1112 : memref<16x1024xf32, #tpu.memory_space<vmem>>) dst(%dma_wait3A_1109 : memref<16x1024xf32, #tpu.memory_space<hbm>>)
    %parallel_loop3A_1113 = arith.constant 0 : i32
    %parallel_loop3A_1114 = arith.constant 1024 : i32
    %parallel_loop3A_1115 = arith.constant 1 : i32
    scf.for %parallel_loop3A_1375 = %parallel_loop3A_1113 to %parallel_loop3A_1114 step %parallel_loop3A_1115  : i32 {
      %parallel_loop3A_1376 = arith.constant 64 : i32
      %parallel_loop3A_1377 = arith.divsi %parallel_loop3A_1375, %parallel_loop3A_1376 : i32
      %parallel_loop3A_1378 = arith.constant 0 : i32
      %parallel_loop3A_1379 = arith.cmpi sgt, %parallel_loop3A_1375, %parallel_loop3A_1378 : i32
      %parallel_loop3A_1380 = arith.extui %parallel_loop3A_1379 : i1 to i32
      %parallel_loop3A_1381 = arith.constant 0 : i32
      %parallel_loop3A_1382 = arith.cmpi slt, %parallel_loop3A_1375, %parallel_loop3A_1381 : i32
      %parallel_loop3A_1383 = arith.extui %parallel_loop3A_1382 : i1 to i32
      %parallel_loop3A_1384 = arith.subi %parallel_loop3A_1380, %parallel_loop3A_1383 : i32
      %parallel_loop3A_1385 = arith.constant 0 : i32
      %parallel_loop3A_1386 = arith.cmpi sgt, %parallel_loop3A_1376, %parallel_loop3A_1385 : i32
      %parallel_loop3A_1387 = arith.extui %parallel_loop3A_1386 : i1 to i32
      %parallel_loop3A_1388 = arith.constant 0 : i32
      %parallel_loop3A_1389 = arith.cmpi slt, %parallel_loop3A_1376, %parallel_loop3A_1388 : i32
      %parallel_loop3A_1390 = arith.extui %parallel_loop3A_1389 : i1 to i32
      %parallel_loop3A_1391 = arith.subi %parallel_loop3A_1387, %parallel_loop3A_1390 : i32
      %parallel_loop3A_1392 = arith.cmpi ne, %parallel_loop3A_1384, %parallel_loop3A_1391 : i32
      %parallel_loop3A_1393 = arith.remsi %parallel_loop3A_1375, %parallel_loop3A_1376 : i32
      %parallel_loop3A_1394 = arith.constant 0 : i32
      %parallel_loop3A_1395 = arith.cmpi ne, %parallel_loop3A_1393, %parallel_loop3A_1394 : i32
      %parallel_loop3A_1396 = arith.andi %parallel_loop3A_1392, %parallel_loop3A_1395 : i1
      %parallel_loop3A_1397 = arith.constant 1 : i32
      %parallel_loop3A_1398 = arith.subi %parallel_loop3A_1377, %parallel_loop3A_1397 : i32
      %parallel_loop3A_1399 = arith.select %parallel_loop3A_1396, %parallel_loop3A_1398, %parallel_loop3A_1377 : i32
      %parallel_loop3A_1400 = arith.constant 16 : i32
      %parallel_loop3A_1401 = arith.addi %parallel_loop3A_1400, %parallel_loop3A_1399 : i32
      %parallel_loop3A_1402 = arith.constant 64 : i32
      %parallel_loop3A_1403 = arith.constant 0 : i32
      %parallel_loop3A_1404 = arith.cmpi eq, %parallel_loop3A_1402, %parallel_loop3A_1403 : i32
      %parallel_loop3A_1405 = arith.constant 1 : i32
      %parallel_loop3A_1406 = arith.select %parallel_loop3A_1404, %parallel_loop3A_1405, %parallel_loop3A_1402 : i32
      %parallel_loop3A_1407 = arith.remsi %parallel_loop3A_1375, %parallel_loop3A_1406 : i32
      %parallel_loop3A_1408 = arith.constant 0 : i32
      %parallel_loop3A_1409 = arith.cmpi ne, %parallel_loop3A_1407, %parallel_loop3A_1408 : i32
      %parallel_loop3A_1410 = arith.constant 0 : i32
      %parallel_loop3A_1411 = arith.cmpi slt, %parallel_loop3A_1407, %parallel_loop3A_1410 : i32
      %parallel_loop3A_1412 = arith.constant 0 : i32
      %parallel_loop3A_1413 = arith.cmpi slt, %parallel_loop3A_1406, %parallel_loop3A_1412 : i32
      %parallel_loop3A_1414 = arith.xori %parallel_loop3A_1411, %parallel_loop3A_1413 : i1
      %parallel_loop3A_1415 = arith.andi %parallel_loop3A_1414, %parallel_loop3A_1409 : i1
      %parallel_loop3A_1416 = arith.addi %parallel_loop3A_1407, %parallel_loop3A_1406 : i32
      %parallel_loop3A_1417 = arith.select %parallel_loop3A_1415, %parallel_loop3A_1416, %parallel_loop3A_1407 : i32
      %parallel_loop3A_1418 = arith.constant 16 : i32
      %parallel_loop3A_1419 = arith.muli %parallel_loop3A_1417, %parallel_loop3A_1418 : i32
      %parallel_loop3A_1420 = arith.index_cast %parallel_loop3A_1401 : i32 to index
      %parallel_loop3A_1421 = arith.index_cast %parallel_loop3A_1419 : i32 to index
      %parallel_loop3A_1422 = tpu.vector_load %arg19[%parallel_loop3A_1420, %parallel_loop3A_1421] {strides = array<i32>} : memref<32x1024xi32, #tpu.memory_space<vmem>>, vector<16xi32>,
      %parallel_loop3A_1423 = tpu.vector_load_idx %arg16[%broadcast_in_dim3A_80, %parallel_loop3A_1422] : memref<1x8192xf32, #tpu.memory_space<vmem>>[vector<16xi32>, vector<16xi32>], vector<16xf32>,
      %parallel_loop3A_1424 = arith.index_cast %parallel_loop3A_1401 : i32 to index
      %parallel_loop3A_1425 = arith.index_cast %parallel_loop3A_1419 : i32 to index
      %parallel_loop3A_1426 = tpu.vector_load %arg18[%parallel_loop3A_1424, %parallel_loop3A_1425] {strides = array<i32>} : memref<32x1024xf32, #tpu.memory_space<vmem>>, vector<16xf32>,
      tpu.vector_store %arg18[%parallel_loop3A_1424, %parallel_loop3A_1425], %parallel_loop3A_1423 {strides = array<i32>} : memref<32x1024xf32, #tpu.memory_space<vmem>>, vector<16xf32>,
    } {sc.loop_unroll_factor = 8 : i64, sc.parallel_access}
    %add3A_1116 = arith.constant 16 : i32
    %add3A_1117 = arith.addi %mul3A_1077, %add3A_1116 : i32
    %dma_start3A_1118 = arith.constant 16 : i32
    %dma_start3A_1119 = arith.constant 0 : i32
    %dma_start3A_1120 = tpu.memref_slice %arg18[%dma_start3A_1118, %dma_start3A_1119] : memref<32x1024xf32, #tpu.memory_space<vmem>> -> memref<16x1024xf32, #tpu.memory_space<vmem>>
    %dma_start3A_1121 = arith.constant 0 : i32
    %dma_start3A_1122 = tpu.memref_slice %arg5[%add3A_1117, %dma_start3A_1121] : memref<16768x1024xf32, #tpu.memory_space<hbm>> -> memref<16x1024xf32, #tpu.memory_space<hbm>>
    %dma_start3A_1123 = arith.constant 0 : i32
    %dma_start3A_1124 = tpu.memref_slice %arg5[%add3A_1117, %dma_start3A_1123] : memref<16768x1024xf32, #tpu.memory_space<hbm>> -> memref<16x1024xf32, #tpu.memory_space<hbm>>
    %dma_start3A_1125 = arith.constant 16 : i32
    %dma_start3A_1126 = arith.constant 0 : i32
    %dma_start3A_1127 = tpu.memref_slice %arg18[%dma_start3A_1125, %dma_start3A_1126] : memref<32x1024xf32, #tpu.memory_space<vmem>> -> memref<16x1024xf32, #tpu.memory_space<vmem>>
    tpu.enqueue_dma source(%dma_start3A_1127 : memref<16x1024xf32, #tpu.memory_space<vmem>>) target(%dma_start3A_1124 : memref<16x1024xf32, #tpu.memory_space<hbm>>) target_semaphore(%arg23 : memref<!tpu.dma_semaphore, #tpu.memory_space<semaphore_mem>>)
    %mul3A_1128 = arith.constant 2 : i32
    %mul3A_1129 = arith.muli %arg0, %mul3A_1128 : i32
    %add3A_1130 = arith.constant 1 : i32
    %add3A_1131 = arith.addi %mul3A_1129, %add3A_1130 : i32
    %add3A_1132 = arith.constant 80 : i32
    %add3A_1133 = arith.addi %add3A_1132, %arg1 : i32
    %add3A_1134 = arith.constant 96 : i32
    %add3A_1135 = arith.addi %add3A_1134, %arg1 : i32
    %mul3A_1136 = arith.constant 2 : i32
    %mul3A_1137 = arith.muli %arg0, %mul3A_1136 : i32
    %add3A_1138 = arith.constant 1 : i32
    %add3A_1139 = arith.addi %mul3A_1137, %add3A_1138 : i32
    %mul3A_1140 = arith.constant 128 : i32
    %mul3A_1141 = arith.muli %add3A_1139, %mul3A_1140 : i32
    %add3A_1142 = arith.addi %mul3A_1141, %add3A_1135 : i32
    %dma_start3A_1143 = arith.constant 0 : i32
    %dma_start3A_1144 = tpu.memref_slice %arg4[%add3A_1142, %dma_start3A_1143] : memref<512x8192xf32, #tpu.memory_space<hbm>> -> memref<1x8192xf32, #tpu.memory_space<hbm>>
    %dma_start3A_1145 = arith.constant 0 : i32
    %dma_start3A_1146 = tpu.memref_slice %arg4[%add3A_1142, %dma_start3A_1145] : memref<512x8192xf32, #tpu.memory_space<hbm>> -> memref<1x8192xf32, #tpu.memory_space<hbm>>
    tpu.enqueue_dma source(%dma_start3A_1146 : memref<1x8192xf32, #tpu.memory_space<hbm>>) target(%arg16 : memref<1x8192xf32, #tpu.memory_space<vmem>>) target_semaphore(%arg20 : memref<!tpu.dma_semaphore, #tpu.memory_space<semaphore_mem>>)
    %dma_wait3A_1147 = arith.constant 0 : i32
    %dma_wait3A_1148 = tpu.memref_slice %arg4[%add3A_1062, %dma_wait3A_1147] : memref<512x8192xf32, #tpu.memory_space<hbm>> -> memref<1x8192xf32, #tpu.memory_space<hbm>>
    %dma_wait3A_1149 = arith.constant 0 : i32
    %dma_wait3A_1150 = tpu.memref_slice %arg4[%add3A_1062, %dma_wait3A_1149] : memref<512x8192xf32, #tpu.memory_space<hbm>> -> memref<1x8192xf32, #tpu.memory_space<hbm>>
    tpu.wait_dma2 semaphore(%arg21 : memref<!tpu.dma_semaphore, #tpu.memory_space<semaphore_mem>>) src(%dma_wait3A_1150 : memref<1x8192xf32, #tpu.memory_space<hbm>>) dst(%arg17 : memref<1x8192xf32, #tpu.memory_space<vmem>>)
    %mul3A_1151 = arith.constant 131 : i32
    %mul3A_1152 = arith.muli %add3A_1131, %mul3A_1151 : i32
    %add3A_1153 = arith.constant 3 : i32
    %add3A_1154 = arith.addi %mul3A_1152, %add3A_1153 : i32
    %add3A_1155 = arith.addi %add3A_1154, %add3A_1133 : i32
    %mul3A_1156 = arith.constant 32 : i32
    %mul3A_1157 = arith.muli %add3A_1155, %mul3A_1156 : i32
    %dma_wait3A_1158 = arith.constant 0 : i32
    %dma_wait3A_1159 = arith.constant 0 : i32
    %dma_wait3A_1160 = tpu.memref_slice %arg18[%dma_wait3A_1158, %dma_wait3A_1159] : memref<32x1024xf32, #tpu.memory_space<vmem>> -> memref<16x1024xf32, #tpu.memory_space<vmem>>
    %dma_wait3A_1161 = arith.constant 0 : i32
    %dma_wait3A_1162 = tpu.memref_slice %arg5[%add3A_1092, %dma_wait3A_1161] : memref<16768x1024xf32, #tpu.memory_space<hbm>> -> memref<16x1024xf32, #tpu.memory_space<hbm>>
    %dma_wait3A_1163 = arith.constant 0 : i32
    %dma_wait3A_1164 = tpu.memref_slice %arg5[%add3A_1092, %dma_wait3A_1163] : memref<16768x1024xf32, #tpu.memory_space<hbm>> -> memref<16x1024xf32, #tpu.memory_space<hbm>>
    %dma_wait3A_1165 = arith.constant 0 : i32
    %dma_wait3A_1166 = arith.constant 0 : i32
    %dma_wait3A_1167 = tpu.memref_slice %arg18[%dma_wait3A_1165, %dma_wait3A_1166] : memref<32x1024xf32, #tpu.memory_space<vmem>> -> memref<16x1024xf32, #tpu.memory_space<vmem>>
    tpu.wait_dma2 semaphore(%arg22 : memref<!tpu.dma_semaphore, #tpu.memory_space<semaphore_mem>>) src(%dma_wait3A_1167 : memref<16x1024xf32, #tpu.memory_space<vmem>>) dst(%dma_wait3A_1164 : memref<16x1024xf32, #tpu.memory_space<hbm>>)
    %parallel_loop3A_1168 = arith.constant 0 : i32
    %parallel_loop3A_1169 = arith.constant 1024 : i32
    %parallel_loop3A_1170 = arith.constant 1 : i32
    scf.for %parallel_loop3A_1375 = %parallel_loop3A_1168 to %parallel_loop3A_1169 step %parallel_loop3A_1170  : i32 {
      %parallel_loop3A_1376 = arith.constant 64 : i32
      %parallel_loop3A_1377 = arith.divsi %parallel_loop3A_1375, %parallel_loop3A_1376 : i32
      %parallel_loop3A_1378 = arith.constant 0 : i32
      %parallel_loop3A_1379 = arith.cmpi sgt, %parallel_loop3A_1375, %parallel_loop3A_1378 : i32
      %parallel_loop3A_1380 = arith.extui %parallel_loop3A_1379 : i1 to i32
      %parallel_loop3A_1381 = arith.constant 0 : i32
      %parallel_loop3A_1382 = arith.cmpi slt, %parallel_loop3A_1375, %parallel_loop3A_1381 : i32
      %parallel_loop3A_1383 = arith.extui %parallel_loop3A_1382 : i1 to i32
      %parallel_loop3A_1384 = arith.subi %parallel_loop3A_1380, %parallel_loop3A_1383 : i32
      %parallel_loop3A_1385 = arith.constant 0 : i32
      %parallel_loop3A_1386 = arith.cmpi sgt, %parallel_loop3A_1376, %parallel_loop3A_1385 : i32
      %parallel_loop3A_1387 = arith.extui %parallel_loop3A_1386 : i1 to i32
      %parallel_loop3A_1388 = arith.constant 0 : i32
      %parallel_loop3A_1389 = arith.cmpi slt, %parallel_loop3A_1376, %parallel_loop3A_1388 : i32
      %parallel_loop3A_1390 = arith.extui %parallel_loop3A_1389 : i1 to i32
      %parallel_loop3A_1391 = arith.subi %parallel_loop3A_1387, %parallel_loop3A_1390 : i32
      %parallel_loop3A_1392 = arith.cmpi ne, %parallel_loop3A_1384, %parallel_loop3A_1391 : i32
      %parallel_loop3A_1393 = arith.remsi %parallel_loop3A_1375, %parallel_loop3A_1376 : i32
      %parallel_loop3A_1394 = arith.constant 0 : i32
      %parallel_loop3A_1395 = arith.cmpi ne, %parallel_loop3A_1393, %parallel_loop3A_1394 : i32
      %parallel_loop3A_1396 = arith.andi %parallel_loop3A_1392, %parallel_loop3A_1395 : i1
      %parallel_loop3A_1397 = arith.constant 1 : i32
      %parallel_loop3A_1398 = arith.subi %parallel_loop3A_1377, %parallel_loop3A_1397 : i32
      %parallel_loop3A_1399 = arith.select %parallel_loop3A_1396, %parallel_loop3A_1398, %parallel_loop3A_1377 : i32
      %parallel_loop3A_1400 = arith.constant 0 : i32
      %parallel_loop3A_1401 = arith.addi %parallel_loop3A_1400, %parallel_loop3A_1399 : i32
      %parallel_loop3A_1402 = arith.constant 64 : i32
      %parallel_loop3A_1403 = arith.constant 0 : i32
      %parallel_loop3A_1404 = arith.cmpi eq, %parallel_loop3A_1402, %parallel_loop3A_1403 : i32
      %parallel_loop3A_1405 = arith.constant 1 : i32
      %parallel_loop3A_1406 = arith.select %parallel_loop3A_1404, %parallel_loop3A_1405, %parallel_loop3A_1402 : i32
      %parallel_loop3A_1407 = arith.remsi %parallel_loop3A_1375, %parallel_loop3A_1406 : i32
      %parallel_loop3A_1408 = arith.constant 0 : i32
      %parallel_loop3A_1409 = arith.cmpi ne, %parallel_loop3A_1407, %parallel_loop3A_1408 : i32
      %parallel_loop3A_1410 = arith.constant 0 : i32
      %parallel_loop3A_1411 = arith.cmpi slt, %parallel_loop3A_1407, %parallel_loop3A_1410 : i32
      %parallel_loop3A_1412 = arith.constant 0 : i32
      %parallel_loop3A_1413 = arith.cmpi slt, %parallel_loop3A_1406, %parallel_loop3A_1412 : i32
      %parallel_loop3A_1414 = arith.xori %parallel_loop3A_1411, %parallel_loop3A_1413 : i1
      %parallel_loop3A_1415 = arith.andi %parallel_loop3A_1414, %parallel_loop3A_1409 : i1
      %parallel_loop3A_1416 = arith.addi %parallel_loop3A_1407, %parallel_loop3A_1406 : i32
      %parallel_loop3A_1417 = arith.select %parallel_loop3A_1415, %parallel_loop3A_1416, %parallel_loop3A_1407 : i32
      %parallel_loop3A_1418 = arith.constant 16 : i32
      %parallel_loop3A_1419 = arith.muli %parallel_loop3A_1417, %parallel_loop3A_1418 : i32
      %parallel_loop3A_1420 = arith.index_cast %parallel_loop3A_1401 : i32 to index
      %parallel_loop3A_1421 = arith.index_cast %parallel_loop3A_1419 : i32 to index
      %parallel_loop3A_1422 = tpu.vector_load %arg19[%parallel_loop3A_1420, %parallel_loop3A_1421] {strides = array<i32>} : memref<32x1024xi32, #tpu.memory_space<vmem>>, vector<16xi32>,
      %parallel_loop3A_1423 = tpu.vector_load_idx %arg17[%broadcast_in_dim3A_80, %parallel_loop3A_1422] : memref<1x8192xf32, #tpu.memory_space<vmem>>[vector<16xi32>, vector<16xi32>], vector<16xf32>,
      %parallel_loop3A_1424 = arith.index_cast %parallel_loop3A_1401 : i32 to index
      %parallel_loop3A_1425 = arith.index_cast %parallel_loop3A_1419 : i32 to index
      %parallel_loop3A_1426 = tpu.vector_load %arg18[%parallel_loop3A_1424, %parallel_loop3A_1425] {strides = array<i32>} : memref<32x1024xf32, #tpu.memory_space<vmem>>, vector<16xf32>,
      tpu.vector_store %arg18[%parallel_loop3A_1424, %parallel_loop3A_1425], %parallel_loop3A_1423 {strides = array<i32>} : memref<32x1024xf32, #tpu.memory_space<vmem>>, vector<16xf32>,
    } {sc.loop_unroll_factor = 8 : i64, sc.parallel_access}
    %add3A_1171 = arith.constant 0 : i32
    %add3A_1172 = arith.addi %mul3A_1157, %add3A_1171 : i32
    %dma_start3A_1173 = arith.constant 0 : i32
    %dma_start3A_1174 = arith.constant 0 : i32
    %dma_start3A_1175 = tpu.memref_slice %arg18[%dma_start3A_1173, %dma_start3A_1174] : memref<32x1024xf32, #tpu.memory_space<vmem>> -> memref<16x1024xf32, #tpu.memory_space<vmem>>
    %dma_start3A_1176 = arith.constant 0 : i32
    %dma_start3A_1177 = tpu.memref_slice %arg5[%add3A_1172, %dma_start3A_1176] : memref<16768x1024xf32, #tpu.memory_space<hbm>> -> memref<16x1024xf32, #tpu.memory_space<hbm>>
    %dma_start3A_1178 = arith.constant 0 : i32
    %dma_start3A_1179 = tpu.memref_slice %arg5[%add3A_1172, %dma_start3A_1178] : memref<16768x1024xf32, #tpu.memory_space<hbm>> -> memref<16x1024xf32, #tpu.memory_space<hbm>>
    %dma_start3A_1180 = arith.constant 0 : i32
    %dma_start3A_1181 = arith.constant 0 : i32
    %dma_start3A_1182 = tpu.memref_slice %arg18[%dma_start3A_1180, %dma_start3A_1181] : memref<32x1024xf32, #tpu.memory_space<vmem>> -> memref<16x1024xf32, #tpu.memory_space<vmem>>
    tpu.enqueue_dma source(%dma_start3A_1182 : memref<16x1024xf32, #tpu.memory_space<vmem>>) target(%dma_start3A_1179 : memref<16x1024xf32, #tpu.memory_space<hbm>>) target_semaphore(%arg22 : memref<!tpu.dma_semaphore, #tpu.memory_space<semaphore_mem>>)
    %dma_wait3A_1183 = arith.constant 16 : i32
    %dma_wait3A_1184 = arith.constant 0 : i32
    %dma_wait3A_1185 = tpu.memref_slice %arg18[%dma_wait3A_1183, %dma_wait3A_1184] : memref<32x1024xf32, #tpu.memory_space<vmem>> -> memref<16x1024xf32, #tpu.memory_space<vmem>>
    %dma_wait3A_1186 = arith.constant 0 : i32
    %dma_wait3A_1187 = tpu.memref_slice %arg5[%add3A_1117, %dma_wait3A_1186] : memref<16768x1024xf32, #tpu.memory_space<hbm>> -> memref<16x1024xf32, #tpu.memory_space<hbm>>
    %dma_wait3A_1188 = arith.constant 0 : i32
    %dma_wait3A_1189 = tpu.memref_slice %arg5[%add3A_1117, %dma_wait3A_1188] : memref<16768x1024xf32, #tpu.memory_space<hbm>> -> memref<16x1024xf32, #tpu.memory_space<hbm>>
    %dma_wait3A_1190 = arith.constant 16 : i32
    %dma_wait3A_1191 = arith.constant 0 : i32
    %dma_wait3A_1192 = tpu.memref_slice %arg18[%dma_wait3A_1190, %dma_wait3A_1191] : memref<32x1024xf32, #tpu.memory_space<vmem>> -> memref<16x1024xf32, #tpu.memory_space<vmem>>
    tpu.wait_dma2 semaphore(%arg23 : memref<!tpu.dma_semaphore, #tpu.memory_space<semaphore_mem>>) src(%dma_wait3A_1192 : memref<16x1024xf32, #tpu.memory_space<vmem>>) dst(%dma_wait3A_1189 : memref<16x1024xf32, #tpu.memory_space<hbm>>)
    %parallel_loop3A_1193 = arith.constant 0 : i32
    %parallel_loop3A_1194 = arith.constant 1024 : i32
    %parallel_loop3A_1195 = arith.constant 1 : i32
    scf.for %parallel_loop3A_1375 = %parallel_loop3A_1193 to %parallel_loop3A_1194 step %parallel_loop3A_1195  : i32 {
      %parallel_loop3A_1376 = arith.constant 64 : i32
      %parallel_loop3A_1377 = arith.divsi %parallel_loop3A_1375, %parallel_loop3A_1376 : i32
      %parallel_loop3A_1378 = arith.constant 0 : i32
      %parallel_loop3A_1379 = arith.cmpi sgt, %parallel_loop3A_1375, %parallel_loop3A_1378 : i32
      %parallel_loop3A_1380 = arith.extui %parallel_loop3A_1379 : i1 to i32
      %parallel_loop3A_1381 = arith.constant 0 : i32
      %parallel_loop3A_1382 = arith.cmpi slt, %parallel_loop3A_1375, %parallel_loop3A_1381 : i32
      %parallel_loop3A_1383 = arith.extui %parallel_loop3A_1382 : i1 to i32
      %parallel_loop3A_1384 = arith.subi %parallel_loop3A_1380, %parallel_loop3A_1383 : i32
      %parallel_loop3A_1385 = arith.constant 0 : i32
      %parallel_loop3A_1386 = arith.cmpi sgt, %parallel_loop3A_1376, %parallel_loop3A_1385 : i32
      %parallel_loop3A_1387 = arith.extui %parallel_loop3A_1386 : i1 to i32
      %parallel_loop3A_1388 = arith.constant 0 : i32
      %parallel_loop3A_1389 = arith.cmpi slt, %parallel_loop3A_1376, %parallel_loop3A_1388 : i32
      %parallel_loop3A_1390 = arith.extui %parallel_loop3A_1389 : i1 to i32
      %parallel_loop3A_1391 = arith.subi %parallel_loop3A_1387, %parallel_loop3A_1390 : i32
      %parallel_loop3A_1392 = arith.cmpi ne, %parallel_loop3A_1384, %parallel_loop3A_1391 : i32
      %parallel_loop3A_1393 = arith.remsi %parallel_loop3A_1375, %parallel_loop3A_1376 : i32
      %parallel_loop3A_1394 = arith.constant 0 : i32
      %parallel_loop3A_1395 = arith.cmpi ne, %parallel_loop3A_1393, %parallel_loop3A_1394 : i32
      %parallel_loop3A_1396 = arith.andi %parallel_loop3A_1392, %parallel_loop3A_1395 : i1
      %parallel_loop3A_1397 = arith.constant 1 : i32
      %parallel_loop3A_1398 = arith.subi %parallel_loop3A_1377, %parallel_loop3A_1397 : i32
      %parallel_loop3A_1399 = arith.select %parallel_loop3A_1396, %parallel_loop3A_1398, %parallel_loop3A_1377 : i32
      %parallel_loop3A_1400 = arith.constant 16 : i32
      %parallel_loop3A_1401 = arith.addi %parallel_loop3A_1400, %parallel_loop3A_1399 : i32
      %parallel_loop3A_1402 = arith.constant 64 : i32
      %parallel_loop3A_1403 = arith.constant 0 : i32
      %parallel_loop3A_1404 = arith.cmpi eq, %parallel_loop3A_1402, %parallel_loop3A_1403 : i32
      %parallel_loop3A_1405 = arith.constant 1 : i32
      %parallel_loop3A_1406 = arith.select %parallel_loop3A_1404, %parallel_loop3A_1405, %parallel_loop3A_1402 : i32
      %parallel_loop3A_1407 = arith.remsi %parallel_loop3A_1375, %parallel_loop3A_1406 : i32
      %parallel_loop3A_1408 = arith.constant 0 : i32
      %parallel_loop3A_1409 = arith.cmpi ne, %parallel_loop3A_1407, %parallel_loop3A_1408 : i32
      %parallel_loop3A_1410 = arith.constant 0 : i32
      %parallel_loop3A_1411 = arith.cmpi slt, %parallel_loop3A_1407, %parallel_loop3A_1410 : i32
      %parallel_loop3A_1412 = arith.constant 0 : i32
      %parallel_loop3A_1413 = arith.cmpi slt, %parallel_loop3A_1406, %parallel_loop3A_1412 : i32
      %parallel_loop3A_1414 = arith.xori %parallel_loop3A_1411, %parallel_loop3A_1413 : i1
      %parallel_loop3A_1415 = arith.andi %parallel_loop3A_1414, %parallel_loop3A_1409 : i1
      %parallel_loop3A_1416 = arith.addi %parallel_loop3A_1407, %parallel_loop3A_1406 : i32
      %parallel_loop3A_1417 = arith.select %parallel_loop3A_1415, %parallel_loop3A_1416, %parallel_loop3A_1407 : i32
      %parallel_loop3A_1418 = arith.constant 16 : i32
      %parallel_loop3A_1419 = arith.muli %parallel_loop3A_1417, %parallel_loop3A_1418 : i32
      %parallel_loop3A_1420 = arith.index_cast %parallel_loop3A_1401 : i32 to index
      %parallel_loop3A_1421 = arith.index_cast %parallel_loop3A_1419 : i32 to index
      %parallel_loop3A_1422 = tpu.vector_load %arg19[%parallel_loop3A_1420, %parallel_loop3A_1421] {strides = array<i32>} : memref<32x1024xi32, #tpu.memory_space<vmem>>, vector<16xi32>,
      %parallel_loop3A_1423 = tpu.vector_load_idx %arg17[%broadcast_in_dim3A_80, %parallel_loop3A_1422] : memref<1x8192xf32, #tpu.memory_space<vmem>>[vector<16xi32>, vector<16xi32>], vector<16xf32>,
      %parallel_loop3A_1424 = arith.index_cast %parallel_loop3A_1401 : i32 to index
      %parallel_loop3A_1425 = arith.index_cast %parallel_loop3A_1419 : i32 to index
      %parallel_loop3A_1426 = tpu.vector_load %arg18[%parallel_loop3A_1424, %parallel_loop3A_1425] {strides = array<i32>} : memref<32x1024xf32, #tpu.memory_space<vmem>>, vector<16xf32>,
      tpu.vector_store %arg18[%parallel_loop3A_1424, %parallel_loop3A_1425], %parallel_loop3A_1423 {strides = array<i32>} : memref<32x1024xf32, #tpu.memory_space<vmem>>, vector<16xf32>,
    } {sc.loop_unroll_factor = 8 : i64, sc.parallel_access}
    %add3A_1196 = arith.constant 16 : i32
    %add3A_1197 = arith.addi %mul3A_1157, %add3A_1196 : i32
    %dma_start3A_1198 = arith.constant 16 : i32
    %dma_start3A_1199 = arith.constant 0 : i32
    %dma_start3A_1200 = tpu.memref_slice %arg18[%dma_start3A_1198, %dma_start3A_1199] : memref<32x1024xf32, #tpu.memory_space<vmem>> -> memref<16x1024xf32, #tpu.memory_space<vmem>>
    %dma_start3A_1201 = arith.constant 0 : i32
    %dma_start3A_1202 = tpu.memref_slice %arg5[%add3A_1197, %dma_start3A_1201] : memref<16768x1024xf32, #tpu.memory_space<hbm>> -> memref<16x1024xf32, #tpu.memory_space<hbm>>
    %dma_start3A_1203 = arith.constant 0 : i32
    %dma_start3A_1204 = tpu.memref_slice %arg5[%add3A_1197, %dma_start3A_1203] : memref<16768x1024xf32, #tpu.memory_space<hbm>> -> memref<16x1024xf32, #tpu.memory_space<hbm>>
    %dma_start3A_1205 = arith.constant 16 : i32
    %dma_start3A_1206 = arith.constant 0 : i32
    %dma_start3A_1207 = tpu.memref_slice %arg18[%dma_start3A_1205, %dma_start3A_1206] : memref<32x1024xf32, #tpu.memory_space<vmem>> -> memref<16x1024xf32, #tpu.memory_space<vmem>>
    tpu.enqueue_dma source(%dma_start3A_1207 : memref<16x1024xf32, #tpu.memory_space<vmem>>) target(%dma_start3A_1204 : memref<16x1024xf32, #tpu.memory_space<hbm>>) target_semaphore(%arg23 : memref<!tpu.dma_semaphore, #tpu.memory_space<semaphore_mem>>)
    %mul3A_1208 = arith.constant 2 : i32
    %mul3A_1209 = arith.muli %arg0, %mul3A_1208 : i32
    %add3A_1210 = arith.constant 1 : i32
    %add3A_1211 = arith.addi %mul3A_1209, %add3A_1210 : i32
    %add3A_1212 = arith.constant 96 : i32
    %add3A_1213 = arith.addi %add3A_1212, %arg1 : i32
    %add3A_1214 = arith.constant 112 : i32
    %add3A_1215 = arith.addi %add3A_1214, %arg1 : i32
    %mul3A_1216 = arith.constant 2 : i32
    %mul3A_1217 = arith.muli %arg0, %mul3A_1216 : i32
    %add3A_1218 = arith.constant 1 : i32
    %add3A_1219 = arith.addi %mul3A_1217, %add3A_1218 : i32
    %mul3A_1220 = arith.constant 128 : i32
    %mul3A_1221 = arith.muli %add3A_1219, %mul3A_1220 : i32
    %add3A_1222 = arith.addi %mul3A_1221, %add3A_1215 : i32
    %dma_start3A_1223 = arith.constant 0 : i32
    %dma_start3A_1224 = tpu.memref_slice %arg4[%add3A_1222, %dma_start3A_1223] : memref<512x8192xf32, #tpu.memory_space<hbm>> -> memref<1x8192xf32, #tpu.memory_space<hbm>>
    %dma_start3A_1225 = arith.constant 0 : i32
    %dma_start3A_1226 = tpu.memref_slice %arg4[%add3A_1222, %dma_start3A_1225] : memref<512x8192xf32, #tpu.memory_space<hbm>> -> memref<1x8192xf32, #tpu.memory_space<hbm>>
    tpu.enqueue_dma source(%dma_start3A_1226 : memref<1x8192xf32, #tpu.memory_space<hbm>>) target(%arg17 : memref<1x8192xf32, #tpu.memory_space<vmem>>) target_semaphore(%arg21 : memref<!tpu.dma_semaphore, #tpu.memory_space<semaphore_mem>>)
    %dma_wait3A_1227 = arith.constant 0 : i32
    %dma_wait3A_1228 = tpu.memref_slice %arg4[%add3A_1142, %dma_wait3A_1227] : memref<512x8192xf32, #tpu.memory_space<hbm>> -> memref<1x8192xf32, #tpu.memory_space<hbm>>
    %dma_wait3A_1229 = arith.constant 0 : i32
    %dma_wait3A_1230 = tpu.memref_slice %arg4[%add3A_1142, %dma_wait3A_1229] : memref<512x8192xf32, #tpu.memory_space<hbm>> -> memref<1x8192xf32, #tpu.memory_space<hbm>>
    tpu.wait_dma2 semaphore(%arg20 : memref<!tpu.dma_semaphore, #tpu.memory_space<semaphore_mem>>) src(%dma_wait3A_1230 : memref<1x8192xf32, #tpu.memory_space<hbm>>) dst(%arg16 : memref<1x8192xf32, #tpu.memory_space<vmem>>)
    %mul3A_1231 = arith.constant 131 : i32
    %mul3A_1232 = arith.muli %add3A_1211, %mul3A_1231 : i32
    %add3A_1233 = arith.constant 3 : i32
    %add3A_1234 = arith.addi %mul3A_1232, %add3A_1233 : i32
    %add3A_1235 = arith.addi %add3A_1234, %add3A_1213 : i32
    %mul3A_1236 = arith.constant 32 : i32
    %mul3A_1237 = arith.muli %add3A_1235, %mul3A_1236 : i32
    %dma_wait3A_1238 = arith.constant 0 : i32
    %dma_wait3A_1239 = arith.constant 0 : i32
    %dma_wait3A_1240 = tpu.memref_slice %arg18[%dma_wait3A_1238, %dma_wait3A_1239] : memref<32x1024xf32, #tpu.memory_space<vmem>> -> memref<16x1024xf32, #tpu.memory_space<vmem>>
    %dma_wait3A_1241 = arith.constant 0 : i32
    %dma_wait3A_1242 = tpu.memref_slice %arg5[%add3A_1172, %dma_wait3A_1241] : memref<16768x1024xf32, #tpu.memory_space<hbm>> -> memref<16x1024xf32, #tpu.memory_space<hbm>>
    %dma_wait3A_1243 = arith.constant 0 : i32
    %dma_wait3A_1244 = tpu.memref_slice %arg5[%add3A_1172, %dma_wait3A_1243] : memref<16768x1024xf32, #tpu.memory_space<hbm>> -> memref<16x1024xf32, #tpu.memory_space<hbm>>
    %dma_wait3A_1245 = arith.constant 0 : i32
    %dma_wait3A_1246 = arith.constant 0 : i32
    %dma_wait3A_1247 = tpu.memref_slice %arg18[%dma_wait3A_1245, %dma_wait3A_1246] : memref<32x1024xf32, #tpu.memory_space<vmem>> -> memref<16x1024xf32, #tpu.memory_space<vmem>>
    tpu.wait_dma2 semaphore(%arg22 : memref<!tpu.dma_semaphore, #tpu.memory_space<semaphore_mem>>) src(%dma_wait3A_1247 : memref<16x1024xf32, #tpu.memory_space<vmem>>) dst(%dma_wait3A_1244 : memref<16x1024xf32, #tpu.memory_space<hbm>>)
    %parallel_loop3A_1248 = arith.constant 0 : i32
    %parallel_loop3A_1249 = arith.constant 1024 : i32
    %parallel_loop3A_1250 = arith.constant 1 : i32
    scf.for %parallel_loop3A_1375 = %parallel_loop3A_1248 to %parallel_loop3A_1249 step %parallel_loop3A_1250  : i32 {
      %parallel_loop3A_1376 = arith.constant 64 : i32
      %parallel_loop3A_1377 = arith.divsi %parallel_loop3A_1375, %parallel_loop3A_1376 : i32
      %parallel_loop3A_1378 = arith.constant 0 : i32
      %parallel_loop3A_1379 = arith.cmpi sgt, %parallel_loop3A_1375, %parallel_loop3A_1378 : i32
      %parallel_loop3A_1380 = arith.extui %parallel_loop3A_1379 : i1 to i32
      %parallel_loop3A_1381 = arith.constant 0 : i32
      %parallel_loop3A_1382 = arith.cmpi slt, %parallel_loop3A_1375, %parallel_loop3A_1381 : i32
      %parallel_loop3A_1383 = arith.extui %parallel_loop3A_1382 : i1 to i32
      %parallel_loop3A_1384 = arith.subi %parallel_loop3A_1380, %parallel_loop3A_1383 : i32
      %parallel_loop3A_1385 = arith.constant 0 : i32
      %parallel_loop3A_1386 = arith.cmpi sgt, %parallel_loop3A_1376, %parallel_loop3A_1385 : i32
      %parallel_loop3A_1387 = arith.extui %parallel_loop3A_1386 : i1 to i32
      %parallel_loop3A_1388 = arith.constant 0 : i32
      %parallel_loop3A_1389 = arith.cmpi slt, %parallel_loop3A_1376, %parallel_loop3A_1388 : i32
      %parallel_loop3A_1390 = arith.extui %parallel_loop3A_1389 : i1 to i32
      %parallel_loop3A_1391 = arith.subi %parallel_loop3A_1387, %parallel_loop3A_1390 : i32
      %parallel_loop3A_1392 = arith.cmpi ne, %parallel_loop3A_1384, %parallel_loop3A_1391 : i32
      %parallel_loop3A_1393 = arith.remsi %parallel_loop3A_1375, %parallel_loop3A_1376 : i32
      %parallel_loop3A_1394 = arith.constant 0 : i32
      %parallel_loop3A_1395 = arith.cmpi ne, %parallel_loop3A_1393, %parallel_loop3A_1394 : i32
      %parallel_loop3A_1396 = arith.andi %parallel_loop3A_1392, %parallel_loop3A_1395 : i1
      %parallel_loop3A_1397 = arith.constant 1 : i32
      %parallel_loop3A_1398 = arith.subi %parallel_loop3A_1377, %parallel_loop3A_1397 : i32
      %parallel_loop3A_1399 = arith.select %parallel_loop3A_1396, %parallel_loop3A_1398, %parallel_loop3A_1377 : i32
      %parallel_loop3A_1400 = arith.constant 0 : i32
      %parallel_loop3A_1401 = arith.addi %parallel_loop3A_1400, %parallel_loop3A_1399 : i32
      %parallel_loop3A_1402 = arith.constant 64 : i32
      %parallel_loop3A_1403 = arith.constant 0 : i32
      %parallel_loop3A_1404 = arith.cmpi eq, %parallel_loop3A_1402, %parallel_loop3A_1403 : i32
      %parallel_loop3A_1405 = arith.constant 1 : i32
      %parallel_loop3A_1406 = arith.select %parallel_loop3A_1404, %parallel_loop3A_1405, %parallel_loop3A_1402 : i32
      %parallel_loop3A_1407 = arith.remsi %parallel_loop3A_1375, %parallel_loop3A_1406 : i32
      %parallel_loop3A_1408 = arith.constant 0 : i32
      %parallel_loop3A_1409 = arith.cmpi ne, %parallel_loop3A_1407, %parallel_loop3A_1408 : i32
      %parallel_loop3A_1410 = arith.constant 0 : i32
      %parallel_loop3A_1411 = arith.cmpi slt, %parallel_loop3A_1407, %parallel_loop3A_1410 : i32
      %parallel_loop3A_1412 = arith.constant 0 : i32
      %parallel_loop3A_1413 = arith.cmpi slt, %parallel_loop3A_1406, %parallel_loop3A_1412 : i32
      %parallel_loop3A_1414 = arith.xori %parallel_loop3A_1411, %parallel_loop3A_1413 : i1
      %parallel_loop3A_1415 = arith.andi %parallel_loop3A_1414, %parallel_loop3A_1409 : i1
      %parallel_loop3A_1416 = arith.addi %parallel_loop3A_1407, %parallel_loop3A_1406 : i32
      %parallel_loop3A_1417 = arith.select %parallel_loop3A_1415, %parallel_loop3A_1416, %parallel_loop3A_1407 : i32
      %parallel_loop3A_1418 = arith.constant 16 : i32
      %parallel_loop3A_1419 = arith.muli %parallel_loop3A_1417, %parallel_loop3A_1418 : i32
      %parallel_loop3A_1420 = arith.index_cast %parallel_loop3A_1401 : i32 to index
      %parallel_loop3A_1421 = arith.index_cast %parallel_loop3A_1419 : i32 to index
      %parallel_loop3A_1422 = tpu.vector_load %arg19[%parallel_loop3A_1420, %parallel_loop3A_1421] {strides = array<i32>} : memref<32x1024xi32, #tpu.memory_space<vmem>>, vector<16xi32>,
      %parallel_loop3A_1423 = tpu.vector_load_idx %arg16[%broadcast_in_dim3A_80, %parallel_loop3A_1422] : memref<1x8192xf32, #tpu.memory_space<vmem>>[vector<16xi32>, vector<16xi32>], vector<16xf32>,
      %parallel_loop3A_1424 = arith.index_cast %parallel_loop3A_1401 : i32 to index
      %parallel_loop3A_1425 = arith.index_cast %parallel_loop3A_1419 : i32 to index
      %parallel_loop3A_1426 = tpu.vector_load %arg18[%parallel_loop3A_1424, %parallel_loop3A_1425] {strides = array<i32>} : memref<32x1024xf32, #tpu.memory_space<vmem>>, vector<16xf32>,
      tpu.vector_store %arg18[%parallel_loop3A_1424, %parallel_loop3A_1425], %parallel_loop3A_1423 {strides = array<i32>} : memref<32x1024xf32, #tpu.memory_space<vmem>>, vector<16xf32>,
    } {sc.loop_unroll_factor = 8 : i64, sc.parallel_access}
    %add3A_1251 = arith.constant 0 : i32
    %add3A_1252 = arith.addi %mul3A_1237, %add3A_1251 : i32
    %dma_start3A_1253 = arith.constant 0 : i32
    %dma_start3A_1254 = arith.constant 0 : i32
    %dma_start3A_1255 = tpu.memref_slice %arg18[%dma_start3A_1253, %dma_start3A_1254] : memref<32x1024xf32, #tpu.memory_space<vmem>> -> memref<16x1024xf32, #tpu.memory_space<vmem>>
    %dma_start3A_1256 = arith.constant 0 : i32
    %dma_start3A_1257 = tpu.memref_slice %arg5[%add3A_1252, %dma_start3A_1256] : memref<16768x1024xf32, #tpu.memory_space<hbm>> -> memref<16x1024xf32, #tpu.memory_space<hbm>>
    %dma_start3A_1258 = arith.constant 0 : i32
    %dma_start3A_1259 = tpu.memref_slice %arg5[%add3A_1252, %dma_start3A_1258] : memref<16768x1024xf32, #tpu.memory_space<hbm>> -> memref<16x1024xf32, #tpu.memory_space<hbm>>
    %dma_start3A_1260 = arith.constant 0 : i32
    %dma_start3A_1261 = arith.constant 0 : i32
    %dma_start3A_1262 = tpu.memref_slice %arg18[%dma_start3A_1260, %dma_start3A_1261] : memref<32x1024xf32, #tpu.memory_space<vmem>> -> memref<16x1024xf32, #tpu.memory_space<vmem>>
    tpu.enqueue_dma source(%dma_start3A_1262 : memref<16x1024xf32, #tpu.memory_space<vmem>>) target(%dma_start3A_1259 : memref<16x1024xf32, #tpu.memory_space<hbm>>) target_semaphore(%arg22 : memref<!tpu.dma_semaphore, #tpu.memory_space<semaphore_mem>>)
    %dma_wait3A_1263 = arith.constant 16 : i32
    %dma_wait3A_1264 = arith.constant 0 : i32
    %dma_wait3A_1265 = tpu.memref_slice %arg18[%dma_wait3A_1263, %dma_wait3A_1264] : memref<32x1024xf32, #tpu.memory_space<vmem>> -> memref<16x1024xf32, #tpu.memory_space<vmem>>
    %dma_wait3A_1266 = arith.constant 0 : i32
    %dma_wait3A_1267 = tpu.memref_slice %arg5[%add3A_1197, %dma_wait3A_1266] : memref<16768x1024xf32, #tpu.memory_space<hbm>> -> memref<16x1024xf32, #tpu.memory_space<hbm>>
    %dma_wait3A_1268 = arith.constant 0 : i32
    %dma_wait3A_1269 = tpu.memref_slice %arg5[%add3A_1197, %dma_wait3A_1268] : memref<16768x1024xf32, #tpu.memory_space<hbm>> -> memref<16x1024xf32, #tpu.memory_space<hbm>>
    %dma_wait3A_1270 = arith.constant 16 : i32
    %dma_wait3A_1271 = arith.constant 0 : i32
    %dma_wait3A_1272 = tpu.memref_slice %arg18[%dma_wait3A_1270, %dma_wait3A_1271] : memref<32x1024xf32, #tpu.memory_space<vmem>> -> memref<16x1024xf32, #tpu.memory_space<vmem>>
    tpu.wait_dma2 semaphore(%arg23 : memref<!tpu.dma_semaphore, #tpu.memory_space<semaphore_mem>>) src(%dma_wait3A_1272 : memref<16x1024xf32, #tpu.memory_space<vmem>>) dst(%dma_wait3A_1269 : memref<16x1024xf32, #tpu.memory_space<hbm>>)
    %parallel_loop3A_1273 = arith.constant 0 : i32
    %parallel_loop3A_1274 = arith.constant 1024 : i32
    %parallel_loop3A_1275 = arith.constant 1 : i32
    scf.for %parallel_loop3A_1375 = %parallel_loop3A_1273 to %parallel_loop3A_1274 step %parallel_loop3A_1275  : i32 {
      %parallel_loop3A_1376 = arith.constant 64 : i32
      %parallel_loop3A_1377 = arith.divsi %parallel_loop3A_1375, %parallel_loop3A_1376 : i32
      %parallel_loop3A_1378 = arith.constant 0 : i32
      %parallel_loop3A_1379 = arith.cmpi sgt, %parallel_loop3A_1375, %parallel_loop3A_1378 : i32
      %parallel_loop3A_1380 = arith.extui %parallel_loop3A_1379 : i1 to i32
      %parallel_loop3A_1381 = arith.constant 0 : i32
      %parallel_loop3A_1382 = arith.cmpi slt, %parallel_loop3A_1375, %parallel_loop3A_1381 : i32
      %parallel_loop3A_1383 = arith.extui %parallel_loop3A_1382 : i1 to i32
      %parallel_loop3A_1384 = arith.subi %parallel_loop3A_1380, %parallel_loop3A_1383 : i32
      %parallel_loop3A_1385 = arith.constant 0 : i32
      %parallel_loop3A_1386 = arith.cmpi sgt, %parallel_loop3A_1376, %parallel_loop3A_1385 : i32
      %parallel_loop3A_1387 = arith.extui %parallel_loop3A_1386 : i1 to i32
      %parallel_loop3A_1388 = arith.constant 0 : i32
      %parallel_loop3A_1389 = arith.cmpi slt, %parallel_loop3A_1376, %parallel_loop3A_1388 : i32
      %parallel_loop3A_1390 = arith.extui %parallel_loop3A_1389 : i1 to i32
      %parallel_loop3A_1391 = arith.subi %parallel_loop3A_1387, %parallel_loop3A_1390 : i32
      %parallel_loop3A_1392 = arith.cmpi ne, %parallel_loop3A_1384, %parallel_loop3A_1391 : i32
      %parallel_loop3A_1393 = arith.remsi %parallel_loop3A_1375, %parallel_loop3A_1376 : i32
      %parallel_loop3A_1394 = arith.constant 0 : i32
      %parallel_loop3A_1395 = arith.cmpi ne, %parallel_loop3A_1393, %parallel_loop3A_1394 : i32
      %parallel_loop3A_1396 = arith.andi %parallel_loop3A_1392, %parallel_loop3A_1395 : i1
      %parallel_loop3A_1397 = arith.constant 1 : i32
      %parallel_loop3A_1398 = arith.subi %parallel_loop3A_1377, %parallel_loop3A_1397 : i32
      %parallel_loop3A_1399 = arith.select %parallel_loop3A_1396, %parallel_loop3A_1398, %parallel_loop3A_1377 : i32
      %parallel_loop3A_1400 = arith.constant 16 : i32
      %parallel_loop3A_1401 = arith.addi %parallel_loop3A_1400, %parallel_loop3A_1399 : i32
      %parallel_loop3A_1402 = arith.constant 64 : i32
      %parallel_loop3A_1403 = arith.constant 0 : i32
      %parallel_loop3A_1404 = arith.cmpi eq, %parallel_loop3A_1402, %parallel_loop3A_1403 : i32
      %parallel_loop3A_1405 = arith.constant 1 : i32
      %parallel_loop3A_1406 = arith.select %parallel_loop3A_1404, %parallel_loop3A_1405, %parallel_loop3A_1402 : i32
      %parallel_loop3A_1407 = arith.remsi %parallel_loop3A_1375, %parallel_loop3A_1406 : i32
      %parallel_loop3A_1408 = arith.constant 0 : i32
      %parallel_loop3A_1409 = arith.cmpi ne, %parallel_loop3A_1407, %parallel_loop3A_1408 : i32
      %parallel_loop3A_1410 = arith.constant 0 : i32
      %parallel_loop3A_1411 = arith.cmpi slt, %parallel_loop3A_1407, %parallel_loop3A_1410 : i32
      %parallel_loop3A_1412 = arith.constant 0 : i32
      %parallel_loop3A_1413 = arith.cmpi slt, %parallel_loop3A_1406, %parallel_loop3A_1412 : i32
      %parallel_loop3A_1414 = arith.xori %parallel_loop3A_1411, %parallel_loop3A_1413 : i1
      %parallel_loop3A_1415 = arith.andi %parallel_loop3A_1414, %parallel_loop3A_1409 : i1
      %parallel_loop3A_1416 = arith.addi %parallel_loop3A_1407, %parallel_loop3A_1406 : i32
      %parallel_loop3A_1417 = arith.select %parallel_loop3A_1415, %parallel_loop3A_1416, %parallel_loop3A_1407 : i32
      %parallel_loop3A_1418 = arith.constant 16 : i32
      %parallel_loop3A_1419 = arith.muli %parallel_loop3A_1417, %parallel_loop3A_1418 : i32
      %parallel_loop3A_1420 = arith.index_cast %parallel_loop3A_1401 : i32 to index
      %parallel_loop3A_1421 = arith.index_cast %parallel_loop3A_1419 : i32 to index
      %parallel_loop3A_1422 = tpu.vector_load %arg19[%parallel_loop3A_1420, %parallel_loop3A_1421] {strides = array<i32>} : memref<32x1024xi32, #tpu.memory_space<vmem>>, vector<16xi32>,
      %parallel_loop3A_1423 = tpu.vector_load_idx %arg16[%broadcast_in_dim3A_80, %parallel_loop3A_1422] : memref<1x8192xf32, #tpu.memory_space<vmem>>[vector<16xi32>, vector<16xi32>], vector<16xf32>,
      %parallel_loop3A_1424 = arith.index_cast %parallel_loop3A_1401 : i32 to index
      %parallel_loop3A_1425 = arith.index_cast %parallel_loop3A_1419 : i32 to index
      %parallel_loop3A_1426 = tpu.vector_load %arg18[%parallel_loop3A_1424, %parallel_loop3A_1425] {strides = array<i32>} : memref<32x1024xf32, #tpu.memory_space<vmem>>, vector<16xf32>,
      tpu.vector_store %arg18[%parallel_loop3A_1424, %parallel_loop3A_1425], %parallel_loop3A_1423 {strides = array<i32>} : memref<32x1024xf32, #tpu.memory_space<vmem>>, vector<16xf32>,
    } {sc.loop_unroll_factor = 8 : i64, sc.parallel_access}
    %add3A_1276 = arith.constant 16 : i32
    %add3A_1277 = arith.addi %mul3A_1237, %add3A_1276 : i32
    %dma_start3A_1278 = arith.constant 16 : i32
    %dma_start3A_1279 = arith.constant 0 : i32
    %dma_start3A_1280 = tpu.memref_slice %arg18[%dma_start3A_1278, %dma_start3A_1279] : memref<32x1024xf32, #tpu.memory_space<vmem>> -> memref<16x1024xf32, #tpu.memory_space<vmem>>
    %dma_start3A_1281 = arith.constant 0 : i32
    %dma_start3A_1282 = tpu.memref_slice %arg5[%add3A_1277, %dma_start3A_1281] : memref<16768x1024xf32, #tpu.memory_space<hbm>> -> memref<16x1024xf32, #tpu.memory_space<hbm>>
    %dma_start3A_1283 = arith.constant 0 : i32
    %dma_start3A_1284 = tpu.memref_slice %arg5[%add3A_1277, %dma_start3A_1283] : memref<16768x1024xf32, #tpu.memory_space<hbm>> -> memref<16x1024xf32, #tpu.memory_space<hbm>>
    %dma_start3A_1285 = arith.constant 16 : i32
    %dma_start3A_1286 = arith.constant 0 : i32
    %dma_start3A_1287 = tpu.memref_slice %arg18[%dma_start3A_1285, %dma_start3A_1286] : memref<32x1024xf32, #tpu.memory_space<vmem>> -> memref<16x1024xf32, #tpu.memory_space<vmem>>
    tpu.enqueue_dma source(%dma_start3A_1287 : memref<16x1024xf32, #tpu.memory_space<vmem>>) target(%dma_start3A_1284 : memref<16x1024xf32, #tpu.memory_space<hbm>>) target_semaphore(%arg23 : memref<!tpu.dma_semaphore, #tpu.memory_space<semaphore_mem>>)
    %mul3A_1288 = arith.constant 2 : i32
    %mul3A_1289 = arith.muli %arg0, %mul3A_1288 : i32
    %add3A_1290 = arith.constant 1 : i32
    %add3A_1291 = arith.addi %mul3A_1289, %add3A_1290 : i32
    %add3A_1292 = arith.constant 112 : i32
    %add3A_1293 = arith.addi %add3A_1292, %arg1 : i32
    %dma_wait3A_1294 = arith.constant 0 : i32
    %dma_wait3A_1295 = tpu.memref_slice %arg4[%add3A_1222, %dma_wait3A_1294] : memref<512x8192xf32, #tpu.memory_space<hbm>> -> memref<1x8192xf32, #tpu.memory_space<hbm>>
    %dma_wait3A_1296 = arith.constant 0 : i32
    %dma_wait3A_1297 = tpu.memref_slice %arg4[%add3A_1222, %dma_wait3A_1296] : memref<512x8192xf32, #tpu.memory_space<hbm>> -> memref<1x8192xf32, #tpu.memory_space<hbm>>
    tpu.wait_dma2 semaphore(%arg21 : memref<!tpu.dma_semaphore, #tpu.memory_space<semaphore_mem>>) src(%dma_wait3A_1297 : memref<1x8192xf32, #tpu.memory_space<hbm>>) dst(%arg17 : memref<1x8192xf32, #tpu.memory_space<vmem>>)
    %mul3A_1298 = arith.constant 131 : i32
    %mul3A_1299 = arith.muli %add3A_1291, %mul3A_1298 : i32
    %add3A_1300 = arith.constant 3 : i32
    %add3A_1301 = arith.addi %mul3A_1299, %add3A_1300 : i32
    %add3A_1302 = arith.addi %add3A_1301, %add3A_1293 : i32
    %mul3A_1303 = arith.constant 32 : i32
    %mul3A_1304 = arith.muli %add3A_1302, %mul3A_1303 : i32
    %dma_wait3A_1305 = arith.constant 0 : i32
    %dma_wait3A_1306 = arith.constant 0 : i32
    %dma_wait3A_1307 = tpu.memref_slice %arg18[%dma_wait3A_1305, %dma_wait3A_1306] : memref<32x1024xf32, #tpu.memory_space<vmem>> -> memref<16x1024xf32, #tpu.memory_space<vmem>>
    %dma_wait3A_1308 = arith.constant 0 : i32
    %dma_wait3A_1309 = tpu.memref_slice %arg5[%add3A_1252, %dma_wait3A_1308] : memref<16768x1024xf32, #tpu.memory_space<hbm>> -> memref<16x1024xf32, #tpu.memory_space<hbm>>
    %dma_wait3A_1310 = arith.constant 0 : i32
    %dma_wait3A_1311 = tpu.memref_slice %arg5[%add3A_1252, %dma_wait3A_1310] : memref<16768x1024xf32, #tpu.memory_space<hbm>> -> memref<16x1024xf32, #tpu.memory_space<hbm>>
    %dma_wait3A_1312 = arith.constant 0 : i32
    %dma_wait3A_1313 = arith.constant 0 : i32
    %dma_wait3A_1314 = tpu.memref_slice %arg18[%dma_wait3A_1312, %dma_wait3A_1313] : memref<32x1024xf32, #tpu.memory_space<vmem>> -> memref<16x1024xf32, #tpu.memory_space<vmem>>
    tpu.wait_dma2 semaphore(%arg22 : memref<!tpu.dma_semaphore, #tpu.memory_space<semaphore_mem>>) src(%dma_wait3A_1314 : memref<16x1024xf32, #tpu.memory_space<vmem>>) dst(%dma_wait3A_1311 : memref<16x1024xf32, #tpu.memory_space<hbm>>)
    %parallel_loop3A_1315 = arith.constant 0 : i32
    %parallel_loop3A_1316 = arith.constant 1024 : i32
    %parallel_loop3A_1317 = arith.constant 1 : i32
    scf.for %parallel_loop3A_1375 = %parallel_loop3A_1315 to %parallel_loop3A_1316 step %parallel_loop3A_1317  : i32 {
      %parallel_loop3A_1376 = arith.constant 64 : i32
      %parallel_loop3A_1377 = arith.divsi %parallel_loop3A_1375, %parallel_loop3A_1376 : i32
      %parallel_loop3A_1378 = arith.constant 0 : i32
      %parallel_loop3A_1379 = arith.cmpi sgt, %parallel_loop3A_1375, %parallel_loop3A_1378 : i32
      %parallel_loop3A_1380 = arith.extui %parallel_loop3A_1379 : i1 to i32
      %parallel_loop3A_1381 = arith.constant 0 : i32
      %parallel_loop3A_1382 = arith.cmpi slt, %parallel_loop3A_1375, %parallel_loop3A_1381 : i32
      %parallel_loop3A_1383 = arith.extui %parallel_loop3A_1382 : i1 to i32
      %parallel_loop3A_1384 = arith.subi %parallel_loop3A_1380, %parallel_loop3A_1383 : i32
      %parallel_loop3A_1385 = arith.constant 0 : i32
      %parallel_loop3A_1386 = arith.cmpi sgt, %parallel_loop3A_1376, %parallel_loop3A_1385 : i32
      %parallel_loop3A_1387 = arith.extui %parallel_loop3A_1386 : i1 to i32
      %parallel_loop3A_1388 = arith.constant 0 : i32
      %parallel_loop3A_1389 = arith.cmpi slt, %parallel_loop3A_1376, %parallel_loop3A_1388 : i32
      %parallel_loop3A_1390 = arith.extui %parallel_loop3A_1389 : i1 to i32
      %parallel_loop3A_1391 = arith.subi %parallel_loop3A_1387, %parallel_loop3A_1390 : i32
      %parallel_loop3A_1392 = arith.cmpi ne, %parallel_loop3A_1384, %parallel_loop3A_1391 : i32
      %parallel_loop3A_1393 = arith.remsi %parallel_loop3A_1375, %parallel_loop3A_1376 : i32
      %parallel_loop3A_1394 = arith.constant 0 : i32
      %parallel_loop3A_1395 = arith.cmpi ne, %parallel_loop3A_1393, %parallel_loop3A_1394 : i32
      %parallel_loop3A_1396 = arith.andi %parallel_loop3A_1392, %parallel_loop3A_1395 : i1
      %parallel_loop3A_1397 = arith.constant 1 : i32
      %parallel_loop3A_1398 = arith.subi %parallel_loop3A_1377, %parallel_loop3A_1397 : i32
      %parallel_loop3A_1399 = arith.select %parallel_loop3A_1396, %parallel_loop3A_1398, %parallel_loop3A_1377 : i32
      %parallel_loop3A_1400 = arith.constant 0 : i32
      %parallel_loop3A_1401 = arith.addi %parallel_loop3A_1400, %parallel_loop3A_1399 : i32
      %parallel_loop3A_1402 = arith.constant 64 : i32
      %parallel_loop3A_1403 = arith.constant 0 : i32
      %parallel_loop3A_1404 = arith.cmpi eq, %parallel_loop3A_1402, %parallel_loop3A_1403 : i32
      %parallel_loop3A_1405 = arith.constant 1 : i32
      %parallel_loop3A_1406 = arith.select %parallel_loop3A_1404, %parallel_loop3A_1405, %parallel_loop3A_1402 : i32
      %parallel_loop3A_1407 = arith.remsi %parallel_loop3A_1375, %parallel_loop3A_1406 : i32
      %parallel_loop3A_1408 = arith.constant 0 : i32
      %parallel_loop3A_1409 = arith.cmpi ne, %parallel_loop3A_1407, %parallel_loop3A_1408 : i32
      %parallel_loop3A_1410 = arith.constant 0 : i32
      %parallel_loop3A_1411 = arith.cmpi slt, %parallel_loop3A_1407, %parallel_loop3A_1410 : i32
      %parallel_loop3A_1412 = arith.constant 0 : i32
      %parallel_loop3A_1413 = arith.cmpi slt, %parallel_loop3A_1406, %parallel_loop3A_1412 : i32
      %parallel_loop3A_1414 = arith.xori %parallel_loop3A_1411, %parallel_loop3A_1413 : i1
      %parallel_loop3A_1415 = arith.andi %parallel_loop3A_1414, %parallel_loop3A_1409 : i1
      %parallel_loop3A_1416 = arith.addi %parallel_loop3A_1407, %parallel_loop3A_1406 : i32
      %parallel_loop3A_1417 = arith.select %parallel_loop3A_1415, %parallel_loop3A_1416, %parallel_loop3A_1407 : i32
      %parallel_loop3A_1418 = arith.constant 16 : i32
      %parallel_loop3A_1419 = arith.muli %parallel_loop3A_1417, %parallel_loop3A_1418 : i32
      %parallel_loop3A_1420 = arith.index_cast %parallel_loop3A_1401 : i32 to index
      %parallel_loop3A_1421 = arith.index_cast %parallel_loop3A_1419 : i32 to index
      %parallel_loop3A_1422 = tpu.vector_load %arg19[%parallel_loop3A_1420, %parallel_loop3A_1421] {strides = array<i32>} : memref<32x1024xi32, #tpu.memory_space<vmem>>, vector<16xi32>,
      %parallel_loop3A_1423 = tpu.vector_load_idx %arg17[%broadcast_in_dim3A_80, %parallel_loop3A_1422] : memref<1x8192xf32, #tpu.memory_space<vmem>>[vector<16xi32>, vector<16xi32>], vector<16xf32>,
      %parallel_loop3A_1424 = arith.index_cast %parallel_loop3A_1401 : i32 to index
      %parallel_loop3A_1425 = arith.index_cast %parallel_loop3A_1419 : i32 to index
      %parallel_loop3A_1426 = tpu.vector_load %arg18[%parallel_loop3A_1424, %parallel_loop3A_1425] {strides = array<i32>} : memref<32x1024xf32, #tpu.memory_space<vmem>>, vector<16xf32>,
      tpu.vector_store %arg18[%parallel_loop3A_1424, %parallel_loop3A_1425], %parallel_loop3A_1423 {strides = array<i32>} : memref<32x1024xf32, #tpu.memory_space<vmem>>, vector<16xf32>,
    } {sc.loop_unroll_factor = 8 : i64, sc.parallel_access}
    %add3A_1318 = arith.constant 0 : i32
    %add3A_1319 = arith.addi %mul3A_1304, %add3A_1318 : i32
    %dma_start3A_1320 = arith.constant 0 : i32
    %dma_start3A_1321 = arith.constant 0 : i32
    %dma_start3A_1322 = tpu.memref_slice %arg18[%dma_start3A_1320, %dma_start3A_1321] : memref<32x1024xf32, #tpu.memory_space<vmem>> -> memref<16x1024xf32, #tpu.memory_space<vmem>>
    %dma_start3A_1323 = arith.constant 0 : i32
    %dma_start3A_1324 = tpu.memref_slice %arg5[%add3A_1319, %dma_start3A_1323] : memref<16768x1024xf32, #tpu.memory_space<hbm>> -> memref<16x1024xf32, #tpu.memory_space<hbm>>
    %dma_start3A_1325 = arith.constant 0 : i32
    %dma_start3A_1326 = tpu.memref_slice %arg5[%add3A_1319, %dma_start3A_1325] : memref<16768x1024xf32, #tpu.memory_space<hbm>> -> memref<16x1024xf32, #tpu.memory_space<hbm>>
    %dma_start3A_1327 = arith.constant 0 : i32
    %dma_start3A_1328 = arith.constant 0 : i32
    %dma_start3A_1329 = tpu.memref_slice %arg18[%dma_start3A_1327, %dma_start3A_1328] : memref<32x1024xf32, #tpu.memory_space<vmem>> -> memref<16x1024xf32, #tpu.memory_space<vmem>>
    tpu.enqueue_dma source(%dma_start3A_1329 : memref<16x1024xf32, #tpu.memory_space<vmem>>) target(%dma_start3A_1326 : memref<16x1024xf32, #tpu.memory_space<hbm>>) target_semaphore(%arg22 : memref<!tpu.dma_semaphore, #tpu.memory_space<semaphore_mem>>)
    %dma_wait3A_1330 = arith.constant 16 : i32
    %dma_wait3A_1331 = arith.constant 0 : i32
    %dma_wait3A_1332 = tpu.memref_slice %arg18[%dma_wait3A_1330, %dma_wait3A_1331] : memref<32x1024xf32, #tpu.memory_space<vmem>> -> memref<16x1024xf32, #tpu.memory_space<vmem>>
    %dma_wait3A_1333 = arith.constant 0 : i32
    %dma_wait3A_1334 = tpu.memref_slice %arg5[%add3A_1277, %dma_wait3A_1333] : memref<16768x1024xf32, #tpu.memory_space<hbm>> -> memref<16x1024xf32, #tpu.memory_space<hbm>>
    %dma_wait3A_1335 = arith.constant 0 : i32
    %dma_wait3A_1336 = tpu.memref_slice %arg5[%add3A_1277, %dma_wait3A_1335] : memref<16768x1024xf32, #tpu.memory_space<hbm>> -> memref<16x1024xf32, #tpu.memory_space<hbm>>
    %dma_wait3A_1337 = arith.constant 16 : i32
    %dma_wait3A_1338 = arith.constant 0 : i32
    %dma_wait3A_1339 = tpu.memref_slice %arg18[%dma_wait3A_1337, %dma_wait3A_1338] : memref<32x1024xf32, #tpu.memory_space<vmem>> -> memref<16x1024xf32, #tpu.memory_space<vmem>>
    tpu.wait_dma2 semaphore(%arg23 : memref<!tpu.dma_semaphore, #tpu.memory_space<semaphore_mem>>) src(%dma_wait3A_1339 : memref<16x1024xf32, #tpu.memory_space<vmem>>) dst(%dma_wait3A_1336 : memref<16x1024xf32, #tpu.memory_space<hbm>>)
    %parallel_loop3A_1340 = arith.constant 0 : i32
    %parallel_loop3A_1341 = arith.constant 1024 : i32
    %parallel_loop3A_1342 = arith.constant 1 : i32
    scf.for %parallel_loop3A_1375 = %parallel_loop3A_1340 to %parallel_loop3A_1341 step %parallel_loop3A_1342  : i32 {
      %parallel_loop3A_1376 = arith.constant 64 : i32
      %parallel_loop3A_1377 = arith.divsi %parallel_loop3A_1375, %parallel_loop3A_1376 : i32
      %parallel_loop3A_1378 = arith.constant 0 : i32
      %parallel_loop3A_1379 = arith.cmpi sgt, %parallel_loop3A_1375, %parallel_loop3A_1378 : i32
      %parallel_loop3A_1380 = arith.extui %parallel_loop3A_1379 : i1 to i32
      %parallel_loop3A_1381 = arith.constant 0 : i32
      %parallel_loop3A_1382 = arith.cmpi slt, %parallel_loop3A_1375, %parallel_loop3A_1381 : i32
      %parallel_loop3A_1383 = arith.extui %parallel_loop3A_1382 : i1 to i32
      %parallel_loop3A_1384 = arith.subi %parallel_loop3A_1380, %parallel_loop3A_1383 : i32
      %parallel_loop3A_1385 = arith.constant 0 : i32
      %parallel_loop3A_1386 = arith.cmpi sgt, %parallel_loop3A_1376, %parallel_loop3A_1385 : i32
      %parallel_loop3A_1387 = arith.extui %parallel_loop3A_1386 : i1 to i32
      %parallel_loop3A_1388 = arith.constant 0 : i32
      %parallel_loop3A_1389 = arith.cmpi slt, %parallel_loop3A_1376, %parallel_loop3A_1388 : i32
      %parallel_loop3A_1390 = arith.extui %parallel_loop3A_1389 : i1 to i32
      %parallel_loop3A_1391 = arith.subi %parallel_loop3A_1387, %parallel_loop3A_1390 : i32
      %parallel_loop3A_1392 = arith.cmpi ne, %parallel_loop3A_1384, %parallel_loop3A_1391 : i32
      %parallel_loop3A_1393 = arith.remsi %parallel_loop3A_1375, %parallel_loop3A_1376 : i32
      %parallel_loop3A_1394 = arith.constant 0 : i32
      %parallel_loop3A_1395 = arith.cmpi ne, %parallel_loop3A_1393, %parallel_loop3A_1394 : i32
      %parallel_loop3A_1396 = arith.andi %parallel_loop3A_1392, %parallel_loop3A_1395 : i1
      %parallel_loop3A_1397 = arith.constant 1 : i32
      %parallel_loop3A_1398 = arith.subi %parallel_loop3A_1377, %parallel_loop3A_1397 : i32
      %parallel_loop3A_1399 = arith.select %parallel_loop3A_1396, %parallel_loop3A_1398, %parallel_loop3A_1377 : i32
      %parallel_loop3A_1400 = arith.constant 16 : i32
      %parallel_loop3A_1401 = arith.addi %parallel_loop3A_1400, %parallel_loop3A_1399 : i32
      %parallel_loop3A_1402 = arith.constant 64 : i32
      %parallel_loop3A_1403 = arith.constant 0 : i32
      %parallel_loop3A_1404 = arith.cmpi eq, %parallel_loop3A_1402, %parallel_loop3A_1403 : i32
      %parallel_loop3A_1405 = arith.constant 1 : i32
      %parallel_loop3A_1406 = arith.select %parallel_loop3A_1404, %parallel_loop3A_1405, %parallel_loop3A_1402 : i32
      %parallel_loop3A_1407 = arith.remsi %parallel_loop3A_1375, %parallel_loop3A_1406 : i32
      %parallel_loop3A_1408 = arith.constant 0 : i32
      %parallel_loop3A_1409 = arith.cmpi ne, %parallel_loop3A_1407, %parallel_loop3A_1408 : i32
      %parallel_loop3A_1410 = arith.constant 0 : i32
      %parallel_loop3A_1411 = arith.cmpi slt, %parallel_loop3A_1407, %parallel_loop3A_1410 : i32
      %parallel_loop3A_1412 = arith.constant 0 : i32
      %parallel_loop3A_1413 = arith.cmpi slt, %parallel_loop3A_1406, %parallel_loop3A_1412 : i32
      %parallel_loop3A_1414 = arith.xori %parallel_loop3A_1411, %parallel_loop3A_1413 : i1
      %parallel_loop3A_1415 = arith.andi %parallel_loop3A_1414, %parallel_loop3A_1409 : i1
      %parallel_loop3A_1416 = arith.addi %parallel_loop3A_1407, %parallel_loop3A_1406 : i32
      %parallel_loop3A_1417 = arith.select %parallel_loop3A_1415, %parallel_loop3A_1416, %parallel_loop3A_1407 : i32
      %parallel_loop3A_1418 = arith.constant 16 : i32
      %parallel_loop3A_1419 = arith.muli %parallel_loop3A_1417, %parallel_loop3A_1418 : i32
      %parallel_loop3A_1420 = arith.index_cast %parallel_loop3A_1401 : i32 to index
      %parallel_loop3A_1421 = arith.index_cast %parallel_loop3A_1419 : i32 to index
      %parallel_loop3A_1422 = tpu.vector_load %arg19[%parallel_loop3A_1420, %parallel_loop3A_1421] {strides = array<i32>} : memref<32x1024xi32, #tpu.memory_space<vmem>>, vector<16xi32>,
      %parallel_loop3A_1423 = tpu.vector_load_idx %arg17[%broadcast_in_dim3A_80, %parallel_loop3A_1422] : memref<1x8192xf32, #tpu.memory_space<vmem>>[vector<16xi32>, vector<16xi32>], vector<16xf32>,
      %parallel_loop3A_1424 = arith.index_cast %parallel_loop3A_1401 : i32 to index
      %parallel_loop3A_1425 = arith.index_cast %parallel_loop3A_1419 : i32 to index
      %parallel_loop3A_1426 = tpu.vector_load %arg18[%parallel_loop3A_1424, %parallel_loop3A_1425] {strides = array<i32>} : memref<32x1024xf32, #tpu.memory_space<vmem>>, vector<16xf32>,
      tpu.vector_store %arg18[%parallel_loop3A_1424, %parallel_loop3A_1425], %parallel_loop3A_1423 {strides = array<i32>} : memref<32x1024xf32, #tpu.memory_space<vmem>>, vector<16xf32>,
    } {sc.loop_unroll_factor = 8 : i64, sc.parallel_access}
    %add3A_1343 = arith.constant 16 : i32
    %add3A_1344 = arith.addi %mul3A_1304, %add3A_1343 : i32
    %dma_start3A_1345 = arith.constant 16 : i32
    %dma_start3A_1346 = arith.constant 0 : i32
    %dma_start3A_1347 = tpu.memref_slice %arg18[%dma_start3A_1345, %dma_start3A_1346] : memref<32x1024xf32, #tpu.memory_space<vmem>> -> memref<16x1024xf32, #tpu.memory_space<vmem>>
    %dma_start3A_1348 = arith.constant 0 : i32
    %dma_start3A_1349 = tpu.memref_slice %arg5[%add3A_1344, %dma_start3A_1348] : memref<16768x1024xf32, #tpu.memory_space<hbm>> -> memref<16x1024xf32, #tpu.memory_space<hbm>>
    %dma_start3A_1350 = arith.constant 0 : i32
    %dma_start3A_1351 = tpu.memref_slice %arg5[%add3A_1344, %dma_start3A_1350] : memref<16768x1024xf32, #tpu.memory_space<hbm>> -> memref<16x1024xf32, #tpu.memory_space<hbm>>
    %dma_start3A_1352 = arith.constant 16 : i32
    %dma_start3A_1353 = arith.constant 0 : i32
    %dma_start3A_1354 = tpu.memref_slice %arg18[%dma_start3A_1352, %dma_start3A_1353] : memref<32x1024xf32, #tpu.memory_space<vmem>> -> memref<16x1024xf32, #tpu.memory_space<vmem>>
    tpu.enqueue_dma source(%dma_start3A_1354 : memref<16x1024xf32, #tpu.memory_space<vmem>>) target(%dma_start3A_1351 : memref<16x1024xf32, #tpu.memory_space<hbm>>) target_semaphore(%arg23 : memref<!tpu.dma_semaphore, #tpu.memory_space<semaphore_mem>>)
    %dma_wait3A_1355 = arith.constant 0 : i32
    %dma_wait3A_1356 = arith.constant 0 : i32
    %dma_wait3A_1357 = tpu.memref_slice %arg18[%dma_wait3A_1355, %dma_wait3A_1356] : memref<32x1024xf32, #tpu.memory_space<vmem>> -> memref<16x1024xf32, #tpu.memory_space<vmem>>
    %dma_wait3A_1358 = arith.constant 0 : i32
    %dma_wait3A_1359 = tpu.memref_slice %arg5[%add3A_1319, %dma_wait3A_1358] : memref<16768x1024xf32, #tpu.memory_space<hbm>> -> memref<16x1024xf32, #tpu.memory_space<hbm>>
    %dma_wait3A_1360 = arith.constant 0 : i32
    %dma_wait3A_1361 = tpu.memref_slice %arg5[%add3A_1319, %dma_wait3A_1360] : memref<16768x1024xf32, #tpu.memory_space<hbm>> -> memref<16x1024xf32, #tpu.memory_space<hbm>>
    %dma_wait3A_1362 = arith.constant 0 : i32
    %dma_wait3A_1363 = arith.constant 0 : i32
    %dma_wait3A_1364 = tpu.memref_slice %arg18[%dma_wait3A_1362, %dma_wait3A_1363] : memref<32x1024xf32, #tpu.memory_space<vmem>> -> memref<16x1024xf32, #tpu.memory_space<vmem>>
    tpu.wait_dma2 semaphore(%arg22 : memref<!tpu.dma_semaphore, #tpu.memory_space<semaphore_mem>>) src(%dma_wait3A_1364 : memref<16x1024xf32, #tpu.memory_space<vmem>>) dst(%dma_wait3A_1361 : memref<16x1024xf32, #tpu.memory_space<hbm>>)
    %dma_wait3A_1365 = arith.constant 16 : i32
    %dma_wait3A_1366 = arith.constant 0 : i32
    %dma_wait3A_1367 = tpu.memref_slice %arg18[%dma_wait3A_1365, %dma_wait3A_1366] : memref<32x1024xf32, #tpu.memory_space<vmem>> -> memref<16x1024xf32, #tpu.memory_space<vmem>>
    %dma_wait3A_1368 = arith.constant 0 : i32
    %dma_wait3A_1369 = tpu.memref_slice %arg5[%add3A_1344, %dma_wait3A_1368] : memref<16768x1024xf32, #tpu.memory_space<hbm>> -> memref<16x1024xf32, #tpu.memory_space<hbm>>
    %dma_wait3A_1370 = arith.constant 0 : i32
    %dma_wait3A_1371 = tpu.memref_slice %arg5[%add3A_1344, %dma_wait3A_1370] : memref<16768x1024xf32, #tpu.memory_space<hbm>> -> memref<16x1024xf32, #tpu.memory_space<hbm>>
    %dma_wait3A_1372 = arith.constant 16 : i32
    %dma_wait3A_1373 = arith.constant 0 : i32
    %dma_wait3A_1374 = tpu.memref_slice %arg18[%dma_wait3A_1372, %dma_wait3A_1373] : memref<32x1024xf32, #tpu.memory_space<vmem>> -> memref<16x1024xf32, #tpu.memory_space<vmem>>
    tpu.wait_dma2 semaphore(%arg23 : memref<!tpu.dma_semaphore, #tpu.memory_space<semaphore_mem>>) src(%dma_wait3A_1374 : memref<16x1024xf32, #tpu.memory_space<vmem>>) dst(%dma_wait3A_1371 : memref<16x1024xf32, #tpu.memory_space<hbm>>)
    return
  }
}

</mosaic_0001>

<sc_bundles>
// kernel: kernel.3.cloned.1.call-start
scs
__scs_entry_jumppad:
0x0: {  	(pc) =	sbr.rel $0x88, $3  }
0x1: {  	(tag) =	ssettag $0x0;
	lr =	simm.s32 $0x1  }
0x2: {  	[smem:$0x3F9E] =	sst lr;
	_ =	strace $0xD0000000  }
0x3: {  	_ = 	snop  }
0x4: {  	_ = 	snop  }
0x5: {  	_ = 	snop  }
0x6: {  	_ = 	snop  }
0x7: {  	_ = 	snop  }
__scs_overlays_trampoline_lowered:
0x8: {  	[smem:$0x3FAD] =	sst s0  }
0x9: {  	[smem:$0x3FAE] =	sst s1  }
0xa: {  	[smem:$0x3FAF] =	sst s2  }
0xb: {  	[smem:$0x3FB0] =	sst s3  }
0xc: {  	[smem:$0x3FB1] =	sst s4  }
0xd: {  	[smem:$0x3FB2] =	sst s5  }
0xe: {  	[smem:$0x3FB3] =	sst s6  }
0xf: {  	[smem:$0x3FB4] =	sst s7  }
0x10: {  	[smem:$0x3FB5] =	sst s8  }
0x11: {  	[smem:$0x3FB6] =	sst s9;
	s0 =	simm.s32 @!p0 $0x0  }
0x12: {  	s1 =	sld [smem:$0x3F9C];
	s0 =	simm.s32 @p0 $0x1  }
0x13: {  	[smem:$0x3FB7] =	sst s0;
	s0 =	simm.s32 @!p1 $0x0  }
0x14: {  	s2 =	sld [smem:$0x3F9B];
	s0 =	simm.s32 @p1 $0x1  }
0x15: {  	[smem:$0x3FB8] =	sst s0;
	s0 =	simm.s32 @!p2 $0x0  }
0x16: {  	s3 =	sld [smem:$0x3FDB];
	s0 =	simm.s32 @p2 $0x1  }
0x17: {  	s4 =	simm.s32 $0x1BF5;
	[smem:$0x3FBA] =	sst s0  }
0x18: {  	s0 =	sld [smem:$0x3F9D];
	_ =	swait.ge [sflag:s4], $0x0  }
0x19: {  	s7 =	sld [smem:$0x3F9E]  }
0x1a: {  	s8 =	sadd.s32 $0xFFFFE003, lr  }
0x1b: {  	s9 =	sadd.s32 $0xFFFFFEF7, lr;
	s5 =	simm.s32 $0xFFFFFFFF;
	p2 =	slt.u32 s8, $0xFFFFF086  }
0x1c: {  	p1 =	slt.u32 s9, $0xF7A;
	s5 =	simm.s32 @!p2 $0x0  }
0x1d: {  	s5 =	simm.s32 @p1 $0x1;
	p0 =	seq.s32 s7, s2  }
0x1e: {  	s7 =	smul.u32 @!p0 $0xF7A, s2;
	p2 =	seq.s32 @!p0 s5, $0x0  }
0x1f: {  	s9 =	smul.u32 $0xF7A, s1;
	s8 =	simm.s32 @!p0 $0x1BF5;
	p2 =	por !p2, p0  }
0x20: {  	[sflag:s8] =	ssyncset.s32 @!p0 $0xFFFFF086;
	s6 =	sadd.s32 @!p0 s3, s7;
	s7 =	simm.s32 @!p0 $0x108  }
0x21: {  	s3 =	sadd.s32 s3, s9;
	s6 =	sadd.s32 @!p0 $0x88, s6;
	s7 =	simm.s32 @p2 $0x1082  }
0x22: {  	[simem:s7], [sflag:s8] =	dma.local @!p0 [hbm:s6], $0xF7A  }
0x23: {  	s9 =	sor.u32 $0xD0000000, s2;
	s6 =	simm.s32 $0x108;
	_ =	swait.ge @!p0 [sflag:s8], $0x0  }
0x24: {  	s3 =	sadd.s32 $0x88, s3;
	s6 =	simm.s32 @!p1 $0x1082;
	[sflag:s4] =	ssyncset.s32 $0xFFFFF086  }
0x25: {  	[simem:s6], [sflag:s4] =	dma.local [hbm:s3], $0xF7A  }
0x26: {  	[smem:$0x3F9E] =	sst s1;
	(tag) =	ssettag s2;
	_ =	strace s9  }
0x27: {  	s1 =	sld [smem:$0x3FAE]  }
0x28: {  	s2 =	sld [smem:$0x3FAF]  }
0x29: {  	s4 =	sld [smem:$0x3FB1]  }
0x2a: {  	p0 =	seq.s32 s5, $0x0;
	s5 =	sld [smem:$0x3FB2]  }
0x2b: {  	s6 =	sld [smem:$0x3FB3]  }
0x2c: {  	s7 =	sld [smem:$0x3FB4]  }
0x2d: {  	s3 =	simm.s32 $0x108;
	s8 =	sld [smem:$0x3FB5]  }
0x2e: {  	s3 =	simm.s32 @!p0 $0x1082;
	s9 =	sld [smem:$0x3FB6]  }
0x2f: {  	lr =	sadd.s32 s0, s3;
	s0 =	sld [smem:$0x3FAD]  }
0x30: {  	s3 =	sld [smem:$0x3FB0]  }
0x31: {  	[smem:$0x3FB9] =	sst s10  }
0x32: {  	s10 =	sld [smem:$0x3FB7];
	_ =	sdelay $0x3  }
0x33: {  	p0 =	seq.s32 s10, $0x1;
	s10 =	sld [smem:$0x3FB9];
	_ =	sdelay $0x3  }
0x34: {  	[smem:$0x3FB9] =	sst s10  }
0x35: {  	s10 =	sld [smem:$0x3FB8];
	_ =	sdelay $0x3  }
0x36: {  	p1 =	seq.s32 s10, $0x1;
	s10 =	sld [smem:$0x3FB9];
	_ =	sdelay $0x3  }
0x37: {  	[smem:$0x3FB9] =	sst s10  }
0x38: {  	s10 =	sld [smem:$0x3FBA]  }
0x39: {  	_ = 	snop;
	(pc) =	sbr.ind lr, $3  }
0x3a: {  	_ = 	snop  }
0x3b: {  	_ = 	snop  }
0x3c: {  	p2 =	seq.s32 s10, $0x1;
	s10 =	sld [smem:$0x3FB9]  }
0x3d: {  	_ =	shalt  }
0x3e: {  	_ =	shalt  }
0x3f: {  	_ =	shalt  }
0x40: {  	_ =	shalt  }
0x41: {  	_ =	shalt  }
0x42: {  	_ =	shalt  }
0x43: {  	_ =	shalt  }
0x44: {  	_ =	shalt  }
0x45: {  	_ =	shalt  }
0x46: {  	_ =	shalt  }
0x47: {  	_ =	shalt  }
0x48: {  	_ =	shalt  }
0x49: {  	_ =	shalt  }
0x4a: {  	_ =	shalt  }
0x4b: {  	_ =	shalt  }
0x4c: {  	_ =	shalt  }
0x4d: {  	_ =	shalt  }
0x4e: {  	_ =	shalt  }
0x4f: {  	_ =	shalt  }
0x50: {  	_ =	shalt  }
0x51: {  	_ =	shalt  }
0x52: {  	_ =	shalt  }
0x53: {  	_ =	shalt  }
0x54: {  	_ =	shalt  }
0x55: {  	_ =	shalt  }
0x56: {  	_ =	shalt  }
0x57: {  	_ =	shalt  }
0x58: {  	_ =	shalt  }
0x59: {  	_ =	shalt  }
0x5a: {  	_ =	shalt  }
0x5b: {  	_ =	shalt  }
0x5c: {  	_ =	shalt  }
0x5d: {  	_ =	shalt  }
0x5e: {  	_ =	shalt  }
0x5f: {  	_ =	shalt  }
0x60: {  	_ =	shalt  }
0x61: {  	_ =	shalt  }
0x62: {  	_ =	shalt  }
0x63: {  	_ =	shalt  }
0x64: {  	_ =	shalt  }
0x65: {  	_ =	shalt  }
0x66: {  	_ =	shalt  }
0x67: {  	_ =	shalt  }
0x68: {  	_ =	shalt  }
0x69: {  	_ =	shalt  }
0x6a: {  	_ =	shalt  }
0x6b: {  	_ =	shalt  }
0x6c: {  	_ =	shalt  }
0x6d: {  	_ =	shalt  }
0x6e: {  	_ =	shalt  }
0x6f: {  	_ =	shalt  }
0x70: {  	_ =	shalt  }
0x71: {  	_ =	shalt  }
0x72: {  	_ =	shalt  }
0x73: {  	_ =	shalt  }
0x74: {  	_ =	shalt  }
0x75: {  	_ =	shalt  }
0x76: {  	_ =	shalt  }
0x77: {  	_ =	shalt  }
0x78: {  	_ =	shalt  }
0x79: {  	_ =	shalt  }
0x7a: {  	_ =	shalt  }
0x7b: {  	_ =	shalt  }
0x7c: {  	_ =	shalt  }
0x7d: {  	_ =	shalt  }
0x7e: {  	_ =	shalt  }
0x7f: {  	_ =	shalt  }
0x80: {  	_ =	shalt  }
0x81: {  	_ =	shalt  }
0x82: {  	_ =	shalt  }
0x83: {  	_ =	shalt  }
0x84: {  	_ =	shalt  }
0x85: {  	_ =	shalt  }
0x86: {  	_ =	shalt  }
0x87: {  	_ =	shalt  }
.Lfunc_end0:
.L_simem_size_0:
called_computation_lowered:
.L_overlay_start_0:
0x88: {  	s2 =	sld [smem:$0x3FD9]  }
0x89: {  	s3 =	sld [smem:$0x3FFE];
	_ =	sdelay $0x1  }
0x8a: {  	s1 =	srdreg.scid  }
0x8b: {  	s0 =	sand.u32 $0x1, s1  }
0x8c: {  	s17 =	sshll.u32 s0, $0xA;
	s2 =	sadd.s32 s3, s2  }
0x8d: {  	s2 =	sadd.s32 s2, s17  }
0x8e: {  	[smem:$0x3FC5] =	sst s2  }
0x8f: {  	_ = 	snop  }
0x90: {  	s2 =	sld [smem:$0x3FC7]  }
0x91: {  	s18 =	sld [smem:$0x3FD0];
	(tm) =	ssettm $0x1  }
0x92: {  	s4 =	sld [smem:$0x3FFB];
	_ =	sdelay $0x3  }
0x93: {  	_ =	strace s4  }
0x94: {  	s4 =	sld [smem:$0x3FFC];
	_ =	sdelay $0x3  }
0x95: {  	_ =	strace s4  }
0x96: {  	s4 =	sld [smem:$0x3FFD];
	_ =	sdelay $0x3  }
0x97: {  	_ =	strace s4  }
0x98: {  	_ =	strace $0x8FFFFFFF  }
0x99: {  	s19 =	sld [smem:$0x3FDB];
	_ =	sdelay $0x1  }
0x9a: {  	s5 =	simm.s32 $_scs_section_size  }
0x9b: {  	s6 =	simm.s32 $_size__tile_overlayer_lowered;
	s7 =	simm.s32 $_tile_overlayer_lowered  }
0x9c: {  	s22 =	simm.s32 $0x1BFF;
	s21 =	sshll.u32 s7, $0x1;
	s4 =	sadd.s32 s5, s19  }
0x9d: {  	s8 =	simm.s32 $0x0;
	s20 =	sshll.u32 s6, $0x1;
	s6 =	sadd.s32 s21, s4  }
0x9e: {  	[timem:s8], [sflag:s22] =	dma.local [hbm:s6], s20  }
0x9f: {  	_ =	swait.ge [sflag:s22], s20  }
0xa0: {  	s5 =	ssub.s32 $0x0, s20;
	[sflag:s22] =	ssyncset.done $0x0  }
0xa1: {  	[sflag:s22] =	ssyncadd.s32 s5;
	_ =	sdelay $0x1  }
0xa2: {  	s23 =	simm.s32 $0x1B8B  }
0xa3: {  	_ =	swait.ge [sflag:s23], $0x1  }
0xa4: {  	[sflag:s23] =	ssyncset.done $0x0  }
0xa5: {  	s25 =	simm.s32 $0x1B8E;
	s24 =	sld [smem:$0x3FFE];
	[sflag:s23] =	ssyncadd.s32 $0xFFFFFFFF  }
0xa6: {  	s26 =	simm.s32 $execute0_lowered;
	[smem:$0x3FD2] =	sst s25  }
0xa7: {  	s6 =	sshll.u32 s26, $0x1;
	_ =	strace $0x80000046;
	[dreg:$0x1] =	wrdreg $0xFFFFFFFF  }
0xa8: {  	s28 =	simm.s32 $_size_execute0_lowered;
	s4 =	sadd.s32 s4, s6;
	[dreg:$0x0] =	wrdreg $0x0  }
0xa9: {  	s6 =	sshll.u32 s28, $0x1;
	[dreg:$0x2] =	wrdreg s4  }
0xaa: {  	[dreg:$0x3] =	wrdreg s6  }
0xab: {  	[dreg:$0x4] =	wrdreg $0xC0  }
0xac: {  	_ =	task [dreg:s8], $0x5FFFF  }
0xad: {  	[dreg:$0x1] =	wrdreg $0xFFFFFFFF  }
0xae: {  	[dreg:$0x0] =	wrdreg $0x60  }
0xaf: {  	[dreg:$0x2] =	wrdreg s24  }
0xb0: {  	[dreg:$0x3] =	wrdreg s2  }
0xb1: {  	[dreg:$0x4] =	wrdreg s18  }
0xb2: {  	[dreg:$0x5] =	wrdreg $0x9  }
0xb3: {  	_ =	task.clear_ibuf [dreg:s8], $0x6FFFF;
	_ =	strace $0x90000046  }
0xb4: {  	s29 =	simm.s32 $0x9;
	_ =	strace $0x80000048  }
0xb5: {  	_ =	swait.ge [sflag:s29], $0x1  }
0xb6: {  	[sflag:s29] =	ssyncadd.s32 $0xFFFFFFFF  }
0xb7: {  	_ =	strace $0x90000048  }
0xb8: {  	_ =	sfence  }
0xb9: {  	s30 =	sld [smem:$0x0];
	_ =	sdelay $0x2  }
0xba: {  	s31 =	sshll.u32 s1, $0xD;
	s1 =	sshrl.u32 s1, $0x2  }
0xbb: {  	s3 =	sand.u32 $0x4000, s31;
	s1 =	sadd.s32 s1, s30  }
0xbc: {  	s0 =	sor.u32 s3, s0;
	s1 =	sshll.u32 s1, $0x11  }
0xbd: {  	s0 =	sor.u32 s1, s0  }
0xbe: {  	s0 =	sadd.s32 $0x8F2B, s0  }
0xbf: {  	[sflag:s0] =	ssyncadd.remote.s32 $0x1  }
0xc0: {  	_ =	sfence.sel $0xFFFF  }
0xc1: {  	[dreg:$0x0] =	wrdreg $0xFFFFFFFF;
	(pc) =	sbr.abs _section_cstart, $3  }
0xc2: {  	[dreg:$0x1] =	wrdreg $0xFFFFFFFF  }
0xc3: {  	_ =	task.clear_ibuf [dreg:s8], $0x2FFFF;
	_ =	strace $0x9FFFFFFF  }
0xc4: {  	(tm) =	ssettm $0x7FFFFFFF  }
0xc5: {  	_ =	shalt  }
tec
execute0_lowered:
.L_overlay_start_1:
0x0: {  	(tag) =	ssettag $0x1  }
0x1: {  	s0 =	srdreg.scid  }
0x2: {  	s31 =	stileid.u32;
	s1 =	rddreg [dreg:$0x0]  }
0x3: {  	s11 =	sand.u32 $0x1, s0;
	s3 =	sshrl.u32 s31, $0x3;
	s0 =	rddreg [dreg:$0x2]  }
0x4: {  	s4 =	sadd.s32 $0xE00, s1;
	s22 =	sadd.s32 $0x800, s1;
	s7 =	sadd.s32 $0x3E00, s1  }
0x5: {  	s12 =	sshll.u32 s31, $0x7;
	s2 =	sshll.u32 s11, $0x1;
	s5 =	ssub.s32 $0x2, s11  }
0x6: {  	s24 =	sand.u32 $0x380, s12;
	s14 =	sshll.u32 s11, $0x8;
	s20 =	sshll.u32 s11, $0xD  }
0x7: {  	s2 =	sor.u32 s3, s2;
	s23 =	sshrl.u32 s5, $0x1;
	s30 =	sor.u32 s31, s14  }
0x8: {  	s10 =	sadd.s32 s7, s24;
	s17 =	sadd.s32 s0, s24;
	s6 =	smul.u32 $0xC00, s2  }
0x9: {  	s1 =	ssub.s32 s5, s23;
	s15 =	smul.u32 $0x418000, s2;
	s5 =	sadd.s32 s7, s20  }
0xa: {  	[dreg:$0xc] =	wrdreg s5;
	s5 =	sor.u32 $0x30, s31;
	s8 =	sadd.s32 $0x400, s6  }
0xb: {  	s9 =	sadd.s32 s4, s6;
	s26 =	sor.u32 s24, s6;
	s6 =	sadd.s32 $0x800, s6  }
0xc: {  	s18 =	sshrl.u32 s15, $0x3;
	[dreg:$0x4] =	wrdreg s9;
	s25 =	sadd.s32 s4, s8  }
0xd: {  	s9 =	sshrl.u32 s26, $0x3;
	s4 =	sadd.s32 s4, s6;
	s8 =	sor.u32 s24, s8  }
0xe: {  	s6 =	sor.u32 s24, s6;
	s26 =	sor.u32 s5, s14;
	[dreg:$0x5] =	wrdreg s25  }
0xf: {  	[dreg:$0x6] =	wrdreg s4;
	s29 =	sadd.s32 s22, s9;
	s4 =	sshll.u32 s30, $0xD  }
0x10: {  	s8 =	sshrl.u32 s8, $0x3;
	s6 =	sshrl.u32 s6, $0x3;
	s9 =	sshll.u32 s2, $0xC  }
0x11: {  	s2 =	smul.u32 $0x83000, s2;
	[dreg:$0x7] =	wrdreg s29;
	s8 =	sadd.s32 s22, s8  }
0x12: {  	s4 =	sor.u32 s12, s4;
	s3 =	sadd.s32 s22, s6;
	[dreg:$0x8] =	wrdreg s8  }
0x13: {  	s16 =	sadd.s32 s9, s10;
	s9 =	sshll.u32 s26, $0xD;
	[dreg:$0x9] =	wrdreg s3  }
0x14: {  	s8 =	sand.u32 $0x210380, s4;
	[dreg:$0xa] =	wrdreg s16;
	s3 =	sor.u32 $0x10, s31  }
0x15: {  	s2 =	sadd.s32 s2, s17;
	s4 =	sor.u32 $0x20, s31;
	s13 =	sshrl.u32 s8, $0x3  }
0x16: {  	[dreg:$0xb] =	wrdreg s2;
	s2 =	sadd.s32 s17, s18;
	s19 =	sor.u32 s3, s14  }
0x17: {  	s23 =	sor.u32 s4, s14;
	s8 =	sshllo.u32 s11, $0x1;
	s17 =	sor.u32 s12, s9  }
0x18: {  	s9 =	sor.u32 $0x60, s31;
	s11 =	smul.u32 $0x106, s11;
	s21 =	sshll.u32 s19, $0xD  }
0x19: {  	s24 =	sshll.u32 s23, $0xD;
	s25 =	sshll.u32 s8, $0xC;
	s20 =	sor.u32 s9, s14  }
0x1a: {  	s17 =	sand.u32 $0x270380, s17;
	s22 =	sor.u32 s12, s21;
	s16 =	sor.u32 s12, s24  }
0x1b: {  	s6 =	sadd.s32 s7, s25;
	s7 =	sor.u32 $0x50, s31;
	s20 =	sshll.u32 s20, $0xD  }
0x1c: {  	s21 =	sshll.u32 s8, $0x7;
	s8 =	smul.u32 $0x83, s8;
	s15 =	sand.u32 $0x230380, s22  }
0x1d: {  	[dreg:$0xd] =	wrdreg s6;
	s6 =	sor.u32 $0x40, s31;
	s30 =	sor.u32 s7, s14  }
0x1e: {  	s20 =	sor.u32 s12, s20;
	s22 =	sor.u32 s31, s21;
	s23 =	sor.u32 s3, s21  }
0x1f: {  	s24 =	sor.u32 s4, s21;
	s25 =	sor.u32 s5, s21;
	s28 =	sor.u32 s7, s21  }
0x20: {  	s16 =	sand.u32 $0x250380, s16;
	s10 =	sor.u32 s6, s14;
	s22 =	sshll.u32 s22, $0xD  }
0x21: {  	s23 =	sshll.u32 s23, $0xD;
	s24 =	sshll.u32 s24, $0xD;
	s25 =	sshll.u32 s25, $0xD  }
0x22: {  	s26 =	sor.u32 s6, s21;
	s28 =	sshll.u32 s28, $0xD;
	s15 =	sshrl.u32 s15, $0x3  }
0x23: {  	s8 =	sadd.s32 $0x3, s8;
	s29 =	sshll.u32 s10, $0xD;
	s10 =	sshll.u32 s30, $0xD  }
0x24: {  	s22 =	sor.u32 s12, s22;
	s23 =	sor.u32 s12, s23;
	s24 =	sor.u32 s12, s24  }
0x25: {  	s25 =	sor.u32 s12, s25;
	s26 =	sshll.u32 s26, $0xD;
	s28 =	sor.u32 s12, s28  }
0x26: {  	s30 =	rddreg [dreg:$0x1];
	s18 =	sor.u32 s12, s29;
	s19 =	sor.u32 s12, s10  }
0x27: {  	s10 =	sor.u32 $0x70, s31;
	s26 =	sor.u32 s12, s26;
	s29 =	sor.u32 s9, s21  }
0x28: {  	s13 =	sadd.s32 s30, s13;
	s22 =	sand.u32 $0x7FF10380, s22;
	s23 =	sand.u32 $0x7FF30380, s23  }
0x29: {  	s14 =	sor.u32 s10, s14;
	s29 =	sshll.u32 s29, $0xD;
	s21 =	sor.u32 s10, s21  }
0x2a: {  	[dreg:$0xe] =	wrdreg s13;
	s13 =	sadd.s32 s30, s15;
	s15 =	sshrl.u32 s17, $0x3  }
0x2b: {  	s17 =	sand.u32 $0x2D0380, s20;
	s14 =	sshll.u32 s14, $0xD;
	s29 =	sor.u32 s12, s29  }
0x2c: {  	s21 =	sshll.u32 s21, $0xD;
	[dreg:$0xf] =	wrdreg s13;
	s13 =	sshrl.u32 s16, $0x3  }
0x2d: {  	s16 =	sand.u32 $0x2B0380, s19;
	s19 =	sshrl.u32 s17, $0x3;
	s17 =	sand.u32 $0x7FF50380, s24  }
0x2e: {  	s14 =	sor.u32 s12, s14;
	s12 =	sor.u32 s12, s21;
	s13 =	sadd.s32 s30, s13  }
0x2f: {  	s21 =	sadd.s32 s30, s15;
	s15 =	sand.u32 $0x290380, s18;
	s18 =	sshrl.u32 s16, $0x3  }
0x30: {  	s20 =	sadd.s32 s30, s19;
	s19 =	sand.u32 $0x7FF90380, s26;
	[dreg:$0x10] =	wrdreg s13  }
0x31: {  	s24 =	sand.u32 $0x7FFD0380, s29;
	[dreg:$0x11] =	wrdreg s21;
	s13 =	sshrl.u32 s15, $0x3  }
0x32: {  	[dreg:$0x14] =	wrdreg s20;
	s21 =	sand.u32 $0x2F0380, s14;
	s14 =	sshrl.u32 s22, $0x3  }
0x33: {  	s15 =	sshrl.u32 s23, $0x3;
	s23 =	sand.u32 $0x7FFB0380, s28;
	s28 =	simm.s32 $0x0  }
0x34: {  	s12 =	sand.u32 $0x7FFF0380, s12;
	s13 =	sadd.s32 s30, s13;
	[smem:$0x7FF] =	sst s28  }
0x35: {  	s16 =	sadd.s32 s30, s15;
	s12 =	sshrl.u32 s12, $0x3;
	[dreg:$0x12] =	wrdreg s13  }
0x36: {  	s13 =	sadd.s32 s30, s18;
	[dreg:$0x17] =	wrdreg s16;
	s18 =	sand.u32 $0x7FF70380, s25  }
0x37: {  	s25 =	sshrl.u32 s24, $0x3;
	s12 =	sadd.s32 s30, s12;
	[dreg:$0x13] =	wrdreg s13  }
0x38: {  	s13 =	sshrl.u32 s21, $0x3;
	s20 =	sshrl.u32 s18, $0x3;
	s21 =	sshrl.u32 s19, $0x3  }
0x39: {  	[dreg:$0x1d] =	wrdreg s12;
	s12 =	sadd.s32 $0x3, s11;
	s13 =	sadd.s32 s30, s13  }
0x3a: {  	s22 =	sadd.s32 s30, s21;
	s11 =	sadd.s32 s31, s12;
	s26 =	sadd.s32 s3, s12  }
0x3b: {  	s19 =	sadd.s32 s5, s12;
	s3 =	sadd.s32 s3, s8;
	[dreg:$0x15] =	wrdreg s13  }
0x3c: {  	s5 =	sadd.s32 s5, s8;
	s13 =	sadd.s32 s30, s14;
	[dreg:$0x1a] =	wrdreg s22  }
0x3d: {  	s29 =	sshll.u32 s11, $0xC;
	s22 =	sadd.s32 s7, s12;
	s7 =	sadd.s32 s7, s8  }
0x3e: {  	[dreg:$0x16] =	wrdreg s13;
	s13 =	sshrl.u32 s17, $0x3;
	s11 =	sadd.s32 s0, s29  }
0x3f: {  	s3 =	sshll.u32 s3, $0xC;
	s13 =	sadd.s32 s30, s13;
	[dreg:$0x1e] =	wrdreg s11  }
0x40: {  	s3 =	sand.u32 $0x1FFFF000, s3;
	s11 =	sadd.s32 $0x800, s0;
	[dreg:$0x18] =	wrdreg s13  }
0x41: {  	s13 =	sadd.s32 s30, s20;
	s14 =	sadd.s32 s29, s11;
	s20 =	sadd.s32 s6, s12  }
0x42: {  	s6 =	sadd.s32 s6, s8;
	[dreg:$0x19] =	wrdreg s13;
	s13 =	sshrl.u32 s23, $0x3  }
0x43: {  	[dreg:$0x1f] =	wrdreg s14;
	s23 =	sshll.u32 s22, $0xC;
	s13 =	sadd.s32 s30, s13  }
0x44: {  	s15 =	sshll.u32 s6, $0xC;
	s6 =	simm.s32 $0x400;
	[dreg:$0x1b] =	wrdreg s13  }
0x45: {  	s13 =	sadd.s32 s30, s25;
	s30 =	sadd.s32 s4, s12;
	s25 =	sadd.s32 s0, s23  }
0x46: {  	s4 =	sadd.s32 s4, s8;
	[dreg:$0x1c] =	wrdreg s13;
	s13 =	sshll.u32 s26, $0xC  }
0x47: {  	s16 =	sshll.u32 s30, $0xC;
	[smem:$0x7E5] =	sst s25;
	s26 =	sadd.s32 s9, s12  }
0x48: {  	s12 =	sadd.s32 s10, s12;
	s9 =	sadd.s32 s9, s8;
	s10 =	sadd.s32 s10, s8  }
0x49: {  	s8 =	sadd.s32 s31, s8;
	s4 =	sshll.u32 s4, $0xC;
	s17 =	sadd.s32 s0, s13  }
0x4a: {  	s13 =	sadd.s32 s13, s11;
	s18 =	sadd.s32 s0, s16;
	[smem:$0x7DD] =	sst s17  }
0x4b: {  	s14 =	sadd.s32 s16, s11;
	s12 =	sshll.u32 s12, $0xC;
	[smem:$0x7DE] =	sst s13  }
0x4c: {  	s8 =	sshll.u32 s8, $0xC;
	s4 =	sand.u32 $0x1FFFF000, s4;
	[smem:$0x7DF] =	sst s18  }
0x4d: {  	s16 =	sshll.u32 s7, $0xC;
	[smem:$0x7E0] =	sst s14;
	s30 =	sadd.s32 s0, s12  }
0x4e: {  	s13 =	sshll.u32 s19, $0xC;
	s12 =	sadd.s32 s12, s11;
	[smem:$0x7E9] =	sst s30  }
0x4f: {  	s7 =	simm.s32 $0xA480;
	s21 =	sadd.s32 s0, s13;
	[smem:$0x7EA] =	sst s12  }
0x50: {  	s14 =	sshll.u32 s20, $0xC;
	s13 =	sadd.s32 s13, s11;
	[smem:$0x7E1] =	sst s21  }
0x51: {  	s8 =	sand.u32 $0x1FFFF000, s8;
	s24 =	sadd.s32 s0, s14;
	[smem:$0x7E2] =	sst s13  }
0x52: {  	s18 =	sand.u32 $0x1FFFF000, s16;
	s14 =	sadd.s32 s14, s11;
	[smem:$0x7E3] =	sst s24  }
0x53: {  	s20 =	sshll.u32 s9, $0xC;
	s31 =	sadd.s32 s0, s8;
	[smem:$0x7E4] =	sst s14  }
0x54: {  	s9 =	simm.s32 $0x6480;
	s8 =	sadd.s32 s8, s11;
	[smem:$0x7EB] =	sst s31  }
0x55: {  	s16 =	simm.s32 $0x3;
	s12 =	sadd.s32 s0, s3;
	[smem:$0x7EC] =	sst s8  }
0x56: {  	s3 =	sadd.s32 s3, s11;
	s22 =	sand.u32 $0x1FFFF000, s20;
	[smem:$0x7ED] =	sst s12  }
0x57: {  	s30 =	sadd.s32 $0x2000, s2;
	s13 =	sadd.s32 s23, s11;
	[smem:$0x7EE] =	sst s3  }
0x58: {  	s14 =	sadd.s32 s0, s4;
	s4 =	sadd.s32 s4, s11;
	[smem:$0x7E6] =	sst s13  }
0x59: {  	s21 =	sadd.s32 s0, s18;
	s23 =	sshll.u32 s10, $0xC;
	[smem:$0x7EF] =	sst s14  }
0x5a: {  	s24 =	sadd.s32 s0, s22;
	s31 =	smax.u32 s1, $0x1;
	[smem:$0x7F0] =	sst s4  }
0x5b: {  	s8 =	simm.s32 $0x6300;
	s13 =	sshll.u32 s26, $0xC;
	[smem:$0x7F5] =	sst s21  }
0x5c: {  	s10 =	simm.s32 $0x7480;
	[smem:$0x7F7] =	sst s24;
	s29 =	sadd.s32 s0, s13  }
0x5d: {  	s4 =	sand.u32 $0x1FFFF000, s15;
	s13 =	sadd.s32 s13, s11;
	[smem:$0x7E7] =	sst s29  }
0x5e: {  	s25 =	sand.u32 $0x1FFFF000, s23;
	s19 =	sadd.s32 s0, s4;
	[smem:$0x7E8] =	sst s13  }
0x5f: {  	s4 =	sadd.s32 s4, s11;
	s13 =	sshll.u32 s5, $0xC;
	[smem:$0x7F3] =	sst s19  }
0x60: {  	s26 =	sadd.s32 s25, s11;
	[smem:$0x7F4] =	sst s4;
	s3 =	sand.u32 $0x1FFFF000, s13  }
0x61: {  	s12 =	simm.s32 $0xC480;
	[smem:$0x7FA] =	sst s26;
	s17 =	sadd.s32 s0, s3  }
0x62: {  	s14 =	simm.s32 $0x12480;
	s3 =	sadd.s32 s3, s11;
	[smem:$0x7F1] =	sst s17  }
0x63: {  	s15 =	simm.s32 $0x2;
	s0 =	sadd.s32 s0, s25;
	[smem:$0x7F2] =	sst s3  }
0x64: {  	s29 =	sadd.s32 $0x1000, s2;
	s3 =	sadd.s32 s18, s11;
	[smem:$0x7F9] =	sst s0  }
0x65: {  	v0 =	vlaneseq.u32;
	s2 =	simm.s32 $0x5;
	[smem:$0x7F6] =	sst s3;
	s3 =	sadd.s32 s22, s11  }
0x66: {  	v1 =	vmul.u32 $0x80, v0;
	s4 =	simm.s32 $0x4000;
	s5 =	simm.s32 $0x80;
	[smem:$0x7F8] =	sst s3  }
0x67: {  	v2 =	vimm.s32 $0x0;
	s13 =	simm.s32 $0xE480;
	_ =	strace $0x80000047;
	[smem:$0x7FB] =	sst s29  }
0x68: {  	v3 =	vor.u32 $0x10, v0;
	v4 =	vor.u32 $0x800, v1;
	v5 =	vor.u32 $0x1000, v1;
	s17 =	simm.s32 $0x4;
	s18 =	simm.s32 $0x0;
	[smem:$0x7FC] =	sst s30  }
0x69: {  	v6 =	vor.u32 $0x1800, v1;
	v7 =	vor.u32 $0x2000, v1;
	v8 =	vor.u32 $0x2800, v1;
	s11 =	simm.s32 $0x1;
	s3 =	simm.s32 $0x2000;
	[smem:$0x7FD] =	sst s31  }
.LBB2_1:
0x6a: {  	s0 =	rddreg [dreg:$0x4]  }
0x6b: {  	[tilespmem:s28], [sflag:$0x5] =	stream.linear.gather [hbm4b:s0+s28], $0x2000, $0x38;
	[tilespmem:$0x1E480] =	vst v63  }
0x6c: {  	_ =	swait.ge [sflag:s2], $0x2000  }
0x6d: {  	[sflag:s2] =	ssyncset.done $0x0  }
0x6e: {  	s22 =	rddreg [dreg:$0x5];
	[sflag:s2] =	ssyncadd.s32 $0xFFFFE000  }
0x6f: {  	[tilespmem:s3], [sflag:$0x5] =	stream.linear.gather [hbm4b:s22+s28], $0x2000, $0x38;
	[tilespmem:$0x1E480] =	vst v63  }
0x70: {  	_ =	swait.ge [sflag:s2], $0x2000  }
0x71: {  	[sflag:s2] =	ssyncset.done $0x0  }
0x72: {  	s23 =	rddreg [dreg:$0x6];
	[sflag:s2] =	ssyncadd.s32 $0xFFFFE000  }
0x73: {  	[tilespmem:s4], [sflag:$0x5] =	stream.linear.gather [hbm4b:s23+s28], $0x2000, $0x38;
	[tilespmem:$0x1E480] =	vst v63  }
0x74: {  	_ =	swait.ge [sflag:s2], $0x2000  }
0x75: {  	[sflag:s2] =	ssyncset.done $0x0  }
0x76: {  	s1 =	simm.s32 $0x6000;
	s24 =	rddreg [dreg:$0x7];
	[sflag:s2] =	ssyncadd.s32 $0xFFFFE000  }
0x77: {  	[tilespmem:s1], [sflag:$0x5] =	stream.linear.gather [hbm4b:s24+s28], $0x80, $0x38;
	[tilespmem:$0x1E480] =	vst v63  }
0x78: {  	_ =	swait.ge [sflag:s2], $0x80  }
0x79: {  	[sflag:s2] =	ssyncset.done $0x0  }
0x7a: {  	s26 =	simm.s32 $0x6100;
	s25 =	rddreg [dreg:$0x8];
	[sflag:s2] =	ssyncadd.s32 $0xFFFFFF80  }
0x7b: {  	[tilespmem:s26], [sflag:$0x5] =	stream.linear.gather [hbm4b:s25+s28], $0x80, $0x38;
	[tilespmem:$0x1E480] =	vst v63  }
0x7c: {  	_ =	swait.ge [sflag:s2], $0x80  }
0x7d: {  	[sflag:s2] =	ssyncset.done $0x0  }
0x7e: {  	s30 =	simm.s32 $0x6200;
	s29 =	rddreg [dreg:$0x9];
	[sflag:s2] =	ssyncadd.s32 $0xFFFFFF80  }
0x7f: {  	[tilespmem:s30], [sflag:$0x5] =	stream.linear.gather [hbm4b:s29+s28], $0x80, $0x38;
	[tilespmem:$0x1E480] =	vst v63  }
0x80: {  	_ =	swait.ge [sflag:s2], $0x80  }
0x81: {  	[sflag:s2] =	ssyncset.done $0x0  }
0x82: {  	s19 =	simm.s32 $0x0;
	s31 =	rddreg [dreg:$0xe];
	[sflag:s2] =	ssyncadd.s32 $0xFFFFFF80  }
0x83: {  	[tilespmem:s7], [sflag:$0x1] =	stream.strided.gather [hbm4b:s31+s5], $0x2000, s6, s5, $0x38;
	[tilespmem:$0x1E480] =	vst v63  }
.LBB2_2:
0x84: {  	v10 =	vld.msk [tilespmem:s19+$0x6100 ss:$0x0], $0xffff;
	_ =	sdelay $0x2  }
0x85: {  	v11 =	vld.msk [tilespmem:s19+$0x6000 ss:$0x0], $0xffff;
	s24 =	simm.s32 $0x0;
	s26 =	simm.s32 $0x30  }
0x86: {  	v9 =	vld.msk [tilespmem:s19+$0x6200 ss:$0x0], $0xffff;
	[tilespmem:$0x6300] =	vst v2;
	v12 =	vimm.s32 $0xFFFFFFFF;
	s21 =	simm.s32 $0x20;
	s22 =	simm.s32 $0x4020;
	s23 =	simm.s32 $0x2020  }
.LBB2_3:
0x87: {  	v13 =	vld [tilespmem:s21+$0xFFFFFFF0]  }
0x88: {  	v14 =	vld [tilespmem:s22+$0xFFFFFFE0]  }
0x89: {  	v15 =	vld [tilespmem:s23+$0xFFFFFFE0]  }
0x8a: {  	v16 =	vld [tilespmem:s21+$0x10]  }
0x8b: {  	v17 =	vld [tilespmem:s22+$0x0]  }
0x8c: {  	v18 =	vld [tilespmem:s21+$0xFFFFFFE0]  }
0x8d: {  	v19 =	vld [tilespmem:s23+$0x0]  }
0x8e: {  	v21 =	vld [tilespmem:s21+$0x0]  }
0x8f: {  	v20 =	vld [tilespmem:s23+$0x10]  }
0x90: {  	v22 =	vld [tilespmem:s23+$0xFFFFFFF0];
	v13 =	vsub.f32 v13, v11;
	v14 =	vsub.f32 v14, v9  }
0x91: {  	v23 =	vld [tilespmem:s22+$0x10];
	v15 =	vsub.f32 v15, v10;
	v16 =	vsub.f32 v16, v11  }
0x92: {  	v24 =	vld [tilespmem:s22+$0xFFFFFFF0];
	v17 =	vsub.f32 v17, v9;
	v19 =	vsub.f32 v19, v10  }
0x93: {  	s0 =	sadd.s32 $0x40, s21;
	v18 =	vsub.f32 v18, v11;
	v21 =	vsub.f32 v21, v11  }
0x94: {  	v30 =	vld [tilespmem:s0+$0xFFFFFFE0];
	v20 =	vsub.f32 v20, v10;
	v13 =	vmul.f32 v13, v13;
	v15 =	vmul.f32 v15, v15  }
0x95: {  	s20 =	sadd.s32 $0x40, s22;
	v25 =	vld [tilespmem:s0+$0xFFFFFFF0];
	v22 =	vsub.f32 v22, v10;
	v17 =	vmul.f32 v17, v17;
	v18 =	vmul.f32 v18, v18  }
0x96: {  	v26 =	vld [tilespmem:s20+$0xFFFFFFE0];
	v23 =	vsub.f32 v23, v9;
	v19 =	vmul.f32 v19, v19;
	v21 =	vmul.f32 v21, v21  }
0x97: {  	s25 =	sadd.s32 $0x40, s23;
	v27 =	vld [tilespmem:s20+$0x10];
	v24 =	vsub.f32 v24, v9;
	v16 =	vmul.f32 v16, v16;
	v20 =	vmul.f32 v20, v20  }
0x98: {  	v22 =	vmul.f32 v22, v22;
	v15 =	vadd.f32 v15, v18;
	v18 =	vadd.f32 v19, v21;
	v19 =	vld [tilespmem:s25+$0xFFFFFFE0]  }
0x99: {  	v32 =	vsub.f32 v30, v11;
	v14 =	vmul.f32 v14, v14;
	v21 =	vadd.f32 v20, v16;
	v20 =	vld [tilespmem:s0+$0x10]  }
0x9a: {  	v13 =	vadd.f32 v22, v13;
	v16 =	vmul.f32 v24, v24;
	v22 =	vld [tilespmem:s20+$0xFFFFFFF0];
	v17 =	vadd.f32 v17, v18  }
0x9b: {  	v28 =	vmul.f32 v23, v23;
	v24 =	vsub.f32 v25, v11;
	v14 =	vadd.f32 v14, v15;
	v15 =	vld [tilespmem:s20+$0x0]  }
0x9c: {  	v13 =	vadd.f32 v16, v13;
	v18 =	vsub.f32 v26, v9;
	vm3 =	vlt.f32 v17, $3.999999910e-02;
	v17 =	vld [tilespmem:s25+$0x0]  }
0x9d: {  	s29 =	sadd.s32 $0xFFFFFFF0, s26;
	v16 =	vmul.f32 v24, v24;
	vm1 =	vlt.f32 v14, $3.999999910e-02;
	v14 =	vsub.f32 v27, v9  }
0x9e: {  	v29 =	vld [tilespmem:s25+$0x10];
	vm0 =	vlt.f32 v13, $3.999999910e-02;
	v13 =	vor.u32 s29, v0;
	v23 =	vsel vm3, $0x1, v2  }
0x9f: {  	v27 =	vld [tilespmem:s0+$0x0];
	v19 =	vsub.f32 v19, v10;
	v24 =	vsub.f32 v20, v11;
	v25 =	vsel vm1, $0x1, v2;
	(xrf0) =	vadd.scan.msk.s32 $0xffff, v23  }
0xa0: {  	v31 =	vmpcnt.ones.xlane vm1;
	v20 =	vsub.f32 v22, v9;
	(xrf0) =	vadd.scan.msk.s32 $0xffff, v25;
	v22 =	vsub.f32 v15, v9  }
0xa1: {  	v15 =	vmul.f32 v14, v14;
	v26 =	vsub.f32 v17, v10;
	v17 =	vadd.f32 v28, v21  }
0xa2: {  	v30 =	vld [tilespmem:s25+$0xFFFFFFF0];
	v25 =	vmul.f32 v19, v19;
	v14 =	vor.u32 s26, v0;
	v24 =	vmul.f32 v24, v24  }
0xa3: {  	v19 =	vsub.f32 v29, v10;
	v29 =	vsel vm0, $0x1, v2;
	v23 =	vmul.f32 v22, v22  }
0xa4: {  	s1 =	sadd.s32 $0xFFFFFFE0, s26;
	v27 =	vsub.f32 v27, v11;
	v22 =	vmpcnt.ones.xlane vm0;
	vm2 =	vlt.f32 v17, $3.999999910e-02  }
0xa5: {  	s30 =	sadd.s32 $0x40, s0;
	s31 =	sadd.s32 $0x40, s20;
	s20 =	smov.u32 s26;
	v28 =	vmul.f32 v19, v19;
	v21 =	vadd.s32 v12, v31;
	v33 =	vsel vm2, $0x1, v2;
	v17, _, _ =	vpop (xrf0);
	(xrf0) =	vadd.scan.msk.s32 $0xffff, v29  }
0xa6: {  	s29 =	simm.s32 $0x4;
	s0 =	sadd.s32 $0x40, s25;
	s25 =	smov.u32 s26;
	v31 =	vmul.f32 v32, v32;
	v19 =	vor.u32 s1, v0;
	v22 =	vadd.s32 v21, v22;
	v29, _, _ =	vpop (xrf0);
	(xrf0) =	vadd.scan.msk.s32 $0xffff, v33  }
.LBB2_4:
0xa7: {  	v30 =	vsub.f32 v30, v10  }
0xa8: {  	v32 =	vld [tilespmem:s30+$0xFFFFFFF0];
	s29 =	sadd.s32 $0x4, s29;
	v26 =	vmul.f32 v26, v26;
	v12 =	vadd.s32 v12, v29;
	s20 =	sadd.s32 $0x40, s20;
	vm4 =	vmmov vm3  }
0xa9: {  	v18 =	vmul.f32 v18, v18;
	v27 =	vmul.f32 v27, v27;
	s1 =	sadd.s32 $0xFFFFFFD0, s25;
	v29 =	vld [tilespmem:s31+$0xFFFFFFF0];
	p0 =	slt.u32 s29, $0xC;
	v25 =	vadd.f32 v25, v31;
	s25 =	smov.u32 s20  }
0xaa: {  	v28 =	vadd.f32 v28, v24;
	v24 =	vor.u32 s1, v0;
	v31 =	vld [tilespmem:s31+$0xFFFFFFE0];
	v30 =	vmul.f32 v30, v30  }
0xab: {  	v36 =	vmpcnt.ones.xlane vm4;
	v33 =	vld [tilespmem:s31+$0x10];
	v25 =	vadd.f32 v18, v25;
	v18 =	vadd.f32 v26, v27  }
0xac: {  	v20 =	vmul.f32 v20, v20;
	v27 =	vld [tilespmem:s0+$0xFFFFFFE0];
	v16 =	vadd.f32 v30, v16;
	v30 =	vmpcnt.ones.xlane vm2;
	v34, _, _ =	vpop (xrf0)  }
0xad: {  	v35 =	vld [tilespmem:s30+$0x10];
	v18 =	vadd.f32 v23, v18;
	v21 =	vadd.s32 v21, v34;
	v23 =	vadd.s32 v22, v36;
	v26, _, _ =	vpop (xrf0)  }
0xae: {  	v32 =	vsub.f32 v32, v11;
	v34 =	vld [tilespmem:s31+$0x0];
	v36 =	vadd.f32 v20, v16;
	v26 =	vadd.s32 v23, v26  }
0xaf: {  	v17 =	vadd.s32 v22, v17;
	v37 =	vld [tilespmem:s30+$0xFFFFFFE0];
	vm3 =	vlt.f32 v18, $3.999999910e-02;
	[tilespmem:v12+s8+$0x0] =	vst.idx.msk vm1, v24;
	v12 =	vadd.s32 v23, v30  }
0xb0: {  	v18 =	vsub.f32 v31, v9;
	v16 =	vmul.f32 v32, v32;
	v22 =	vld [tilespmem:s0+$0x0];
	v20 =	vsel vm3, $0x1, v2  }
0xb1: {  	vm1 =	vlt.f32 v25, $3.999999910e-02;
	v24 =	vsub.f32 v33, v9;
	v23 =	vsub.f32 v27, v10;
	v31 =	vld [tilespmem:s0+$0x10];
	(xrf0) =	vadd.scan.msk.s32 $0xffff, v20  }
0xb2: {  	v25 =	vsel vm1, $0x1, v2;
	v33 =	vmpcnt.ones.xlane vm1;
	v27 =	vld [tilespmem:s30+$0x0];
	v32 =	vsub.f32 v35, v11;
	[tilespmem:v21+s8+$0x0] =	vst.idx.msk vm0, v19  }
0xb3: {  	s1 =	sadd.s32 $0xFFFFFFF0, s20;
	v20 =	vsub.f32 v29, v9;
	vm0 =	vlt.f32 v36, $3.999999910e-02;
	(xrf0) =	vadd.scan.msk.s32 $0xffff, v25;
	[tilespmem:v26+s8+$0x0] =	vst.idx.msk vm2, v14  }
0xb4: {  	v21 =	vmul.f32 v24, v24;
	v19 =	vsub.f32 v34, v9;
	[tilespmem:v17+s8+$0x0] =	vst.idx.msk vm4, v13;
	v13 =	vor.u32 s1, v0  }
0xb5: {  	v25 =	vmul.f32 v23, v23;
	v14 =	vor.u32 s20, v0;
	v26 =	vsub.f32 v22, v10  }
.Ltmp0:
0xb6: {  	v24 =	vmul.f32 v32, v32;
	v23 =	vmul.f32 v19, v19;
	v19 =	vadd.f32 v15, v28;
	v15 =	vmovc v21;
	v30 =	vld [tilespmem:s0+$0xFFFFFFF0];
	(pc) =	sbr.rel @p0 .LBB2_4-.Ltmp0, $4  }
0xb7: {  	v22 =	vmpcnt.ones.xlane vm0;
	v21 =	vsub.f32 v31, v10;
	v27 =	vsub.f32 v27, v11;
	v17, _, _ =	vpop (xrf0)  }
0xb8: {  	v32 =	vsel vm0, $0x1, v2;
	v31 =	vsub.f32 v37, v11;
	vm2 =	vlt.f32 v19, $3.999999910e-02  }
0xb9: {  	s1 =	sadd.s32 $0xFFFFFFE0, s20;
	v28 =	vmul.f32 v21, v21;
	v21 =	vadd.s32 v12, v33;
	v33 =	vsel vm2, $0x1, v2;
	v29, _, _ =	vpop (xrf0);
	(xrf0) =	vadd.scan.msk.s32 $0xffff, v32  }
0xba: {  	s31 =	sadd.s32 $0x40, s31;
	s30 =	sadd.s32 $0x40, s30;
	s0 =	sadd.s32 $0x40, s0;
	v19 =	vor.u32 s1, v0;
	v31 =	vmul.f32 v31, v31;
	v22 =	vadd.s32 v21, v22;
	(xrf0) =	vadd.scan.msk.s32 $0xffff, v33  }
0xbb: {  	v30 =	vsub.f32 v30, v10  }
0xbc: {  	v26 =	vmul.f32 v26, v26  }
0xbd: {  	v27 =	vmul.f32 v27, v27;
	v30 =	vmul.f32 v30, v30  }
0xbe: {  	v18 =	vmul.f32 v18, v18;
	vm3 =	vmmov vm3;
	v25 =	vadd.f32 v25, v31  }
0xbf: {  	v20 =	vmul.f32 v20, v20;
	v26 =	vadd.f32 v26, v27;
	v16 =	vadd.f32 v30, v16  }
0xc0: {  	v24 =	vadd.f32 v28, v24;
	v44 =	vmpcnt.ones.xlane vm3;
	v18 =	vadd.f32 v18, v25  }
0xc1: {  	v45 =	vmpcnt.ones.xlane vm2;
	v23 =	vadd.f32 v23, v26;
	v16 =	vadd.f32 v20, v16  }
0xc2: {  	v15 =	vadd.f32 v15, v24;
	v46 =	vadd.s32 v22, v44;
	vm7 =	vlt.f32 v18, $3.999999910e-02  }
0xc3: {  	vm8 =	vlt.f32 v23, $3.999999910e-02;
	v18 =	vmpcnt.ones.xlane vm7;
	vm5 =	vlt.f32 v16, $3.999999910e-02  }
0xc4: {  	v47 =	vadd.s32 v46, v45;
	vm4 =	vmmov vm8;
	v48 =	vmpcnt.ones.xlane vm5  }
0xc5: {  	vm6 =	vlt.f32 v15, $3.999999910e-02;
	v15 =	vadd.s32 v47, v18;
	v49 =	vmpcnt.ones.xlane vm4  }
0xc6: {  	v50 =	vmpcnt.ones.xlane vm6;
	v23 =	vadd.s32 v15, v48  }
0xc7: {  	v18 =	vadd.s32 v23, v49  }
0xc8: {  	v51 =	vadd.s32 v12, v29;
	v12 =	vadd.s32 v18, v50  }
0xc9: {  	(v2sf) =	vpush v12, $0x0;
	_ =	sdelay $0x4  }
0xca: {  	v52 =	vsel vm8, $0x1, v2  }
0xcb: {  	v53 =	vsel vm7, $0x1, v2;
	(xrf0) =	vadd.scan.msk.s32 $0xffff, v52  }
0xcc: {  	(xrf0) =	vadd.scan.msk.s32 $0xffff, v53;
	v54 =	vsel vm5, $0x1, v2  }
0xcd: {  	v55 =	vsel vm6, $0x1, v2;
	(xrf0) =	vadd.scan.msk.s32 $0xffff, v54  }
0xce: {  	(xrf0) =	vadd.scan.msk.s32 $0xffff, v55  }
0xcf: {  	v56, _, _ =	vpop (xrf0)  }
0xd0: {  	v17 =	vadd.s32 v22, v17;
	v57, _, _ =	vpop (xrf0)  }
0xd1: {  	v20 =	vadd.s32 v46, v57;
	v58, _, _ =	vpop (xrf0)  }
0xd2: {  	s0 =	sadd.s32 $0xFFFFFFD0, s25;
	v21 =	vadd.s32 v21, v56;
	v59, _, _ =	vpop (xrf0)  }
0xd3: {  	v60 =	vor.u32 s0, v0;
	v16 =	vadd.s32 v47, v59;
	v61, _, _ =	vpop (xrf0)  }
0xd4: {  	p0 =	sgt.u32 s24, $0x1EFF;
	[tilespmem:v51+s8+$0x0] =	vst.idx.msk vm1, v60;
	v15 =	vadd.s32 v15, v61;
	v62, _, _ =	vpop (xrf0);
	s0 =	spop (v2sf)  }
0xd5: {  	s1 =	sadd.s32 $0x40, s20;
	[tilespmem:v17+s8+$0x0] =	vst.idx.msk vm3, v13;
	v18 =	vadd.s32 v18, v62;
	p1 =	slt.s32 @!p0 s0, $0x1F  }
0xd6: {  	s30 =	sadd.s32 $0xFFFFFFD0, s1;
	[tilespmem:v20+s8+$0x0] =	vst.idx.msk vm2, v14;
	v14 =	vadd.s32 v23, v58;
	p0 =	por p0, !p1  }
.Ltmp1:
0xd7: {  	s31 =	sadd.s32 $0xFFFFFFE0, s1;
	v13 =	vor.u32 s30, v0;
	[tilespmem:v21+s8+$0x0] =	vst.idx.msk vm0, v19;
	(pc) =	sbr.rel @!p0 .LBB2_3-.Ltmp1, $4  }
0xd8: {  	v63 =	vor.u32 s31, v0;
	[tilespmem:v16+s8+$0x0] =	vst.idx.msk vm7, v13  }
0xd9: {  	v13 =	vor.u32 s1, v0;
	s1 =	sadd.s32 $0xFFFFFFF0, s1;
	[tilespmem:v15+s8+$0x0] =	vst.idx.msk vm5, v63  }
0xda: {  	s24 =	sadd.s32 $0x100, s24;
	s26 =	sadd.s32 $0x100, s26;
	v15 =	vor.u32 s1, v0;
	[tilespmem:v18+s8+$0x0] =	vst.idx.msk vm6, v13  }
0xdb: {  	s21 =	sadd.s32 $0x100, s21;
	s22 =	sadd.s32 $0x100, s22;
	s23 =	sadd.s32 $0x100, s23;
	[tilespmem:v14+s8+$0x0] =	vst.idx.msk vm4, v15  }
0xdc: {  	v12 =	vld [tilespmem:$0x6300];
	v13 =	vmov s19  }
0xdd: {  	s0 =	sadd.s32 $0x1, s0;
	v14 =	vld.msk [tilespmem:s8+$0x0], $0xffff;
	v13 =	vand.u32 $0x7F, v13  }
0xde: {  	p0 =	slt.s32 s0, $0x20;
	v13 =	vbroadcast v13, $0x0  }
0xdf: {  	s0 =	simm.s32 @!p0 $0x20  }
0xe0: {  	v15 =	vld [tilespmem:$0x6310];
	v16 =	vmov s0;
	v17 =	vor.u32 v1, v13  }
0xe1: {  	vm0 =	vgt.s32 v16, v0;
	v18 =	vor.u32 v4, v13  }
0xe2: {  	v12 =	vsel vm0, v12, v14;
	_ =	sdelay $0x1  }
0xe3: {  	vm15 =	vgt.s32 v16, v3  }
0xe4: {  	v14 =	vsel vm15, v15, v14;
	[tilespmem:v17+s9+$0x0] =	vst.idx.msk $0xffff, v12  }
0xe5: {  	[tilespmem:v18+s9+$0x0] =	vst.idx.msk $0xffff, v14  }
0xe6: {  	v61 =	vld.idx.msk [tilespmem:v12+s28+$0x0], $0xffff;
	_ =	sdelay $0x4  }
0xe7: {  	v15 =	vsub.f32 v61, v11;
	_ =	sdelay $0x1  }
0xe8: {  	[tilespmem:v17+s10+$0x0] =	vst.idx.msk $0xffff, v15  }
0xe9: {  	v15 =	vld.idx.msk [tilespmem:v14+s28+$0x0], $0xffff;
	_ =	sdelay $0x4  }
0xea: {  	v11 =	vsub.f32 v15, v11;
	_ =	sdelay $0x1  }
0xeb: {  	[tilespmem:v18+s10+$0x0] =	vst.idx.msk $0xffff, v11  }
0xec: {  	v11 =	vld.idx.msk [tilespmem:v12+s3+$0x0], $0xffff;
	_ =	sdelay $0x1  }
0xed: {  	v62 =	vor.u32 v5, v13;
	_ =	sdelay $0x2  }
0xee: {  	v11 =	vsub.f32 v11, v10;
	_ =	sdelay $0x1  }
0xef: {  	[tilespmem:v62+s10+$0x0] =	vst.idx.msk $0xffff, v11  }
0xf0: {  	v11 =	vld.idx.msk [tilespmem:v14+s3+$0x0], $0xffff;
	_ =	sdelay $0x1  }
0xf1: {  	v63 =	vor.u32 v6, v13;
	_ =	sdelay $0x2  }
0xf2: {  	v10 =	vsub.f32 v11, v10;
	_ =	sdelay $0x1  }
0xf3: {  	[tilespmem:v63+s10+$0x0] =	vst.idx.msk $0xffff, v10  }
0xf4: {  	v10 =	vld.idx.msk [tilespmem:v12+s4+$0x0], $0xffff;
	_ =	sdelay $0x1  }
0xf5: {  	v11 =	vor.u32 v7, v13;
	_ =	sdelay $0x2  }
0xf6: {  	v10 =	vsub.f32 v10, v9;
	_ =	sdelay $0x1  }
0xf7: {  	[tilespmem:v11+s10+$0x0] =	vst.idx.msk $0xffff, v10  }
0xf8: {  	v10 =	vld.idx.msk [tilespmem:v14+s4+$0x0], $0xffff  }
0xf9: {  	s19 =	sadd.s32 $0x1, s19  }
0xfa: {  	p0 =	sne.s32 s19, $0x80;
	v11 =	vor.u32 v8, v13  }
.Ltmp2:
0xfb: {  	_ = 	snop;
	(pc) =	sbr.rel @p0 .LBB2_2-.Ltmp2, $3  }
0xfc: {  	_ = 	snop  }
0xfd: {  	v9 =	vsub.f32 v10, v9;
	_ =	sdelay $0x1  }
0xfe: {  	[tilespmem:v11+s10+$0x0] =	vst.idx.msk $0xffff, v9  }
0xff: {  	s0 =	rddreg [dreg:$0xa]  }
0x100: {  	[hbm4b:s0+s6] =	stream.strided.scatter [tilespmem:s9], [sflag:$0x5], $0x1000, s3, s6, $0x38;
	[tilespmem:$0x1E480] =	vst v63  }
0x101: {  	_ =	swait.ge [sflag:s2], $0x1000  }
0x102: {  	[sflag:s2] =	ssyncset.done $0x0  }
0x103: {  	s22 =	rddreg [dreg:$0xb];
	[sflag:s2] =	ssyncadd.s32 $0xFFFFF000  }
0x104: {  	[hbm4b:s22+s6] =	stream.strided.scatter [tilespmem:s10], [sflag:$0x5], $0x1000, s3, s6, $0x38;
	[tilespmem:$0x1E480] =	vst v63  }
0x105: {  	_ =	swait.ge [sflag:s2], $0x1000  }
0x106: {  	s23 =	sld [smem:$0x7FB]  }
0x107: {  	[sflag:s2] =	ssyncset.done $0x0  }
0x108: {  	s1 =	simm.s32 $0x8480;
	[sflag:s2] =	ssyncadd.s32 $0xFFFFF000  }
0x109: {  	[hbm4b:s23+s6] =	stream.strided.scatter [tilespmem:s1], [sflag:$0x5], $0x1000, s3, s6, $0x38;
	[tilespmem:$0x1E480] =	vst v63  }
0x10a: {  	_ =	swait.ge [sflag:s2], $0x1000  }
0x10b: {  	s24 =	sld [smem:$0x7FC]  }
0x10c: {  	[sflag:s2] =	ssyncset.done $0x0  }
0x10d: {  	s25 =	simm.s32 $0x9480;
	[sflag:s2] =	ssyncadd.s32 $0xFFFFF000  }
0x10e: {  	[hbm4b:s24+s6] =	stream.strided.scatter [tilespmem:s25], [sflag:$0x5], $0x1000, s3, s6, $0x38;
	[tilespmem:$0x1E480] =	vst v63  }
0x10f: {  	_ =	swait.ge [sflag:s2], $0x1000  }
0x110: {  	[sflag:s2] =	ssyncset.done $0x0  }
0x111: {  	[sflag:s2] =	ssyncadd.s32 $0xFFFFF000  }
0x112: {  	[bflag:$0x0] =	sbarrier.arrive $0xFFFF  }
0x113: {  	s0 =	simm.s32 $0x0;
	s23 =	simm.s32 $0x16480;
	s26 =	rddreg [dreg:$0xc]  }
0x114: {  	[tilespmem:s23], [sflag:$0x5] =	stream.linear.gather [hbm4b:s26+s0], $0x8000, $0x38;
	[tilespmem:$0x1E480] =	vst v63  }
0x115: {  	_ =	swait.ge [sflag:s2], $0x8000  }
0x116: {  	s30 =	simm.s32 $0x0;
	[sflag:s2] =	ssyncset.done $0x0  }
0x117: {  	s20 =	simm.s32 $0x0;
	s29 =	rddreg [dreg:$0xf];
	[sflag:s2] =	ssyncadd.s32 $0xFFFF8000  }
0x118: {  	[tilespmem:s12], [sflag:$0x2] =	stream.strided.gather [hbm4b:s29+s5], $0x2000, s6, s5, $0x38;
	[tilespmem:$0x1E480] =	vst v63  }
0x119: {  	s19 =	sand.u32 $0x1C00, s0;
	s1 =	sand.u32 $0x2000, s30;
	_ =	swait.ge [sflag:s11], $0x2000  }
0x11a: {  	s31 =	sand.u32 $0x380, s20;
	s1 =	sor.u32 s19, s1;
	[sflag:s11] =	ssyncset.done $0x0  }
0x11b: {  	s19 =	sor.u32 s31, s1;
	[sflag:s11] =	ssyncadd.s32 $0xFFFFE000  }
0x11c: {  	v12 =	vld [tilespmem:s19+$0x164F0]  }
0x11d: {  	v14 =	vld [tilespmem:s19+$0x16480]  }
0x11e: {  	v17 =	vld [tilespmem:s19+$0x16490]  }
0x11f: {  	v15 =	vld [tilespmem:s19+$0x164A0]  }
0x120: {  	v13 =	vld [tilespmem:s19+$0x164B0]  }
0x121: {  	v11 =	vld [tilespmem:s19+$0x164C0]  }
0x122: {  	v10 =	vld [tilespmem:s19+$0x164D0]  }
0x123: {  	v9 =	vld [tilespmem:s19+$0x164E0]  }
0x124: {  	v16 =	vld.idx.msk [tilespmem:v12+s7+$0x0], $0xffff  }
0x125: {  	v14 =	vld.idx.msk [tilespmem:v14+s7+$0x0], $0xffff  }
0x126: {  	s20 =	simm.s32 $0x0;
	v12 =	vld.idx.msk [tilespmem:v17+s7+$0x0], $0xffff  }
.LBB2_8:
0x127: {  	s20 =	sadd.s32 $0x8, s20;
	v15 =	vld.idx.msk [tilespmem:v15+s7+$0x0], $0xffff  }
0x128: {  	s0 =	sadd.s32 $0x400, s0;
	s1 =	sshll.u32 s20, $0x4;
	p0 =	slt.u32 s20, $0x3F8;
	v13 =	vld.idx.msk [tilespmem:v13+s7+$0x0], $0xffff  }
0x129: {  	s21 =	sand.u32 $0x1C00, s0;
	s22 =	sshll.u32 s20, $0x1;
	s1 =	sand.u32 $0x2000, s1;
	v11 =	vld.idx.msk [tilespmem:v11+s7+$0x0], $0xffff  }
0x12a: {  	s1 =	sor.u32 s21, s1;
	s21 =	sand.u32 $0x380, s22;
	v10 =	vld.idx.msk [tilespmem:v10+s7+$0x0], $0xffff;
	[tilespmem:s19+$0xE4F0] =	vst v16  }
0x12b: {  	s1 =	sor.u32 s21, s1;
	[tilespmem:s19+$0xE480] =	vst v14;
	v9 =	vld.idx.msk [tilespmem:v9+s7+$0x0], $0xffff  }
0x12c: {  	v14 =	vld [tilespmem:s1+$0x164F0];
	[tilespmem:s19+$0xE490] =	vst v12  }
0x12d: {  	v12 =	vld [tilespmem:s1+$0x16480];
	[tilespmem:s19+$0xE4A0] =	vst v15  }
0x12e: {  	v17 =	vld [tilespmem:s1+$0x16490];
	[tilespmem:s19+$0xE4B0] =	vst v13  }
0x12f: {  	v15 =	vld [tilespmem:s1+$0x164A0];
	[tilespmem:s19+$0xE4C0] =	vst v11  }
0x130: {  	v13 =	vld [tilespmem:s1+$0x164B0];
	[tilespmem:s19+$0xE4D0] =	vst v10  }
0x131: {  	v11 =	vld [tilespmem:s1+$0x164C0];
	[tilespmem:s19+$0xE4E0] =	vst v9;
	s19 =	smov.u32 s1  }
.Ltmp3:
0x132: {  	v10 =	vld [tilespmem:s19+$0x164D0];
	(pc) =	sbr.rel @p0 .LBB2_8-.Ltmp3, $4  }
0x133: {  	v9 =	vld [tilespmem:s19+$0x164E0]  }
0x134: {  	v16 =	vld.idx.msk [tilespmem:v14+s7+$0x0], $0xffff  }
0x135: {  	v14 =	vld.idx.msk [tilespmem:v12+s7+$0x0], $0xffff  }
0x136: {  	v12 =	vld.idx.msk [tilespmem:v17+s7+$0x0], $0xffff  }
0x137: {  	_ =	sdelay $0x3  }
0x138: {  	v15 =	vld.idx.msk [tilespmem:v15+s7+$0x0], $0xffff  }
0x139: {  	v13 =	vld.idx.msk [tilespmem:v13+s7+$0x0], $0xffff  }
0x13a: {  	v11 =	vld.idx.msk [tilespmem:v11+s7+$0x0], $0xffff;
	[tilespmem:s19+$0xE4F0] =	vst v16  }
0x13b: {  	v10 =	vld.idx.msk [tilespmem:v10+s7+$0x0], $0xffff;
	[tilespmem:s19+$0xE480] =	vst v14  }
0x13c: {  	v9 =	vld.idx.msk [tilespmem:v9+s7+$0x0], $0xffff;
	[tilespmem:s19+$0xE490] =	vst v12  }
0x13d: {  	[tilespmem:s19+$0xE4A0] =	vst v15  }
0x13e: {  	[tilespmem:s19+$0xE4B0] =	vst v13  }
0x13f: {  	[tilespmem:s19+$0xE4C0] =	vst v11  }
0x140: {  	[tilespmem:s19+$0xE4D0] =	vst v10  }
0x141: {  	[tilespmem:s19+$0xE4E0] =	vst v9  }
0x142: {  	s30 =	simm.s32 $0x0;
	s19 =	simm.s32 $0x0;
	s0 =	rddreg [dreg:$0x1e]  }
0x143: {  	[hbm4b:s0+s19] =	stream.linear.scatter [tilespmem:s13], [sflag:$0x3], $0x4000, $0x38;
	[tilespmem:$0x1E480] =	vst v63  }
0x144: {  	s20 =	simm.s32 $0x0;
	s1 =	sand.u32 $0x1C00, s19;
	s0 =	sand.u32 $0x2000, s30  }
0x145: {  	s31 =	sand.u32 $0x380, s20;
	s0 =	sor.u32 s1, s0  }
0x146: {  	s0 =	sor.u32 s31, s0  }
0x147: {  	v12 =	vld [tilespmem:s0+$0x1A4F0]  }
0x148: {  	v14 =	vld [tilespmem:s0+$0x1A480]  }
0x149: {  	v17 =	vld [tilespmem:s0+$0x1A490]  }
0x14a: {  	v15 =	vld [tilespmem:s0+$0x1A4A0]  }
0x14b: {  	v13 =	vld [tilespmem:s0+$0x1A4B0]  }
0x14c: {  	v11 =	vld [tilespmem:s0+$0x1A4C0]  }
0x14d: {  	v10 =	vld [tilespmem:s0+$0x1A4D0]  }
0x14e: {  	v9 =	vld [tilespmem:s0+$0x1A4E0]  }
0x14f: {  	v16 =	vld.idx.msk [tilespmem:v12+s7+$0x0], $0xffff  }
0x150: {  	v14 =	vld.idx.msk [tilespmem:v14+s7+$0x0], $0xffff  }
0x151: {  	s20 =	simm.s32 $0x0;
	v12 =	vld.idx.msk [tilespmem:v17+s7+$0x0], $0xffff  }
.LBB2_10:
0x152: {  	s20 =	sadd.s32 $0x8, s20;
	v15 =	vld.idx.msk [tilespmem:v15+s7+$0x0], $0xffff  }
0x153: {  	s19 =	sadd.s32 $0x400, s19;
	s1 =	sshll.u32 s20, $0x4;
	p0 =	slt.u32 s20, $0x3F8;
	v13 =	vld.idx.msk [tilespmem:v13+s7+$0x0], $0xffff  }
0x154: {  	s21 =	sand.u32 $0x1C00, s19;
	s22 =	sshll.u32 s20, $0x1;
	s1 =	sand.u32 $0x2000, s1;
	v11 =	vld.idx.msk [tilespmem:v11+s7+$0x0], $0xffff  }
0x155: {  	s1 =	sor.u32 s21, s1;
	s21 =	sand.u32 $0x380, s22;
	v10 =	vld.idx.msk [tilespmem:v10+s7+$0x0], $0xffff;
	[tilespmem:s0+$0x124F0] =	vst v16  }
0x156: {  	s1 =	sor.u32 s21, s1;
	[tilespmem:s0+$0x12480] =	vst v14;
	v9 =	vld.idx.msk [tilespmem:v9+s7+$0x0], $0xffff  }
0x157: {  	v14 =	vld [tilespmem:s1+$0x1A4F0];
	[tilespmem:s0+$0x12490] =	vst v12  }
0x158: {  	v12 =	vld [tilespmem:s1+$0x1A480];
	[tilespmem:s0+$0x124A0] =	vst v15  }
0x159: {  	v17 =	vld [tilespmem:s1+$0x1A490];
	[tilespmem:s0+$0x124B0] =	vst v13  }
0x15a: {  	v15 =	vld [tilespmem:s1+$0x1A4A0];
	[tilespmem:s0+$0x124C0] =	vst v11  }
0x15b: {  	v13 =	vld [tilespmem:s1+$0x1A4B0];
	[tilespmem:s0+$0x124D0] =	vst v10  }
0x15c: {  	v11 =	vld [tilespmem:s1+$0x1A4C0];
	[tilespmem:s0+$0x124E0] =	vst v9;
	s0 =	smov.u32 s1  }
.Ltmp4:
0x15d: {  	v10 =	vld [tilespmem:s0+$0x1A4D0];
	(pc) =	sbr.rel @p0 .LBB2_10-.Ltmp4, $4  }
0x15e: {  	v9 =	vld [tilespmem:s0+$0x1A4E0]  }
0x15f: {  	v16 =	vld.idx.msk [tilespmem:v14+s7+$0x0], $0xffff  }
0x160: {  	v14 =	vld.idx.msk [tilespmem:v12+s7+$0x0], $0xffff  }
0x161: {  	v12 =	vld.idx.msk [tilespmem:v17+s7+$0x0], $0xffff  }
0x162: {  	_ =	sdelay $0x3  }
0x163: {  	v15 =	vld.idx.msk [tilespmem:v15+s7+$0x0], $0xffff  }
0x164: {  	v13 =	vld.idx.msk [tilespmem:v13+s7+$0x0], $0xffff  }
0x165: {  	v11 =	vld.idx.msk [tilespmem:v11+s7+$0x0], $0xffff;
	[tilespmem:s0+$0x124F0] =	vst v16  }
0x166: {  	v10 =	vld.idx.msk [tilespmem:v10+s7+$0x0], $0xffff;
	[tilespmem:s0+$0x12480] =	vst v14  }
0x167: {  	v9 =	vld.idx.msk [tilespmem:v9+s7+$0x0], $0xffff;
	[tilespmem:s0+$0x12490] =	vst v12  }
0x168: {  	[tilespmem:s0+$0x124A0] =	vst v15  }
0x169: {  	[tilespmem:s0+$0x124B0] =	vst v13  }
0x16a: {  	[tilespmem:s0+$0x124C0] =	vst v11  }
0x16b: {  	[tilespmem:s0+$0x124D0] =	vst v10  }
0x16c: {  	[tilespmem:s0+$0x124E0] =	vst v9  }
0x16d: {  	s0 =	simm.s32 $0x0;
	s1 =	rddreg [dreg:$0x1f]  }
0x16e: {  	[hbm4b:s1+s0] =	stream.linear.scatter [tilespmem:s14], [sflag:$0x4], $0x4000, $0x38;
	[tilespmem:$0x1E480] =	vst v63  }
0x16f: {  	s29 =	rddreg [dreg:$0x10]  }
0x170: {  	[tilespmem:s7], [sflag:$0x1] =	stream.strided.gather [hbm4b:s29+s5], $0x2000, s6, s5, $0x38;
	[tilespmem:$0x1E480] =	vst v63  }
0x171: {  	_ =	swait.ge [sflag:s15], $0x2000  }
0x172: {  	[sflag:s15] =	ssyncset.done $0x0  }
0x173: {  	s30 =	simm.s32 $0x0;
	s20 =	simm.s32 $0x0;
	[sflag:s15] =	ssyncadd.s32 $0xFFFFE000  }
0x174: {  	s19 =	sand.u32 $0x1C00, s0;
	s1 =	sand.u32 $0x2000, s30;
	_ =	swait.ge [sflag:s16], $0x4000  }
0x175: {  	s31 =	sand.u32 $0x380, s20;
	s1 =	sor.u32 s19, s1;
	[sflag:s16] =	ssyncset.done $0x0  }
0x176: {  	s19 =	sor.u32 s31, s1;
	[sflag:s16] =	ssyncadd.s32 $0xFFFFC000  }
0x177: {  	v12 =	vld [tilespmem:s19+$0x164F0]  }
0x178: {  	v14 =	vld [tilespmem:s19+$0x16480]  }
0x179: {  	v17 =	vld [tilespmem:s19+$0x16490]  }
0x17a: {  	v15 =	vld [tilespmem:s19+$0x164A0]  }
0x17b: {  	v13 =	vld [tilespmem:s19+$0x164B0]  }
0x17c: {  	v11 =	vld [tilespmem:s19+$0x164C0]  }
0x17d: {  	v10 =	vld [tilespmem:s19+$0x164D0]  }
0x17e: {  	v9 =	vld [tilespmem:s19+$0x164E0]  }
0x17f: {  	v16 =	vld.idx.msk [tilespmem:v12+s12+$0x0], $0xffff  }
0x180: {  	v14 =	vld.idx.msk [tilespmem:v14+s12+$0x0], $0xffff  }
0x181: {  	s20 =	simm.s32 $0x0;
	v12 =	vld.idx.msk [tilespmem:v17+s12+$0x0], $0xffff  }
.LBB2_12:
0x182: {  	s20 =	sadd.s32 $0x8, s20;
	v15 =	vld.idx.msk [tilespmem:v15+s12+$0x0], $0xffff  }
0x183: {  	s0 =	sadd.s32 $0x400, s0;
	s1 =	sshll.u32 s20, $0x4;
	p0 =	slt.u32 s20, $0x3F8;
	v13 =	vld.idx.msk [tilespmem:v13+s12+$0x0], $0xffff  }
0x184: {  	s21 =	sand.u32 $0x1C00, s0;
	s22 =	sshll.u32 s20, $0x1;
	s1 =	sand.u32 $0x2000, s1;
	v11 =	vld.idx.msk [tilespmem:v11+s12+$0x0], $0xffff  }
0x185: {  	s1 =	sor.u32 s21, s1;
	s21 =	sand.u32 $0x380, s22;
	v10 =	vld.idx.msk [tilespmem:v10+s12+$0x0], $0xffff;
	[tilespmem:s19+$0xE4F0] =	vst v16  }
0x186: {  	s1 =	sor.u32 s21, s1;
	[tilespmem:s19+$0xE480] =	vst v14;
	v9 =	vld.idx.msk [tilespmem:v9+s12+$0x0], $0xffff  }
0x187: {  	v14 =	vld [tilespmem:s1+$0x164F0];
	[tilespmem:s19+$0xE490] =	vst v12  }
0x188: {  	v12 =	vld [tilespmem:s1+$0x16480];
	[tilespmem:s19+$0xE4A0] =	vst v15  }
0x189: {  	v17 =	vld [tilespmem:s1+$0x16490];
	[tilespmem:s19+$0xE4B0] =	vst v13  }
0x18a: {  	v15 =	vld [tilespmem:s1+$0x164A0];
	[tilespmem:s19+$0xE4C0] =	vst v11  }
0x18b: {  	v13 =	vld [tilespmem:s1+$0x164B0];
	[tilespmem:s19+$0xE4D0] =	vst v10  }
0x18c: {  	v11 =	vld [tilespmem:s1+$0x164C0];
	[tilespmem:s19+$0xE4E0] =	vst v9;
	s19 =	smov.u32 s1  }
.Ltmp5:
0x18d: {  	v10 =	vld [tilespmem:s19+$0x164D0];
	(pc) =	sbr.rel @p0 .LBB2_12-.Ltmp5, $4  }
0x18e: {  	v9 =	vld [tilespmem:s19+$0x164E0]  }
0x18f: {  	v16 =	vld.idx.msk [tilespmem:v14+s12+$0x0], $0xffff  }
0x190: {  	v14 =	vld.idx.msk [tilespmem:v12+s12+$0x0], $0xffff  }
0x191: {  	v12 =	vld.idx.msk [tilespmem:v17+s12+$0x0], $0xffff  }
0x192: {  	_ =	sdelay $0x3  }
0x193: {  	v15 =	vld.idx.msk [tilespmem:v15+s12+$0x0], $0xffff  }
0x194: {  	v13 =	vld.idx.msk [tilespmem:v13+s12+$0x0], $0xffff  }
0x195: {  	v11 =	vld.idx.msk [tilespmem:v11+s12+$0x0], $0xffff;
	[tilespmem:s19+$0xE4F0] =	vst v16  }
0x196: {  	v10 =	vld.idx.msk [tilespmem:v10+s12+$0x0], $0xffff;
	[tilespmem:s19+$0xE480] =	vst v14  }
0x197: {  	v9 =	vld.idx.msk [tilespmem:v9+s12+$0x0], $0xffff;
	[tilespmem:s19+$0xE490] =	vst v12  }
0x198: {  	[tilespmem:s19+$0xE4A0] =	vst v15  }
0x199: {  	[tilespmem:s19+$0xE4B0] =	vst v13  }
0x19a: {  	[tilespmem:s19+$0xE4C0] =	vst v11  }
0x19b: {  	[tilespmem:s19+$0xE4D0] =	vst v10  }
0x19c: {  	[tilespmem:s19+$0xE4E0] =	vst v9  }
0x19d: {  	s0 =	sld [smem:$0x7DD];
	_ =	sdelay $0x1  }
0x19e: {  	s30 =	simm.s32 $0x0;
	s20 =	simm.s32 $0x0;
	s19 =	simm.s32 $0x0  }
0x19f: {  	[hbm4b:s0+s19] =	stream.linear.scatter [tilespmem:s13], [sflag:$0x3], $0x4000, $0x38;
	[tilespmem:$0x1E480] =	vst v63  }
0x1a0: {  	s1 =	sand.u32 $0x1C00, s19;
	s0 =	sand.u32 $0x2000, s30;
	_ =	swait.ge [sflag:s17], $0x4000  }
0x1a1: {  	s31 =	sand.u32 $0x380, s20;
	s0 =	sor.u32 s1, s0;
	[sflag:s17] =	ssyncset.done $0x0  }
0x1a2: {  	s0 =	sor.u32 s31, s0;
	[sflag:s17] =	ssyncadd.s32 $0xFFFFC000  }
0x1a3: {  	v12 =	vld [tilespmem:s0+$0x1A4F0]  }
0x1a4: {  	v14 =	vld [tilespmem:s0+$0x1A480]  }
0x1a5: {  	v17 =	vld [tilespmem:s0+$0x1A490]  }
0x1a6: {  	v15 =	vld [tilespmem:s0+$0x1A4A0]  }
0x1a7: {  	v13 =	vld [tilespmem:s0+$0x1A4B0]  }
0x1a8: {  	v11 =	vld [tilespmem:s0+$0x1A4C0]  }
0x1a9: {  	v10 =	vld [tilespmem:s0+$0x1A4D0]  }
0x1aa: {  	v9 =	vld [tilespmem:s0+$0x1A4E0]  }
0x1ab: {  	v16 =	vld.idx.msk [tilespmem:v12+s12+$0x0], $0xffff  }
0x1ac: {  	v14 =	vld.idx.msk [tilespmem:v14+s12+$0x0], $0xffff  }
0x1ad: {  	s20 =	simm.s32 $0x0;
	v12 =	vld.idx.msk [tilespmem:v17+s12+$0x0], $0xffff  }
.LBB2_14:
0x1ae: {  	s20 =	sadd.s32 $0x8, s20;
	v15 =	vld.idx.msk [tilespmem:v15+s12+$0x0], $0xffff  }
0x1af: {  	s19 =	sadd.s32 $0x400, s19;
	s1 =	sshll.u32 s20, $0x4;
	p0 =	slt.u32 s20, $0x3F8;
	v13 =	vld.idx.msk [tilespmem:v13+s12+$0x0], $0xffff  }
0x1b0: {  	s21 =	sand.u32 $0x1C00, s19;
	s22 =	sshll.u32 s20, $0x1;
	s1 =	sand.u32 $0x2000, s1;
	v11 =	vld.idx.msk [tilespmem:v11+s12+$0x0], $0xffff  }
0x1b1: {  	s1 =	sor.u32 s21, s1;
	s21 =	sand.u32 $0x380, s22;
	v10 =	vld.idx.msk [tilespmem:v10+s12+$0x0], $0xffff;
	[tilespmem:s0+$0x124F0] =	vst v16  }
0x1b2: {  	s1 =	sor.u32 s21, s1;
	[tilespmem:s0+$0x12480] =	vst v14;
	v9 =	vld.idx.msk [tilespmem:v9+s12+$0x0], $0xffff  }
0x1b3: {  	v14 =	vld [tilespmem:s1+$0x1A4F0];
	[tilespmem:s0+$0x12490] =	vst v12  }
0x1b4: {  	v12 =	vld [tilespmem:s1+$0x1A480];
	[tilespmem:s0+$0x124A0] =	vst v15  }
0x1b5: {  	v17 =	vld [tilespmem:s1+$0x1A490];
	[tilespmem:s0+$0x124B0] =	vst v13  }
0x1b6: {  	v15 =	vld [tilespmem:s1+$0x1A4A0];
	[tilespmem:s0+$0x124C0] =	vst v11  }
0x1b7: {  	v13 =	vld [tilespmem:s1+$0x1A4B0];
	[tilespmem:s0+$0x124D0] =	vst v10  }
0x1b8: {  	v11 =	vld [tilespmem:s1+$0x1A4C0];
	[tilespmem:s0+$0x124E0] =	vst v9;
	s0 =	smov.u32 s1  }
.Ltmp6:
0x1b9: {  	v10 =	vld [tilespmem:s0+$0x1A4D0];
	(pc) =	sbr.rel @p0 .LBB2_14-.Ltmp6, $4  }
0x1ba: {  	v9 =	vld [tilespmem:s0+$0x1A4E0]  }
0x1bb: {  	v16 =	vld.idx.msk [tilespmem:v14+s12+$0x0], $0xffff  }
0x1bc: {  	v14 =	vld.idx.msk [tilespmem:v12+s12+$0x0], $0xffff  }
0x1bd: {  	v12 =	vld.idx.msk [tilespmem:v17+s12+$0x0], $0xffff  }
0x1be: {  	_ =	sdelay $0x3  }
0x1bf: {  	v15 =	vld.idx.msk [tilespmem:v15+s12+$0x0], $0xffff  }
0x1c0: {  	v13 =	vld.idx.msk [tilespmem:v13+s12+$0x0], $0xffff  }
0x1c1: {  	v11 =	vld.idx.msk [tilespmem:v11+s12+$0x0], $0xffff;
	[tilespmem:s0+$0x124F0] =	vst v16  }
0x1c2: {  	v10 =	vld.idx.msk [tilespmem:v10+s12+$0x0], $0xffff;
	[tilespmem:s0+$0x12480] =	vst v14  }
0x1c3: {  	v9 =	vld.idx.msk [tilespmem:v9+s12+$0x0], $0xffff;
	[tilespmem:s0+$0x12490] =	vst v12  }
0x1c4: {  	[tilespmem:s0+$0x124A0] =	vst v15  }
0x1c5: {  	[tilespmem:s0+$0x124B0] =	vst v13  }
0x1c6: {  	[tilespmem:s0+$0x124C0] =	vst v11  }
0x1c7: {  	[tilespmem:s0+$0x124D0] =	vst v10  }
0x1c8: {  	[tilespmem:s0+$0x124E0] =	vst v9  }
0x1c9: {  	s1 =	sld [smem:$0x7DE];
	_ =	sdelay $0x1  }
0x1ca: {  	s0 =	simm.s32 $0x0  }
0x1cb: {  	[hbm4b:s1+s0] =	stream.linear.scatter [tilespmem:s14], [sflag:$0x4], $0x4000, $0x38;
	[tilespmem:$0x1E480] =	vst v63  }
0x1cc: {  	s29 =	rddreg [dreg:$0x11]  }
0x1cd: {  	[tilespmem:s12], [sflag:$0x2] =	stream.strided.gather [hbm4b:s29+s5], $0x2000, s6, s5, $0x38;
	[tilespmem:$0x1E480] =	vst v63  }
0x1ce: {  	_ =	swait.ge [sflag:s11], $0x2000  }
0x1cf: {  	[sflag:s11] =	ssyncset.done $0x0  }
0x1d0: {  	s30 =	simm.s32 $0x0;
	s20 =	simm.s32 $0x0;
	[sflag:s11] =	ssyncadd.s32 $0xFFFFE000  }
0x1d1: {  	s19 =	sand.u32 $0x1C00, s0;
	s1 =	sand.u32 $0x2000, s30;
	_ =	swait.ge [sflag:s16], $0x4000  }
0x1d2: {  	s31 =	sand.u32 $0x380, s20;
	s1 =	sor.u32 s19, s1;
	[sflag:s16] =	ssyncset.done $0x0  }
0x1d3: {  	s19 =	sor.u32 s31, s1;
	[sflag:s16] =	ssyncadd.s32 $0xFFFFC000  }
0x1d4: {  	v12 =	vld [tilespmem:s19+$0x164F0]  }
0x1d5: {  	v14 =	vld [tilespmem:s19+$0x16480]  }
0x1d6: {  	v17 =	vld [tilespmem:s19+$0x16490]  }
0x1d7: {  	v15 =	vld [tilespmem:s19+$0x164A0]  }
0x1d8: {  	v13 =	vld [tilespmem:s19+$0x164B0]  }
0x1d9: {  	v11 =	vld [tilespmem:s19+$0x164C0]  }
0x1da: {  	v10 =	vld [tilespmem:s19+$0x164D0]  }
0x1db: {  	v9 =	vld [tilespmem:s19+$0x164E0]  }
0x1dc: {  	v16 =	vld.idx.msk [tilespmem:v12+s7+$0x0], $0xffff  }
0x1dd: {  	v14 =	vld.idx.msk [tilespmem:v14+s7+$0x0], $0xffff  }
0x1de: {  	s20 =	simm.s32 $0x0;
	v12 =	vld.idx.msk [tilespmem:v17+s7+$0x0], $0xffff  }
.LBB2_16:
0x1df: {  	s20 =	sadd.s32 $0x8, s20;
	v15 =	vld.idx.msk [tilespmem:v15+s7+$0x0], $0xffff  }
0x1e0: {  	s0 =	sadd.s32 $0x400, s0;
	s1 =	sshll.u32 s20, $0x4;
	p0 =	slt.u32 s20, $0x3F8;
	v13 =	vld.idx.msk [tilespmem:v13+s7+$0x0], $0xffff  }
0x1e1: {  	s21 =	sand.u32 $0x1C00, s0;
	s22 =	sshll.u32 s20, $0x1;
	s1 =	sand.u32 $0x2000, s1;
	v11 =	vld.idx.msk [tilespmem:v11+s7+$0x0], $0xffff  }
0x1e2: {  	s1 =	sor.u32 s21, s1;
	s21 =	sand.u32 $0x380, s22;
	v10 =	vld.idx.msk [tilespmem:v10+s7+$0x0], $0xffff;
	[tilespmem:s19+$0xE4F0] =	vst v16  }
0x1e3: {  	s1 =	sor.u32 s21, s1;
	[tilespmem:s19+$0xE480] =	vst v14;
	v9 =	vld.idx.msk [tilespmem:v9+s7+$0x0], $0xffff  }
0x1e4: {  	v14 =	vld [tilespmem:s1+$0x164F0];
	[tilespmem:s19+$0xE490] =	vst v12  }
0x1e5: {  	v12 =	vld [tilespmem:s1+$0x16480];
	[tilespmem:s19+$0xE4A0] =	vst v15  }
0x1e6: {  	v17 =	vld [tilespmem:s1+$0x16490];
	[tilespmem:s19+$0xE4B0] =	vst v13  }
0x1e7: {  	v15 =	vld [tilespmem:s1+$0x164A0];
	[tilespmem:s19+$0xE4C0] =	vst v11  }
0x1e8: {  	v13 =	vld [tilespmem:s1+$0x164B0];
	[tilespmem:s19+$0xE4D0] =	vst v10  }
0x1e9: {  	v11 =	vld [tilespmem:s1+$0x164C0];
	[tilespmem:s19+$0xE4E0] =	vst v9;
	s19 =	smov.u32 s1  }
.Ltmp7:
0x1ea: {  	v10 =	vld [tilespmem:s19+$0x164D0];
	(pc) =	sbr.rel @p0 .LBB2_16-.Ltmp7, $4  }
0x1eb: {  	v9 =	vld [tilespmem:s19+$0x164E0]  }
0x1ec: {  	v16 =	vld.idx.msk [tilespmem:v14+s7+$0x0], $0xffff  }
0x1ed: {  	v14 =	vld.idx.msk [tilespmem:v12+s7+$0x0], $0xffff  }
0x1ee: {  	v12 =	vld.idx.msk [tilespmem:v17+s7+$0x0], $0xffff  }
0x1ef: {  	_ =	sdelay $0x3  }
0x1f0: {  	v15 =	vld.idx.msk [tilespmem:v15+s7+$0x0], $0xffff  }
0x1f1: {  	v13 =	vld.idx.msk [tilespmem:v13+s7+$0x0], $0xffff  }
0x1f2: {  	v11 =	vld.idx.msk [tilespmem:v11+s7+$0x0], $0xffff;
	[tilespmem:s19+$0xE4F0] =	vst v16  }
0x1f3: {  	v10 =	vld.idx.msk [tilespmem:v10+s7+$0x0], $0xffff;
	[tilespmem:s19+$0xE480] =	vst v14  }
0x1f4: {  	v9 =	vld.idx.msk [tilespmem:v9+s7+$0x0], $0xffff;
	[tilespmem:s19+$0xE490] =	vst v12  }
0x1f5: {  	[tilespmem:s19+$0xE4A0] =	vst v15  }
0x1f6: {  	[tilespmem:s19+$0xE4B0] =	vst v13  }
0x1f7: {  	[tilespmem:s19+$0xE4C0] =	vst v11  }
0x1f8: {  	[tilespmem:s19+$0xE4D0] =	vst v10  }
0x1f9: {  	[tilespmem:s19+$0xE4E0] =	vst v9  }
0x1fa: {  	s0 =	sld [smem:$0x7DF];
	_ =	sdelay $0x1  }
0x1fb: {  	s30 =	simm.s32 $0x0;
	s20 =	simm.s32 $0x0;
	s19 =	simm.s32 $0x0  }
0x1fc: {  	[hbm4b:s0+s19] =	stream.linear.scatter [tilespmem:s13], [sflag:$0x3], $0x4000, $0x38;
	[tilespmem:$0x1E480] =	vst v63  }
0x1fd: {  	s1 =	sand.u32 $0x1C00, s19;
	s0 =	sand.u32 $0x2000, s30;
	_ =	swait.ge [sflag:s17], $0x4000  }
0x1fe: {  	s31 =	sand.u32 $0x380, s20;
	s0 =	sor.u32 s1, s0;
	[sflag:s17] =	ssyncset.done $0x0  }
0x1ff: {  	s0 =	sor.u32 s31, s0;
	[sflag:s17] =	ssyncadd.s32 $0xFFFFC000  }
0x200: {  	v12 =	vld [tilespmem:s0+$0x1A4F0]  }
0x201: {  	v14 =	vld [tilespmem:s0+$0x1A480]  }
0x202: {  	v17 =	vld [tilespmem:s0+$0x1A490]  }
0x203: {  	v15 =	vld [tilespmem:s0+$0x1A4A0]  }
0x204: {  	v13 =	vld [tilespmem:s0+$0x1A4B0]  }
0x205: {  	v11 =	vld [tilespmem:s0+$0x1A4C0]  }
0x206: {  	v10 =	vld [tilespmem:s0+$0x1A4D0]  }
0x207: {  	v9 =	vld [tilespmem:s0+$0x1A4E0]  }
0x208: {  	v16 =	vld.idx.msk [tilespmem:v12+s7+$0x0], $0xffff  }
0x209: {  	v14 =	vld.idx.msk [tilespmem:v14+s7+$0x0], $0xffff  }
0x20a: {  	s20 =	simm.s32 $0x0;
	v12 =	vld.idx.msk [tilespmem:v17+s7+$0x0], $0xffff  }
.LBB2_18:
0x20b: {  	s20 =	sadd.s32 $0x8, s20;
	v15 =	vld.idx.msk [tilespmem:v15+s7+$0x0], $0xffff  }
0x20c: {  	s19 =	sadd.s32 $0x400, s19;
	s1 =	sshll.u32 s20, $0x4;
	p0 =	slt.u32 s20, $0x3F8;
	v13 =	vld.idx.msk [tilespmem:v13+s7+$0x0], $0xffff  }
0x20d: {  	s21 =	sand.u32 $0x1C00, s19;
	s22 =	sshll.u32 s20, $0x1;
	s1 =	sand.u32 $0x2000, s1;
	v11 =	vld.idx.msk [tilespmem:v11+s7+$0x0], $0xffff  }
0x20e: {  	s1 =	sor.u32 s21, s1;
	s21 =	sand.u32 $0x380, s22;
	v10 =	vld.idx.msk [tilespmem:v10+s7+$0x0], $0xffff;
	[tilespmem:s0+$0x124F0] =	vst v16  }
0x20f: {  	s1 =	sor.u32 s21, s1;
	[tilespmem:s0+$0x12480] =	vst v14;
	v9 =	vld.idx.msk [tilespmem:v9+s7+$0x0], $0xffff  }
0x210: {  	v14 =	vld [tilespmem:s1+$0x1A4F0];
	[tilespmem:s0+$0x12490] =	vst v12  }
0x211: {  	v12 =	vld [tilespmem:s1+$0x1A480];
	[tilespmem:s0+$0x124A0] =	vst v15  }
0x212: {  	v17 =	vld [tilespmem:s1+$0x1A490];
	[tilespmem:s0+$0x124B0] =	vst v13  }
0x213: {  	v15 =	vld [tilespmem:s1+$0x1A4A0];
	[tilespmem:s0+$0x124C0] =	vst v11  }
0x214: {  	v13 =	vld [tilespmem:s1+$0x1A4B0];
	[tilespmem:s0+$0x124D0] =	vst v10  }
0x215: {  	v11 =	vld [tilespmem:s1+$0x1A4C0];
	[tilespmem:s0+$0x124E0] =	vst v9;
	s0 =	smov.u32 s1  }
.Ltmp8:
0x216: {  	v10 =	vld [tilespmem:s0+$0x1A4D0];
	(pc) =	sbr.rel @p0 .LBB2_18-.Ltmp8, $4  }
0x217: {  	v9 =	vld [tilespmem:s0+$0x1A4E0]  }
0x218: {  	v16 =	vld.idx.msk [tilespmem:v14+s7+$0x0], $0xffff  }
0x219: {  	v14 =	vld.idx.msk [tilespmem:v12+s7+$0x0], $0xffff  }
0x21a: {  	v12 =	vld.idx.msk [tilespmem:v17+s7+$0x0], $0xffff  }
0x21b: {  	_ =	sdelay $0x3  }
0x21c: {  	v15 =	vld.idx.msk [tilespmem:v15+s7+$0x0], $0xffff  }
0x21d: {  	v13 =	vld.idx.msk [tilespmem:v13+s7+$0x0], $0xffff  }
0x21e: {  	v11 =	vld.idx.msk [tilespmem:v11+s7+$0x0], $0xffff;
	[tilespmem:s0+$0x124F0] =	vst v16  }
0x21f: {  	v10 =	vld.idx.msk [tilespmem:v10+s7+$0x0], $0xffff;
	[tilespmem:s0+$0x12480] =	vst v14  }
0x220: {  	v9 =	vld.idx.msk [tilespmem:v9+s7+$0x0], $0xffff;
	[tilespmem:s0+$0x12490] =	vst v12  }
0x221: {  	[tilespmem:s0+$0x124A0] =	vst v15  }
0x222: {  	[tilespmem:s0+$0x124B0] =	vst v13  }
0x223: {  	[tilespmem:s0+$0x124C0] =	vst v11  }
0x224: {  	[tilespmem:s0+$0x124D0] =	vst v10  }
0x225: {  	[tilespmem:s0+$0x124E0] =	vst v9  }
0x226: {  	s1 =	sld [smem:$0x7E0];
	_ =	sdelay $0x1  }
0x227: {  	s0 =	simm.s32 $0x0  }
0x228: {  	[hbm4b:s1+s0] =	stream.linear.scatter [tilespmem:s14], [sflag:$0x4], $0x4000, $0x38;
	[tilespmem:$0x1E480] =	vst v63  }
0x229: {  	s29 =	rddreg [dreg:$0x12]  }
0x22a: {  	[tilespmem:s7], [sflag:$0x1] =	stream.strided.gather [hbm4b:s29+s5], $0x2000, s6, s5, $0x38;
	[tilespmem:$0x1E480] =	vst v63  }
0x22b: {  	_ =	swait.ge [sflag:s15], $0x2000  }
0x22c: {  	[sflag:s15] =	ssyncset.done $0x0  }
0x22d: {  	s30 =	simm.s32 $0x0;
	s20 =	simm.s32 $0x0;
	[sflag:s15] =	ssyncadd.s32 $0xFFFFE000  }
0x22e: {  	s19 =	sand.u32 $0x1C00, s0;
	s1 =	sand.u32 $0x2000, s30;
	_ =	swait.ge [sflag:s16], $0x4000  }
0x22f: {  	s31 =	sand.u32 $0x380, s20;
	s1 =	sor.u32 s19, s1;
	[sflag:s16] =	ssyncset.done $0x0  }
0x230: {  	s19 =	sor.u32 s31, s1;
	[sflag:s16] =	ssyncadd.s32 $0xFFFFC000  }
0x231: {  	v12 =	vld [tilespmem:s19+$0x164F0]  }
0x232: {  	v14 =	vld [tilespmem:s19+$0x16480]  }
0x233: {  	v17 =	vld [tilespmem:s19+$0x16490]  }
0x234: {  	v15 =	vld [tilespmem:s19+$0x164A0]  }
0x235: {  	v13 =	vld [tilespmem:s19+$0x164B0]  }
0x236: {  	v11 =	vld [tilespmem:s19+$0x164C0]  }
0x237: {  	v10 =	vld [tilespmem:s19+$0x164D0]  }
0x238: {  	v9 =	vld [tilespmem:s19+$0x164E0]  }
0x239: {  	v16 =	vld.idx.msk [tilespmem:v12+s12+$0x0], $0xffff  }
0x23a: {  	v14 =	vld.idx.msk [tilespmem:v14+s12+$0x0], $0xffff  }
0x23b: {  	s20 =	simm.s32 $0x0;
	v12 =	vld.idx.msk [tilespmem:v17+s12+$0x0], $0xffff  }
.LBB2_20:
0x23c: {  	s20 =	sadd.s32 $0x8, s20;
	v15 =	vld.idx.msk [tilespmem:v15+s12+$0x0], $0xffff  }
0x23d: {  	s0 =	sadd.s32 $0x400, s0;
	s1 =	sshll.u32 s20, $0x4;
	p0 =	slt.u32 s20, $0x3F8;
	v13 =	vld.idx.msk [tilespmem:v13+s12+$0x0], $0xffff  }
0x23e: {  	s21 =	sand.u32 $0x1C00, s0;
	s22 =	sshll.u32 s20, $0x1;
	s1 =	sand.u32 $0x2000, s1;
	v11 =	vld.idx.msk [tilespmem:v11+s12+$0x0], $0xffff  }
0x23f: {  	s1 =	sor.u32 s21, s1;
	s21 =	sand.u32 $0x380, s22;
	v10 =	vld.idx.msk [tilespmem:v10+s12+$0x0], $0xffff;
	[tilespmem:s19+$0xE4F0] =	vst v16  }
0x240: {  	s1 =	sor.u32 s21, s1;
	[tilespmem:s19+$0xE480] =	vst v14;
	v9 =	vld.idx.msk [tilespmem:v9+s12+$0x0], $0xffff  }
0x241: {  	v14 =	vld [tilespmem:s1+$0x164F0];
	[tilespmem:s19+$0xE490] =	vst v12  }
0x242: {  	v12 =	vld [tilespmem:s1+$0x16480];
	[tilespmem:s19+$0xE4A0] =	vst v15  }
0x243: {  	v17 =	vld [tilespmem:s1+$0x16490];
	[tilespmem:s19+$0xE4B0] =	vst v13  }
0x244: {  	v15 =	vld [tilespmem:s1+$0x164A0];
	[tilespmem:s19+$0xE4C0] =	vst v11  }
0x245: {  	v13 =	vld [tilespmem:s1+$0x164B0];
	[tilespmem:s19+$0xE4D0] =	vst v10  }
0x246: {  	v11 =	vld [tilespmem:s1+$0x164C0];
	[tilespmem:s19+$0xE4E0] =	vst v9;
	s19 =	smov.u32 s1  }
.Ltmp9:
0x247: {  	v10 =	vld [tilespmem:s19+$0x164D0];
	(pc) =	sbr.rel @p0 .LBB2_20-.Ltmp9, $4  }
0x248: {  	v9 =	vld [tilespmem:s19+$0x164E0]  }
0x249: {  	v16 =	vld.idx.msk [tilespmem:v14+s12+$0x0], $0xffff  }
0x24a: {  	v14 =	vld.idx.msk [tilespmem:v12+s12+$0x0], $0xffff  }
0x24b: {  	v12 =	vld.idx.msk [tilespmem:v17+s12+$0x0], $0xffff  }
0x24c: {  	_ =	sdelay $0x3  }
0x24d: {  	v15 =	vld.idx.msk [tilespmem:v15+s12+$0x0], $0xffff  }
0x24e: {  	v13 =	vld.idx.msk [tilespmem:v13+s12+$0x0], $0xffff  }
0x24f: {  	v11 =	vld.idx.msk [tilespmem:v11+s12+$0x0], $0xffff;
	[tilespmem:s19+$0xE4F0] =	vst v16  }
0x250: {  	v10 =	vld.idx.msk [tilespmem:v10+s12+$0x0], $0xffff;
	[tilespmem:s19+$0xE480] =	vst v14  }
0x251: {  	v9 =	vld.idx.msk [tilespmem:v9+s12+$0x0], $0xffff;
	[tilespmem:s19+$0xE490] =	vst v12  }
0x252: {  	[tilespmem:s19+$0xE4A0] =	vst v15  }
0x253: {  	[tilespmem:s19+$0xE4B0] =	vst v13  }
0x254: {  	[tilespmem:s19+$0xE4C0] =	vst v11  }
0x255: {  	[tilespmem:s19+$0xE4D0] =	vst v10  }
0x256: {  	[tilespmem:s19+$0xE4E0] =	vst v9  }
0x257: {  	s0 =	sld [smem:$0x7E1];
	_ =	sdelay $0x1  }
0x258: {  	s30 =	simm.s32 $0x0;
	s20 =	simm.s32 $0x0;
	s19 =	simm.s32 $0x0  }
0x259: {  	[hbm4b:s0+s19] =	stream.linear.scatter [tilespmem:s13], [sflag:$0x3], $0x4000, $0x38;
	[tilespmem:$0x1E480] =	vst v63  }
0x25a: {  	s1 =	sand.u32 $0x1C00, s19;
	s0 =	sand.u32 $0x2000, s30;
	_ =	swait.ge [sflag:s17], $0x4000  }
0x25b: {  	s31 =	sand.u32 $0x380, s20;
	s0 =	sor.u32 s1, s0;
	[sflag:s17] =	ssyncset.done $0x0  }
0x25c: {  	s0 =	sor.u32 s31, s0;
	[sflag:s17] =	ssyncadd.s32 $0xFFFFC000  }
0x25d: {  	v12 =	vld [tilespmem:s0+$0x1A4F0]  }
0x25e: {  	v14 =	vld [tilespmem:s0+$0x1A480]  }
0x25f: {  	v17 =	vld [tilespmem:s0+$0x1A490]  }
0x260: {  	v15 =	vld [tilespmem:s0+$0x1A4A0]  }
0x261: {  	v13 =	vld [tilespmem:s0+$0x1A4B0]  }
0x262: {  	v11 =	vld [tilespmem:s0+$0x1A4C0]  }
0x263: {  	v10 =	vld [tilespmem:s0+$0x1A4D0]  }
0x264: {  	v9 =	vld [tilespmem:s0+$0x1A4E0]  }
0x265: {  	v16 =	vld.idx.msk [tilespmem:v12+s12+$0x0], $0xffff  }
0x266: {  	v14 =	vld.idx.msk [tilespmem:v14+s12+$0x0], $0xffff  }
0x267: {  	s20 =	simm.s32 $0x0;
	v12 =	vld.idx.msk [tilespmem:v17+s12+$0x0], $0xffff  }
.LBB2_22:
0x268: {  	s20 =	sadd.s32 $0x8, s20;
	v15 =	vld.idx.msk [tilespmem:v15+s12+$0x0], $0xffff  }
0x269: {  	s19 =	sadd.s32 $0x400, s19;
	s1 =	sshll.u32 s20, $0x4;
	p0 =	slt.u32 s20, $0x3F8;
	v13 =	vld.idx.msk [tilespmem:v13+s12+$0x0], $0xffff  }
0x26a: {  	s21 =	sand.u32 $0x1C00, s19;
	s22 =	sshll.u32 s20, $0x1;
	s1 =	sand.u32 $0x2000, s1;
	v11 =	vld.idx.msk [tilespmem:v11+s12+$0x0], $0xffff  }
0x26b: {  	s1 =	sor.u32 s21, s1;
	s21 =	sand.u32 $0x380, s22;
	v10 =	vld.idx.msk [tilespmem:v10+s12+$0x0], $0xffff;
	[tilespmem:s0+$0x124F0] =	vst v16  }
0x26c: {  	s1 =	sor.u32 s21, s1;
	[tilespmem:s0+$0x12480] =	vst v14;
	v9 =	vld.idx.msk [tilespmem:v9+s12+$0x0], $0xffff  }
0x26d: {  	v14 =	vld [tilespmem:s1+$0x1A4F0];
	[tilespmem:s0+$0x12490] =	vst v12  }
0x26e: {  	v12 =	vld [tilespmem:s1+$0x1A480];
	[tilespmem:s0+$0x124A0] =	vst v15  }
0x26f: {  	v17 =	vld [tilespmem:s1+$0x1A490];
	[tilespmem:s0+$0x124B0] =	vst v13  }
0x270: {  	v15 =	vld [tilespmem:s1+$0x1A4A0];
	[tilespmem:s0+$0x124C0] =	vst v11  }
0x271: {  	v13 =	vld [tilespmem:s1+$0x1A4B0];
	[tilespmem:s0+$0x124D0] =	vst v10  }
0x272: {  	v11 =	vld [tilespmem:s1+$0x1A4C0];
	[tilespmem:s0+$0x124E0] =	vst v9;
	s0 =	smov.u32 s1  }
.Ltmp10:
0x273: {  	v10 =	vld [tilespmem:s0+$0x1A4D0];
	(pc) =	sbr.rel @p0 .LBB2_22-.Ltmp10, $4  }
0x274: {  	v9 =	vld [tilespmem:s0+$0x1A4E0]  }
0x275: {  	v16 =	vld.idx.msk [tilespmem:v14+s12+$0x0], $0xffff  }
0x276: {  	v14 =	vld.idx.msk [tilespmem:v12+s12+$0x0], $0xffff  }
0x277: {  	v12 =	vld.idx.msk [tilespmem:v17+s12+$0x0], $0xffff  }
0x278: {  	_ =	sdelay $0x3  }
0x279: {  	v15 =	vld.idx.msk [tilespmem:v15+s12+$0x0], $0xffff  }
0x27a: {  	v13 =	vld.idx.msk [tilespmem:v13+s12+$0x0], $0xffff  }
0x27b: {  	v11 =	vld.idx.msk [tilespmem:v11+s12+$0x0], $0xffff;
	[tilespmem:s0+$0x124F0] =	vst v16  }
0x27c: {  	v10 =	vld.idx.msk [tilespmem:v10+s12+$0x0], $0xffff;
	[tilespmem:s0+$0x12480] =	vst v14  }
0x27d: {  	v9 =	vld.idx.msk [tilespmem:v9+s12+$0x0], $0xffff;
	[tilespmem:s0+$0x12490] =	vst v12  }
0x27e: {  	[tilespmem:s0+$0x124A0] =	vst v15  }
0x27f: {  	[tilespmem:s0+$0x124B0] =	vst v13  }
0x280: {  	[tilespmem:s0+$0x124C0] =	vst v11  }
0x281: {  	[tilespmem:s0+$0x124D0] =	vst v10  }
0x282: {  	[tilespmem:s0+$0x124E0] =	vst v9  }
0x283: {  	s1 =	sld [smem:$0x7E2];
	_ =	sdelay $0x1  }
0x284: {  	s0 =	simm.s32 $0x0  }
0x285: {  	[hbm4b:s1+s0] =	stream.linear.scatter [tilespmem:s14], [sflag:$0x4], $0x4000, $0x38;
	[tilespmem:$0x1E480] =	vst v63  }
0x286: {  	s29 =	rddreg [dreg:$0x13]  }
0x287: {  	[tilespmem:s12], [sflag:$0x2] =	stream.strided.gather [hbm4b:s29+s5], $0x2000, s6, s5, $0x38;
	[tilespmem:$0x1E480] =	vst v63  }
0x288: {  	_ =	swait.ge [sflag:s11], $0x2000  }
0x289: {  	[sflag:s11] =	ssyncset.done $0x0  }
0x28a: {  	s30 =	simm.s32 $0x0;
	s20 =	simm.s32 $0x0;
	[sflag:s11] =	ssyncadd.s32 $0xFFFFE000  }
0x28b: {  	s19 =	sand.u32 $0x1C00, s0;
	s1 =	sand.u32 $0x2000, s30;
	_ =	swait.ge [sflag:s16], $0x4000  }
0x28c: {  	s31 =	sand.u32 $0x380, s20;
	s1 =	sor.u32 s19, s1;
	[sflag:s16] =	ssyncset.done $0x0  }
0x28d: {  	s19 =	sor.u32 s31, s1;
	[sflag:s16] =	ssyncadd.s32 $0xFFFFC000  }
0x28e: {  	v12 =	vld [tilespmem:s19+$0x164F0]  }
0x28f: {  	v14 =	vld [tilespmem:s19+$0x16480]  }
0x290: {  	v17 =	vld [tilespmem:s19+$0x16490]  }
0x291: {  	v15 =	vld [tilespmem:s19+$0x164A0]  }
0x292: {  	v13 =	vld [tilespmem:s19+$0x164B0]  }
0x293: {  	v11 =	vld [tilespmem:s19+$0x164C0]  }
0x294: {  	v10 =	vld [tilespmem:s19+$0x164D0]  }
0x295: {  	v9 =	vld [tilespmem:s19+$0x164E0]  }
0x296: {  	v16 =	vld.idx.msk [tilespmem:v12+s7+$0x0], $0xffff  }
0x297: {  	v14 =	vld.idx.msk [tilespmem:v14+s7+$0x0], $0xffff  }
0x298: {  	s20 =	simm.s32 $0x0;
	v12 =	vld.idx.msk [tilespmem:v17+s7+$0x0], $0xffff  }
.LBB2_24:
0x299: {  	s20 =	sadd.s32 $0x8, s20;
	v15 =	vld.idx.msk [tilespmem:v15+s7+$0x0], $0xffff  }
0x29a: {  	s0 =	sadd.s32 $0x400, s0;
	s1 =	sshll.u32 s20, $0x4;
	p0 =	slt.u32 s20, $0x3F8;
	v13 =	vld.idx.msk [tilespmem:v13+s7+$0x0], $0xffff  }
0x29b: {  	s21 =	sand.u32 $0x1C00, s0;
	s22 =	sshll.u32 s20, $0x1;
	s1 =	sand.u32 $0x2000, s1;
	v11 =	vld.idx.msk [tilespmem:v11+s7+$0x0], $0xffff  }
0x29c: {  	s1 =	sor.u32 s21, s1;
	s21 =	sand.u32 $0x380, s22;
	v10 =	vld.idx.msk [tilespmem:v10+s7+$0x0], $0xffff;
	[tilespmem:s19+$0xE4F0] =	vst v16  }
0x29d: {  	s1 =	sor.u32 s21, s1;
	[tilespmem:s19+$0xE480] =	vst v14;
	v9 =	vld.idx.msk [tilespmem:v9+s7+$0x0], $0xffff  }
0x29e: {  	v14 =	vld [tilespmem:s1+$0x164F0];
	[tilespmem:s19+$0xE490] =	vst v12  }
0x29f: {  	v12 =	vld [tilespmem:s1+$0x16480];
	[tilespmem:s19+$0xE4A0] =	vst v15  }
0x2a0: {  	v17 =	vld [tilespmem:s1+$0x16490];
	[tilespmem:s19+$0xE4B0] =	vst v13  }
0x2a1: {  	v15 =	vld [tilespmem:s1+$0x164A0];
	[tilespmem:s19+$0xE4C0] =	vst v11  }
0x2a2: {  	v13 =	vld [tilespmem:s1+$0x164B0];
	[tilespmem:s19+$0xE4D0] =	vst v10  }
0x2a3: {  	v11 =	vld [tilespmem:s1+$0x164C0];
	[tilespmem:s19+$0xE4E0] =	vst v9;
	s19 =	smov.u32 s1  }
.Ltmp11:
0x2a4: {  	v10 =	vld [tilespmem:s19+$0x164D0];
	(pc) =	sbr.rel @p0 .LBB2_24-.Ltmp11, $4  }
0x2a5: {  	v9 =	vld [tilespmem:s19+$0x164E0]  }
0x2a6: {  	v16 =	vld.idx.msk [tilespmem:v14+s7+$0x0], $0xffff  }
0x2a7: {  	v14 =	vld.idx.msk [tilespmem:v12+s7+$0x0], $0xffff  }
0x2a8: {  	v12 =	vld.idx.msk [tilespmem:v17+s7+$0x0], $0xffff  }
0x2a9: {  	_ =	sdelay $0x3  }
0x2aa: {  	v15 =	vld.idx.msk [tilespmem:v15+s7+$0x0], $0xffff  }
0x2ab: {  	v13 =	vld.idx.msk [tilespmem:v13+s7+$0x0], $0xffff  }
0x2ac: {  	v11 =	vld.idx.msk [tilespmem:v11+s7+$0x0], $0xffff;
	[tilespmem:s19+$0xE4F0] =	vst v16  }
0x2ad: {  	v10 =	vld.idx.msk [tilespmem:v10+s7+$0x0], $0xffff;
	[tilespmem:s19+$0xE480] =	vst v14  }
0x2ae: {  	v9 =	vld.idx.msk [tilespmem:v9+s7+$0x0], $0xffff;
	[tilespmem:s19+$0xE490] =	vst v12  }
0x2af: {  	[tilespmem:s19+$0xE4A0] =	vst v15  }
0x2b0: {  	[tilespmem:s19+$0xE4B0] =	vst v13  }
0x2b1: {  	[tilespmem:s19+$0xE4C0] =	vst v11  }
0x2b2: {  	[tilespmem:s19+$0xE4D0] =	vst v10  }
0x2b3: {  	[tilespmem:s19+$0xE4E0] =	vst v9  }
0x2b4: {  	s0 =	sld [smem:$0x7E3];
	_ =	sdelay $0x1  }
0x2b5: {  	s30 =	simm.s32 $0x0;
	s20 =	simm.s32 $0x0;
	s19 =	simm.s32 $0x0  }
0x2b6: {  	[hbm4b:s0+s19] =	stream.linear.scatter [tilespmem:s13], [sflag:$0x3], $0x4000, $0x38;
	[tilespmem:$0x1E480] =	vst v63  }
0x2b7: {  	s1 =	sand.u32 $0x1C00, s19;
	s0 =	sand.u32 $0x2000, s30;
	_ =	swait.ge [sflag:s17], $0x4000  }
0x2b8: {  	s31 =	sand.u32 $0x380, s20;
	s0 =	sor.u32 s1, s0;
	[sflag:s17] =	ssyncset.done $0x0  }
0x2b9: {  	s0 =	sor.u32 s31, s0;
	[sflag:s17] =	ssyncadd.s32 $0xFFFFC000  }
0x2ba: {  	v12 =	vld [tilespmem:s0+$0x1A4F0]  }
0x2bb: {  	v14 =	vld [tilespmem:s0+$0x1A480]  }
0x2bc: {  	v17 =	vld [tilespmem:s0+$0x1A490]  }
0x2bd: {  	v15 =	vld [tilespmem:s0+$0x1A4A0]  }
0x2be: {  	v13 =	vld [tilespmem:s0+$0x1A4B0]  }
0x2bf: {  	v11 =	vld [tilespmem:s0+$0x1A4C0]  }
0x2c0: {  	v10 =	vld [tilespmem:s0+$0x1A4D0]  }
0x2c1: {  	v9 =	vld [tilespmem:s0+$0x1A4E0]  }
0x2c2: {  	v16 =	vld.idx.msk [tilespmem:v12+s7+$0x0], $0xffff  }
0x2c3: {  	v14 =	vld.idx.msk [tilespmem:v14+s7+$0x0], $0xffff  }
0x2c4: {  	s20 =	simm.s32 $0x0;
	v12 =	vld.idx.msk [tilespmem:v17+s7+$0x0], $0xffff  }
.LBB2_26:
0x2c5: {  	s20 =	sadd.s32 $0x8, s20;
	v15 =	vld.idx.msk [tilespmem:v15+s7+$0x0], $0xffff  }
0x2c6: {  	s19 =	sadd.s32 $0x400, s19;
	s1 =	sshll.u32 s20, $0x4;
	p0 =	slt.u32 s20, $0x3F8;
	v13 =	vld.idx.msk [tilespmem:v13+s7+$0x0], $0xffff  }
0x2c7: {  	s21 =	sand.u32 $0x1C00, s19;
	s22 =	sshll.u32 s20, $0x1;
	s1 =	sand.u32 $0x2000, s1;
	v11 =	vld.idx.msk [tilespmem:v11+s7+$0x0], $0xffff  }
0x2c8: {  	s1 =	sor.u32 s21, s1;
	s21 =	sand.u32 $0x380, s22;
	v10 =	vld.idx.msk [tilespmem:v10+s7+$0x0], $0xffff;
	[tilespmem:s0+$0x124F0] =	vst v16  }
0x2c9: {  	s1 =	sor.u32 s21, s1;
	[tilespmem:s0+$0x12480] =	vst v14;
	v9 =	vld.idx.msk [tilespmem:v9+s7+$0x0], $0xffff  }
0x2ca: {  	v14 =	vld [tilespmem:s1+$0x1A4F0];
	[tilespmem:s0+$0x12490] =	vst v12  }
0x2cb: {  	v12 =	vld [tilespmem:s1+$0x1A480];
	[tilespmem:s0+$0x124A0] =	vst v15  }
0x2cc: {  	v17 =	vld [tilespmem:s1+$0x1A490];
	[tilespmem:s0+$0x124B0] =	vst v13  }
0x2cd: {  	v15 =	vld [tilespmem:s1+$0x1A4A0];
	[tilespmem:s0+$0x124C0] =	vst v11  }
0x2ce: {  	v13 =	vld [tilespmem:s1+$0x1A4B0];
	[tilespmem:s0+$0x124D0] =	vst v10  }
0x2cf: {  	v11 =	vld [tilespmem:s1+$0x1A4C0];
	[tilespmem:s0+$0x124E0] =	vst v9;
	s0 =	smov.u32 s1  }
.Ltmp12:
0x2d0: {  	v10 =	vld [tilespmem:s0+$0x1A4D0];
	(pc) =	sbr.rel @p0 .LBB2_26-.Ltmp12, $4  }
0x2d1: {  	v9 =	vld [tilespmem:s0+$0x1A4E0]  }
0x2d2: {  	v16 =	vld.idx.msk [tilespmem:v14+s7+$0x0], $0xffff  }
0x2d3: {  	v14 =	vld.idx.msk [tilespmem:v12+s7+$0x0], $0xffff  }
0x2d4: {  	v12 =	vld.idx.msk [tilespmem:v17+s7+$0x0], $0xffff  }
0x2d5: {  	_ =	sdelay $0x3  }
0x2d6: {  	v15 =	vld.idx.msk [tilespmem:v15+s7+$0x0], $0xffff  }
0x2d7: {  	v13 =	vld.idx.msk [tilespmem:v13+s7+$0x0], $0xffff  }
0x2d8: {  	v11 =	vld.idx.msk [tilespmem:v11+s7+$0x0], $0xffff;
	[tilespmem:s0+$0x124F0] =	vst v16  }
0x2d9: {  	v10 =	vld.idx.msk [tilespmem:v10+s7+$0x0], $0xffff;
	[tilespmem:s0+$0x12480] =	vst v14  }
0x2da: {  	v9 =	vld.idx.msk [tilespmem:v9+s7+$0x0], $0xffff;
	[tilespmem:s0+$0x12490] =	vst v12  }
0x2db: {  	[tilespmem:s0+$0x124A0] =	vst v15  }
0x2dc: {  	[tilespmem:s0+$0x124B0] =	vst v13  }
0x2dd: {  	[tilespmem:s0+$0x124C0] =	vst v11  }
0x2de: {  	[tilespmem:s0+$0x124D0] =	vst v10  }
0x2df: {  	[tilespmem:s0+$0x124E0] =	vst v9  }
0x2e0: {  	s1 =	sld [smem:$0x7E4];
	_ =	sdelay $0x1  }
0x2e1: {  	s0 =	simm.s32 $0x0  }
0x2e2: {  	[hbm4b:s1+s0] =	stream.linear.scatter [tilespmem:s14], [sflag:$0x4], $0x4000, $0x38;
	[tilespmem:$0x1E480] =	vst v63  }
0x2e3: {  	s29 =	rddreg [dreg:$0x14]  }
0x2e4: {  	[tilespmem:s7], [sflag:$0x1] =	stream.strided.gather [hbm4b:s29+s5], $0x2000, s6, s5, $0x38;
	[tilespmem:$0x1E480] =	vst v63  }
0x2e5: {  	_ =	swait.ge [sflag:s15], $0x2000  }
0x2e6: {  	[sflag:s15] =	ssyncset.done $0x0  }
0x2e7: {  	s30 =	simm.s32 $0x0;
	s20 =	simm.s32 $0x0;
	[sflag:s15] =	ssyncadd.s32 $0xFFFFE000  }
0x2e8: {  	s19 =	sand.u32 $0x1C00, s0;
	s1 =	sand.u32 $0x2000, s30;
	_ =	swait.ge [sflag:s16], $0x4000  }
0x2e9: {  	s31 =	sand.u32 $0x380, s20;
	s1 =	sor.u32 s19, s1;
	[sflag:s16] =	ssyncset.done $0x0  }
0x2ea: {  	s19 =	sor.u32 s31, s1;
	[sflag:s16] =	ssyncadd.s32 $0xFFFFC000  }
0x2eb: {  	v12 =	vld [tilespmem:s19+$0x164F0]  }
0x2ec: {  	v14 =	vld [tilespmem:s19+$0x16480]  }
0x2ed: {  	v17 =	vld [tilespmem:s19+$0x16490]  }
0x2ee: {  	v15 =	vld [tilespmem:s19+$0x164A0]  }
0x2ef: {  	v13 =	vld [tilespmem:s19+$0x164B0]  }
0x2f0: {  	v11 =	vld [tilespmem:s19+$0x164C0]  }
0x2f1: {  	v10 =	vld [tilespmem:s19+$0x164D0]  }
0x2f2: {  	v9 =	vld [tilespmem:s19+$0x164E0]  }
0x2f3: {  	v16 =	vld.idx.msk [tilespmem:v12+s12+$0x0], $0xffff  }
0x2f4: {  	v14 =	vld.idx.msk [tilespmem:v14+s12+$0x0], $0xffff  }
0x2f5: {  	s20 =	simm.s32 $0x0;
	v12 =	vld.idx.msk [tilespmem:v17+s12+$0x0], $0xffff  }
.LBB2_28:
0x2f6: {  	s20 =	sadd.s32 $0x8, s20;
	v15 =	vld.idx.msk [tilespmem:v15+s12+$0x0], $0xffff  }
0x2f7: {  	s0 =	sadd.s32 $0x400, s0;
	s1 =	sshll.u32 s20, $0x4;
	p0 =	slt.u32 s20, $0x3F8;
	v13 =	vld.idx.msk [tilespmem:v13+s12+$0x0], $0xffff  }
0x2f8: {  	s21 =	sand.u32 $0x1C00, s0;
	s22 =	sshll.u32 s20, $0x1;
	s1 =	sand.u32 $0x2000, s1;
	v11 =	vld.idx.msk [tilespmem:v11+s12+$0x0], $0xffff  }
0x2f9: {  	s1 =	sor.u32 s21, s1;
	s21 =	sand.u32 $0x380, s22;
	v10 =	vld.idx.msk [tilespmem:v10+s12+$0x0], $0xffff;
	[tilespmem:s19+$0xE4F0] =	vst v16  }
0x2fa: {  	s1 =	sor.u32 s21, s1;
	[tilespmem:s19+$0xE480] =	vst v14;
	v9 =	vld.idx.msk [tilespmem:v9+s12+$0x0], $0xffff  }
0x2fb: {  	v14 =	vld [tilespmem:s1+$0x164F0];
	[tilespmem:s19+$0xE490] =	vst v12  }
0x2fc: {  	v12 =	vld [tilespmem:s1+$0x16480];
	[tilespmem:s19+$0xE4A0] =	vst v15  }
0x2fd: {  	v17 =	vld [tilespmem:s1+$0x16490];
	[tilespmem:s19+$0xE4B0] =	vst v13  }
0x2fe: {  	v15 =	vld [tilespmem:s1+$0x164A0];
	[tilespmem:s19+$0xE4C0] =	vst v11  }
0x2ff: {  	v13 =	vld [tilespmem:s1+$0x164B0];
	[tilespmem:s19+$0xE4D0] =	vst v10  }
0x300: {  	v11 =	vld [tilespmem:s1+$0x164C0];
	[tilespmem:s19+$0xE4E0] =	vst v9;
	s19 =	smov.u32 s1  }
.Ltmp13:
0x301: {  	v10 =	vld [tilespmem:s19+$0x164D0];
	(pc) =	sbr.rel @p0 .LBB2_28-.Ltmp13, $4  }
0x302: {  	v9 =	vld [tilespmem:s19+$0x164E0]  }
0x303: {  	v16 =	vld.idx.msk [tilespmem:v14+s12+$0x0], $0xffff  }
0x304: {  	v14 =	vld.idx.msk [tilespmem:v12+s12+$0x0], $0xffff  }
0x305: {  	v12 =	vld.idx.msk [tilespmem:v17+s12+$0x0], $0xffff  }
0x306: {  	_ =	sdelay $0x3  }
0x307: {  	v15 =	vld.idx.msk [tilespmem:v15+s12+$0x0], $0xffff  }
0x308: {  	v13 =	vld.idx.msk [tilespmem:v13+s12+$0x0], $0xffff  }
0x309: {  	v11 =	vld.idx.msk [tilespmem:v11+s12+$0x0], $0xffff;
	[tilespmem:s19+$0xE4F0] =	vst v16  }
0x30a: {  	v10 =	vld.idx.msk [tilespmem:v10+s12+$0x0], $0xffff;
	[tilespmem:s19+$0xE480] =	vst v14  }
0x30b: {  	v9 =	vld.idx.msk [tilespmem:v9+s12+$0x0], $0xffff;
	[tilespmem:s19+$0xE490] =	vst v12  }
0x30c: {  	[tilespmem:s19+$0xE4A0] =	vst v15  }
0x30d: {  	[tilespmem:s19+$0xE4B0] =	vst v13  }
0x30e: {  	[tilespmem:s19+$0xE4C0] =	vst v11  }
0x30f: {  	[tilespmem:s19+$0xE4D0] =	vst v10  }
0x310: {  	[tilespmem:s19+$0xE4E0] =	vst v9  }
0x311: {  	s0 =	sld [smem:$0x7E5];
	_ =	sdelay $0x1  }
0x312: {  	s30 =	simm.s32 $0x0;
	s20 =	simm.s32 $0x0;
	s19 =	simm.s32 $0x0  }
0x313: {  	[hbm4b:s0+s19] =	stream.linear.scatter [tilespmem:s13], [sflag:$0x3], $0x4000, $0x38;
	[tilespmem:$0x1E480] =	vst v63  }
0x314: {  	s1 =	sand.u32 $0x1C00, s19;
	s0 =	sand.u32 $0x2000, s30;
	_ =	swait.ge [sflag:s17], $0x4000  }
0x315: {  	s31 =	sand.u32 $0x380, s20;
	s0 =	sor.u32 s1, s0;
	[sflag:s17] =	ssyncset.done $0x0  }
0x316: {  	s0 =	sor.u32 s31, s0;
	[sflag:s17] =	ssyncadd.s32 $0xFFFFC000  }
0x317: {  	v12 =	vld [tilespmem:s0+$0x1A4F0]  }
0x318: {  	v14 =	vld [tilespmem:s0+$0x1A480]  }
0x319: {  	v17 =	vld [tilespmem:s0+$0x1A490]  }
0x31a: {  	v15 =	vld [tilespmem:s0+$0x1A4A0]  }
0x31b: {  	v13 =	vld [tilespmem:s0+$0x1A4B0]  }
0x31c: {  	v11 =	vld [tilespmem:s0+$0x1A4C0]  }
0x31d: {  	v10 =	vld [tilespmem:s0+$0x1A4D0]  }
0x31e: {  	v9 =	vld [tilespmem:s0+$0x1A4E0]  }
0x31f: {  	v16 =	vld.idx.msk [tilespmem:v12+s12+$0x0], $0xffff  }
0x320: {  	v14 =	vld.idx.msk [tilespmem:v14+s12+$0x0], $0xffff  }
0x321: {  	s20 =	simm.s32 $0x0;
	v12 =	vld.idx.msk [tilespmem:v17+s12+$0x0], $0xffff  }
.LBB2_30:
0x322: {  	s20 =	sadd.s32 $0x8, s20;
	v15 =	vld.idx.msk [tilespmem:v15+s12+$0x0], $0xffff  }
0x323: {  	s19 =	sadd.s32 $0x400, s19;
	s1 =	sshll.u32 s20, $0x4;
	p0 =	slt.u32 s20, $0x3F8;
	v13 =	vld.idx.msk [tilespmem:v13+s12+$0x0], $0xffff  }
0x324: {  	s21 =	sand.u32 $0x1C00, s19;
	s22 =	sshll.u32 s20, $0x1;
	s1 =	sand.u32 $0x2000, s1;
	v11 =	vld.idx.msk [tilespmem:v11+s12+$0x0], $0xffff  }
0x325: {  	s1 =	sor.u32 s21, s1;
	s21 =	sand.u32 $0x380, s22;
	v10 =	vld.idx.msk [tilespmem:v10+s12+$0x0], $0xffff;
	[tilespmem:s0+$0x124F0] =	vst v16  }
0x326: {  	s1 =	sor.u32 s21, s1;
	[tilespmem:s0+$0x12480] =	vst v14;
	v9 =	vld.idx.msk [tilespmem:v9+s12+$0x0], $0xffff  }
0x327: {  	v14 =	vld [tilespmem:s1+$0x1A4F0];
	[tilespmem:s0+$0x12490] =	vst v12  }
0x328: {  	v12 =	vld [tilespmem:s1+$0x1A480];
	[tilespmem:s0+$0x124A0] =	vst v15  }
0x329: {  	v17 =	vld [tilespmem:s1+$0x1A490];
	[tilespmem:s0+$0x124B0] =	vst v13  }
0x32a: {  	v15 =	vld [tilespmem:s1+$0x1A4A0];
	[tilespmem:s0+$0x124C0] =	vst v11  }
0x32b: {  	v13 =	vld [tilespmem:s1+$0x1A4B0];
	[tilespmem:s0+$0x124D0] =	vst v10  }
0x32c: {  	v11 =	vld [tilespmem:s1+$0x1A4C0];
	[tilespmem:s0+$0x124E0] =	vst v9;
	s0 =	smov.u32 s1  }
.Ltmp14:
0x32d: {  	v10 =	vld [tilespmem:s0+$0x1A4D0];
	(pc) =	sbr.rel @p0 .LBB2_30-.Ltmp14, $4  }
0x32e: {  	v9 =	vld [tilespmem:s0+$0x1A4E0]  }
0x32f: {  	v16 =	vld.idx.msk [tilespmem:v14+s12+$0x0], $0xffff  }
0x330: {  	v14 =	vld.idx.msk [tilespmem:v12+s12+$0x0], $0xffff  }
0x331: {  	v12 =	vld.idx.msk [tilespmem:v17+s12+$0x0], $0xffff  }
0x332: {  	_ =	sdelay $0x3  }
0x333: {  	v15 =	vld.idx.msk [tilespmem:v15+s12+$0x0], $0xffff  }
0x334: {  	v13 =	vld.idx.msk [tilespmem:v13+s12+$0x0], $0xffff  }
0x335: {  	v11 =	vld.idx.msk [tilespmem:v11+s12+$0x0], $0xffff;
	[tilespmem:s0+$0x124F0] =	vst v16  }
0x336: {  	v10 =	vld.idx.msk [tilespmem:v10+s12+$0x0], $0xffff;
	[tilespmem:s0+$0x12480] =	vst v14  }
0x337: {  	v9 =	vld.idx.msk [tilespmem:v9+s12+$0x0], $0xffff;
	[tilespmem:s0+$0x12490] =	vst v12  }
0x338: {  	[tilespmem:s0+$0x124A0] =	vst v15  }
0x339: {  	[tilespmem:s0+$0x124B0] =	vst v13  }
0x33a: {  	[tilespmem:s0+$0x124C0] =	vst v11  }
0x33b: {  	[tilespmem:s0+$0x124D0] =	vst v10  }
0x33c: {  	[tilespmem:s0+$0x124E0] =	vst v9  }
0x33d: {  	s1 =	sld [smem:$0x7E6];
	_ =	sdelay $0x1  }
0x33e: {  	s0 =	simm.s32 $0x0  }
0x33f: {  	[hbm4b:s1+s0] =	stream.linear.scatter [tilespmem:s14], [sflag:$0x4], $0x4000, $0x38;
	[tilespmem:$0x1E480] =	vst v63  }
0x340: {  	s29 =	rddreg [dreg:$0x15]  }
0x341: {  	[tilespmem:s12], [sflag:$0x2] =	stream.strided.gather [hbm4b:s29+s5], $0x2000, s6, s5, $0x38;
	[tilespmem:$0x1E480] =	vst v63  }
0x342: {  	_ =	swait.ge [sflag:s11], $0x2000  }
0x343: {  	[sflag:s11] =	ssyncset.done $0x0  }
0x344: {  	s30 =	simm.s32 $0x0;
	s20 =	simm.s32 $0x0;
	[sflag:s11] =	ssyncadd.s32 $0xFFFFE000  }
0x345: {  	s19 =	sand.u32 $0x1C00, s0;
	s1 =	sand.u32 $0x2000, s30;
	_ =	swait.ge [sflag:s16], $0x4000  }
0x346: {  	s31 =	sand.u32 $0x380, s20;
	s1 =	sor.u32 s19, s1;
	[sflag:s16] =	ssyncset.done $0x0  }
0x347: {  	s19 =	sor.u32 s31, s1;
	[sflag:s16] =	ssyncadd.s32 $0xFFFFC000  }
0x348: {  	v12 =	vld [tilespmem:s19+$0x164F0]  }
0x349: {  	v14 =	vld [tilespmem:s19+$0x16480]  }
0x34a: {  	v17 =	vld [tilespmem:s19+$0x16490]  }
0x34b: {  	v15 =	vld [tilespmem:s19+$0x164A0]  }
0x34c: {  	v13 =	vld [tilespmem:s19+$0x164B0]  }
0x34d: {  	v11 =	vld [tilespmem:s19+$0x164C0]  }
0x34e: {  	v10 =	vld [tilespmem:s19+$0x164D0]  }
0x34f: {  	v9 =	vld [tilespmem:s19+$0x164E0]  }
0x350: {  	v16 =	vld.idx.msk [tilespmem:v12+s7+$0x0], $0xffff  }
0x351: {  	v14 =	vld.idx.msk [tilespmem:v14+s7+$0x0], $0xffff  }
0x352: {  	s20 =	simm.s32 $0x0;
	v12 =	vld.idx.msk [tilespmem:v17+s7+$0x0], $0xffff  }
.LBB2_32:
0x353: {  	s20 =	sadd.s32 $0x8, s20;
	v15 =	vld.idx.msk [tilespmem:v15+s7+$0x0], $0xffff  }
0x354: {  	s0 =	sadd.s32 $0x400, s0;
	s1 =	sshll.u32 s20, $0x4;
	p0 =	slt.u32 s20, $0x3F8;
	v13 =	vld.idx.msk [tilespmem:v13+s7+$0x0], $0xffff  }
0x355: {  	s21 =	sand.u32 $0x1C00, s0;
	s22 =	sshll.u32 s20, $0x1;
	s1 =	sand.u32 $0x2000, s1;
	v11 =	vld.idx.msk [tilespmem:v11+s7+$0x0], $0xffff  }
0x356: {  	s1 =	sor.u32 s21, s1;
	s21 =	sand.u32 $0x380, s22;
	v10 =	vld.idx.msk [tilespmem:v10+s7+$0x0], $0xffff;
	[tilespmem:s19+$0xE4F0] =	vst v16  }
0x357: {  	s1 =	sor.u32 s21, s1;
	[tilespmem:s19+$0xE480] =	vst v14;
	v9 =	vld.idx.msk [tilespmem:v9+s7+$0x0], $0xffff  }
0x358: {  	v14 =	vld [tilespmem:s1+$0x164F0];
	[tilespmem:s19+$0xE490] =	vst v12  }
0x359: {  	v12 =	vld [tilespmem:s1+$0x16480];
	[tilespmem:s19+$0xE4A0] =	vst v15  }
0x35a: {  	v17 =	vld [tilespmem:s1+$0x16490];
	[tilespmem:s19+$0xE4B0] =	vst v13  }
0x35b: {  	v15 =	vld [tilespmem:s1+$0x164A0];
	[tilespmem:s19+$0xE4C0] =	vst v11  }
0x35c: {  	v13 =	vld [tilespmem:s1+$0x164B0];
	[tilespmem:s19+$0xE4D0] =	vst v10  }
0x35d: {  	v11 =	vld [tilespmem:s1+$0x164C0];
	[tilespmem:s19+$0xE4E0] =	vst v9;
	s19 =	smov.u32 s1  }
.Ltmp15:
0x35e: {  	v10 =	vld [tilespmem:s19+$0x164D0];
	(pc) =	sbr.rel @p0 .LBB2_32-.Ltmp15, $4  }
0x35f: {  	v9 =	vld [tilespmem:s19+$0x164E0]  }
0x360: {  	v16 =	vld.idx.msk [tilespmem:v14+s7+$0x0], $0xffff  }
0x361: {  	v14 =	vld.idx.msk [tilespmem:v12+s7+$0x0], $0xffff  }
0x362: {  	v12 =	vld.idx.msk [tilespmem:v17+s7+$0x0], $0xffff  }
0x363: {  	_ =	sdelay $0x3  }
0x364: {  	v15 =	vld.idx.msk [tilespmem:v15+s7+$0x0], $0xffff  }
0x365: {  	v13 =	vld.idx.msk [tilespmem:v13+s7+$0x0], $0xffff  }
0x366: {  	v11 =	vld.idx.msk [tilespmem:v11+s7+$0x0], $0xffff;
	[tilespmem:s19+$0xE4F0] =	vst v16  }
0x367: {  	v10 =	vld.idx.msk [tilespmem:v10+s7+$0x0], $0xffff;
	[tilespmem:s19+$0xE480] =	vst v14  }
0x368: {  	v9 =	vld.idx.msk [tilespmem:v9+s7+$0x0], $0xffff;
	[tilespmem:s19+$0xE490] =	vst v12  }
0x369: {  	[tilespmem:s19+$0xE4A0] =	vst v15  }
0x36a: {  	[tilespmem:s19+$0xE4B0] =	vst v13  }
0x36b: {  	[tilespmem:s19+$0xE4C0] =	vst v11  }
0x36c: {  	[tilespmem:s19+$0xE4D0] =	vst v10  }
0x36d: {  	[tilespmem:s19+$0xE4E0] =	vst v9  }
0x36e: {  	s0 =	sld [smem:$0x7E7];
	_ =	sdelay $0x1  }
0x36f: {  	s30 =	simm.s32 $0x0;
	s20 =	simm.s32 $0x0;
	s19 =	simm.s32 $0x0  }
0x370: {  	[hbm4b:s0+s19] =	stream.linear.scatter [tilespmem:s13], [sflag:$0x3], $0x4000, $0x38;
	[tilespmem:$0x1E480] =	vst v63  }
0x371: {  	s1 =	sand.u32 $0x1C00, s19;
	s0 =	sand.u32 $0x2000, s30;
	_ =	swait.ge [sflag:s17], $0x4000  }
0x372: {  	s31 =	sand.u32 $0x380, s20;
	s0 =	sor.u32 s1, s0;
	[sflag:s17] =	ssyncset.done $0x0  }
0x373: {  	s0 =	sor.u32 s31, s0;
	[sflag:s17] =	ssyncadd.s32 $0xFFFFC000  }
0x374: {  	v12 =	vld [tilespmem:s0+$0x1A4F0]  }
0x375: {  	v14 =	vld [tilespmem:s0+$0x1A480]  }
0x376: {  	v17 =	vld [tilespmem:s0+$0x1A490]  }
0x377: {  	v15 =	vld [tilespmem:s0+$0x1A4A0]  }
0x378: {  	v13 =	vld [tilespmem:s0+$0x1A4B0]  }
0x379: {  	v11 =	vld [tilespmem:s0+$0x1A4C0]  }
0x37a: {  	v10 =	vld [tilespmem:s0+$0x1A4D0]  }
0x37b: {  	v9 =	vld [tilespmem:s0+$0x1A4E0]  }
0x37c: {  	v16 =	vld.idx.msk [tilespmem:v12+s7+$0x0], $0xffff  }
0x37d: {  	v14 =	vld.idx.msk [tilespmem:v14+s7+$0x0], $0xffff  }
0x37e: {  	s20 =	simm.s32 $0x0;
	v12 =	vld.idx.msk [tilespmem:v17+s7+$0x0], $0xffff  }
.LBB2_34:
0x37f: {  	s20 =	sadd.s32 $0x8, s20;
	v15 =	vld.idx.msk [tilespmem:v15+s7+$0x0], $0xffff  }
0x380: {  	s19 =	sadd.s32 $0x400, s19;
	s1 =	sshll.u32 s20, $0x4;
	p0 =	slt.u32 s20, $0x3F8;
	v13 =	vld.idx.msk [tilespmem:v13+s7+$0x0], $0xffff  }
0x381: {  	s21 =	sand.u32 $0x1C00, s19;
	s22 =	sshll.u32 s20, $0x1;
	s1 =	sand.u32 $0x2000, s1;
	v11 =	vld.idx.msk [tilespmem:v11+s7+$0x0], $0xffff  }
0x382: {  	s1 =	sor.u32 s21, s1;
	s21 =	sand.u32 $0x380, s22;
	v10 =	vld.idx.msk [tilespmem:v10+s7+$0x0], $0xffff;
	[tilespmem:s0+$0x124F0] =	vst v16  }
0x383: {  	s1 =	sor.u32 s21, s1;
	[tilespmem:s0+$0x12480] =	vst v14;
	v9 =	vld.idx.msk [tilespmem:v9+s7+$0x0], $0xffff  }
0x384: {  	v14 =	vld [tilespmem:s1+$0x1A4F0];
	[tilespmem:s0+$0x12490] =	vst v12  }
0x385: {  	v12 =	vld [tilespmem:s1+$0x1A480];
	[tilespmem:s0+$0x124A0] =	vst v15  }
0x386: {  	v17 =	vld [tilespmem:s1+$0x1A490];
	[tilespmem:s0+$0x124B0] =	vst v13  }
0x387: {  	v15 =	vld [tilespmem:s1+$0x1A4A0];
	[tilespmem:s0+$0x124C0] =	vst v11  }
0x388: {  	v13 =	vld [tilespmem:s1+$0x1A4B0];
	[tilespmem:s0+$0x124D0] =	vst v10  }
0x389: {  	v11 =	vld [tilespmem:s1+$0x1A4C0];
	[tilespmem:s0+$0x124E0] =	vst v9;
	s0 =	smov.u32 s1  }
.Ltmp16:
0x38a: {  	v10 =	vld [tilespmem:s0+$0x1A4D0];
	(pc) =	sbr.rel @p0 .LBB2_34-.Ltmp16, $4  }
0x38b: {  	v9 =	vld [tilespmem:s0+$0x1A4E0]  }
0x38c: {  	v16 =	vld.idx.msk [tilespmem:v14+s7+$0x0], $0xffff  }
0x38d: {  	v14 =	vld.idx.msk [tilespmem:v12+s7+$0x0], $0xffff  }
0x38e: {  	v12 =	vld.idx.msk [tilespmem:v17+s7+$0x0], $0xffff  }
0x38f: {  	_ =	sdelay $0x3  }
0x390: {  	v15 =	vld.idx.msk [tilespmem:v15+s7+$0x0], $0xffff  }
0x391: {  	v13 =	vld.idx.msk [tilespmem:v13+s7+$0x0], $0xffff  }
0x392: {  	v11 =	vld.idx.msk [tilespmem:v11+s7+$0x0], $0xffff;
	[tilespmem:s0+$0x124F0] =	vst v16  }
0x393: {  	v10 =	vld.idx.msk [tilespmem:v10+s7+$0x0], $0xffff;
	[tilespmem:s0+$0x12480] =	vst v14  }
0x394: {  	v9 =	vld.idx.msk [tilespmem:v9+s7+$0x0], $0xffff;
	[tilespmem:s0+$0x12490] =	vst v12  }
0x395: {  	[tilespmem:s0+$0x124A0] =	vst v15  }
0x396: {  	[tilespmem:s0+$0x124B0] =	vst v13  }
0x397: {  	[tilespmem:s0+$0x124C0] =	vst v11  }
0x398: {  	[tilespmem:s0+$0x124D0] =	vst v10  }
0x399: {  	[tilespmem:s0+$0x124E0] =	vst v9  }
0x39a: {  	s1 =	sld [smem:$0x7E8];
	_ =	sdelay $0x1  }
0x39b: {  	s0 =	simm.s32 $0x0  }
0x39c: {  	[hbm4b:s1+s0] =	stream.linear.scatter [tilespmem:s14], [sflag:$0x4], $0x4000, $0x38;
	[tilespmem:$0x1E480] =	vst v63  }
0x39d: {  	s29 =	rddreg [dreg:$0x16]  }
0x39e: {  	[tilespmem:s7], [sflag:$0x1] =	stream.strided.gather [hbm4b:s29+s5], $0x2000, s6, s5, $0x38;
	[tilespmem:$0x1E480] =	vst v63  }
0x39f: {  	_ =	swait.ge [sflag:s15], $0x2000  }
0x3a0: {  	[sflag:s15] =	ssyncset.done $0x0  }
0x3a1: {  	s30 =	simm.s32 $0x0;
	s20 =	simm.s32 $0x0;
	[sflag:s15] =	ssyncadd.s32 $0xFFFFE000  }
0x3a2: {  	s19 =	sand.u32 $0x1C00, s0;
	s1 =	sand.u32 $0x2000, s30;
	_ =	swait.ge [sflag:s16], $0x4000  }
0x3a3: {  	s31 =	sand.u32 $0x380, s20;
	s1 =	sor.u32 s19, s1;
	[sflag:s16] =	ssyncset.done $0x0  }
0x3a4: {  	s19 =	sor.u32 s31, s1;
	[sflag:s16] =	ssyncadd.s32 $0xFFFFC000  }
0x3a5: {  	v12 =	vld [tilespmem:s19+$0x164F0]  }
0x3a6: {  	v14 =	vld [tilespmem:s19+$0x16480]  }
0x3a7: {  	v17 =	vld [tilespmem:s19+$0x16490]  }
0x3a8: {  	v15 =	vld [tilespmem:s19+$0x164A0]  }
0x3a9: {  	v13 =	vld [tilespmem:s19+$0x164B0]  }
0x3aa: {  	v11 =	vld [tilespmem:s19+$0x164C0]  }
0x3ab: {  	v10 =	vld [tilespmem:s19+$0x164D0]  }
0x3ac: {  	v9 =	vld [tilespmem:s19+$0x164E0]  }
0x3ad: {  	v16 =	vld.idx.msk [tilespmem:v12+s12+$0x0], $0xffff  }
0x3ae: {  	v14 =	vld.idx.msk [tilespmem:v14+s12+$0x0], $0xffff  }
0x3af: {  	s20 =	simm.s32 $0x0;
	v12 =	vld.idx.msk [tilespmem:v17+s12+$0x0], $0xffff  }
.LBB2_36:
0x3b0: {  	s20 =	sadd.s32 $0x8, s20;
	v15 =	vld.idx.msk [tilespmem:v15+s12+$0x0], $0xffff  }
0x3b1: {  	s0 =	sadd.s32 $0x400, s0;
	s1 =	sshll.u32 s20, $0x4;
	p0 =	slt.u32 s20, $0x3F8;
	v13 =	vld.idx.msk [tilespmem:v13+s12+$0x0], $0xffff  }
0x3b2: {  	s21 =	sand.u32 $0x1C00, s0;
	s22 =	sshll.u32 s20, $0x1;
	s1 =	sand.u32 $0x2000, s1;
	v11 =	vld.idx.msk [tilespmem:v11+s12+$0x0], $0xffff  }
0x3b3: {  	s1 =	sor.u32 s21, s1;
	s21 =	sand.u32 $0x380, s22;
	v10 =	vld.idx.msk [tilespmem:v10+s12+$0x0], $0xffff;
	[tilespmem:s19+$0xE4F0] =	vst v16  }
0x3b4: {  	s1 =	sor.u32 s21, s1;
	[tilespmem:s19+$0xE480] =	vst v14;
	v9 =	vld.idx.msk [tilespmem:v9+s12+$0x0], $0xffff  }
0x3b5: {  	v14 =	vld [tilespmem:s1+$0x164F0];
	[tilespmem:s19+$0xE490] =	vst v12  }
0x3b6: {  	v12 =	vld [tilespmem:s1+$0x16480];
	[tilespmem:s19+$0xE4A0] =	vst v15  }
0x3b7: {  	v17 =	vld [tilespmem:s1+$0x16490];
	[tilespmem:s19+$0xE4B0] =	vst v13  }
0x3b8: {  	v15 =	vld [tilespmem:s1+$0x164A0];
	[tilespmem:s19+$0xE4C0] =	vst v11  }
0x3b9: {  	v13 =	vld [tilespmem:s1+$0x164B0];
	[tilespmem:s19+$0xE4D0] =	vst v10  }
0x3ba: {  	v11 =	vld [tilespmem:s1+$0x164C0];
	[tilespmem:s19+$0xE4E0] =	vst v9;
	s19 =	smov.u32 s1  }
.Ltmp17:
0x3bb: {  	v10 =	vld [tilespmem:s19+$0x164D0];
	(pc) =	sbr.rel @p0 .LBB2_36-.Ltmp17, $4  }
0x3bc: {  	v9 =	vld [tilespmem:s19+$0x164E0]  }
0x3bd: {  	v16 =	vld.idx.msk [tilespmem:v14+s12+$0x0], $0xffff  }
0x3be: {  	v14 =	vld.idx.msk [tilespmem:v12+s12+$0x0], $0xffff  }
0x3bf: {  	v12 =	vld.idx.msk [tilespmem:v17+s12+$0x0], $0xffff  }
0x3c0: {  	_ =	sdelay $0x3  }
0x3c1: {  	v15 =	vld.idx.msk [tilespmem:v15+s12+$0x0], $0xffff  }
0x3c2: {  	v13 =	vld.idx.msk [tilespmem:v13+s12+$0x0], $0xffff  }
0x3c3: {  	v11 =	vld.idx.msk [tilespmem:v11+s12+$0x0], $0xffff;
	[tilespmem:s19+$0xE4F0] =	vst v16  }
0x3c4: {  	v10 =	vld.idx.msk [tilespmem:v10+s12+$0x0], $0xffff;
	[tilespmem:s19+$0xE480] =	vst v14  }
0x3c5: {  	v9 =	vld.idx.msk [tilespmem:v9+s12+$0x0], $0xffff;
	[tilespmem:s19+$0xE490] =	vst v12  }
0x3c6: {  	[tilespmem:s19+$0xE4A0] =	vst v15  }
0x3c7: {  	[tilespmem:s19+$0xE4B0] =	vst v13  }
0x3c8: {  	[tilespmem:s19+$0xE4C0] =	vst v11  }
0x3c9: {  	[tilespmem:s19+$0xE4D0] =	vst v10  }
0x3ca: {  	[tilespmem:s19+$0xE4E0] =	vst v9  }
0x3cb: {  	s0 =	sld [smem:$0x7E9];
	_ =	sdelay $0x1  }
0x3cc: {  	s30 =	simm.s32 $0x0;
	s20 =	simm.s32 $0x0;
	s19 =	simm.s32 $0x0  }
0x3cd: {  	[hbm4b:s0+s19] =	stream.linear.scatter [tilespmem:s13], [sflag:$0x3], $0x4000, $0x38;
	[tilespmem:$0x1E480] =	vst v63  }
0x3ce: {  	s1 =	sand.u32 $0x1C00, s19;
	s0 =	sand.u32 $0x2000, s30;
	_ =	swait.ge [sflag:s17], $0x4000  }
0x3cf: {  	s31 =	sand.u32 $0x380, s20;
	s0 =	sor.u32 s1, s0;
	[sflag:s17] =	ssyncset.done $0x0  }
0x3d0: {  	s0 =	sor.u32 s31, s0;
	[sflag:s17] =	ssyncadd.s32 $0xFFFFC000  }
0x3d1: {  	v12 =	vld [tilespmem:s0+$0x1A4F0]  }
0x3d2: {  	v14 =	vld [tilespmem:s0+$0x1A480]  }
0x3d3: {  	v17 =	vld [tilespmem:s0+$0x1A490]  }
0x3d4: {  	v15 =	vld [tilespmem:s0+$0x1A4A0]  }
0x3d5: {  	v13 =	vld [tilespmem:s0+$0x1A4B0]  }
0x3d6: {  	v11 =	vld [tilespmem:s0+$0x1A4C0]  }
0x3d7: {  	v10 =	vld [tilespmem:s0+$0x1A4D0]  }
0x3d8: {  	v9 =	vld [tilespmem:s0+$0x1A4E0]  }
0x3d9: {  	v16 =	vld.idx.msk [tilespmem:v12+s12+$0x0], $0xffff  }
0x3da: {  	v14 =	vld.idx.msk [tilespmem:v14+s12+$0x0], $0xffff  }
0x3db: {  	s20 =	simm.s32 $0x0;
	v12 =	vld.idx.msk [tilespmem:v17+s12+$0x0], $0xffff  }
.LBB2_38:
0x3dc: {  	s20 =	sadd.s32 $0x8, s20;
	v15 =	vld.idx.msk [tilespmem:v15+s12+$0x0], $0xffff  }
0x3dd: {  	s19 =	sadd.s32 $0x400, s19;
	s1 =	sshll.u32 s20, $0x4;
	p0 =	slt.u32 s20, $0x3F8;
	v13 =	vld.idx.msk [tilespmem:v13+s12+$0x0], $0xffff  }
0x3de: {  	s21 =	sand.u32 $0x1C00, s19;
	s22 =	sshll.u32 s20, $0x1;
	s1 =	sand.u32 $0x2000, s1;
	v11 =	vld.idx.msk [tilespmem:v11+s12+$0x0], $0xffff  }
0x3df: {  	s1 =	sor.u32 s21, s1;
	s21 =	sand.u32 $0x380, s22;
	v10 =	vld.idx.msk [tilespmem:v10+s12+$0x0], $0xffff;
	[tilespmem:s0+$0x124F0] =	vst v16  }
0x3e0: {  	s1 =	sor.u32 s21, s1;
	[tilespmem:s0+$0x12480] =	vst v14;
	v9 =	vld.idx.msk [tilespmem:v9+s12+$0x0], $0xffff  }
0x3e1: {  	v14 =	vld [tilespmem:s1+$0x1A4F0];
	[tilespmem:s0+$0x12490] =	vst v12  }
0x3e2: {  	v12 =	vld [tilespmem:s1+$0x1A480];
	[tilespmem:s0+$0x124A0] =	vst v15  }
0x3e3: {  	v17 =	vld [tilespmem:s1+$0x1A490];
	[tilespmem:s0+$0x124B0] =	vst v13  }
0x3e4: {  	v15 =	vld [tilespmem:s1+$0x1A4A0];
	[tilespmem:s0+$0x124C0] =	vst v11  }
0x3e5: {  	v13 =	vld [tilespmem:s1+$0x1A4B0];
	[tilespmem:s0+$0x124D0] =	vst v10  }
0x3e6: {  	v11 =	vld [tilespmem:s1+$0x1A4C0];
	[tilespmem:s0+$0x124E0] =	vst v9;
	s0 =	smov.u32 s1  }
.Ltmp18:
0x3e7: {  	v10 =	vld [tilespmem:s0+$0x1A4D0];
	(pc) =	sbr.rel @p0 .LBB2_38-.Ltmp18, $4  }
0x3e8: {  	v9 =	vld [tilespmem:s0+$0x1A4E0]  }
0x3e9: {  	v16 =	vld.idx.msk [tilespmem:v14+s12+$0x0], $0xffff  }
0x3ea: {  	v14 =	vld.idx.msk [tilespmem:v12+s12+$0x0], $0xffff  }
0x3eb: {  	v12 =	vld.idx.msk [tilespmem:v17+s12+$0x0], $0xffff  }
0x3ec: {  	_ =	sdelay $0x3  }
0x3ed: {  	v15 =	vld.idx.msk [tilespmem:v15+s12+$0x0], $0xffff  }
0x3ee: {  	v13 =	vld.idx.msk [tilespmem:v13+s12+$0x0], $0xffff  }
0x3ef: {  	v11 =	vld.idx.msk [tilespmem:v11+s12+$0x0], $0xffff;
	[tilespmem:s0+$0x124F0] =	vst v16  }
0x3f0: {  	v10 =	vld.idx.msk [tilespmem:v10+s12+$0x0], $0xffff;
	[tilespmem:s0+$0x12480] =	vst v14  }
0x3f1: {  	v9 =	vld.idx.msk [tilespmem:v9+s12+$0x0], $0xffff;
	[tilespmem:s0+$0x12490] =	vst v12  }
0x3f2: {  	[tilespmem:s0+$0x124A0] =	vst v15  }
0x3f3: {  	[tilespmem:s0+$0x124B0] =	vst v13  }
0x3f4: {  	[tilespmem:s0+$0x124C0] =	vst v11  }
0x3f5: {  	[tilespmem:s0+$0x124D0] =	vst v10  }
0x3f6: {  	[tilespmem:s0+$0x124E0] =	vst v9  }
0x3f7: {  	s1 =	sld [smem:$0x7EA];
	_ =	sdelay $0x1  }
0x3f8: {  	s0 =	simm.s32 $0x0  }
0x3f9: {  	[hbm4b:s1+s0] =	stream.linear.scatter [tilespmem:s14], [sflag:$0x4], $0x4000, $0x38;
	[tilespmem:$0x1E480] =	vst v63  }
0x3fa: {  	s26 =	rddreg [dreg:$0xd]  }
0x3fb: {  	[tilespmem:s23], [sflag:$0x5] =	stream.linear.gather [hbm4b:s26+s0], $0x8000, $0x38;
	[tilespmem:$0x1E480] =	vst v63  }
0x3fc: {  	_ =	swait.ge [sflag:s2], $0x8000  }
0x3fd: {  	[sflag:s2] =	ssyncset.done $0x0  }
0x3fe: {  	s29 =	rddreg [dreg:$0x17];
	[sflag:s2] =	ssyncadd.s32 $0xFFFF8000  }
0x3ff: {  	[tilespmem:s12], [sflag:$0x2] =	stream.strided.gather [hbm4b:s29+s5], $0x2000, s6, s5, $0x38;
	[tilespmem:$0x1E480] =	vst v63  }
0x400: {  	_ =	swait.ge [sflag:s11], $0x2000  }
0x401: {  	[sflag:s11] =	ssyncset.done $0x0  }
0x402: {  	s30 =	simm.s32 $0x0;
	s20 =	simm.s32 $0x0;
	[sflag:s11] =	ssyncadd.s32 $0xFFFFE000  }
0x403: {  	s19 =	sand.u32 $0x1C00, s0;
	s1 =	sand.u32 $0x2000, s30;
	_ =	swait.ge [sflag:s16], $0x4000  }
0x404: {  	s31 =	sand.u32 $0x380, s20;
	s1 =	sor.u32 s19, s1;
	[sflag:s16] =	ssyncset.done $0x0  }
0x405: {  	s19 =	sor.u32 s31, s1;
	[sflag:s16] =	ssyncadd.s32 $0xFFFFC000  }
0x406: {  	v12 =	vld [tilespmem:s19+$0x164F0]  }
0x407: {  	v14 =	vld [tilespmem:s19+$0x16480]  }
0x408: {  	v17 =	vld [tilespmem:s19+$0x16490]  }
0x409: {  	v15 =	vld [tilespmem:s19+$0x164A0]  }
0x40a: {  	v13 =	vld [tilespmem:s19+$0x164B0]  }
0x40b: {  	v11 =	vld [tilespmem:s19+$0x164C0]  }
0x40c: {  	v10 =	vld [tilespmem:s19+$0x164D0]  }
0x40d: {  	v9 =	vld [tilespmem:s19+$0x164E0]  }
0x40e: {  	v16 =	vld.idx.msk [tilespmem:v12+s7+$0x0], $0xffff  }
0x40f: {  	v14 =	vld.idx.msk [tilespmem:v14+s7+$0x0], $0xffff  }
0x410: {  	s20 =	simm.s32 $0x0;
	v12 =	vld.idx.msk [tilespmem:v17+s7+$0x0], $0xffff  }
.LBB2_40:
0x411: {  	s20 =	sadd.s32 $0x8, s20;
	v15 =	vld.idx.msk [tilespmem:v15+s7+$0x0], $0xffff  }
0x412: {  	s0 =	sadd.s32 $0x400, s0;
	s1 =	sshll.u32 s20, $0x4;
	p0 =	slt.u32 s20, $0x3F8;
	v13 =	vld.idx.msk [tilespmem:v13+s7+$0x0], $0xffff  }
0x413: {  	s21 =	sand.u32 $0x1C00, s0;
	s22 =	sshll.u32 s20, $0x1;
	s1 =	sand.u32 $0x2000, s1;
	v11 =	vld.idx.msk [tilespmem:v11+s7+$0x0], $0xffff  }
0x414: {  	s1 =	sor.u32 s21, s1;
	s21 =	sand.u32 $0x380, s22;
	v10 =	vld.idx.msk [tilespmem:v10+s7+$0x0], $0xffff;
	[tilespmem:s19+$0xE4F0] =	vst v16  }
0x415: {  	s1 =	sor.u32 s21, s1;
	[tilespmem:s19+$0xE480] =	vst v14;
	v9 =	vld.idx.msk [tilespmem:v9+s7+$0x0], $0xffff  }
0x416: {  	v14 =	vld [tilespmem:s1+$0x164F0];
	[tilespmem:s19+$0xE490] =	vst v12  }
0x417: {  	v12 =	vld [tilespmem:s1+$0x16480];
	[tilespmem:s19+$0xE4A0] =	vst v15  }
0x418: {  	v17 =	vld [tilespmem:s1+$0x16490];
	[tilespmem:s19+$0xE4B0] =	vst v13  }
0x419: {  	v15 =	vld [tilespmem:s1+$0x164A0];
	[tilespmem:s19+$0xE4C0] =	vst v11  }
0x41a: {  	v13 =	vld [tilespmem:s1+$0x164B0];
	[tilespmem:s19+$0xE4D0] =	vst v10  }
0x41b: {  	v11 =	vld [tilespmem:s1+$0x164C0];
	[tilespmem:s19+$0xE4E0] =	vst v9;
	s19 =	smov.u32 s1  }
.Ltmp19:
0x41c: {  	v10 =	vld [tilespmem:s19+$0x164D0];
	(pc) =	sbr.rel @p0 .LBB2_40-.Ltmp19, $4  }
0x41d: {  	v9 =	vld [tilespmem:s19+$0x164E0]  }
0x41e: {  	v16 =	vld.idx.msk [tilespmem:v14+s7+$0x0], $0xffff  }
0x41f: {  	v14 =	vld.idx.msk [tilespmem:v12+s7+$0x0], $0xffff  }
0x420: {  	v12 =	vld.idx.msk [tilespmem:v17+s7+$0x0], $0xffff  }
0x421: {  	_ =	sdelay $0x3  }
0x422: {  	v15 =	vld.idx.msk [tilespmem:v15+s7+$0x0], $0xffff  }
0x423: {  	v13 =	vld.idx.msk [tilespmem:v13+s7+$0x0], $0xffff  }
0x424: {  	v11 =	vld.idx.msk [tilespmem:v11+s7+$0x0], $0xffff;
	[tilespmem:s19+$0xE4F0] =	vst v16  }
0x425: {  	v10 =	vld.idx.msk [tilespmem:v10+s7+$0x0], $0xffff;
	[tilespmem:s19+$0xE480] =	vst v14  }
0x426: {  	v9 =	vld.idx.msk [tilespmem:v9+s7+$0x0], $0xffff;
	[tilespmem:s19+$0xE490] =	vst v12  }
0x427: {  	[tilespmem:s19+$0xE4A0] =	vst v15  }
0x428: {  	[tilespmem:s19+$0xE4B0] =	vst v13  }
0x429: {  	[tilespmem:s19+$0xE4C0] =	vst v11  }
0x42a: {  	[tilespmem:s19+$0xE4D0] =	vst v10  }
0x42b: {  	[tilespmem:s19+$0xE4E0] =	vst v9  }
0x42c: {  	s0 =	sld [smem:$0x7EB];
	_ =	sdelay $0x1  }
0x42d: {  	s30 =	simm.s32 $0x0;
	s20 =	simm.s32 $0x0;
	s19 =	simm.s32 $0x0  }
0x42e: {  	[hbm4b:s0+s19] =	stream.linear.scatter [tilespmem:s13], [sflag:$0x3], $0x4000, $0x38;
	[tilespmem:$0x1E480] =	vst v63  }
0x42f: {  	s1 =	sand.u32 $0x1C00, s19;
	s0 =	sand.u32 $0x2000, s30;
	_ =	swait.ge [sflag:s17], $0x4000  }
0x430: {  	s31 =	sand.u32 $0x380, s20;
	s0 =	sor.u32 s1, s0;
	[sflag:s17] =	ssyncset.done $0x0  }
0x431: {  	s0 =	sor.u32 s31, s0;
	[sflag:s17] =	ssyncadd.s32 $0xFFFFC000  }
0x432: {  	v12 =	vld [tilespmem:s0+$0x1A4F0]  }
0x433: {  	v14 =	vld [tilespmem:s0+$0x1A480]  }
0x434: {  	v17 =	vld [tilespmem:s0+$0x1A490]  }
0x435: {  	v15 =	vld [tilespmem:s0+$0x1A4A0]  }
0x436: {  	v13 =	vld [tilespmem:s0+$0x1A4B0]  }
0x437: {  	v11 =	vld [tilespmem:s0+$0x1A4C0]  }
0x438: {  	v10 =	vld [tilespmem:s0+$0x1A4D0]  }
0x439: {  	v9 =	vld [tilespmem:s0+$0x1A4E0]  }
0x43a: {  	v16 =	vld.idx.msk [tilespmem:v12+s7+$0x0], $0xffff  }
0x43b: {  	v14 =	vld.idx.msk [tilespmem:v14+s7+$0x0], $0xffff  }
0x43c: {  	s20 =	simm.s32 $0x0;
	v12 =	vld.idx.msk [tilespmem:v17+s7+$0x0], $0xffff  }
.LBB2_42:
0x43d: {  	s20 =	sadd.s32 $0x8, s20;
	v15 =	vld.idx.msk [tilespmem:v15+s7+$0x0], $0xffff  }
0x43e: {  	s19 =	sadd.s32 $0x400, s19;
	s1 =	sshll.u32 s20, $0x4;
	p0 =	slt.u32 s20, $0x3F8;
	v13 =	vld.idx.msk [tilespmem:v13+s7+$0x0], $0xffff  }
0x43f: {  	s21 =	sand.u32 $0x1C00, s19;
	s22 =	sshll.u32 s20, $0x1;
	s1 =	sand.u32 $0x2000, s1;
	v11 =	vld.idx.msk [tilespmem:v11+s7+$0x0], $0xffff  }
0x440: {  	s1 =	sor.u32 s21, s1;
	s21 =	sand.u32 $0x380, s22;
	v10 =	vld.idx.msk [tilespmem:v10+s7+$0x0], $0xffff;
	[tilespmem:s0+$0x124F0] =	vst v16  }
0x441: {  	s1 =	sor.u32 s21, s1;
	[tilespmem:s0+$0x12480] =	vst v14;
	v9 =	vld.idx.msk [tilespmem:v9+s7+$0x0], $0xffff  }
0x442: {  	v14 =	vld [tilespmem:s1+$0x1A4F0];
	[tilespmem:s0+$0x12490] =	vst v12  }
0x443: {  	v12 =	vld [tilespmem:s1+$0x1A480];
	[tilespmem:s0+$0x124A0] =	vst v15  }
0x444: {  	v17 =	vld [tilespmem:s1+$0x1A490];
	[tilespmem:s0+$0x124B0] =	vst v13  }
0x445: {  	v15 =	vld [tilespmem:s1+$0x1A4A0];
	[tilespmem:s0+$0x124C0] =	vst v11  }
0x446: {  	v13 =	vld [tilespmem:s1+$0x1A4B0];
	[tilespmem:s0+$0x124D0] =	vst v10  }
0x447: {  	v11 =	vld [tilespmem:s1+$0x1A4C0];
	[tilespmem:s0+$0x124E0] =	vst v9;
	s0 =	smov.u32 s1  }
.Ltmp20:
0x448: {  	v10 =	vld [tilespmem:s0+$0x1A4D0];
	(pc) =	sbr.rel @p0 .LBB2_42-.Ltmp20, $4  }
0x449: {  	v9 =	vld [tilespmem:s0+$0x1A4E0]  }
0x44a: {  	v16 =	vld.idx.msk [tilespmem:v14+s7+$0x0], $0xffff  }
0x44b: {  	v14 =	vld.idx.msk [tilespmem:v12+s7+$0x0], $0xffff  }
0x44c: {  	v12 =	vld.idx.msk [tilespmem:v17+s7+$0x0], $0xffff  }
0x44d: {  	_ =	sdelay $0x3  }
0x44e: {  	v15 =	vld.idx.msk [tilespmem:v15+s7+$0x0], $0xffff  }
0x44f: {  	v13 =	vld.idx.msk [tilespmem:v13+s7+$0x0], $0xffff  }
0x450: {  	v11 =	vld.idx.msk [tilespmem:v11+s7+$0x0], $0xffff;
	[tilespmem:s0+$0x124F0] =	vst v16  }
0x451: {  	v10 =	vld.idx.msk [tilespmem:v10+s7+$0x0], $0xffff;
	[tilespmem:s0+$0x12480] =	vst v14  }
0x452: {  	v9 =	vld.idx.msk [tilespmem:v9+s7+$0x0], $0xffff;
	[tilespmem:s0+$0x12490] =	vst v12  }
0x453: {  	[tilespmem:s0+$0x124A0] =	vst v15  }
0x454: {  	[tilespmem:s0+$0x124B0] =	vst v13  }
0x455: {  	[tilespmem:s0+$0x124C0] =	vst v11  }
0x456: {  	[tilespmem:s0+$0x124D0] =	vst v10  }
0x457: {  	[tilespmem:s0+$0x124E0] =	vst v9  }
0x458: {  	s1 =	sld [smem:$0x7EC];
	_ =	sdelay $0x1  }
0x459: {  	s0 =	simm.s32 $0x0  }
0x45a: {  	[hbm4b:s1+s0] =	stream.linear.scatter [tilespmem:s14], [sflag:$0x4], $0x4000, $0x38;
	[tilespmem:$0x1E480] =	vst v63  }
0x45b: {  	s29 =	rddreg [dreg:$0x18]  }
0x45c: {  	[tilespmem:s7], [sflag:$0x1] =	stream.strided.gather [hbm4b:s29+s5], $0x2000, s6, s5, $0x38;
	[tilespmem:$0x1E480] =	vst v63  }
0x45d: {  	_ =	swait.ge [sflag:s15], $0x2000  }
0x45e: {  	[sflag:s15] =	ssyncset.done $0x0  }
0x45f: {  	s30 =	simm.s32 $0x0;
	s20 =	simm.s32 $0x0;
	[sflag:s15] =	ssyncadd.s32 $0xFFFFE000  }
0x460: {  	s19 =	sand.u32 $0x1C00, s0;
	s1 =	sand.u32 $0x2000, s30;
	_ =	swait.ge [sflag:s16], $0x4000  }
0x461: {  	s31 =	sand.u32 $0x380, s20;
	s1 =	sor.u32 s19, s1;
	[sflag:s16] =	ssyncset.done $0x0  }
0x462: {  	s19 =	sor.u32 s31, s1;
	[sflag:s16] =	ssyncadd.s32 $0xFFFFC000  }
0x463: {  	v12 =	vld [tilespmem:s19+$0x164F0]  }
0x464: {  	v14 =	vld [tilespmem:s19+$0x16480]  }
0x465: {  	v17 =	vld [tilespmem:s19+$0x16490]  }
0x466: {  	v15 =	vld [tilespmem:s19+$0x164A0]  }
0x467: {  	v13 =	vld [tilespmem:s19+$0x164B0]  }
0x468: {  	v11 =	vld [tilespmem:s19+$0x164C0]  }
0x469: {  	v10 =	vld [tilespmem:s19+$0x164D0]  }
0x46a: {  	v9 =	vld [tilespmem:s19+$0x164E0]  }
0x46b: {  	v16 =	vld.idx.msk [tilespmem:v12+s12+$0x0], $0xffff  }
0x46c: {  	v14 =	vld.idx.msk [tilespmem:v14+s12+$0x0], $0xffff  }
0x46d: {  	s20 =	simm.s32 $0x0;
	v12 =	vld.idx.msk [tilespmem:v17+s12+$0x0], $0xffff  }
.LBB2_44:
0x46e: {  	s20 =	sadd.s32 $0x8, s20;
	v15 =	vld.idx.msk [tilespmem:v15+s12+$0x0], $0xffff  }
0x46f: {  	s0 =	sadd.s32 $0x400, s0;
	s1 =	sshll.u32 s20, $0x4;
	p0 =	slt.u32 s20, $0x3F8;
	v13 =	vld.idx.msk [tilespmem:v13+s12+$0x0], $0xffff  }
0x470: {  	s21 =	sand.u32 $0x1C00, s0;
	s22 =	sshll.u32 s20, $0x1;
	s1 =	sand.u32 $0x2000, s1;
	v11 =	vld.idx.msk [tilespmem:v11+s12+$0x0], $0xffff  }
0x471: {  	s1 =	sor.u32 s21, s1;
	s21 =	sand.u32 $0x380, s22;
	v10 =	vld.idx.msk [tilespmem:v10+s12+$0x0], $0xffff;
	[tilespmem:s19+$0xE4F0] =	vst v16  }
0x472: {  	s1 =	sor.u32 s21, s1;
	[tilespmem:s19+$0xE480] =	vst v14;
	v9 =	vld.idx.msk [tilespmem:v9+s12+$0x0], $0xffff  }
0x473: {  	v14 =	vld [tilespmem:s1+$0x164F0];
	[tilespmem:s19+$0xE490] =	vst v12  }
0x474: {  	v12 =	vld [tilespmem:s1+$0x16480];
	[tilespmem:s19+$0xE4A0] =	vst v15  }
0x475: {  	v17 =	vld [tilespmem:s1+$0x16490];
	[tilespmem:s19+$0xE4B0] =	vst v13  }
0x476: {  	v15 =	vld [tilespmem:s1+$0x164A0];
	[tilespmem:s19+$0xE4C0] =	vst v11  }
0x477: {  	v13 =	vld [tilespmem:s1+$0x164B0];
	[tilespmem:s19+$0xE4D0] =	vst v10  }
0x478: {  	v11 =	vld [tilespmem:s1+$0x164C0];
	[tilespmem:s19+$0xE4E0] =	vst v9;
	s19 =	smov.u32 s1  }
.Ltmp21:
0x479: {  	v10 =	vld [tilespmem:s19+$0x164D0];
	(pc) =	sbr.rel @p0 .LBB2_44-.Ltmp21, $4  }
0x47a: {  	v9 =	vld [tilespmem:s19+$0x164E0]  }
0x47b: {  	v16 =	vld.idx.msk [tilespmem:v14+s12+$0x0], $0xffff  }
0x47c: {  	v14 =	vld.idx.msk [tilespmem:v12+s12+$0x0], $0xffff  }
0x47d: {  	v12 =	vld.idx.msk [tilespmem:v17+s12+$0x0], $0xffff  }
0x47e: {  	_ =	sdelay $0x3  }
0x47f: {  	v15 =	vld.idx.msk [tilespmem:v15+s12+$0x0], $0xffff  }
0x480: {  	v13 =	vld.idx.msk [tilespmem:v13+s12+$0x0], $0xffff  }
0x481: {  	v11 =	vld.idx.msk [tilespmem:v11+s12+$0x0], $0xffff;
	[tilespmem:s19+$0xE4F0] =	vst v16  }
0x482: {  	v10 =	vld.idx.msk [tilespmem:v10+s12+$0x0], $0xffff;
	[tilespmem:s19+$0xE480] =	vst v14  }
0x483: {  	v9 =	vld.idx.msk [tilespmem:v9+s12+$0x0], $0xffff;
	[tilespmem:s19+$0xE490] =	vst v12  }
0x484: {  	[tilespmem:s19+$0xE4A0] =	vst v15  }
0x485: {  	[tilespmem:s19+$0xE4B0] =	vst v13  }
0x486: {  	[tilespmem:s19+$0xE4C0] =	vst v11  }
0x487: {  	[tilespmem:s19+$0xE4D0] =	vst v10  }
0x488: {  	[tilespmem:s19+$0xE4E0] =	vst v9  }
0x489: {  	s0 =	sld [smem:$0x7ED];
	_ =	sdelay $0x1  }
0x48a: {  	s30 =	simm.s32 $0x0;
	s20 =	simm.s32 $0x0;
	s19 =	simm.s32 $0x0  }
0x48b: {  	[hbm4b:s0+s19] =	stream.linear.scatter [tilespmem:s13], [sflag:$0x3], $0x4000, $0x38;
	[tilespmem:$0x1E480] =	vst v63  }
0x48c: {  	s1 =	sand.u32 $0x1C00, s19;
	s0 =	sand.u32 $0x2000, s30;
	_ =	swait.ge [sflag:s17], $0x4000  }
0x48d: {  	s31 =	sand.u32 $0x380, s20;
	s0 =	sor.u32 s1, s0;
	[sflag:s17] =	ssyncset.done $0x0  }
0x48e: {  	s0 =	sor.u32 s31, s0;
	[sflag:s17] =	ssyncadd.s32 $0xFFFFC000  }
0x48f: {  	v12 =	vld [tilespmem:s0+$0x1A4F0]  }
0x490: {  	v14 =	vld [tilespmem:s0+$0x1A480]  }
0x491: {  	v17 =	vld [tilespmem:s0+$0x1A490]  }
0x492: {  	v15 =	vld [tilespmem:s0+$0x1A4A0]  }
0x493: {  	v13 =	vld [tilespmem:s0+$0x1A4B0]  }
0x494: {  	v11 =	vld [tilespmem:s0+$0x1A4C0]  }
0x495: {  	v10 =	vld [tilespmem:s0+$0x1A4D0]  }
0x496: {  	v9 =	vld [tilespmem:s0+$0x1A4E0]  }
0x497: {  	v16 =	vld.idx.msk [tilespmem:v12+s12+$0x0], $0xffff  }
0x498: {  	v14 =	vld.idx.msk [tilespmem:v14+s12+$0x0], $0xffff  }
0x499: {  	s20 =	simm.s32 $0x0;
	v12 =	vld.idx.msk [tilespmem:v17+s12+$0x0], $0xffff  }
.LBB2_46:
0x49a: {  	s20 =	sadd.s32 $0x8, s20;
	v15 =	vld.idx.msk [tilespmem:v15+s12+$0x0], $0xffff  }
0x49b: {  	s19 =	sadd.s32 $0x400, s19;
	s1 =	sshll.u32 s20, $0x4;
	p0 =	slt.u32 s20, $0x3F8;
	v13 =	vld.idx.msk [tilespmem:v13+s12+$0x0], $0xffff  }
0x49c: {  	s21 =	sand.u32 $0x1C00, s19;
	s22 =	sshll.u32 s20, $0x1;
	s1 =	sand.u32 $0x2000, s1;
	v11 =	vld.idx.msk [tilespmem:v11+s12+$0x0], $0xffff  }
0x49d: {  	s1 =	sor.u32 s21, s1;
	s21 =	sand.u32 $0x380, s22;
	v10 =	vld.idx.msk [tilespmem:v10+s12+$0x0], $0xffff;
	[tilespmem:s0+$0x124F0] =	vst v16  }
0x49e: {  	s1 =	sor.u32 s21, s1;
	[tilespmem:s0+$0x12480] =	vst v14;
	v9 =	vld.idx.msk [tilespmem:v9+s12+$0x0], $0xffff  }
0x49f: {  	v14 =	vld [tilespmem:s1+$0x1A4F0];
	[tilespmem:s0+$0x12490] =	vst v12  }
0x4a0: {  	v12 =	vld [tilespmem:s1+$0x1A480];
	[tilespmem:s0+$0x124A0] =	vst v15  }
0x4a1: {  	v17 =	vld [tilespmem:s1+$0x1A490];
	[tilespmem:s0+$0x124B0] =	vst v13  }
0x4a2: {  	v15 =	vld [tilespmem:s1+$0x1A4A0];
	[tilespmem:s0+$0x124C0] =	vst v11  }
0x4a3: {  	v13 =	vld [tilespmem:s1+$0x1A4B0];
	[tilespmem:s0+$0x124D0] =	vst v10  }
0x4a4: {  	v11 =	vld [tilespmem:s1+$0x1A4C0];
	[tilespmem:s0+$0x124E0] =	vst v9;
	s0 =	smov.u32 s1  }
.Ltmp22:
0x4a5: {  	v10 =	vld [tilespmem:s0+$0x1A4D0];
	(pc) =	sbr.rel @p0 .LBB2_46-.Ltmp22, $4  }
0x4a6: {  	v9 =	vld [tilespmem:s0+$0x1A4E0]  }
0x4a7: {  	v16 =	vld.idx.msk [tilespmem:v14+s12+$0x0], $0xffff  }
0x4a8: {  	v14 =	vld.idx.msk [tilespmem:v12+s12+$0x0], $0xffff  }
0x4a9: {  	v12 =	vld.idx.msk [tilespmem:v17+s12+$0x0], $0xffff  }
0x4aa: {  	_ =	sdelay $0x3  }
0x4ab: {  	v15 =	vld.idx.msk [tilespmem:v15+s12+$0x0], $0xffff  }
0x4ac: {  	v13 =	vld.idx.msk [tilespmem:v13+s12+$0x0], $0xffff  }
0x4ad: {  	v11 =	vld.idx.msk [tilespmem:v11+s12+$0x0], $0xffff;
	[tilespmem:s0+$0x124F0] =	vst v16  }
0x4ae: {  	v10 =	vld.idx.msk [tilespmem:v10+s12+$0x0], $0xffff;
	[tilespmem:s0+$0x12480] =	vst v14  }
0x4af: {  	v9 =	vld.idx.msk [tilespmem:v9+s12+$0x0], $0xffff;
	[tilespmem:s0+$0x12490] =	vst v12  }
0x4b0: {  	[tilespmem:s0+$0x124A0] =	vst v15  }
0x4b1: {  	[tilespmem:s0+$0x124B0] =	vst v13  }
0x4b2: {  	[tilespmem:s0+$0x124C0] =	vst v11  }
0x4b3: {  	[tilespmem:s0+$0x124D0] =	vst v10  }
0x4b4: {  	[tilespmem:s0+$0x124E0] =	vst v9  }
0x4b5: {  	s1 =	sld [smem:$0x7EE];
	_ =	sdelay $0x1  }
0x4b6: {  	s0 =	simm.s32 $0x0  }
0x4b7: {  	[hbm4b:s1+s0] =	stream.linear.scatter [tilespmem:s14], [sflag:$0x4], $0x4000, $0x38;
	[tilespmem:$0x1E480] =	vst v63  }
0x4b8: {  	s29 =	rddreg [dreg:$0x19]  }
0x4b9: {  	[tilespmem:s12], [sflag:$0x2] =	stream.strided.gather [hbm4b:s29+s5], $0x2000, s6, s5, $0x38;
	[tilespmem:$0x1E480] =	vst v63  }
0x4ba: {  	_ =	swait.ge [sflag:s11], $0x2000  }
0x4bb: {  	[sflag:s11] =	ssyncset.done $0x0  }
0x4bc: {  	s30 =	simm.s32 $0x0;
	s20 =	simm.s32 $0x0;
	[sflag:s11] =	ssyncadd.s32 $0xFFFFE000  }
0x4bd: {  	s19 =	sand.u32 $0x1C00, s0;
	s1 =	sand.u32 $0x2000, s30;
	_ =	swait.ge [sflag:s16], $0x4000  }
0x4be: {  	s31 =	sand.u32 $0x380, s20;
	s1 =	sor.u32 s19, s1;
	[sflag:s16] =	ssyncset.done $0x0  }
0x4bf: {  	s19 =	sor.u32 s31, s1;
	[sflag:s16] =	ssyncadd.s32 $0xFFFFC000  }
0x4c0: {  	v12 =	vld [tilespmem:s19+$0x164F0]  }
0x4c1: {  	v14 =	vld [tilespmem:s19+$0x16480]  }
0x4c2: {  	v17 =	vld [tilespmem:s19+$0x16490]  }
0x4c3: {  	v15 =	vld [tilespmem:s19+$0x164A0]  }
0x4c4: {  	v13 =	vld [tilespmem:s19+$0x164B0]  }
0x4c5: {  	v11 =	vld [tilespmem:s19+$0x164C0]  }
0x4c6: {  	v10 =	vld [tilespmem:s19+$0x164D0]  }
0x4c7: {  	v9 =	vld [tilespmem:s19+$0x164E0]  }
0x4c8: {  	v16 =	vld.idx.msk [tilespmem:v12+s7+$0x0], $0xffff  }
0x4c9: {  	v14 =	vld.idx.msk [tilespmem:v14+s7+$0x0], $0xffff  }
0x4ca: {  	s20 =	simm.s32 $0x0;
	v12 =	vld.idx.msk [tilespmem:v17+s7+$0x0], $0xffff  }
.LBB2_48:
0x4cb: {  	s20 =	sadd.s32 $0x8, s20;
	v15 =	vld.idx.msk [tilespmem:v15+s7+$0x0], $0xffff  }
0x4cc: {  	s0 =	sadd.s32 $0x400, s0;
	s1 =	sshll.u32 s20, $0x4;
	p0 =	slt.u32 s20, $0x3F8;
	v13 =	vld.idx.msk [tilespmem:v13+s7+$0x0], $0xffff  }
0x4cd: {  	s21 =	sand.u32 $0x1C00, s0;
	s22 =	sshll.u32 s20, $0x1;
	s1 =	sand.u32 $0x2000, s1;
	v11 =	vld.idx.msk [tilespmem:v11+s7+$0x0], $0xffff  }
0x4ce: {  	s1 =	sor.u32 s21, s1;
	s21 =	sand.u32 $0x380, s22;
	v10 =	vld.idx.msk [tilespmem:v10+s7+$0x0], $0xffff;
	[tilespmem:s19+$0xE4F0] =	vst v16  }
0x4cf: {  	s1 =	sor.u32 s21, s1;
	[tilespmem:s19+$0xE480] =	vst v14;
	v9 =	vld.idx.msk [tilespmem:v9+s7+$0x0], $0xffff  }
0x4d0: {  	v14 =	vld [tilespmem:s1+$0x164F0];
	[tilespmem:s19+$0xE490] =	vst v12  }
0x4d1: {  	v12 =	vld [tilespmem:s1+$0x16480];
	[tilespmem:s19+$0xE4A0] =	vst v15  }
0x4d2: {  	v17 =	vld [tilespmem:s1+$0x16490];
	[tilespmem:s19+$0xE4B0] =	vst v13  }
0x4d3: {  	v15 =	vld [tilespmem:s1+$0x164A0];
	[tilespmem:s19+$0xE4C0] =	vst v11  }
0x4d4: {  	v13 =	vld [tilespmem:s1+$0x164B0];
	[tilespmem:s19+$0xE4D0] =	vst v10  }
0x4d5: {  	v11 =	vld [tilespmem:s1+$0x164C0];
	[tilespmem:s19+$0xE4E0] =	vst v9;
	s19 =	smov.u32 s1  }
.Ltmp23:
0x4d6: {  	v10 =	vld [tilespmem:s19+$0x164D0];
	(pc) =	sbr.rel @p0 .LBB2_48-.Ltmp23, $4  }
0x4d7: {  	v9 =	vld [tilespmem:s19+$0x164E0]  }
0x4d8: {  	v16 =	vld.idx.msk [tilespmem:v14+s7+$0x0], $0xffff  }
0x4d9: {  	v14 =	vld.idx.msk [tilespmem:v12+s7+$0x0], $0xffff  }
0x4da: {  	v12 =	vld.idx.msk [tilespmem:v17+s7+$0x0], $0xffff  }
0x4db: {  	_ =	sdelay $0x3  }
0x4dc: {  	v15 =	vld.idx.msk [tilespmem:v15+s7+$0x0], $0xffff  }
0x4dd: {  	v13 =	vld.idx.msk [tilespmem:v13+s7+$0x0], $0xffff  }
0x4de: {  	v11 =	vld.idx.msk [tilespmem:v11+s7+$0x0], $0xffff;
	[tilespmem:s19+$0xE4F0] =	vst v16  }
0x4df: {  	v10 =	vld.idx.msk [tilespmem:v10+s7+$0x0], $0xffff;
	[tilespmem:s19+$0xE480] =	vst v14  }
0x4e0: {  	v9 =	vld.idx.msk [tilespmem:v9+s7+$0x0], $0xffff;
	[tilespmem:s19+$0xE490] =	vst v12  }
0x4e1: {  	[tilespmem:s19+$0xE4A0] =	vst v15  }
0x4e2: {  	[tilespmem:s19+$0xE4B0] =	vst v13  }
0x4e3: {  	[tilespmem:s19+$0xE4C0] =	vst v11  }
0x4e4: {  	[tilespmem:s19+$0xE4D0] =	vst v10  }
0x4e5: {  	[tilespmem:s19+$0xE4E0] =	vst v9  }
0x4e6: {  	s0 =	sld [smem:$0x7EF];
	_ =	sdelay $0x1  }
0x4e7: {  	s30 =	simm.s32 $0x0;
	s20 =	simm.s32 $0x0;
	s19 =	simm.s32 $0x0  }
0x4e8: {  	[hbm4b:s0+s19] =	stream.linear.scatter [tilespmem:s13], [sflag:$0x3], $0x4000, $0x38;
	[tilespmem:$0x1E480] =	vst v63  }
0x4e9: {  	s1 =	sand.u32 $0x1C00, s19;
	s0 =	sand.u32 $0x2000, s30;
	_ =	swait.ge [sflag:s17], $0x4000  }
0x4ea: {  	s31 =	sand.u32 $0x380, s20;
	s0 =	sor.u32 s1, s0;
	[sflag:s17] =	ssyncset.done $0x0  }
0x4eb: {  	s0 =	sor.u32 s31, s0;
	[sflag:s17] =	ssyncadd.s32 $0xFFFFC000  }
0x4ec: {  	v12 =	vld [tilespmem:s0+$0x1A4F0]  }
0x4ed: {  	v14 =	vld [tilespmem:s0+$0x1A480]  }
0x4ee: {  	v17 =	vld [tilespmem:s0+$0x1A490]  }
0x4ef: {  	v15 =	vld [tilespmem:s0+$0x1A4A0]  }
0x4f0: {  	v13 =	vld [tilespmem:s0+$0x1A4B0]  }
0x4f1: {  	v11 =	vld [tilespmem:s0+$0x1A4C0]  }
0x4f2: {  	v10 =	vld [tilespmem:s0+$0x1A4D0]  }
0x4f3: {  	v9 =	vld [tilespmem:s0+$0x1A4E0]  }
0x4f4: {  	v16 =	vld.idx.msk [tilespmem:v12+s7+$0x0], $0xffff  }
0x4f5: {  	v14 =	vld.idx.msk [tilespmem:v14+s7+$0x0], $0xffff  }
0x4f6: {  	s20 =	simm.s32 $0x0;
	v12 =	vld.idx.msk [tilespmem:v17+s7+$0x0], $0xffff  }
.LBB2_50:
0x4f7: {  	s20 =	sadd.s32 $0x8, s20;
	v15 =	vld.idx.msk [tilespmem:v15+s7+$0x0], $0xffff  }
0x4f8: {  	s19 =	sadd.s32 $0x400, s19;
	s1 =	sshll.u32 s20, $0x4;
	p0 =	slt.u32 s20, $0x3F8;
	v13 =	vld.idx.msk [tilespmem:v13+s7+$0x0], $0xffff  }
0x4f9: {  	s21 =	sand.u32 $0x1C00, s19;
	s22 =	sshll.u32 s20, $0x1;
	s1 =	sand.u32 $0x2000, s1;
	v11 =	vld.idx.msk [tilespmem:v11+s7+$0x0], $0xffff  }
0x4fa: {  	s1 =	sor.u32 s21, s1;
	s21 =	sand.u32 $0x380, s22;
	v10 =	vld.idx.msk [tilespmem:v10+s7+$0x0], $0xffff;
	[tilespmem:s0+$0x124F0] =	vst v16  }
0x4fb: {  	s1 =	sor.u32 s21, s1;
	[tilespmem:s0+$0x12480] =	vst v14;
	v9 =	vld.idx.msk [tilespmem:v9+s7+$0x0], $0xffff  }
0x4fc: {  	v14 =	vld [tilespmem:s1+$0x1A4F0];
	[tilespmem:s0+$0x12490] =	vst v12  }
0x4fd: {  	v12 =	vld [tilespmem:s1+$0x1A480];
	[tilespmem:s0+$0x124A0] =	vst v15  }
0x4fe: {  	v17 =	vld [tilespmem:s1+$0x1A490];
	[tilespmem:s0+$0x124B0] =	vst v13  }
0x4ff: {  	v15 =	vld [tilespmem:s1+$0x1A4A0];
	[tilespmem:s0+$0x124C0] =	vst v11  }
0x500: {  	v13 =	vld [tilespmem:s1+$0x1A4B0];
	[tilespmem:s0+$0x124D0] =	vst v10  }
0x501: {  	v11 =	vld [tilespmem:s1+$0x1A4C0];
	[tilespmem:s0+$0x124E0] =	vst v9;
	s0 =	smov.u32 s1  }
.Ltmp24:
0x502: {  	v10 =	vld [tilespmem:s0+$0x1A4D0];
	(pc) =	sbr.rel @p0 .LBB2_50-.Ltmp24, $4  }
0x503: {  	v9 =	vld [tilespmem:s0+$0x1A4E0]  }
0x504: {  	v16 =	vld.idx.msk [tilespmem:v14+s7+$0x0], $0xffff  }
0x505: {  	v14 =	vld.idx.msk [tilespmem:v12+s7+$0x0], $0xffff  }
0x506: {  	v12 =	vld.idx.msk [tilespmem:v17+s7+$0x0], $0xffff  }
0x507: {  	_ =	sdelay $0x3  }
0x508: {  	v15 =	vld.idx.msk [tilespmem:v15+s7+$0x0], $0xffff  }
0x509: {  	v13 =	vld.idx.msk [tilespmem:v13+s7+$0x0], $0xffff  }
0x50a: {  	v11 =	vld.idx.msk [tilespmem:v11+s7+$0x0], $0xffff;
	[tilespmem:s0+$0x124F0] =	vst v16  }
0x50b: {  	v10 =	vld.idx.msk [tilespmem:v10+s7+$0x0], $0xffff;
	[tilespmem:s0+$0x12480] =	vst v14  }
0x50c: {  	v9 =	vld.idx.msk [tilespmem:v9+s7+$0x0], $0xffff;
	[tilespmem:s0+$0x12490] =	vst v12  }
0x50d: {  	[tilespmem:s0+$0x124A0] =	vst v15  }
0x50e: {  	[tilespmem:s0+$0x124B0] =	vst v13  }
0x50f: {  	[tilespmem:s0+$0x124C0] =	vst v11  }
0x510: {  	[tilespmem:s0+$0x124D0] =	vst v10  }
0x511: {  	[tilespmem:s0+$0x124E0] =	vst v9  }
0x512: {  	s1 =	sld [smem:$0x7F0];
	_ =	sdelay $0x1  }
0x513: {  	s0 =	simm.s32 $0x0  }
0x514: {  	[hbm4b:s1+s0] =	stream.linear.scatter [tilespmem:s14], [sflag:$0x4], $0x4000, $0x38;
	[tilespmem:$0x1E480] =	vst v63  }
0x515: {  	s29 =	rddreg [dreg:$0x1a]  }
0x516: {  	[tilespmem:s7], [sflag:$0x1] =	stream.strided.gather [hbm4b:s29+s5], $0x2000, s6, s5, $0x38;
	[tilespmem:$0x1E480] =	vst v63  }
0x517: {  	_ =	swait.ge [sflag:s15], $0x2000  }
0x518: {  	[sflag:s15] =	ssyncset.done $0x0  }
0x519: {  	s30 =	simm.s32 $0x0;
	s20 =	simm.s32 $0x0;
	[sflag:s15] =	ssyncadd.s32 $0xFFFFE000  }
0x51a: {  	s19 =	sand.u32 $0x1C00, s0;
	s1 =	sand.u32 $0x2000, s30;
	_ =	swait.ge [sflag:s16], $0x4000  }
0x51b: {  	s31 =	sand.u32 $0x380, s20;
	s1 =	sor.u32 s19, s1;
	[sflag:s16] =	ssyncset.done $0x0  }
0x51c: {  	s19 =	sor.u32 s31, s1;
	[sflag:s16] =	ssyncadd.s32 $0xFFFFC000  }
0x51d: {  	v12 =	vld [tilespmem:s19+$0x164F0]  }
0x51e: {  	v14 =	vld [tilespmem:s19+$0x16480]  }
0x51f: {  	v17 =	vld [tilespmem:s19+$0x16490]  }
0x520: {  	v15 =	vld [tilespmem:s19+$0x164A0]  }
0x521: {  	v13 =	vld [tilespmem:s19+$0x164B0]  }
0x522: {  	v11 =	vld [tilespmem:s19+$0x164C0]  }
0x523: {  	v10 =	vld [tilespmem:s19+$0x164D0]  }
0x524: {  	v9 =	vld [tilespmem:s19+$0x164E0]  }
0x525: {  	v16 =	vld.idx.msk [tilespmem:v12+s12+$0x0], $0xffff  }
0x526: {  	v14 =	vld.idx.msk [tilespmem:v14+s12+$0x0], $0xffff  }
0x527: {  	s20 =	simm.s32 $0x0;
	v12 =	vld.idx.msk [tilespmem:v17+s12+$0x0], $0xffff  }
.LBB2_52:
0x528: {  	s20 =	sadd.s32 $0x8, s20;
	v15 =	vld.idx.msk [tilespmem:v15+s12+$0x0], $0xffff  }
0x529: {  	s0 =	sadd.s32 $0x400, s0;
	s1 =	sshll.u32 s20, $0x4;
	p0 =	slt.u32 s20, $0x3F8;
	v13 =	vld.idx.msk [tilespmem:v13+s12+$0x0], $0xffff  }
0x52a: {  	s21 =	sand.u32 $0x1C00, s0;
	s22 =	sshll.u32 s20, $0x1;
	s1 =	sand.u32 $0x2000, s1;
	v11 =	vld.idx.msk [tilespmem:v11+s12+$0x0], $0xffff  }
0x52b: {  	s1 =	sor.u32 s21, s1;
	s21 =	sand.u32 $0x380, s22;
	v10 =	vld.idx.msk [tilespmem:v10+s12+$0x0], $0xffff;
	[tilespmem:s19+$0xE4F0] =	vst v16  }
0x52c: {  	s1 =	sor.u32 s21, s1;
	[tilespmem:s19+$0xE480] =	vst v14;
	v9 =	vld.idx.msk [tilespmem:v9+s12+$0x0], $0xffff  }
0x52d: {  	v14 =	vld [tilespmem:s1+$0x164F0];
	[tilespmem:s19+$0xE490] =	vst v12  }
0x52e: {  	v12 =	vld [tilespmem:s1+$0x16480];
	[tilespmem:s19+$0xE4A0] =	vst v15  }
0x52f: {  	v17 =	vld [tilespmem:s1+$0x16490];
	[tilespmem:s19+$0xE4B0] =	vst v13  }
0x530: {  	v15 =	vld [tilespmem:s1+$0x164A0];
	[tilespmem:s19+$0xE4C0] =	vst v11  }
0x531: {  	v13 =	vld [tilespmem:s1+$0x164B0];
	[tilespmem:s19+$0xE4D0] =	vst v10  }
0x532: {  	v11 =	vld [tilespmem:s1+$0x164C0];
	[tilespmem:s19+$0xE4E0] =	vst v9;
	s19 =	smov.u32 s1  }
.Ltmp25:
0x533: {  	v10 =	vld [tilespmem:s19+$0x164D0];
	(pc) =	sbr.rel @p0 .LBB2_52-.Ltmp25, $4  }
0x534: {  	v9 =	vld [tilespmem:s19+$0x164E0]  }
0x535: {  	v16 =	vld.idx.msk [tilespmem:v14+s12+$0x0], $0xffff  }
0x536: {  	v14 =	vld.idx.msk [tilespmem:v12+s12+$0x0], $0xffff  }
0x537: {  	v12 =	vld.idx.msk [tilespmem:v17+s12+$0x0], $0xffff  }
0x538: {  	_ =	sdelay $0x3  }
0x539: {  	v15 =	vld.idx.msk [tilespmem:v15+s12+$0x0], $0xffff  }
0x53a: {  	v13 =	vld.idx.msk [tilespmem:v13+s12+$0x0], $0xffff  }
0x53b: {  	v11 =	vld.idx.msk [tilespmem:v11+s12+$0x0], $0xffff;
	[tilespmem:s19+$0xE4F0] =	vst v16  }
0x53c: {  	v10 =	vld.idx.msk [tilespmem:v10+s12+$0x0], $0xffff;
	[tilespmem:s19+$0xE480] =	vst v14  }
0x53d: {  	v9 =	vld.idx.msk [tilespmem:v9+s12+$0x0], $0xffff;
	[tilespmem:s19+$0xE490] =	vst v12  }
0x53e: {  	[tilespmem:s19+$0xE4A0] =	vst v15  }
0x53f: {  	[tilespmem:s19+$0xE4B0] =	vst v13  }
0x540: {  	[tilespmem:s19+$0xE4C0] =	vst v11  }
0x541: {  	[tilespmem:s19+$0xE4D0] =	vst v10  }
0x542: {  	[tilespmem:s19+$0xE4E0] =	vst v9  }
0x543: {  	s0 =	sld [smem:$0x7F1];
	_ =	sdelay $0x1  }
0x544: {  	s30 =	simm.s32 $0x0;
	s20 =	simm.s32 $0x0;
	s19 =	simm.s32 $0x0  }
0x545: {  	[hbm4b:s0+s19] =	stream.linear.scatter [tilespmem:s13], [sflag:$0x3], $0x4000, $0x38;
	[tilespmem:$0x1E480] =	vst v63  }
0x546: {  	s1 =	sand.u32 $0x1C00, s19;
	s0 =	sand.u32 $0x2000, s30;
	_ =	swait.ge [sflag:s17], $0x4000  }
0x547: {  	s31 =	sand.u32 $0x380, s20;
	s0 =	sor.u32 s1, s0;
	[sflag:s17] =	ssyncset.done $0x0  }
0x548: {  	s0 =	sor.u32 s31, s0;
	[sflag:s17] =	ssyncadd.s32 $0xFFFFC000  }
0x549: {  	v12 =	vld [tilespmem:s0+$0x1A4F0]  }
0x54a: {  	v14 =	vld [tilespmem:s0+$0x1A480]  }
0x54b: {  	v17 =	vld [tilespmem:s0+$0x1A490]  }
0x54c: {  	v15 =	vld [tilespmem:s0+$0x1A4A0]  }
0x54d: {  	v13 =	vld [tilespmem:s0+$0x1A4B0]  }
0x54e: {  	v11 =	vld [tilespmem:s0+$0x1A4C0]  }
0x54f: {  	v10 =	vld [tilespmem:s0+$0x1A4D0]  }
0x550: {  	v9 =	vld [tilespmem:s0+$0x1A4E0]  }
0x551: {  	v16 =	vld.idx.msk [tilespmem:v12+s12+$0x0], $0xffff  }
0x552: {  	v14 =	vld.idx.msk [tilespmem:v14+s12+$0x0], $0xffff  }
0x553: {  	s20 =	simm.s32 $0x0;
	v12 =	vld.idx.msk [tilespmem:v17+s12+$0x0], $0xffff  }
.LBB2_54:
0x554: {  	s20 =	sadd.s32 $0x8, s20;
	v15 =	vld.idx.msk [tilespmem:v15+s12+$0x0], $0xffff  }
0x555: {  	s19 =	sadd.s32 $0x400, s19;
	s1 =	sshll.u32 s20, $0x4;
	p0 =	slt.u32 s20, $0x3F8;
	v13 =	vld.idx.msk [tilespmem:v13+s12+$0x0], $0xffff  }
0x556: {  	s21 =	sand.u32 $0x1C00, s19;
	s22 =	sshll.u32 s20, $0x1;
	s1 =	sand.u32 $0x2000, s1;
	v11 =	vld.idx.msk [tilespmem:v11+s12+$0x0], $0xffff  }
0x557: {  	s1 =	sor.u32 s21, s1;
	s21 =	sand.u32 $0x380, s22;
	v10 =	vld.idx.msk [tilespmem:v10+s12+$0x0], $0xffff;
	[tilespmem:s0+$0x124F0] =	vst v16  }
0x558: {  	s1 =	sor.u32 s21, s1;
	[tilespmem:s0+$0x12480] =	vst v14;
	v9 =	vld.idx.msk [tilespmem:v9+s12+$0x0], $0xffff  }
0x559: {  	v14 =	vld [tilespmem:s1+$0x1A4F0];
	[tilespmem:s0+$0x12490] =	vst v12  }
0x55a: {  	v12 =	vld [tilespmem:s1+$0x1A480];
	[tilespmem:s0+$0x124A0] =	vst v15  }
0x55b: {  	v17 =	vld [tilespmem:s1+$0x1A490];
	[tilespmem:s0+$0x124B0] =	vst v13  }
0x55c: {  	v15 =	vld [tilespmem:s1+$0x1A4A0];
	[tilespmem:s0+$0x124C0] =	vst v11  }
0x55d: {  	v13 =	vld [tilespmem:s1+$0x1A4B0];
	[tilespmem:s0+$0x124D0] =	vst v10  }
0x55e: {  	v11 =	vld [tilespmem:s1+$0x1A4C0];
	[tilespmem:s0+$0x124E0] =	vst v9;
	s0 =	smov.u32 s1  }
.Ltmp26:
0x55f: {  	v10 =	vld [tilespmem:s0+$0x1A4D0];
	(pc) =	sbr.rel @p0 .LBB2_54-.Ltmp26, $4  }
0x560: {  	v9 =	vld [tilespmem:s0+$0x1A4E0]  }
0x561: {  	v16 =	vld.idx.msk [tilespmem:v14+s12+$0x0], $0xffff  }
0x562: {  	v14 =	vld.idx.msk [tilespmem:v12+s12+$0x0], $0xffff  }
0x563: {  	v12 =	vld.idx.msk [tilespmem:v17+s12+$0x0], $0xffff  }
0x564: {  	_ =	sdelay $0x3  }
0x565: {  	v15 =	vld.idx.msk [tilespmem:v15+s12+$0x0], $0xffff  }
0x566: {  	v13 =	vld.idx.msk [tilespmem:v13+s12+$0x0], $0xffff  }
0x567: {  	v11 =	vld.idx.msk [tilespmem:v11+s12+$0x0], $0xffff;
	[tilespmem:s0+$0x124F0] =	vst v16  }
0x568: {  	v10 =	vld.idx.msk [tilespmem:v10+s12+$0x0], $0xffff;
	[tilespmem:s0+$0x12480] =	vst v14  }
0x569: {  	v9 =	vld.idx.msk [tilespmem:v9+s12+$0x0], $0xffff;
	[tilespmem:s0+$0x12490] =	vst v12  }
0x56a: {  	[tilespmem:s0+$0x124A0] =	vst v15  }
0x56b: {  	[tilespmem:s0+$0x124B0] =	vst v13  }
0x56c: {  	[tilespmem:s0+$0x124C0] =	vst v11  }
0x56d: {  	[tilespmem:s0+$0x124D0] =	vst v10  }
0x56e: {  	[tilespmem:s0+$0x124E0] =	vst v9  }
0x56f: {  	s1 =	sld [smem:$0x7F2];
	_ =	sdelay $0x1  }
0x570: {  	s0 =	simm.s32 $0x0  }
0x571: {  	[hbm4b:s1+s0] =	stream.linear.scatter [tilespmem:s14], [sflag:$0x4], $0x4000, $0x38;
	[tilespmem:$0x1E480] =	vst v63  }
0x572: {  	s29 =	rddreg [dreg:$0x1b]  }
0x573: {  	[tilespmem:s12], [sflag:$0x2] =	stream.strided.gather [hbm4b:s29+s5], $0x2000, s6, s5, $0x38;
	[tilespmem:$0x1E480] =	vst v63  }
0x574: {  	_ =	swait.ge [sflag:s11], $0x2000  }
0x575: {  	[sflag:s11] =	ssyncset.done $0x0  }
0x576: {  	s30 =	simm.s32 $0x0;
	s20 =	simm.s32 $0x0;
	[sflag:s11] =	ssyncadd.s32 $0xFFFFE000  }
0x577: {  	s19 =	sand.u32 $0x1C00, s0;
	s1 =	sand.u32 $0x2000, s30;
	_ =	swait.ge [sflag:s16], $0x4000  }
0x578: {  	s31 =	sand.u32 $0x380, s20;
	s1 =	sor.u32 s19, s1;
	[sflag:s16] =	ssyncset.done $0x0  }
0x579: {  	s19 =	sor.u32 s31, s1;
	[sflag:s16] =	ssyncadd.s32 $0xFFFFC000  }
0x57a: {  	v12 =	vld [tilespmem:s19+$0x164F0]  }
0x57b: {  	v14 =	vld [tilespmem:s19+$0x16480]  }
0x57c: {  	v17 =	vld [tilespmem:s19+$0x16490]  }
0x57d: {  	v15 =	vld [tilespmem:s19+$0x164A0]  }
0x57e: {  	v13 =	vld [tilespmem:s19+$0x164B0]  }
0x57f: {  	v11 =	vld [tilespmem:s19+$0x164C0]  }
0x580: {  	v10 =	vld [tilespmem:s19+$0x164D0]  }
0x581: {  	v9 =	vld [tilespmem:s19+$0x164E0]  }
0x582: {  	v16 =	vld.idx.msk [tilespmem:v12+s7+$0x0], $0xffff  }
0x583: {  	v14 =	vld.idx.msk [tilespmem:v14+s7+$0x0], $0xffff  }
0x584: {  	s20 =	simm.s32 $0x0;
	v12 =	vld.idx.msk [tilespmem:v17+s7+$0x0], $0xffff  }
.LBB2_56:
0x585: {  	s20 =	sadd.s32 $0x8, s20;
	v15 =	vld.idx.msk [tilespmem:v15+s7+$0x0], $0xffff  }
0x586: {  	s0 =	sadd.s32 $0x400, s0;
	s1 =	sshll.u32 s20, $0x4;
	p0 =	slt.u32 s20, $0x3F8;
	v13 =	vld.idx.msk [tilespmem:v13+s7+$0x0], $0xffff  }
0x587: {  	s21 =	sand.u32 $0x1C00, s0;
	s22 =	sshll.u32 s20, $0x1;
	s1 =	sand.u32 $0x2000, s1;
	v11 =	vld.idx.msk [tilespmem:v11+s7+$0x0], $0xffff  }
0x588: {  	s1 =	sor.u32 s21, s1;
	s21 =	sand.u32 $0x380, s22;
	v10 =	vld.idx.msk [tilespmem:v10+s7+$0x0], $0xffff;
	[tilespmem:s19+$0xE4F0] =	vst v16  }
0x589: {  	s1 =	sor.u32 s21, s1;
	[tilespmem:s19+$0xE480] =	vst v14;
	v9 =	vld.idx.msk [tilespmem:v9+s7+$0x0], $0xffff  }
0x58a: {  	v14 =	vld [tilespmem:s1+$0x164F0];
	[tilespmem:s19+$0xE490] =	vst v12  }
0x58b: {  	v12 =	vld [tilespmem:s1+$0x16480];
	[tilespmem:s19+$0xE4A0] =	vst v15  }
0x58c: {  	v17 =	vld [tilespmem:s1+$0x16490];
	[tilespmem:s19+$0xE4B0] =	vst v13  }
0x58d: {  	v15 =	vld [tilespmem:s1+$0x164A0];
	[tilespmem:s19+$0xE4C0] =	vst v11  }
0x58e: {  	v13 =	vld [tilespmem:s1+$0x164B0];
	[tilespmem:s19+$0xE4D0] =	vst v10  }
0x58f: {  	v11 =	vld [tilespmem:s1+$0x164C0];
	[tilespmem:s19+$0xE4E0] =	vst v9;
	s19 =	smov.u32 s1  }
.Ltmp27:
0x590: {  	v10 =	vld [tilespmem:s19+$0x164D0];
	(pc) =	sbr.rel @p0 .LBB2_56-.Ltmp27, $4  }
0x591: {  	v9 =	vld [tilespmem:s19+$0x164E0]  }
0x592: {  	v16 =	vld.idx.msk [tilespmem:v14+s7+$0x0], $0xffff  }
0x593: {  	v14 =	vld.idx.msk [tilespmem:v12+s7+$0x0], $0xffff  }
0x594: {  	v12 =	vld.idx.msk [tilespmem:v17+s7+$0x0], $0xffff  }
0x595: {  	_ =	sdelay $0x3  }
0x596: {  	v15 =	vld.idx.msk [tilespmem:v15+s7+$0x0], $0xffff  }
0x597: {  	v13 =	vld.idx.msk [tilespmem:v13+s7+$0x0], $0xffff  }
0x598: {  	v11 =	vld.idx.msk [tilespmem:v11+s7+$0x0], $0xffff;
	[tilespmem:s19+$0xE4F0] =	vst v16  }
0x599: {  	v10 =	vld.idx.msk [tilespmem:v10+s7+$0x0], $0xffff;
	[tilespmem:s19+$0xE480] =	vst v14  }
0x59a: {  	v9 =	vld.idx.msk [tilespmem:v9+s7+$0x0], $0xffff;
	[tilespmem:s19+$0xE490] =	vst v12  }
0x59b: {  	[tilespmem:s19+$0xE4A0] =	vst v15  }
0x59c: {  	[tilespmem:s19+$0xE4B0] =	vst v13  }
0x59d: {  	[tilespmem:s19+$0xE4C0] =	vst v11  }
0x59e: {  	[tilespmem:s19+$0xE4D0] =	vst v10  }
0x59f: {  	[tilespmem:s19+$0xE4E0] =	vst v9  }
0x5a0: {  	s0 =	sld [smem:$0x7F3];
	_ =	sdelay $0x1  }
0x5a1: {  	s30 =	simm.s32 $0x0;
	s20 =	simm.s32 $0x0;
	s19 =	simm.s32 $0x0  }
0x5a2: {  	[hbm4b:s0+s19] =	stream.linear.scatter [tilespmem:s13], [sflag:$0x3], $0x4000, $0x38;
	[tilespmem:$0x1E480] =	vst v63  }
0x5a3: {  	s1 =	sand.u32 $0x1C00, s19;
	s0 =	sand.u32 $0x2000, s30;
	_ =	swait.ge [sflag:s17], $0x4000  }
0x5a4: {  	s31 =	sand.u32 $0x380, s20;
	s0 =	sor.u32 s1, s0;
	[sflag:s17] =	ssyncset.done $0x0  }
0x5a5: {  	s0 =	sor.u32 s31, s0;
	[sflag:s17] =	ssyncadd.s32 $0xFFFFC000  }
0x5a6: {  	v12 =	vld [tilespmem:s0+$0x1A4F0]  }
0x5a7: {  	v14 =	vld [tilespmem:s0+$0x1A480]  }
0x5a8: {  	v17 =	vld [tilespmem:s0+$0x1A490]  }
0x5a9: {  	v15 =	vld [tilespmem:s0+$0x1A4A0]  }
0x5aa: {  	v13 =	vld [tilespmem:s0+$0x1A4B0]  }
0x5ab: {  	v11 =	vld [tilespmem:s0+$0x1A4C0]  }
0x5ac: {  	v10 =	vld [tilespmem:s0+$0x1A4D0]  }
0x5ad: {  	v9 =	vld [tilespmem:s0+$0x1A4E0]  }
0x5ae: {  	v16 =	vld.idx.msk [tilespmem:v12+s7+$0x0], $0xffff  }
0x5af: {  	v14 =	vld.idx.msk [tilespmem:v14+s7+$0x0], $0xffff  }
0x5b0: {  	s20 =	simm.s32 $0x0;
	v12 =	vld.idx.msk [tilespmem:v17+s7+$0x0], $0xffff  }
.LBB2_58:
0x5b1: {  	s20 =	sadd.s32 $0x8, s20;
	v15 =	vld.idx.msk [tilespmem:v15+s7+$0x0], $0xffff  }
0x5b2: {  	s19 =	sadd.s32 $0x400, s19;
	s1 =	sshll.u32 s20, $0x4;
	p0 =	slt.u32 s20, $0x3F8;
	v13 =	vld.idx.msk [tilespmem:v13+s7+$0x0], $0xffff  }
0x5b3: {  	s21 =	sand.u32 $0x1C00, s19;
	s22 =	sshll.u32 s20, $0x1;
	s1 =	sand.u32 $0x2000, s1;
	v11 =	vld.idx.msk [tilespmem:v11+s7+$0x0], $0xffff  }
0x5b4: {  	s1 =	sor.u32 s21, s1;
	s21 =	sand.u32 $0x380, s22;
	v10 =	vld.idx.msk [tilespmem:v10+s7+$0x0], $0xffff;
	[tilespmem:s0+$0x124F0] =	vst v16  }
0x5b5: {  	s1 =	sor.u32 s21, s1;
	[tilespmem:s0+$0x12480] =	vst v14;
	v9 =	vld.idx.msk [tilespmem:v9+s7+$0x0], $0xffff  }
0x5b6: {  	v14 =	vld [tilespmem:s1+$0x1A4F0];
	[tilespmem:s0+$0x12490] =	vst v12  }
0x5b7: {  	v12 =	vld [tilespmem:s1+$0x1A480];
	[tilespmem:s0+$0x124A0] =	vst v15  }
0x5b8: {  	v17 =	vld [tilespmem:s1+$0x1A490];
	[tilespmem:s0+$0x124B0] =	vst v13  }
0x5b9: {  	v15 =	vld [tilespmem:s1+$0x1A4A0];
	[tilespmem:s0+$0x124C0] =	vst v11  }
0x5ba: {  	v13 =	vld [tilespmem:s1+$0x1A4B0];
	[tilespmem:s0+$0x124D0] =	vst v10  }
0x5bb: {  	v11 =	vld [tilespmem:s1+$0x1A4C0];
	[tilespmem:s0+$0x124E0] =	vst v9;
	s0 =	smov.u32 s1  }
.Ltmp28:
0x5bc: {  	v10 =	vld [tilespmem:s0+$0x1A4D0];
	(pc) =	sbr.rel @p0 .LBB2_58-.Ltmp28, $4  }
0x5bd: {  	v9 =	vld [tilespmem:s0+$0x1A4E0]  }
0x5be: {  	v16 =	vld.idx.msk [tilespmem:v14+s7+$0x0], $0xffff  }
0x5bf: {  	v14 =	vld.idx.msk [tilespmem:v12+s7+$0x0], $0xffff  }
0x5c0: {  	v12 =	vld.idx.msk [tilespmem:v17+s7+$0x0], $0xffff  }
0x5c1: {  	_ =	sdelay $0x3  }
0x5c2: {  	v15 =	vld.idx.msk [tilespmem:v15+s7+$0x0], $0xffff  }
0x5c3: {  	v13 =	vld.idx.msk [tilespmem:v13+s7+$0x0], $0xffff  }
0x5c4: {  	v11 =	vld.idx.msk [tilespmem:v11+s7+$0x0], $0xffff;
	[tilespmem:s0+$0x124F0] =	vst v16  }
0x5c5: {  	v10 =	vld.idx.msk [tilespmem:v10+s7+$0x0], $0xffff;
	[tilespmem:s0+$0x12480] =	vst v14  }
0x5c6: {  	v9 =	vld.idx.msk [tilespmem:v9+s7+$0x0], $0xffff;
	[tilespmem:s0+$0x12490] =	vst v12  }
0x5c7: {  	[tilespmem:s0+$0x124A0] =	vst v15  }
0x5c8: {  	[tilespmem:s0+$0x124B0] =	vst v13  }
0x5c9: {  	[tilespmem:s0+$0x124C0] =	vst v11  }
0x5ca: {  	[tilespmem:s0+$0x124D0] =	vst v10  }
0x5cb: {  	[tilespmem:s0+$0x124E0] =	vst v9  }
0x5cc: {  	s1 =	sld [smem:$0x7F4];
	_ =	sdelay $0x1  }
0x5cd: {  	s0 =	simm.s32 $0x0  }
0x5ce: {  	[hbm4b:s1+s0] =	stream.linear.scatter [tilespmem:s14], [sflag:$0x4], $0x4000, $0x38;
	[tilespmem:$0x1E480] =	vst v63  }
0x5cf: {  	s29 =	rddreg [dreg:$0x1c]  }
0x5d0: {  	[tilespmem:s7], [sflag:$0x1] =	stream.strided.gather [hbm4b:s29+s5], $0x2000, s6, s5, $0x38;
	[tilespmem:$0x1E480] =	vst v63  }
0x5d1: {  	_ =	swait.ge [sflag:s15], $0x2000  }
0x5d2: {  	[sflag:s15] =	ssyncset.done $0x0  }
0x5d3: {  	s30 =	simm.s32 $0x0;
	s20 =	simm.s32 $0x0;
	[sflag:s15] =	ssyncadd.s32 $0xFFFFE000  }
0x5d4: {  	s19 =	sand.u32 $0x1C00, s0;
	s1 =	sand.u32 $0x2000, s30;
	_ =	swait.ge [sflag:s16], $0x4000  }
0x5d5: {  	s31 =	sand.u32 $0x380, s20;
	s1 =	sor.u32 s19, s1;
	[sflag:s16] =	ssyncset.done $0x0  }
0x5d6: {  	s19 =	sor.u32 s31, s1;
	[sflag:s16] =	ssyncadd.s32 $0xFFFFC000  }
0x5d7: {  	v12 =	vld [tilespmem:s19+$0x164F0]  }
0x5d8: {  	v14 =	vld [tilespmem:s19+$0x16480]  }
0x5d9: {  	v17 =	vld [tilespmem:s19+$0x16490]  }
0x5da: {  	v15 =	vld [tilespmem:s19+$0x164A0]  }
0x5db: {  	v13 =	vld [tilespmem:s19+$0x164B0]  }
0x5dc: {  	v11 =	vld [tilespmem:s19+$0x164C0]  }
0x5dd: {  	v10 =	vld [tilespmem:s19+$0x164D0]  }
0x5de: {  	v9 =	vld [tilespmem:s19+$0x164E0]  }
0x5df: {  	v16 =	vld.idx.msk [tilespmem:v12+s12+$0x0], $0xffff  }
0x5e0: {  	v14 =	vld.idx.msk [tilespmem:v14+s12+$0x0], $0xffff  }
0x5e1: {  	s20 =	simm.s32 $0x0;
	v12 =	vld.idx.msk [tilespmem:v17+s12+$0x0], $0xffff  }
.LBB2_60:
0x5e2: {  	s20 =	sadd.s32 $0x8, s20;
	v15 =	vld.idx.msk [tilespmem:v15+s12+$0x0], $0xffff  }
0x5e3: {  	s0 =	sadd.s32 $0x400, s0;
	s1 =	sshll.u32 s20, $0x4;
	p0 =	slt.u32 s20, $0x3F8;
	v13 =	vld.idx.msk [tilespmem:v13+s12+$0x0], $0xffff  }
0x5e4: {  	s21 =	sand.u32 $0x1C00, s0;
	s22 =	sshll.u32 s20, $0x1;
	s1 =	sand.u32 $0x2000, s1;
	v11 =	vld.idx.msk [tilespmem:v11+s12+$0x0], $0xffff  }
0x5e5: {  	s1 =	sor.u32 s21, s1;
	s21 =	sand.u32 $0x380, s22;
	v10 =	vld.idx.msk [tilespmem:v10+s12+$0x0], $0xffff;
	[tilespmem:s19+$0xE4F0] =	vst v16  }
0x5e6: {  	s1 =	sor.u32 s21, s1;
	[tilespmem:s19+$0xE480] =	vst v14;
	v9 =	vld.idx.msk [tilespmem:v9+s12+$0x0], $0xffff  }
0x5e7: {  	v14 =	vld [tilespmem:s1+$0x164F0];
	[tilespmem:s19+$0xE490] =	vst v12  }
0x5e8: {  	v12 =	vld [tilespmem:s1+$0x16480];
	[tilespmem:s19+$0xE4A0] =	vst v15  }
0x5e9: {  	v17 =	vld [tilespmem:s1+$0x16490];
	[tilespmem:s19+$0xE4B0] =	vst v13  }
0x5ea: {  	v15 =	vld [tilespmem:s1+$0x164A0];
	[tilespmem:s19+$0xE4C0] =	vst v11  }
0x5eb: {  	v13 =	vld [tilespmem:s1+$0x164B0];
	[tilespmem:s19+$0xE4D0] =	vst v10  }
0x5ec: {  	v11 =	vld [tilespmem:s1+$0x164C0];
	[tilespmem:s19+$0xE4E0] =	vst v9;
	s19 =	smov.u32 s1  }
.Ltmp29:
0x5ed: {  	v10 =	vld [tilespmem:s19+$0x164D0];
	(pc) =	sbr.rel @p0 .LBB2_60-.Ltmp29, $4  }
0x5ee: {  	v9 =	vld [tilespmem:s19+$0x164E0]  }
0x5ef: {  	v16 =	vld.idx.msk [tilespmem:v14+s12+$0x0], $0xffff  }
0x5f0: {  	v14 =	vld.idx.msk [tilespmem:v12+s12+$0x0], $0xffff  }
0x5f1: {  	v12 =	vld.idx.msk [tilespmem:v17+s12+$0x0], $0xffff  }
0x5f2: {  	_ =	sdelay $0x3  }
0x5f3: {  	v15 =	vld.idx.msk [tilespmem:v15+s12+$0x0], $0xffff  }
0x5f4: {  	v13 =	vld.idx.msk [tilespmem:v13+s12+$0x0], $0xffff  }
0x5f5: {  	v11 =	vld.idx.msk [tilespmem:v11+s12+$0x0], $0xffff;
	[tilespmem:s19+$0xE4F0] =	vst v16  }
0x5f6: {  	v10 =	vld.idx.msk [tilespmem:v10+s12+$0x0], $0xffff;
	[tilespmem:s19+$0xE480] =	vst v14  }
0x5f7: {  	v9 =	vld.idx.msk [tilespmem:v9+s12+$0x0], $0xffff;
	[tilespmem:s19+$0xE490] =	vst v12  }
0x5f8: {  	[tilespmem:s19+$0xE4A0] =	vst v15  }
0x5f9: {  	[tilespmem:s19+$0xE4B0] =	vst v13  }
0x5fa: {  	[tilespmem:s19+$0xE4C0] =	vst v11  }
0x5fb: {  	[tilespmem:s19+$0xE4D0] =	vst v10  }
0x5fc: {  	[tilespmem:s19+$0xE4E0] =	vst v9  }
0x5fd: {  	s0 =	sld [smem:$0x7F5];
	_ =	sdelay $0x1  }
0x5fe: {  	s30 =	simm.s32 $0x0;
	s20 =	simm.s32 $0x0;
	s19 =	simm.s32 $0x0  }
0x5ff: {  	[hbm4b:s0+s19] =	stream.linear.scatter [tilespmem:s13], [sflag:$0x3], $0x4000, $0x38;
	[tilespmem:$0x1E480] =	vst v63  }
0x600: {  	s1 =	sand.u32 $0x1C00, s19;
	s0 =	sand.u32 $0x2000, s30;
	_ =	swait.ge [sflag:s17], $0x4000  }
0x601: {  	s31 =	sand.u32 $0x380, s20;
	s0 =	sor.u32 s1, s0;
	[sflag:s17] =	ssyncset.done $0x0  }
0x602: {  	s0 =	sor.u32 s31, s0;
	[sflag:s17] =	ssyncadd.s32 $0xFFFFC000  }
0x603: {  	v12 =	vld [tilespmem:s0+$0x1A4F0]  }
0x604: {  	v14 =	vld [tilespmem:s0+$0x1A480]  }
0x605: {  	v17 =	vld [tilespmem:s0+$0x1A490]  }
0x606: {  	v15 =	vld [tilespmem:s0+$0x1A4A0]  }
0x607: {  	v13 =	vld [tilespmem:s0+$0x1A4B0]  }
0x608: {  	v11 =	vld [tilespmem:s0+$0x1A4C0]  }
0x609: {  	v10 =	vld [tilespmem:s0+$0x1A4D0]  }
0x60a: {  	v9 =	vld [tilespmem:s0+$0x1A4E0]  }
0x60b: {  	v16 =	vld.idx.msk [tilespmem:v12+s12+$0x0], $0xffff  }
0x60c: {  	v14 =	vld.idx.msk [tilespmem:v14+s12+$0x0], $0xffff  }
0x60d: {  	s20 =	simm.s32 $0x0;
	v12 =	vld.idx.msk [tilespmem:v17+s12+$0x0], $0xffff  }
.LBB2_62:
0x60e: {  	s20 =	sadd.s32 $0x8, s20;
	v15 =	vld.idx.msk [tilespmem:v15+s12+$0x0], $0xffff  }
0x60f: {  	s19 =	sadd.s32 $0x400, s19;
	s1 =	sshll.u32 s20, $0x4;
	p0 =	slt.u32 s20, $0x3F8;
	v13 =	vld.idx.msk [tilespmem:v13+s12+$0x0], $0xffff  }
0x610: {  	s21 =	sand.u32 $0x1C00, s19;
	s22 =	sshll.u32 s20, $0x1;
	s1 =	sand.u32 $0x2000, s1;
	v11 =	vld.idx.msk [tilespmem:v11+s12+$0x0], $0xffff  }
0x611: {  	s1 =	sor.u32 s21, s1;
	s21 =	sand.u32 $0x380, s22;
	v10 =	vld.idx.msk [tilespmem:v10+s12+$0x0], $0xffff;
	[tilespmem:s0+$0x124F0] =	vst v16  }
0x612: {  	s1 =	sor.u32 s21, s1;
	[tilespmem:s0+$0x12480] =	vst v14;
	v9 =	vld.idx.msk [tilespmem:v9+s12+$0x0], $0xffff  }
0x613: {  	v14 =	vld [tilespmem:s1+$0x1A4F0];
	[tilespmem:s0+$0x12490] =	vst v12  }
0x614: {  	v12 =	vld [tilespmem:s1+$0x1A480];
	[tilespmem:s0+$0x124A0] =	vst v15  }
0x615: {  	v17 =	vld [tilespmem:s1+$0x1A490];
	[tilespmem:s0+$0x124B0] =	vst v13  }
0x616: {  	v15 =	vld [tilespmem:s1+$0x1A4A0];
	[tilespmem:s0+$0x124C0] =	vst v11  }
0x617: {  	v13 =	vld [tilespmem:s1+$0x1A4B0];
	[tilespmem:s0+$0x124D0] =	vst v10  }
0x618: {  	v11 =	vld [tilespmem:s1+$0x1A4C0];
	[tilespmem:s0+$0x124E0] =	vst v9;
	s0 =	smov.u32 s1  }
.Ltmp30:
0x619: {  	v10 =	vld [tilespmem:s0+$0x1A4D0];
	(pc) =	sbr.rel @p0 .LBB2_62-.Ltmp30, $4  }
0x61a: {  	v9 =	vld [tilespmem:s0+$0x1A4E0]  }
0x61b: {  	v16 =	vld.idx.msk [tilespmem:v14+s12+$0x0], $0xffff  }
0x61c: {  	v14 =	vld.idx.msk [tilespmem:v12+s12+$0x0], $0xffff  }
0x61d: {  	v12 =	vld.idx.msk [tilespmem:v17+s12+$0x0], $0xffff  }
0x61e: {  	_ =	sdelay $0x3  }
0x61f: {  	v15 =	vld.idx.msk [tilespmem:v15+s12+$0x0], $0xffff  }
0x620: {  	v13 =	vld.idx.msk [tilespmem:v13+s12+$0x0], $0xffff  }
0x621: {  	v11 =	vld.idx.msk [tilespmem:v11+s12+$0x0], $0xffff;
	[tilespmem:s0+$0x124F0] =	vst v16  }
0x622: {  	v10 =	vld.idx.msk [tilespmem:v10+s12+$0x0], $0xffff;
	[tilespmem:s0+$0x12480] =	vst v14  }
0x623: {  	v9 =	vld.idx.msk [tilespmem:v9+s12+$0x0], $0xffff;
	[tilespmem:s0+$0x12490] =	vst v12  }
0x624: {  	[tilespmem:s0+$0x124A0] =	vst v15  }
0x625: {  	[tilespmem:s0+$0x124B0] =	vst v13  }
0x626: {  	[tilespmem:s0+$0x124C0] =	vst v11  }
0x627: {  	[tilespmem:s0+$0x124D0] =	vst v10  }
0x628: {  	[tilespmem:s0+$0x124E0] =	vst v9  }
0x629: {  	s1 =	sld [smem:$0x7F6];
	_ =	sdelay $0x1  }
0x62a: {  	s0 =	simm.s32 $0x0  }
0x62b: {  	[hbm4b:s1+s0] =	stream.linear.scatter [tilespmem:s14], [sflag:$0x4], $0x4000, $0x38;
	[tilespmem:$0x1E480] =	vst v63  }
0x62c: {  	s29 =	rddreg [dreg:$0x1d]  }
0x62d: {  	[tilespmem:s12], [sflag:$0x2] =	stream.strided.gather [hbm4b:s29+s5], $0x2000, s6, s5, $0x38;
	[tilespmem:$0x1E480] =	vst v63  }
0x62e: {  	_ =	swait.ge [sflag:s11], $0x2000  }
0x62f: {  	[sflag:s11] =	ssyncset.done $0x0  }
0x630: {  	s30 =	simm.s32 $0x0;
	s20 =	simm.s32 $0x0;
	[sflag:s11] =	ssyncadd.s32 $0xFFFFE000  }
0x631: {  	s19 =	sand.u32 $0x1C00, s0;
	s1 =	sand.u32 $0x2000, s30;
	_ =	swait.ge [sflag:s16], $0x4000  }
0x632: {  	s31 =	sand.u32 $0x380, s20;
	s1 =	sor.u32 s19, s1;
	[sflag:s16] =	ssyncset.done $0x0  }
0x633: {  	s19 =	sor.u32 s31, s1;
	[sflag:s16] =	ssyncadd.s32 $0xFFFFC000  }
0x634: {  	v12 =	vld [tilespmem:s19+$0x164F0]  }
0x635: {  	v14 =	vld [tilespmem:s19+$0x16480]  }
0x636: {  	v17 =	vld [tilespmem:s19+$0x16490]  }
0x637: {  	v15 =	vld [tilespmem:s19+$0x164A0]  }
0x638: {  	v13 =	vld [tilespmem:s19+$0x164B0]  }
0x639: {  	v11 =	vld [tilespmem:s19+$0x164C0]  }
0x63a: {  	v10 =	vld [tilespmem:s19+$0x164D0]  }
0x63b: {  	v9 =	vld [tilespmem:s19+$0x164E0]  }
0x63c: {  	v16 =	vld.idx.msk [tilespmem:v12+s7+$0x0], $0xffff  }
0x63d: {  	v14 =	vld.idx.msk [tilespmem:v14+s7+$0x0], $0xffff  }
0x63e: {  	s20 =	simm.s32 $0x0;
	v12 =	vld.idx.msk [tilespmem:v17+s7+$0x0], $0xffff  }
.LBB2_64:
0x63f: {  	s20 =	sadd.s32 $0x8, s20;
	v15 =	vld.idx.msk [tilespmem:v15+s7+$0x0], $0xffff  }
0x640: {  	s0 =	sadd.s32 $0x400, s0;
	s1 =	sshll.u32 s20, $0x4;
	p0 =	slt.u32 s20, $0x3F8;
	v13 =	vld.idx.msk [tilespmem:v13+s7+$0x0], $0xffff  }
0x641: {  	s21 =	sand.u32 $0x1C00, s0;
	s22 =	sshll.u32 s20, $0x1;
	s1 =	sand.u32 $0x2000, s1;
	v11 =	vld.idx.msk [tilespmem:v11+s7+$0x0], $0xffff  }
0x642: {  	s1 =	sor.u32 s21, s1;
	s21 =	sand.u32 $0x380, s22;
	v10 =	vld.idx.msk [tilespmem:v10+s7+$0x0], $0xffff;
	[tilespmem:s19+$0xE4F0] =	vst v16  }
0x643: {  	s1 =	sor.u32 s21, s1;
	[tilespmem:s19+$0xE480] =	vst v14;
	v9 =	vld.idx.msk [tilespmem:v9+s7+$0x0], $0xffff  }
0x644: {  	v14 =	vld [tilespmem:s1+$0x164F0];
	[tilespmem:s19+$0xE490] =	vst v12  }
0x645: {  	v12 =	vld [tilespmem:s1+$0x16480];
	[tilespmem:s19+$0xE4A0] =	vst v15  }
0x646: {  	v17 =	vld [tilespmem:s1+$0x16490];
	[tilespmem:s19+$0xE4B0] =	vst v13  }
0x647: {  	v15 =	vld [tilespmem:s1+$0x164A0];
	[tilespmem:s19+$0xE4C0] =	vst v11  }
0x648: {  	v13 =	vld [tilespmem:s1+$0x164B0];
	[tilespmem:s19+$0xE4D0] =	vst v10  }
0x649: {  	v11 =	vld [tilespmem:s1+$0x164C0];
	[tilespmem:s19+$0xE4E0] =	vst v9;
	s19 =	smov.u32 s1  }
.Ltmp31:
0x64a: {  	v10 =	vld [tilespmem:s19+$0x164D0];
	(pc) =	sbr.rel @p0 .LBB2_64-.Ltmp31, $4  }
0x64b: {  	v9 =	vld [tilespmem:s19+$0x164E0]  }
0x64c: {  	v16 =	vld.idx.msk [tilespmem:v14+s7+$0x0], $0xffff  }
0x64d: {  	v14 =	vld.idx.msk [tilespmem:v12+s7+$0x0], $0xffff  }
0x64e: {  	v12 =	vld.idx.msk [tilespmem:v17+s7+$0x0], $0xffff  }
0x64f: {  	_ =	sdelay $0x3  }
0x650: {  	v15 =	vld.idx.msk [tilespmem:v15+s7+$0x0], $0xffff  }
0x651: {  	v13 =	vld.idx.msk [tilespmem:v13+s7+$0x0], $0xffff  }
0x652: {  	v11 =	vld.idx.msk [tilespmem:v11+s7+$0x0], $0xffff;
	[tilespmem:s19+$0xE4F0] =	vst v16  }
0x653: {  	v10 =	vld.idx.msk [tilespmem:v10+s7+$0x0], $0xffff;
	[tilespmem:s19+$0xE480] =	vst v14  }
0x654: {  	v9 =	vld.idx.msk [tilespmem:v9+s7+$0x0], $0xffff;
	[tilespmem:s19+$0xE490] =	vst v12  }
0x655: {  	[tilespmem:s19+$0xE4A0] =	vst v15  }
0x656: {  	[tilespmem:s19+$0xE4B0] =	vst v13  }
0x657: {  	[tilespmem:s19+$0xE4C0] =	vst v11  }
0x658: {  	[tilespmem:s19+$0xE4D0] =	vst v10  }
0x659: {  	[tilespmem:s19+$0xE4E0] =	vst v9  }
0x65a: {  	s0 =	sld [smem:$0x7F7];
	_ =	sdelay $0x1  }
0x65b: {  	s30 =	simm.s32 $0x0;
	s20 =	simm.s32 $0x0;
	s19 =	simm.s32 $0x0  }
0x65c: {  	[hbm4b:s0+s19] =	stream.linear.scatter [tilespmem:s13], [sflag:$0x3], $0x4000, $0x38;
	[tilespmem:$0x1E480] =	vst v63  }
0x65d: {  	s1 =	sand.u32 $0x1C00, s19;
	s0 =	sand.u32 $0x2000, s30;
	_ =	swait.ge [sflag:s17], $0x4000  }
0x65e: {  	s31 =	sand.u32 $0x380, s20;
	s0 =	sor.u32 s1, s0;
	[sflag:s17] =	ssyncset.done $0x0  }
0x65f: {  	s0 =	sor.u32 s31, s0;
	[sflag:s17] =	ssyncadd.s32 $0xFFFFC000  }
0x660: {  	v12 =	vld [tilespmem:s0+$0x1A4F0]  }
0x661: {  	v14 =	vld [tilespmem:s0+$0x1A480]  }
0x662: {  	v17 =	vld [tilespmem:s0+$0x1A490]  }
0x663: {  	v15 =	vld [tilespmem:s0+$0x1A4A0]  }
0x664: {  	v13 =	vld [tilespmem:s0+$0x1A4B0]  }
0x665: {  	v11 =	vld [tilespmem:s0+$0x1A4C0]  }
0x666: {  	v10 =	vld [tilespmem:s0+$0x1A4D0]  }
0x667: {  	v9 =	vld [tilespmem:s0+$0x1A4E0]  }
0x668: {  	v16 =	vld.idx.msk [tilespmem:v12+s7+$0x0], $0xffff  }
0x669: {  	v14 =	vld.idx.msk [tilespmem:v14+s7+$0x0], $0xffff  }
0x66a: {  	s20 =	simm.s32 $0x0;
	v12 =	vld.idx.msk [tilespmem:v17+s7+$0x0], $0xffff  }
.LBB2_66:
0x66b: {  	s20 =	sadd.s32 $0x8, s20;
	v15 =	vld.idx.msk [tilespmem:v15+s7+$0x0], $0xffff  }
0x66c: {  	s19 =	sadd.s32 $0x400, s19;
	s1 =	sshll.u32 s20, $0x4;
	p0 =	slt.u32 s20, $0x3F8;
	v13 =	vld.idx.msk [tilespmem:v13+s7+$0x0], $0xffff  }
0x66d: {  	s21 =	sand.u32 $0x1C00, s19;
	s22 =	sshll.u32 s20, $0x1;
	s1 =	sand.u32 $0x2000, s1;
	v11 =	vld.idx.msk [tilespmem:v11+s7+$0x0], $0xffff  }
0x66e: {  	s1 =	sor.u32 s21, s1;
	s21 =	sand.u32 $0x380, s22;
	v10 =	vld.idx.msk [tilespmem:v10+s7+$0x0], $0xffff;
	[tilespmem:s0+$0x124F0] =	vst v16  }
0x66f: {  	s1 =	sor.u32 s21, s1;
	[tilespmem:s0+$0x12480] =	vst v14;
	v9 =	vld.idx.msk [tilespmem:v9+s7+$0x0], $0xffff  }
0x670: {  	v14 =	vld [tilespmem:s1+$0x1A4F0];
	[tilespmem:s0+$0x12490] =	vst v12  }
0x671: {  	v12 =	vld [tilespmem:s1+$0x1A480];
	[tilespmem:s0+$0x124A0] =	vst v15  }
0x672: {  	v17 =	vld [tilespmem:s1+$0x1A490];
	[tilespmem:s0+$0x124B0] =	vst v13  }
0x673: {  	v15 =	vld [tilespmem:s1+$0x1A4A0];
	[tilespmem:s0+$0x124C0] =	vst v11  }
0x674: {  	v13 =	vld [tilespmem:s1+$0x1A4B0];
	[tilespmem:s0+$0x124D0] =	vst v10  }
0x675: {  	v11 =	vld [tilespmem:s1+$0x1A4C0];
	[tilespmem:s0+$0x124E0] =	vst v9;
	s0 =	smov.u32 s1  }
.Ltmp32:
0x676: {  	v10 =	vld [tilespmem:s0+$0x1A4D0];
	(pc) =	sbr.rel @p0 .LBB2_66-.Ltmp32, $4  }
0x677: {  	v9 =	vld [tilespmem:s0+$0x1A4E0]  }
0x678: {  	v16 =	vld.idx.msk [tilespmem:v14+s7+$0x0], $0xffff  }
0x679: {  	v14 =	vld.idx.msk [tilespmem:v12+s7+$0x0], $0xffff  }
0x67a: {  	v12 =	vld.idx.msk [tilespmem:v17+s7+$0x0], $0xffff  }
0x67b: {  	_ =	sdelay $0x3  }
0x67c: {  	v15 =	vld.idx.msk [tilespmem:v15+s7+$0x0], $0xffff  }
0x67d: {  	v13 =	vld.idx.msk [tilespmem:v13+s7+$0x0], $0xffff  }
0x67e: {  	v11 =	vld.idx.msk [tilespmem:v11+s7+$0x0], $0xffff;
	[tilespmem:s0+$0x124F0] =	vst v16  }
0x67f: {  	v10 =	vld.idx.msk [tilespmem:v10+s7+$0x0], $0xffff;
	[tilespmem:s0+$0x12480] =	vst v14  }
0x680: {  	v9 =	vld.idx.msk [tilespmem:v9+s7+$0x0], $0xffff;
	[tilespmem:s0+$0x12490] =	vst v12  }
0x681: {  	[tilespmem:s0+$0x124A0] =	vst v15  }
0x682: {  	[tilespmem:s0+$0x124B0] =	vst v13  }
0x683: {  	[tilespmem:s0+$0x124C0] =	vst v11  }
0x684: {  	[tilespmem:s0+$0x124D0] =	vst v10  }
0x685: {  	[tilespmem:s0+$0x124E0] =	vst v9  }
0x686: {  	s1 =	sld [smem:$0x7F8];
	_ =	sdelay $0x1  }
0x687: {  	s0 =	simm.s32 $0x0  }
0x688: {  	[hbm4b:s1+s0] =	stream.linear.scatter [tilespmem:s14], [sflag:$0x4], $0x4000, $0x38;
	[tilespmem:$0x1E480] =	vst v63  }
0x689: {  	_ =	swait.ge [sflag:s15], $0x2000  }
0x68a: {  	[sflag:s15] =	ssyncset.done $0x0  }
0x68b: {  	s30 =	simm.s32 $0x0;
	s20 =	simm.s32 $0x0;
	[sflag:s15] =	ssyncadd.s32 $0xFFFFE000  }
0x68c: {  	s19 =	sand.u32 $0x1C00, s0;
	s1 =	sand.u32 $0x2000, s30;
	_ =	swait.ge [sflag:s16], $0x4000  }
0x68d: {  	s31 =	sand.u32 $0x380, s20;
	s1 =	sor.u32 s19, s1;
	[sflag:s16] =	ssyncset.done $0x0  }
0x68e: {  	s19 =	sor.u32 s31, s1;
	[sflag:s16] =	ssyncadd.s32 $0xFFFFC000  }
0x68f: {  	v12 =	vld [tilespmem:s19+$0x164F0]  }
0x690: {  	v14 =	vld [tilespmem:s19+$0x16480]  }
0x691: {  	v17 =	vld [tilespmem:s19+$0x16490]  }
0x692: {  	v15 =	vld [tilespmem:s19+$0x164A0]  }
0x693: {  	v13 =	vld [tilespmem:s19+$0x164B0]  }
0x694: {  	v11 =	vld [tilespmem:s19+$0x164C0]  }
0x695: {  	v10 =	vld [tilespmem:s19+$0x164D0]  }
0x696: {  	v9 =	vld [tilespmem:s19+$0x164E0]  }
0x697: {  	v16 =	vld.idx.msk [tilespmem:v12+s12+$0x0], $0xffff  }
0x698: {  	v14 =	vld.idx.msk [tilespmem:v14+s12+$0x0], $0xffff  }
0x699: {  	s20 =	simm.s32 $0x0;
	v12 =	vld.idx.msk [tilespmem:v17+s12+$0x0], $0xffff  }
.LBB2_68:
0x69a: {  	s20 =	sadd.s32 $0x8, s20;
	v15 =	vld.idx.msk [tilespmem:v15+s12+$0x0], $0xffff  }
0x69b: {  	s0 =	sadd.s32 $0x400, s0;
	s1 =	sshll.u32 s20, $0x4;
	p0 =	slt.u32 s20, $0x3F8;
	v13 =	vld.idx.msk [tilespmem:v13+s12+$0x0], $0xffff  }
0x69c: {  	s21 =	sand.u32 $0x1C00, s0;
	s22 =	sshll.u32 s20, $0x1;
	s1 =	sand.u32 $0x2000, s1;
	v11 =	vld.idx.msk [tilespmem:v11+s12+$0x0], $0xffff  }
0x69d: {  	s1 =	sor.u32 s21, s1;
	s21 =	sand.u32 $0x380, s22;
	v10 =	vld.idx.msk [tilespmem:v10+s12+$0x0], $0xffff;
	[tilespmem:s19+$0xE4F0] =	vst v16  }
0x69e: {  	s1 =	sor.u32 s21, s1;
	[tilespmem:s19+$0xE480] =	vst v14;
	v9 =	vld.idx.msk [tilespmem:v9+s12+$0x0], $0xffff  }
0x69f: {  	v14 =	vld [tilespmem:s1+$0x164F0];
	[tilespmem:s19+$0xE490] =	vst v12  }
0x6a0: {  	v12 =	vld [tilespmem:s1+$0x16480];
	[tilespmem:s19+$0xE4A0] =	vst v15  }
0x6a1: {  	v17 =	vld [tilespmem:s1+$0x16490];
	[tilespmem:s19+$0xE4B0] =	vst v13  }
0x6a2: {  	v15 =	vld [tilespmem:s1+$0x164A0];
	[tilespmem:s19+$0xE4C0] =	vst v11  }
0x6a3: {  	v13 =	vld [tilespmem:s1+$0x164B0];
	[tilespmem:s19+$0xE4D0] =	vst v10  }
0x6a4: {  	v11 =	vld [tilespmem:s1+$0x164C0];
	[tilespmem:s19+$0xE4E0] =	vst v9;
	s19 =	smov.u32 s1  }
.Ltmp33:
0x6a5: {  	v10 =	vld [tilespmem:s19+$0x164D0];
	(pc) =	sbr.rel @p0 .LBB2_68-.Ltmp33, $4  }
0x6a6: {  	v9 =	vld [tilespmem:s19+$0x164E0]  }
0x6a7: {  	v16 =	vld.idx.msk [tilespmem:v14+s12+$0x0], $0xffff  }
0x6a8: {  	v14 =	vld.idx.msk [tilespmem:v12+s12+$0x0], $0xffff  }
0x6a9: {  	v12 =	vld.idx.msk [tilespmem:v17+s12+$0x0], $0xffff  }
0x6aa: {  	_ =	sdelay $0x3  }
0x6ab: {  	v15 =	vld.idx.msk [tilespmem:v15+s12+$0x0], $0xffff  }
0x6ac: {  	v13 =	vld.idx.msk [tilespmem:v13+s12+$0x0], $0xffff  }
0x6ad: {  	v11 =	vld.idx.msk [tilespmem:v11+s12+$0x0], $0xffff;
	[tilespmem:s19+$0xE4F0] =	vst v16  }
0x6ae: {  	v10 =	vld.idx.msk [tilespmem:v10+s12+$0x0], $0xffff;
	[tilespmem:s19+$0xE480] =	vst v14  }
0x6af: {  	v9 =	vld.idx.msk [tilespmem:v9+s12+$0x0], $0xffff;
	[tilespmem:s19+$0xE490] =	vst v12  }
0x6b0: {  	[tilespmem:s19+$0xE4A0] =	vst v15  }
0x6b1: {  	[tilespmem:s19+$0xE4B0] =	vst v13  }
0x6b2: {  	[tilespmem:s19+$0xE4C0] =	vst v11  }
0x6b3: {  	[tilespmem:s19+$0xE4D0] =	vst v10  }
0x6b4: {  	[tilespmem:s19+$0xE4E0] =	vst v9  }
0x6b5: {  	s0 =	sld [smem:$0x7F9];
	_ =	sdelay $0x1  }
0x6b6: {  	s30 =	simm.s32 $0x0;
	s20 =	simm.s32 $0x0;
	s19 =	simm.s32 $0x0  }
0x6b7: {  	[hbm4b:s0+s19] =	stream.linear.scatter [tilespmem:s13], [sflag:$0x3], $0x4000, $0x38;
	[tilespmem:$0x1E480] =	vst v63  }
0x6b8: {  	s1 =	sand.u32 $0x1C00, s19;
	s0 =	sand.u32 $0x2000, s30;
	_ =	swait.ge [sflag:s17], $0x4000  }
0x6b9: {  	s31 =	sand.u32 $0x380, s20;
	s0 =	sor.u32 s1, s0;
	[sflag:s17] =	ssyncset.done $0x0  }
0x6ba: {  	s0 =	sor.u32 s31, s0;
	[sflag:s17] =	ssyncadd.s32 $0xFFFFC000  }
0x6bb: {  	v12 =	vld [tilespmem:s0+$0x1A4F0]  }
0x6bc: {  	v14 =	vld [tilespmem:s0+$0x1A480]  }
0x6bd: {  	v17 =	vld [tilespmem:s0+$0x1A490]  }
0x6be: {  	v15 =	vld [tilespmem:s0+$0x1A4A0]  }
0x6bf: {  	v13 =	vld [tilespmem:s0+$0x1A4B0]  }
0x6c0: {  	v11 =	vld [tilespmem:s0+$0x1A4C0]  }
0x6c1: {  	v10 =	vld [tilespmem:s0+$0x1A4D0]  }
0x6c2: {  	v9 =	vld [tilespmem:s0+$0x1A4E0]  }
0x6c3: {  	v16 =	vld.idx.msk [tilespmem:v12+s12+$0x0], $0xffff  }
0x6c4: {  	v14 =	vld.idx.msk [tilespmem:v14+s12+$0x0], $0xffff  }
0x6c5: {  	s20 =	simm.s32 $0x0;
	v12 =	vld.idx.msk [tilespmem:v17+s12+$0x0], $0xffff  }
.LBB2_70:
0x6c6: {  	s20 =	sadd.s32 $0x8, s20;
	v15 =	vld.idx.msk [tilespmem:v15+s12+$0x0], $0xffff  }
0x6c7: {  	s19 =	sadd.s32 $0x400, s19;
	s1 =	sshll.u32 s20, $0x4;
	p0 =	slt.u32 s20, $0x3F8;
	v13 =	vld.idx.msk [tilespmem:v13+s12+$0x0], $0xffff  }
0x6c8: {  	s21 =	sand.u32 $0x1C00, s19;
	s22 =	sshll.u32 s20, $0x1;
	s1 =	sand.u32 $0x2000, s1;
	v11 =	vld.idx.msk [tilespmem:v11+s12+$0x0], $0xffff  }
0x6c9: {  	s1 =	sor.u32 s21, s1;
	s21 =	sand.u32 $0x380, s22;
	v10 =	vld.idx.msk [tilespmem:v10+s12+$0x0], $0xffff;
	[tilespmem:s0+$0x124F0] =	vst v16  }
0x6ca: {  	s1 =	sor.u32 s21, s1;
	[tilespmem:s0+$0x12480] =	vst v14;
	v9 =	vld.idx.msk [tilespmem:v9+s12+$0x0], $0xffff  }
0x6cb: {  	v14 =	vld [tilespmem:s1+$0x1A4F0];
	[tilespmem:s0+$0x12490] =	vst v12  }
0x6cc: {  	v12 =	vld [tilespmem:s1+$0x1A480];
	[tilespmem:s0+$0x124A0] =	vst v15  }
0x6cd: {  	v17 =	vld [tilespmem:s1+$0x1A490];
	[tilespmem:s0+$0x124B0] =	vst v13  }
0x6ce: {  	v15 =	vld [tilespmem:s1+$0x1A4A0];
	[tilespmem:s0+$0x124C0] =	vst v11  }
0x6cf: {  	v13 =	vld [tilespmem:s1+$0x1A4B0];
	[tilespmem:s0+$0x124D0] =	vst v10  }
0x6d0: {  	v11 =	vld [tilespmem:s1+$0x1A4C0];
	[tilespmem:s0+$0x124E0] =	vst v9;
	s0 =	smov.u32 s1  }
.Ltmp34:
0x6d1: {  	v10 =	vld [tilespmem:s0+$0x1A4D0];
	(pc) =	sbr.rel @p0 .LBB2_70-.Ltmp34, $4  }
0x6d2: {  	v9 =	vld [tilespmem:s0+$0x1A4E0]  }
0x6d3: {  	v16 =	vld.idx.msk [tilespmem:v14+s12+$0x0], $0xffff  }
0x6d4: {  	v14 =	vld.idx.msk [tilespmem:v12+s12+$0x0], $0xffff  }
0x6d5: {  	v12 =	vld.idx.msk [tilespmem:v17+s12+$0x0], $0xffff  }
0x6d6: {  	_ =	sdelay $0x3  }
0x6d7: {  	v15 =	vld.idx.msk [tilespmem:v15+s12+$0x0], $0xffff  }
0x6d8: {  	v13 =	vld.idx.msk [tilespmem:v13+s12+$0x0], $0xffff  }
0x6d9: {  	v11 =	vld.idx.msk [tilespmem:v11+s12+$0x0], $0xffff;
	[tilespmem:s0+$0x124F0] =	vst v16  }
0x6da: {  	v10 =	vld.idx.msk [tilespmem:v10+s12+$0x0], $0xffff;
	[tilespmem:s0+$0x12480] =	vst v14  }
0x6db: {  	v9 =	vld.idx.msk [tilespmem:v9+s12+$0x0], $0xffff;
	[tilespmem:s0+$0x12490] =	vst v12  }
0x6dc: {  	[tilespmem:s0+$0x124A0] =	vst v15  }
0x6dd: {  	[tilespmem:s0+$0x124B0] =	vst v13  }
0x6de: {  	[tilespmem:s0+$0x124C0] =	vst v11  }
0x6df: {  	[tilespmem:s0+$0x124D0] =	vst v10  }
0x6e0: {  	[tilespmem:s0+$0x124E0] =	vst v9  }
0x6e1: {  	s0 =	sld [smem:$0x7FA];
	_ =	sdelay $0x2  }
0x6e2: {  	[hbm4b:s0+s28] =	stream.linear.scatter [tilespmem:s14], [sflag:$0x4], $0x4000, $0x38;
	[tilespmem:$0x1E480] =	vst v63  }
0x6e3: {  	_ =	swait.ge [sflag:s16], $0x4000  }
0x6e4: {  	[sflag:s16] =	ssyncset.done $0x0  }
0x6e5: {  	[sflag:s16] =	ssyncadd.s32 $0xFFFFC000  }
0x6e6: {  	_ =	swait.ge [sflag:s17], $0x4000  }
0x6e7: {  	s31 =	sld [smem:$0x7FD];
	_ =	sdelay $0x1  }
0x6e8: {  	s18 =	sadd.s32 $0x1, s18  }
0x6e9: {  	p0 =	sne.s32 s18, s31  }
.Ltmp35:
0x6ea: {  	_ = 	snop;
	(pc) =	sbr.rel @p0 .LBB2_1-.Ltmp35, $3  }
0x6eb: {  	_ =	sdelay $0x1  }
0x6ec: {  	[sflag:s17] =	ssyncset.done $0x0  }
0x6ed: {  	[sflag:s17] =	ssyncadd.s32 $0xFFFFC000  }
0x6ee: {  	_ =	sfence.sel $0x180000  }
0x6ef: {  	[bflag:$0x0] =	sbarrier.arrive $0xFFFF  }
0x6f0: {  	_ =	strace $0x90000047  }
0x6f1: {  	s0 =	stileid.u32;
	[bflag:$0x2] =	sbarrier.arrive $0xFFFF  }
0x6f2: {  	p0 =	sne.s32 s0, $0x0;
	s0 =	rddreg [dreg:$0x3]  }
0x6f3: {  	s0 =	sadd.s32 @!p0 $0x100000, s0  }
0x6f4: {  	[sflag:s0] =	ssyncadd.tile.s32 @!p0 $0x1;
	_ =	shalt  }
.Lfunc_end2:
_tile_overlayer_lowered:
.L_overlay_start_2:
0x6f5: {  	(tag) =	ssettag $0x2  }
0x6f6: {  	s0 =	rddreg [dreg:$0x0];
	s2 =	stileid.u32  }
0x6f7: {  	s1 =	rddreg [dreg:$0x1];
	p0 =	sne.s32 s2, $0x0  }
0x6f8: {  	s3 =	rddreg [dreg:$0x2];
	[bflag:$0x3] =	sbarrier.arrive $0xFFFF;
	s2 =	simm.s32 @!p0 $0x1C05  }
0x6f9: {  	[timem:s3], [sflag:s2] =	dma.local @!p0 [hbm:s0], s1  }
0x6fa: {  	s0 =	simm.s32 @!p0 $0x5  }
0x6fb: {  	_ =	swait.ge @!p0 [sflag:s0], s1  }
0x6fc: {  	s1 =	ssub.s32 @!p0 $0x0, s1;
	[sflag:s0] =	ssyncset.done @!p0 $0x0  }
0x6fd: {  	[sflag:s0] =	ssyncadd.s32 @!p0 s1  }
0x6fe: {  	[bflag:$0x3] =	sbarrier.arrive $0xFFFF  }
0x6ff: {  	_ =	shalt  }

</sc_bundles>
